<compile_context>
chip_gen: v7x
topology: tpu7x:2x2x1
jax: 0.10.2.dev20260603
libtpu: 0.0.44.dev20260713+nightly
codegen_flags: <defaults>
</compile_context>

<pallas_src>
import jax
import jax.numpy as jnp
from jax import lax
from jax.experimental import pallas as pl
from jax.experimental.pallas import tpu as pltpu
from jax.experimental.pallas import tpu_sc as plsc

N = 100000
E = 1600000
NUM_CAT = 43
NUM_GRAPHS = 64

NP = 100352
ECH = E // 128
NSC = 2
NSUB = 16
NW = NSC * NSUB
NS = NP // NSUB
RT = NP * 8 // 128
RB = 128
NBLK = RT // RB


def _deg_body(ei3, ones_in, z1d, deg_out, ebuf_c, onesbuf, deg_sh, ssem):
    sub = lax.axis_index("s")
    pltpu.sync_copy(ones_in, onesbuf)
    pltpu.sync_copy(z1d, deg_sh.at[pl.ds(sub * NS, NS)])
    plsc.subcore_barrier()

    c0 = (ECH * sub) // NSUB
    c1 = (ECH * (sub + 1)) // NSUB
    n8 = (c1 - c0) // 8

    @pl.when(n8 > 0)
    def _():
        pltpu.sync_copy(ei3.at[1, pl.ds(c0, 8)], ebuf_c.at[0])

        def _deg_group(g, carry):
            cur = lax.rem(g, 2)
            descs = [
                pltpu.async_copy(onesbuf, deg_sh.at[ebuf_c.at[cur, b]],
                                 ssem, add=True)
                for b in range(8)
            ]

            @pl.when(g + 1 < n8)
            def _():
                pltpu.sync_copy(ei3.at[1, pl.ds(c0 + 8 * (g + 1), 8)],
                                ebuf_c.at[1 - cur])

            for d in descs:
                d.wait()
            return carry

        lax.fori_loop(0, n8, _deg_group, 0)

    def _deg_tail(i, carry):
        pltpu.sync_copy(ei3.at[1, pl.ds(c0 + 8 * n8 + i, 1)],
                        ebuf_c.at[0, pl.ds(0, 1)])
        pltpu.async_copy(onesbuf, deg_sh.at[ebuf_c.at[0, 0]], ssem,
                         add=True).wait()
        return carry

    lax.fori_loop(0, (c1 - c0) - 8 * n8, _deg_tail, 0)
    plsc.subcore_barrier()
    core = lax.axis_index("c")

    @pl.when(core == 0)
    def _():
        pltpu.sync_copy(deg_sh.at[pl.ds(sub * NS, NS)],
                        deg_out.at[pl.ds(sub * NS, NS)])


def _run_deg(ei3, ones_in, z1d):
    mesh = plsc.VectorSubcoreMesh(core_axis_name="c", subcore_axis_name="s")
    f = pl.kernel(
        _deg_body,
        out_type=jax.ShapeDtypeStruct((NP,), jnp.float32),
        mesh=mesh,
        scratch_types=[
            pltpu.VMEM((2, 8, 128), jnp.int32),
            pltpu.VMEM((128,), jnp.float32),
            pltpu.VMEM_SHARED((NP,), jnp.float32),
            pltpu.SemaphoreType.DMA,
        ],
        compiler_params=pltpu.CompilerParams(use_tc_tiling_on_sc=False),
    )
    return f(ei3, ones_in, z1d)


def _emb_body(cat_ref, feat_ref, deg_ref, emb_ref, wc_ref, wf_ref,
              p_ref, u_ref, v_ref, dmask_ref, y_ref):
    tbl = jax.lax.dot_general(emb_ref[...], wc_ref[:32, :],
                              (((1,), (0,)), ((), ())),
                              preferred_element_type=jnp.float32)
    tiled = jax.lax.dot_general(
        jax.lax.dot_general(u_ref[...], tbl, (((1,), (0,)), ((), ())),
                            preferred_element_type=jnp.float32),
        v_ref[...], (((1,), (0,)), ((), ())),
        preferred_element_type=jnp.float32)
    tblbd = tiled * dmask_ref[...]
    catf = cat_ref[...].astype(jnp.float32)
    catrep = jax.lax.dot_general(catf, p_ref[...], (((1,), (0,)), ((), ())),
                                 preferred_element_type=jnp.float32)
    mod48 = (lax.broadcasted_iota(jnp.int32, (RB, 768), 1) % 48
             ).astype(jnp.float32)
    ohbig = (catrep == mod48).astype(jnp.float32)
    y0 = jax.lax.dot_general(ohbig, tblbd, (((1,), (0,)), ((), ())),
                             preferred_element_type=jnp.float32)
    dinv = jax.lax.rsqrt(deg_ref[...] + 1.0)
    y_ref[...] = (y0 + feat_ref[...] * wf_ref[...]) * dinv


def _run_emb(cat128, feat128, deg128, emb48, wc33, wf128, pmat, umat, vmat,
             dmask):
    spec = pl.BlockSpec((RB, 128), lambda i: (i, 0))
    return pl.pallas_call(
        _emb_body,
        grid=(NBLK,),
        in_specs=[
            spec,
            spec,
            spec,
            pl.BlockSpec((48, 32), lambda i: (0, 0)),
            pl.BlockSpec((33, 8), lambda i: (0, 0)),
            pl.BlockSpec((1, 128), lambda i: (0, 0)),
            pl.BlockSpec((128, 768), lambda i: (0, 0)),
            pl.BlockSpec((768, 48), lambda i: (0, 0)),
            pl.BlockSpec((8, 128), lambda i: (0, 0)),
            pl.BlockSpec((768, 128), lambda i: (0, 0)),
        ],
        out_specs=spec,
        out_shape=jax.ShapeDtypeStruct((RT, 128), jnp.float32),
    )(cat128, feat128, deg128, emb48, wc33, wf128, pmat, umat, vmat, dmask)


def _msg_body(ei3, y_hbm, z2d, acc_out,
              ebuf_r, ebuf_c, gbuf, y_sh, acc_sh, gsem, ssem):
    core = lax.axis_index("c")
    sub = lax.axis_index("s")
    wid = core * NSUB + sub

    pltpu.sync_copy(y_hbm.at[pl.ds(sub * NS, NS)],
                    y_sh.at[pl.ds(sub * NS, NS)])
    for k in range(7):
        pltpu.sync_copy(z2d, acc_sh.at[pl.ds(sub * NS + 896 * k, 896)])
    plsc.subcore_barrier()

    c0 = (ECH * wid) // NW
    c1 = (ECH * (wid + 1)) // NW
    n8 = (c1 - c0) // 8

    def _load_edges(g, d):
        pltpu.sync_copy(ei3.at[0, pl.ds(c0 + 8 * g, 8)], ebuf_r.at[d])
        pltpu.sync_copy(ei3.at[1, pl.ds(c0 + 8 * g, 8)], ebuf_c.at[d])

    def _fire_gathers(d):
        return [
            pltpu.async_copy(y_sh.at[ebuf_r.at[d, b]],
                             gbuf.at[d, pl.ds(128 * b, 128)], gsem)
            for b in range(8)
        ]

    def _fire_scatters(d):
        return [
            pltpu.async_copy(gbuf.at[d, pl.ds(128 * b, 128)],
                             acc_sh.at[ebuf_c.at[d, b]], ssem, add=True)
            for b in range(8)
        ]

    @pl.when(n8 > 0)
    def _():
        _load_edges(0, 0)
        for d in _fire_gathers(0):
            d.wait()

        def _msg_group(g, carry):
            cur = lax.rem(g, 2)
            nxt = 1 - cur
            has_next = g + 1 < n8

            @pl.when(has_next)
            def _():
                _load_edges(g + 1, nxt)

            sds = _fire_scatters(cur)

            @pl.when(has_next)
            def _():
                for d in _fire_gathers(nxt):
                    d.wait()

            for d in sds:
                d.wait()
            return carry

        lax.fori_loop(0, n8, _msg_group, 0)

    def _msg_tail(i, carry):
        pltpu.sync_copy(ei3.at[0, pl.ds(c0 + 8 * n8 + i, 1)],
                        ebuf_r.at[0, pl.ds(0, 1)])
        pltpu.sync_copy(ei3.at[1, pl.ds(c0 + 8 * n8 + i, 1)],
                        ebuf_c.at[0, pl.ds(0, 1)])
        pltpu.async_copy(y_sh.at[ebuf_r.at[0, 0]], gbuf.at[0, pl.ds(0, 128)],
                         gsem).wait()
        pltpu.async_copy(gbuf.at[0, pl.ds(0, 128)], acc_sh.at[ebuf_c.at[0, 0]],
                         ssem, add=True).wait()
        return carry

    lax.fori_loop(0, (c1 - c0) - 8 * n8, _msg_tail, 0)
    plsc.subcore_barrier()
    pltpu.sync_copy(acc_sh.at[pl.ds(sub * NS, NS)],
                    acc_out.at[core, pl.ds(sub * NS, NS)])


def _run_msg(ei3, y, z2d):
    mesh = plsc.VectorSubcoreMesh(core_axis_name="c", subcore_axis_name="s")
    f = pl.kernel(
        _msg_body,
        out_type=jax.ShapeDtypeStruct((NSC, NP, 8), jnp.float32),
        mesh=mesh,
        scratch_types=[
            pltpu.VMEM((2, 8, 128), jnp.int32),
            pltpu.VMEM((2, 8, 128), jnp.int32),
            pltpu.VMEM((2, 1024, 8), jnp.float32),
            pltpu.VMEM_SHARED((NP, 8), jnp.float32),
            pltpu.VMEM_SHARED((NP, 8), jnp.float32),
            pltpu.SemaphoreType.DMA,
            pltpu.SemaphoreType.DMA,
        ],
        compiler_params=pltpu.CompilerParams(use_tc_tiling_on_sc=False),
    )
    return f(ei3, y, z2d)


def _pool_body(acc_ref, y_ref, deg_ref, batch_ref, wout_ref, u8_ref, v_ref,
               dmask8_ref, bco_ref, bo_ref, out_ref):
    i = pl.program_id(0)
    dinv = jax.lax.rsqrt(deg_ref[...] + 1.0)
    conv = dinv * (acc_ref[0] + acc_ref[1] + y_ref[...]) + bco_ref[...]
    wbd = jax.lax.dot_general(
        jax.lax.dot_general(u8_ref[...], wout_ref[...],
                            (((1,), (0,)), ((), ())),
                            preferred_element_type=jnp.float32),
        v_ref[...], (((1,), (0,)), ((), ())),
        preferred_element_type=jnp.float32) * dmask8_ref[...]
    z = jax.lax.dot_general(conv, wbd, (((1,), (0,)), ((), ())),
                            preferred_element_type=jnp.float32)
    z = jnp.maximum(z + bo_ref[...], 0.0)
    zext = z + (lax.broadcasted_iota(jnp.int32, (RB, 128), 1) % 8 == 7
                ).astype(jnp.float32)
    iota64 = lax.broadcasted_iota(jnp.int32, (1, NUM_GRAPHS), 1)
    p = jnp.zeros((NUM_GRAPHS, 8), jnp.float32)
    for s in range(16):
        z_s = zext[:, 8 * s:8 * s + 8]
        b_s = batch_ref[:, 8 * s:8 * s + 1]
        oh_s = (b_s == iota64).astype(jnp.float32)
        p = p + jax.lax.dot_general(oh_s, z_s, (((0,), (0,)), ((), ())),
                                    preferred_element_type=jnp.float32)

    @pl.when(i == 0)
    def _():
        out_ref[...] = p

    @pl.when(i > 0)
    def _():
        out_ref[...] = out_ref[...] + p

    @pl.when(i == NBLK - 1)
    def _():
        f = out_ref[...]
        out_ref[...] = f / jnp.maximum(f[:, 7:8], 1.0)


def _run_pool(acc128, y128, deg128, batch128, wout8, u8, v8, dmask8, bco128,
              bo128):
    spec = pl.BlockSpec((RB, 128), lambda i: (i, 0))
    return pl.pallas_call(
        _pool_body,
        grid=(NBLK,),
        in_specs=[
            pl.BlockSpec((NSC, RB, 128), lambda i: (0, i, 0)),
            spec,
            spec,
            spec,
            pl.BlockSpec((8, 8), lambda i: (0, 0)),
            pl.BlockSpec((128, 8), lambda i: (0, 0)),
            pl.BlockSpec((8, 128), lambda i: (0, 0)),
            pl.BlockSpec((128, 128), lambda i: (0, 0)),
            pl.BlockSpec((1, 128), lambda i: (0, 0)),
            pl.BlockSpec((1, 128), lambda i: (0, 0)),
        ],
        out_specs=pl.BlockSpec((NUM_GRAPHS, 8), lambda i: (0, 0)),
        out_shape=jax.ShapeDtypeStruct((NUM_GRAPHS, 8), jnp.float32),
    )(acc128, y128, deg128, batch128, wout8, u8, v8, dmask8, bco128, bo128)


def kernel(x, edge_index, batch, emb, W_conv, b_conv, W_out, b_out):
    catp = jnp.concatenate(
        [x[:, 0].astype(jnp.int32), jnp.zeros((NP - N,), jnp.int32)])
    featp = jnp.concatenate([x[:, 1], jnp.zeros((NP - N,), jnp.float32)])
    batchp = jnp.concatenate(
        [batch.astype(jnp.int32), jnp.full((NP - N,), NUM_GRAPHS, jnp.int32)])
    cat128 = jnp.broadcast_to(catp[:, None], (NP, 8)).reshape(RT, 128)
    feat128 = jnp.broadcast_to(featp[:, None], (NP, 8)).reshape(RT, 128)
    batch128 = jnp.broadcast_to(batchp[:, None], (NP, 8)).reshape(RT, 128)
    ei3 = edge_index.astype(jnp.int32).reshape(2, ECH, 128)
    emb48 = jnp.zeros((48, 32), jnp.float32).at[:NUM_CAT].set(emb)
    wc33 = jnp.zeros((33, 8), jnp.float32).at[:, :7].set(W_conv)
    wf128 = jnp.tile(wc33[32], 16).reshape(1, 128)
    bco128 = jnp.tile(jnp.zeros((8,), jnp.float32).at[:7].set(b_conv),
                      16).reshape(1, 128)
    bo128 = jnp.tile(jnp.zeros((8,), jnp.float32).at[:7].set(b_out),
                     16).reshape(1, 128)
    wout8 = jnp.zeros((8, 8), jnp.float32).at[:7, :7].set(W_out)
    i128 = jnp.arange(128)
    i768 = jnp.arange(768)
    pmat = (i128[:, None] == 8 * (i768[None, :] // 48)).astype(jnp.float32)
    umat = (i768[:, None] % 48 == jnp.arange(48)[None, :]).astype(jnp.float32)
    vmat = (jnp.arange(8)[:, None] == i128[None, :] % 8).astype(jnp.float32)
    dmask = (i768[:, None] // 48 == i128[None, :] // 8).astype(jnp.float32)
    u8 = (i128[:, None] % 8 == jnp.arange(8)[None, :]).astype(jnp.float32)
    dmask8 = (i128[:, None] // 8 == i128[None, :] // 8).astype(jnp.float32)
    ones_in = jnp.ones((128,), jnp.float32)
    z1d = jnp.zeros((NS,), jnp.float32)
    z2d = jnp.zeros((896, 8), jnp.float32)

    deg = _run_deg(ei3, ones_in, z1d)
    deg128 = jnp.broadcast_to(deg[:, None], (NP, 8)).reshape(RT, 128)
    y128 = _run_emb(cat128, feat128, deg128, emb48, wc33, wf128, pmat, umat,
                    vmat, dmask)
    acc2 = _run_msg(ei3, y128.reshape(NP, 8), z2d)
    acc128 = acc2.reshape(NSC, RT, 128)

    pooled = _run_pool(acc128, y128, deg128, batch128, wout8, u8, vmat,
                       dmask8, bco128, bo128)
    return pooled[:, :7]

# --- scband reference (transcript-rebuilt; emitter-appended) ---
"""Pipeline reference for scband-net-21345987461322 (READ-ONLY COPY).

The authoritative reference and input builder live on the scoring server;
editing this copy changes nothing except your own understanding.
"""

import jax, jax.numpy as jnp
import numpy as np

N = 100000
E = 1600000
NUM_CAT = 43
EMB = 32
OUT = 7
NUM_GRAPHS = 64


def setup_inputs(seed: int = 0) -> dict:
    key = jax.random.key(seed)
    k1, k2, k3, k4, k5, k6, k7 = jax.random.split(key, 7)
    cat = jax.random.randint(k1, (N,), 0, NUM_CAT)
    feat = jax.random.uniform(k2, (N,), dtype=jnp.float32)
    x = jnp.stack([cat.astype(jnp.float32), feat], axis=1)
    edge_index = jax.random.randint(k3, (2, E), 0, N)
    batch = jnp.sort(jax.random.randint(k4, (N,), 0, NUM_GRAPHS))
    emb = jax.random.normal(k5, (NUM_CAT, EMB), dtype=jnp.float32) * 0.1
    W_conv = jax.random.normal(k6, (EMB + 1, OUT), dtype=jnp.float32) * 0.1
    b_conv = jnp.zeros((OUT,), jnp.float32)
    W_out = jax.random.normal(k7, (OUT, OUT), dtype=jnp.float32) * 0.1
    b_out = jnp.zeros((OUT,), jnp.float32)
    return {"x": x, "edge_index": edge_index, "batch": batch, "emb": emb,
            "W_conv": W_conv, "b_conv": b_conv, "W_out": W_out, "b_out": b_out}


def reference(x, edge_index, batch, emb, W_conv, b_conv, W_out, b_out):
    # node embedding: x[:,0] is a category id, x[:,1] a scalar feature
    cat = jax.lax.stop_gradient(x[:, 0]).astype(jnp.int32)
    h = jnp.concatenate([jnp.take(emb, cat, axis=0), x[:, 1:2]], axis=1)  # [N, 33]
    n = h.shape[0]
    # GCNConv (PyG defaults: add self-loops, symmetric normalization)
    loop = jnp.arange(n, dtype=edge_index.dtype)
    row = jnp.concatenate([edge_index[0], loop])
    col = jnp.concatenate([edge_index[1], loop])
    deg = jnp.zeros((n,), h.dtype).at[col].add(1.0)
    dinv = jnp.where(deg > 0, jax.lax.rsqrt(deg), 0.0)
    norm = dinv[row] * dinv[col]
    xw = h @ W_conv  # [N, 7]
    msg = jnp.take(xw, row, axis=0) * norm[:, None]
    conv_out = jnp.zeros((n, xw.shape[1]), h.dtype).at[col].add(msg) + b_conv
    # out_nn: Linear(7,7) + ReLU
    z = jax.nn.relu(conv_out @ W_out + b_out)
    # global mean pool over batch assignment
    sums = jax.ops.segment_sum(z, batch, num_segments=NUM_GRAPHS)
    counts = jax.ops.segment_sum(jnp.ones((n,), z.dtype), batch, num_segments=NUM_GRAPHS)
    return sums / jnp.clip(counts, 1.0)[:, None]

if __name__ == "__main__":
    import jax
    _d = setup_inputs()
    print(jax.jit(kernel)(*tuple(_d.values())))

</pallas_src>

<mosaic_0001>
#map = affine_map<(d0, d1) -> (0, 0, 0)>
#map1 = affine_map<(d0, d1) -> (0, 0)>
module attributes {stable_mosaic.version = 14 : i64} {
  func.func @_msg_body(%arg0: i32, %arg1: i32, %arg2: memref<2x12500x128xi32, #tpu.memory_space<hbm>>, %arg3: memref<100352x8xf32, #tpu.memory_space<hbm>>, %arg4: memref<896x8xf32, #tpu.memory_space<hbm>>, %arg5: memref<2x100352x8xf32, #tpu.memory_space<hbm>>, %arg6: memref<2x8x128xi32, #tpu.memory_space<vmem>>, %arg7: memref<2x8x128xi32, #tpu.memory_space<vmem>>, %arg8: memref<2x1024x8xf32, #tpu.memory_space<vmem>>, %arg9: memref<100352x8xf32, #tpu.memory_space<vmem_shared>>, %arg10: memref<100352x8xf32, #tpu.memory_space<vmem_shared>>, %arg11: memref<!tpu.dma_semaphore, #tpu.memory_space<semaphore_mem>>, %arg12: memref<!tpu.dma_semaphore, #tpu.memory_space<semaphore_mem>>) attributes {dimension_semantics = [#tpu.dimension_semantics<core_parallel>, #tpu.dimension_semantics<subcore_parallel>], iteration_bounds = array<i64: 2, 16>, scalar_prefetch = 0 : i64, scratch_operands = 7 : i64, tpu.core_type = #tpu.core_type<sc_vector_subcore>, window_params = [{transform_indices = #map}, {transform_indices = #map1}, {transform_indices = #map1}, {transform_indices = #map}]} {
    %mul3A = arith.constant 16 : i32
    %mul3A_0 = arith.muli %arg0, %mul3A : i32
    %add3A = arith.addi %mul3A_0, %arg1 : i32
    %mul3A_1 = arith.constant 6272 : i32
    %mul3A_2 = arith.muli %arg1, %mul3A_1 : i32
    %mul3A_3 = arith.constant 6272 : i32
    %mul3A_4 = arith.muli %arg1, %mul3A_3 : i32
    "tpu.region"() ({
      %run_scoped3A = tpu.sem_alloc : memref<!tpu.dma_semaphore, #tpu.memory_space<semaphore_mem>>
      %dma_start3A = arith.constant 0 : i32
      %dma_start3A_124 = tpu.memref_slice %arg9[%mul3A_4, %dma_start3A] : memref<100352x8xf32, #tpu.memory_space<vmem_shared>> -> memref<6272x8xf32, #tpu.memory_space<vmem_shared>>
      %dma_start3A_125 = arith.constant 0 : i32
      %dma_start3A_126 = tpu.memref_slice %arg3[%mul3A_2, %dma_start3A_125] : memref<100352x8xf32, #tpu.memory_space<hbm>> -> memref<6272x8xf32, #tpu.memory_space<hbm>>
      tpu.enqueue_dma source(%dma_start3A_126 : memref<6272x8xf32, #tpu.memory_space<hbm>>) target(%dma_start3A_124 : memref<6272x8xf32, #tpu.memory_space<vmem_shared>>) target_semaphore(%run_scoped3A : memref<!tpu.dma_semaphore, #tpu.memory_space<semaphore_mem>>)
      %dma_wait3A = arith.constant 0 : i32
      %dma_wait3A_127 = tpu.memref_slice %arg9[%mul3A_4, %dma_wait3A] : memref<100352x8xf32, #tpu.memory_space<vmem_shared>> -> memref<6272x8xf32, #tpu.memory_space<vmem_shared>>
      %dma_wait3A_128 = arith.constant 0 : i32
      %dma_wait3A_129 = tpu.memref_slice %arg3[%mul3A_2, %dma_wait3A_128] : memref<100352x8xf32, #tpu.memory_space<hbm>> -> memref<6272x8xf32, #tpu.memory_space<hbm>>
      tpu.wait_dma2 semaphore(%run_scoped3A : memref<!tpu.dma_semaphore, #tpu.memory_space<semaphore_mem>>) src(%dma_wait3A_129 : memref<6272x8xf32, #tpu.memory_space<hbm>>) dst(%dma_wait3A_127 : memref<6272x8xf32, #tpu.memory_space<vmem_shared>>)
      tpu.yield
    }) : () -> ()
    %mul3A_5 = arith.constant 6272 : i32
    %mul3A_6 = arith.muli %arg1, %mul3A_5 : i32
    %add3A_7 = arith.constant 0 : i32
    %add3A_8 = arith.addi %mul3A_6, %add3A_7 : i32
    "tpu.region"() ({
      %run_scoped3A = tpu.sem_alloc : memref<!tpu.dma_semaphore, #tpu.memory_space<semaphore_mem>>
      %dma_start3A = arith.constant 0 : i32
      %dma_start3A_124 = tpu.memref_slice %arg10[%add3A_8, %dma_start3A] : memref<100352x8xf32, #tpu.memory_space<vmem_shared>> -> memref<896x8xf32, #tpu.memory_space<vmem_shared>>
      tpu.enqueue_dma source(%arg4 : memref<896x8xf32, #tpu.memory_space<hbm>>) target(%dma_start3A_124 : memref<896x8xf32, #tpu.memory_space<vmem_shared>>) target_semaphore(%run_scoped3A : memref<!tpu.dma_semaphore, #tpu.memory_space<semaphore_mem>>)
      %dma_wait3A = arith.constant 0 : i32
      %dma_wait3A_125 = tpu.memref_slice %arg10[%add3A_8, %dma_wait3A] : memref<100352x8xf32, #tpu.memory_space<vmem_shared>> -> memref<896x8xf32, #tpu.memory_space<vmem_shared>>
      tpu.wait_dma2 semaphore(%run_scoped3A : memref<!tpu.dma_semaphore, #tpu.memory_space<semaphore_mem>>) src(%arg4 : memref<896x8xf32, #tpu.memory_space<hbm>>) dst(%dma_wait3A_125 : memref<896x8xf32, #tpu.memory_space<vmem_shared>>)
      tpu.yield
    }) : () -> ()
    %mul3A_9 = arith.constant 6272 : i32
    %mul3A_10 = arith.muli %arg1, %mul3A_9 : i32
    %add3A_11 = arith.constant 896 : i32
    %add3A_12 = arith.addi %mul3A_10, %add3A_11 : i32
    "tpu.region"() ({
      %run_scoped3A = tpu.sem_alloc : memref<!tpu.dma_semaphore, #tpu.memory_space<semaphore_mem>>
      %dma_start3A = arith.constant 0 : i32
      %dma_start3A_124 = tpu.memref_slice %arg10[%add3A_12, %dma_start3A] : memref<100352x8xf32, #tpu.memory_space<vmem_shared>> -> memref<896x8xf32, #tpu.memory_space<vmem_shared>>
      tpu.enqueue_dma source(%arg4 : memref<896x8xf32, #tpu.memory_space<hbm>>) target(%dma_start3A_124 : memref<896x8xf32, #tpu.memory_space<vmem_shared>>) target_semaphore(%run_scoped3A : memref<!tpu.dma_semaphore, #tpu.memory_space<semaphore_mem>>)
      %dma_wait3A = arith.constant 0 : i32
      %dma_wait3A_125 = tpu.memref_slice %arg10[%add3A_12, %dma_wait3A] : memref<100352x8xf32, #tpu.memory_space<vmem_shared>> -> memref<896x8xf32, #tpu.memory_space<vmem_shared>>
      tpu.wait_dma2 semaphore(%run_scoped3A : memref<!tpu.dma_semaphore, #tpu.memory_space<semaphore_mem>>) src(%arg4 : memref<896x8xf32, #tpu.memory_space<hbm>>) dst(%dma_wait3A_125 : memref<896x8xf32, #tpu.memory_space<vmem_shared>>)
      tpu.yield
    }) : () -> ()
    %mul3A_13 = arith.constant 6272 : i32
    %mul3A_14 = arith.muli %arg1, %mul3A_13 : i32
    %add3A_15 = arith.constant 1792 : i32
    %add3A_16 = arith.addi %mul3A_14, %add3A_15 : i32
    "tpu.region"() ({
      %run_scoped3A = tpu.sem_alloc : memref<!tpu.dma_semaphore, #tpu.memory_space<semaphore_mem>>
      %dma_start3A = arith.constant 0 : i32
      %dma_start3A_124 = tpu.memref_slice %arg10[%add3A_16, %dma_start3A] : memref<100352x8xf32, #tpu.memory_space<vmem_shared>> -> memref<896x8xf32, #tpu.memory_space<vmem_shared>>
      tpu.enqueue_dma source(%arg4 : memref<896x8xf32, #tpu.memory_space<hbm>>) target(%dma_start3A_124 : memref<896x8xf32, #tpu.memory_space<vmem_shared>>) target_semaphore(%run_scoped3A : memref<!tpu.dma_semaphore, #tpu.memory_space<semaphore_mem>>)
      %dma_wait3A = arith.constant 0 : i32
      %dma_wait3A_125 = tpu.memref_slice %arg10[%add3A_16, %dma_wait3A] : memref<100352x8xf32, #tpu.memory_space<vmem_shared>> -> memref<896x8xf32, #tpu.memory_space<vmem_shared>>
      tpu.wait_dma2 semaphore(%run_scoped3A : memref<!tpu.dma_semaphore, #tpu.memory_space<semaphore_mem>>) src(%arg4 : memref<896x8xf32, #tpu.memory_space<hbm>>) dst(%dma_wait3A_125 : memref<896x8xf32, #tpu.memory_space<vmem_shared>>)
      tpu.yield
    }) : () -> ()
    %mul3A_17 = arith.constant 6272 : i32
    %mul3A_18 = arith.muli %arg1, %mul3A_17 : i32
    %add3A_19 = arith.constant 2688 : i32
    %add3A_20 = arith.addi %mul3A_18, %add3A_19 : i32
    "tpu.region"() ({
      %run_scoped3A = tpu.sem_alloc : memref<!tpu.dma_semaphore, #tpu.memory_space<semaphore_mem>>
      %dma_start3A = arith.constant 0 : i32
      %dma_start3A_124 = tpu.memref_slice %arg10[%add3A_20, %dma_start3A] : memref<100352x8xf32, #tpu.memory_space<vmem_shared>> -> memref<896x8xf32, #tpu.memory_space<vmem_shared>>
      tpu.enqueue_dma source(%arg4 : memref<896x8xf32, #tpu.memory_space<hbm>>) target(%dma_start3A_124 : memref<896x8xf32, #tpu.memory_space<vmem_shared>>) target_semaphore(%run_scoped3A : memref<!tpu.dma_semaphore, #tpu.memory_space<semaphore_mem>>)
      %dma_wait3A = arith.constant 0 : i32
      %dma_wait3A_125 = tpu.memref_slice %arg10[%add3A_20, %dma_wait3A] : memref<100352x8xf32, #tpu.memory_space<vmem_shared>> -> memref<896x8xf32, #tpu.memory_space<vmem_shared>>
      tpu.wait_dma2 semaphore(%run_scoped3A : memref<!tpu.dma_semaphore, #tpu.memory_space<semaphore_mem>>) src(%arg4 : memref<896x8xf32, #tpu.memory_space<hbm>>) dst(%dma_wait3A_125 : memref<896x8xf32, #tpu.memory_space<vmem_shared>>)
      tpu.yield
    }) : () -> ()
    %mul3A_21 = arith.constant 6272 : i32
    %mul3A_22 = arith.muli %arg1, %mul3A_21 : i32
    %add3A_23 = arith.constant 3584 : i32
    %add3A_24 = arith.addi %mul3A_22, %add3A_23 : i32
    "tpu.region"() ({
      %run_scoped3A = tpu.sem_alloc : memref<!tpu.dma_semaphore, #tpu.memory_space<semaphore_mem>>
      %dma_start3A = arith.constant 0 : i32
      %dma_start3A_124 = tpu.memref_slice %arg10[%add3A_24, %dma_start3A] : memref<100352x8xf32, #tpu.memory_space<vmem_shared>> -> memref<896x8xf32, #tpu.memory_space<vmem_shared>>
      tpu.enqueue_dma source(%arg4 : memref<896x8xf32, #tpu.memory_space<hbm>>) target(%dma_start3A_124 : memref<896x8xf32, #tpu.memory_space<vmem_shared>>) target_semaphore(%run_scoped3A : memref<!tpu.dma_semaphore, #tpu.memory_space<semaphore_mem>>)
      %dma_wait3A = arith.constant 0 : i32
      %dma_wait3A_125 = tpu.memref_slice %arg10[%add3A_24, %dma_wait3A] : memref<100352x8xf32, #tpu.memory_space<vmem_shared>> -> memref<896x8xf32, #tpu.memory_space<vmem_shared>>
      tpu.wait_dma2 semaphore(%run_scoped3A : memref<!tpu.dma_semaphore, #tpu.memory_space<semaphore_mem>>) src(%arg4 : memref<896x8xf32, #tpu.memory_space<hbm>>) dst(%dma_wait3A_125 : memref<896x8xf32, #tpu.memory_space<vmem_shared>>)
      tpu.yield
    }) : () -> ()
    %mul3A_25 = arith.constant 6272 : i32
    %mul3A_26 = arith.muli %arg1, %mul3A_25 : i32
    %add3A_27 = arith.constant 4480 : i32
    %add3A_28 = arith.addi %mul3A_26, %add3A_27 : i32
    "tpu.region"() ({
      %run_scoped3A = tpu.sem_alloc : memref<!tpu.dma_semaphore, #tpu.memory_space<semaphore_mem>>
      %dma_start3A = arith.constant 0 : i32
      %dma_start3A_124 = tpu.memref_slice %arg10[%add3A_28, %dma_start3A] : memref<100352x8xf32, #tpu.memory_space<vmem_shared>> -> memref<896x8xf32, #tpu.memory_space<vmem_shared>>
      tpu.enqueue_dma source(%arg4 : memref<896x8xf32, #tpu.memory_space<hbm>>) target(%dma_start3A_124 : memref<896x8xf32, #tpu.memory_space<vmem_shared>>) target_semaphore(%run_scoped3A : memref<!tpu.dma_semaphore, #tpu.memory_space<semaphore_mem>>)
      %dma_wait3A = arith.constant 0 : i32
      %dma_wait3A_125 = tpu.memref_slice %arg10[%add3A_28, %dma_wait3A] : memref<100352x8xf32, #tpu.memory_space<vmem_shared>> -> memref<896x8xf32, #tpu.memory_space<vmem_shared>>
      tpu.wait_dma2 semaphore(%run_scoped3A : memref<!tpu.dma_semaphore, #tpu.memory_space<semaphore_mem>>) src(%arg4 : memref<896x8xf32, #tpu.memory_space<hbm>>) dst(%dma_wait3A_125 : memref<896x8xf32, #tpu.memory_space<vmem_shared>>)
      tpu.yield
    }) : () -> ()
    %mul3A_29 = arith.constant 6272 : i32
    %mul3A_30 = arith.muli %arg1, %mul3A_29 : i32
    %add3A_31 = arith.constant 5376 : i32
    %add3A_32 = arith.addi %mul3A_30, %add3A_31 : i32
    "tpu.region"() ({
      %run_scoped3A = tpu.sem_alloc : memref<!tpu.dma_semaphore, #tpu.memory_space<semaphore_mem>>
      %dma_start3A = arith.constant 0 : i32
      %dma_start3A_124 = tpu.memref_slice %arg10[%add3A_32, %dma_start3A] : memref<100352x8xf32, #tpu.memory_space<vmem_shared>> -> memref<896x8xf32, #tpu.memory_space<vmem_shared>>
      tpu.enqueue_dma source(%arg4 : memref<896x8xf32, #tpu.memory_space<hbm>>) target(%dma_start3A_124 : memref<896x8xf32, #tpu.memory_space<vmem_shared>>) target_semaphore(%run_scoped3A : memref<!tpu.dma_semaphore, #tpu.memory_space<semaphore_mem>>)
      %dma_wait3A = arith.constant 0 : i32
      %dma_wait3A_125 = tpu.memref_slice %arg10[%add3A_32, %dma_wait3A] : memref<100352x8xf32, #tpu.memory_space<vmem_shared>> -> memref<896x8xf32, #tpu.memory_space<vmem_shared>>
      tpu.wait_dma2 semaphore(%run_scoped3A : memref<!tpu.dma_semaphore, #tpu.memory_space<semaphore_mem>>) src(%arg4 : memref<896x8xf32, #tpu.memory_space<hbm>>) dst(%dma_wait3A_125 : memref<896x8xf32, #tpu.memory_space<vmem_shared>>)
      tpu.yield
    }) : () -> ()
    %barrier3A = arith.constant 0 : index
    tpu.barrier barrier_id(%barrier3A)
    %mul3A_33 = arith.constant 12500 : i32
    %mul3A_34 = arith.muli %mul3A_33, %add3A : i32
    %jit3A = arith.constant 32 : i32
    %div3A = arith.divsi %mul3A_34, %jit3A : i32
    %sign3A = arith.constant 0 : i32
    %sign3A_35 = arith.cmpi sgt, %mul3A_34, %sign3A : i32
    %sign3A_36 = arith.extui %sign3A_35 : i1 to i32
    %sign3A_37 = arith.constant 0 : i32
    %sign3A_38 = arith.cmpi slt, %mul3A_34, %sign3A_37 : i32
    %sign3A_39 = arith.extui %sign3A_38 : i1 to i32
    %sign3A_40 = arith.subi %sign3A_36, %sign3A_39 : i32
    %sign3A_41 = arith.constant 0 : i32
    %sign3A_42 = arith.cmpi sgt, %jit3A, %sign3A_41 : i32
    %sign3A_43 = arith.extui %sign3A_42 : i1 to i32
    %sign3A_44 = arith.constant 0 : i32
    %sign3A_45 = arith.cmpi slt, %jit3A, %sign3A_44 : i32
    %sign3A_46 = arith.extui %sign3A_45 : i1 to i32
    %sign3A_47 = arith.subi %sign3A_43, %sign3A_46 : i32
    %ne3A = arith.cmpi ne, %sign3A_40, %sign3A_47 : i32
    %rem3A = arith.remsi %mul3A_34, %jit3A : i32
    %ne3A_48 = arith.constant 0 : i32
    %ne3A_49 = arith.cmpi ne, %rem3A, %ne3A_48 : i32
    %and3A = arith.andi %ne3A, %ne3A_49 : i1
    %sub3A = arith.constant 1 : i32
    %sub3A_50 = arith.subi %div3A, %sub3A : i32
    %select_n3A = arith.select %and3A, %sub3A_50, %div3A : i32
    %add3A_51 = arith.constant 1 : i32
    %add3A_52 = arith.addi %add3A, %add3A_51 : i32
    %mul3A_53 = arith.constant 12500 : i32
    %mul3A_54 = arith.muli %mul3A_53, %add3A_52 : i32
    %jit3A_55 = arith.constant 32 : i32
    %div3A_56 = arith.divsi %mul3A_54, %jit3A_55 : i32
    %sign3A_57 = arith.constant 0 : i32
    %sign3A_58 = arith.cmpi sgt, %mul3A_54, %sign3A_57 : i32
    %sign3A_59 = arith.extui %sign3A_58 : i1 to i32
    %sign3A_60 = arith.constant 0 : i32
    %sign3A_61 = arith.cmpi slt, %mul3A_54, %sign3A_60 : i32
    %sign3A_62 = arith.extui %sign3A_61 : i1 to i32
    %sign3A_63 = arith.subi %sign3A_59, %sign3A_62 : i32
    %sign3A_64 = arith.constant 0 : i32
    %sign3A_65 = arith.cmpi sgt, %jit3A_55, %sign3A_64 : i32
    %sign3A_66 = arith.extui %sign3A_65 : i1 to i32
    %sign3A_67 = arith.constant 0 : i32
    %sign3A_68 = arith.cmpi slt, %jit3A_55, %sign3A_67 : i32
    %sign3A_69 = arith.extui %sign3A_68 : i1 to i32
    %sign3A_70 = arith.subi %sign3A_66, %sign3A_69 : i32
    %ne3A_71 = arith.cmpi ne, %sign3A_63, %sign3A_70 : i32
    %rem3A_72 = arith.remsi %mul3A_54, %jit3A_55 : i32
    %ne3A_73 = arith.constant 0 : i32
    %ne3A_74 = arith.cmpi ne, %rem3A_72, %ne3A_73 : i32
    %and3A_75 = arith.andi %ne3A_71, %ne3A_74 : i1
    %sub3A_76 = arith.constant 1 : i32
    %sub3A_77 = arith.subi %div3A_56, %sub3A_76 : i32
    %select_n3A_78 = arith.select %and3A_75, %sub3A_77, %div3A_56 : i32
    %sub3A_79 = arith.subi %select_n3A_78, %select_n3A : i32
    %jit3A_80 = arith.constant 8 : i32
    %div3A_81 = arith.divsi %sub3A_79, %jit3A_80 : i32
    %sign3A_82 = arith.constant 0 : i32
    %sign3A_83 = arith.cmpi sgt, %sub3A_79, %sign3A_82 : i32
    %sign3A_84 = arith.extui %sign3A_83 : i1 to i32
    %sign3A_85 = arith.constant 0 : i32
    %sign3A_86 = arith.cmpi slt, %sub3A_79, %sign3A_85 : i32
    %sign3A_87 = arith.extui %sign3A_86 : i1 to i32
    %sign3A_88 = arith.subi %sign3A_84, %sign3A_87 : i32
    %sign3A_89 = arith.constant 0 : i32
    %sign3A_90 = arith.cmpi sgt, %jit3A_80, %sign3A_89 : i32
    %sign3A_91 = arith.extui %sign3A_90 : i1 to i32
    %sign3A_92 = arith.constant 0 : i32
    %sign3A_93 = arith.cmpi slt, %jit3A_80, %sign3A_92 : i32
    %sign3A_94 = arith.extui %sign3A_93 : i1 to i32
    %sign3A_95 = arith.subi %sign3A_91, %sign3A_94 : i32
    %ne3A_96 = arith.cmpi ne, %sign3A_88, %sign3A_95 : i32
    %rem3A_97 = arith.remsi %sub3A_79, %jit3A_80 : i32
    %ne3A_98 = arith.constant 0 : i32
    %ne3A_99 = arith.cmpi ne, %rem3A_97, %ne3A_98 : i32
    %and3A_100 = arith.andi %ne3A_96, %ne3A_99 : i1
    %sub3A_101 = arith.constant 1 : i32
    %sub3A_102 = arith.subi %div3A_81, %sub3A_101 : i32
    %select_n3A_103 = arith.select %and3A_100, %sub3A_102, %div3A_81 : i32
    %gt3A = arith.constant 0 : i32
    %gt3A_104 = arith.cmpi sgt, %select_n3A_103, %gt3A : i32
    %convert_element_type3A = arith.extui %gt3A_104 : i1 to i32
    %cond3A = arith.constant 0 : i32
    %cond3A_105 = arith.cmpi ne, %convert_element_type3A, %cond3A : i32
    scf.if %cond3A_105 {
      %add3A_124 = arith.constant 0 : i32
      %add3A_125 = arith.addi %select_n3A, %add3A_124 : i32
      %run_scoped3A = arith.constant 0 : i32
      %run_scoped3A_126 = arith.constant 0 : i32
      "tpu.region"() ({
        %run_scoped3A_347 = tpu.sem_alloc : memref<!tpu.dma_semaphore, #tpu.memory_space<semaphore_mem>>
        %dma_start3A_348 = arith.constant 0 : i32
        %dma_start3A_349 = arith.constant 0 : i32
        %dma_start3A_350 = tpu.memref_slice %arg6[%run_scoped3A_126, %dma_start3A_348, %dma_start3A_349] : memref<2x8x128xi32, #tpu.memory_space<vmem>> -> memref<1x8x128xi32, #tpu.memory_space<vmem>>
        %dma_start3A_351 = tpu.memref_squeeze %dma_start3A_350 : memref<1x8x128xi32, #tpu.memory_space<vmem>> -> memref<8x128xi32, #tpu.memory_space<vmem>>
        %dma_start3A_352 = arith.constant 0 : i32
        %dma_start3A_353 = tpu.memref_slice %arg2[%run_scoped3A, %add3A_125, %dma_start3A_352] : memref<2x12500x128xi32, #tpu.memory_space<hbm>> -> memref<1x8x128xi32, #tpu.memory_space<hbm>>
        %dma_start3A_354 = tpu.memref_squeeze %dma_start3A_353 : memref<1x8x128xi32, #tpu.memory_space<hbm>> -> memref<8x128xi32, #tpu.memory_space<hbm>>
        %dma_start3A_355 = arith.constant 0 : i32
        %dma_start3A_356 = arith.constant 0 : i32
        %dma_start3A_357 = tpu.memref_slice %arg6[%run_scoped3A_126, %dma_start3A_355, %dma_start3A_356] : memref<2x8x128xi32, #tpu.memory_space<vmem>> -> memref<1x8x128xi32, #tpu.memory_space<vmem>>
        %dma_start3A_358 = tpu.memref_squeeze %dma_start3A_357 : memref<1x8x128xi32, #tpu.memory_space<vmem>> -> memref<8x128xi32, #tpu.memory_space<vmem>>
        %dma_start3A_359 = arith.constant 0 : i32
        %dma_start3A_360 = tpu.memref_slice %arg2[%run_scoped3A, %add3A_125, %dma_start3A_359] : memref<2x12500x128xi32, #tpu.memory_space<hbm>> -> memref<1x8x128xi32, #tpu.memory_space<hbm>>
        %dma_start3A_361 = tpu.memref_squeeze %dma_start3A_360 : memref<1x8x128xi32, #tpu.memory_space<hbm>> -> memref<8x128xi32, #tpu.memory_space<hbm>>
        tpu.enqueue_dma source(%dma_start3A_361 : memref<8x128xi32, #tpu.memory_space<hbm>>) target(%dma_start3A_358 : memref<8x128xi32, #tpu.memory_space<vmem>>) target_semaphore(%run_scoped3A_347 : memref<!tpu.dma_semaphore, #tpu.memory_space<semaphore_mem>>)
        %dma_wait3A_362 = arith.constant 0 : i32
        %dma_wait3A_363 = arith.constant 0 : i32
        %dma_wait3A_364 = tpu.memref_slice %arg6[%run_scoped3A_126, %dma_wait3A_362, %dma_wait3A_363] : memref<2x8x128xi32, #tpu.memory_space<vmem>> -> memref<1x8x128xi32, #tpu.memory_space<vmem>>
        %dma_wait3A_365 = tpu.memref_squeeze %dma_wait3A_364 : memref<1x8x128xi32, #tpu.memory_space<vmem>> -> memref<8x128xi32, #tpu.memory_space<vmem>>
        %dma_wait3A_366 = arith.constant 0 : i32
        %dma_wait3A_367 = tpu.memref_slice %arg2[%run_scoped3A, %add3A_125, %dma_wait3A_366] : memref<2x12500x128xi32, #tpu.memory_space<hbm>> -> memref<1x8x128xi32, #tpu.memory_space<hbm>>
        %dma_wait3A_368 = tpu.memref_squeeze %dma_wait3A_367 : memref<1x8x128xi32, #tpu.memory_space<hbm>> -> memref<8x128xi32, #tpu.memory_space<hbm>>
        %dma_wait3A_369 = arith.constant 0 : i32
        %dma_wait3A_370 = arith.constant 0 : i32
        %dma_wait3A_371 = tpu.memref_slice %arg6[%run_scoped3A_126, %dma_wait3A_369, %dma_wait3A_370] : memref<2x8x128xi32, #tpu.memory_space<vmem>> -> memref<1x8x128xi32, #tpu.memory_space<vmem>>
        %dma_wait3A_372 = tpu.memref_squeeze %dma_wait3A_371 : memref<1x8x128xi32, #tpu.memory_space<vmem>> -> memref<8x128xi32, #tpu.memory_space<vmem>>
        %dma_wait3A_373 = arith.constant 0 : i32
        %dma_wait3A_374 = tpu.memref_slice %arg2[%run_scoped3A, %add3A_125, %dma_wait3A_373] : memref<2x12500x128xi32, #tpu.memory_space<hbm>> -> memref<1x8x128xi32, #tpu.memory_space<hbm>>
        %dma_wait3A_375 = tpu.memref_squeeze %dma_wait3A_374 : memref<1x8x128xi32, #tpu.memory_space<hbm>> -> memref<8x128xi32, #tpu.memory_space<hbm>>
        tpu.wait_dma2 semaphore(%run_scoped3A_347 : memref<!tpu.dma_semaphore, #tpu.memory_space<semaphore_mem>>) src(%dma_wait3A_375 : memref<8x128xi32, #tpu.memory_space<hbm>>) dst(%dma_wait3A_372 : memref<8x128xi32, #tpu.memory_space<vmem>>)
        tpu.yield
      }) : () -> ()
      %add3A_127 = arith.constant 0 : i32
      %add3A_128 = arith.addi %select_n3A, %add3A_127 : i32
      %run_scoped3A_129 = arith.constant 1 : i32
      %run_scoped3A_130 = arith.constant 0 : i32
      "tpu.region"() ({
        %run_scoped3A_347 = tpu.sem_alloc : memref<!tpu.dma_semaphore, #tpu.memory_space<semaphore_mem>>
        %dma_start3A_348 = arith.constant 0 : i32
        %dma_start3A_349 = arith.constant 0 : i32
        %dma_start3A_350 = tpu.memref_slice %arg7[%run_scoped3A_130, %dma_start3A_348, %dma_start3A_349] : memref<2x8x128xi32, #tpu.memory_space<vmem>> -> memref<1x8x128xi32, #tpu.memory_space<vmem>>
        %dma_start3A_351 = tpu.memref_squeeze %dma_start3A_350 : memref<1x8x128xi32, #tpu.memory_space<vmem>> -> memref<8x128xi32, #tpu.memory_space<vmem>>
        %dma_start3A_352 = arith.constant 0 : i32
        %dma_start3A_353 = tpu.memref_slice %arg2[%run_scoped3A_129, %add3A_128, %dma_start3A_352] : memref<2x12500x128xi32, #tpu.memory_space<hbm>> -> memref<1x8x128xi32, #tpu.memory_space<hbm>>
        %dma_start3A_354 = tpu.memref_squeeze %dma_start3A_353 : memref<1x8x128xi32, #tpu.memory_space<hbm>> -> memref<8x128xi32, #tpu.memory_space<hbm>>
        %dma_start3A_355 = arith.constant 0 : i32
        %dma_start3A_356 = arith.constant 0 : i32
        %dma_start3A_357 = tpu.memref_slice %arg7[%run_scoped3A_130, %dma_start3A_355, %dma_start3A_356] : memref<2x8x128xi32, #tpu.memory_space<vmem>> -> memref<1x8x128xi32, #tpu.memory_space<vmem>>
        %dma_start3A_358 = tpu.memref_squeeze %dma_start3A_357 : memref<1x8x128xi32, #tpu.memory_space<vmem>> -> memref<8x128xi32, #tpu.memory_space<vmem>>
        %dma_start3A_359 = arith.constant 0 : i32
        %dma_start3A_360 = tpu.memref_slice %arg2[%run_scoped3A_129, %add3A_128, %dma_start3A_359] : memref<2x12500x128xi32, #tpu.memory_space<hbm>> -> memref<1x8x128xi32, #tpu.memory_space<hbm>>
        %dma_start3A_361 = tpu.memref_squeeze %dma_start3A_360 : memref<1x8x128xi32, #tpu.memory_space<hbm>> -> memref<8x128xi32, #tpu.memory_space<hbm>>
        tpu.enqueue_dma source(%dma_start3A_361 : memref<8x128xi32, #tpu.memory_space<hbm>>) target(%dma_start3A_358 : memref<8x128xi32, #tpu.memory_space<vmem>>) target_semaphore(%run_scoped3A_347 : memref<!tpu.dma_semaphore, #tpu.memory_space<semaphore_mem>>)
        %dma_wait3A_362 = arith.constant 0 : i32
        %dma_wait3A_363 = arith.constant 0 : i32
        %dma_wait3A_364 = tpu.memref_slice %arg7[%run_scoped3A_130, %dma_wait3A_362, %dma_wait3A_363] : memref<2x8x128xi32, #tpu.memory_space<vmem>> -> memref<1x8x128xi32, #tpu.memory_space<vmem>>
        %dma_wait3A_365 = tpu.memref_squeeze %dma_wait3A_364 : memref<1x8x128xi32, #tpu.memory_space<vmem>> -> memref<8x128xi32, #tpu.memory_space<vmem>>
        %dma_wait3A_366 = arith.constant 0 : i32
        %dma_wait3A_367 = tpu.memref_slice %arg2[%run_scoped3A_129, %add3A_128, %dma_wait3A_366] : memref<2x12500x128xi32, #tpu.memory_space<hbm>> -> memref<1x8x128xi32, #tpu.memory_space<hbm>>
        %dma_wait3A_368 = tpu.memref_squeeze %dma_wait3A_367 : memref<1x8x128xi32, #tpu.memory_space<hbm>> -> memref<8x128xi32, #tpu.memory_space<hbm>>
        %dma_wait3A_369 = arith.constant 0 : i32
        %dma_wait3A_370 = arith.constant 0 : i32
        %dma_wait3A_371 = tpu.memref_slice %arg7[%run_scoped3A_130, %dma_wait3A_369, %dma_wait3A_370] : memref<2x8x128xi32, #tpu.memory_space<vmem>> -> memref<1x8x128xi32, #tpu.memory_space<vmem>>
        %dma_wait3A_372 = tpu.memref_squeeze %dma_wait3A_371 : memref<1x8x128xi32, #tpu.memory_space<vmem>> -> memref<8x128xi32, #tpu.memory_space<vmem>>
        %dma_wait3A_373 = arith.constant 0 : i32
        %dma_wait3A_374 = tpu.memref_slice %arg2[%run_scoped3A_129, %add3A_128, %dma_wait3A_373] : memref<2x12500x128xi32, #tpu.memory_space<hbm>> -> memref<1x8x128xi32, #tpu.memory_space<hbm>>
        %dma_wait3A_375 = tpu.memref_squeeze %dma_wait3A_374 : memref<1x8x128xi32, #tpu.memory_space<hbm>> -> memref<8x128xi32, #tpu.memory_space<hbm>>
        tpu.wait_dma2 semaphore(%run_scoped3A_347 : memref<!tpu.dma_semaphore, #tpu.memory_space<semaphore_mem>>) src(%dma_wait3A_375 : memref<8x128xi32, #tpu.memory_space<hbm>>) dst(%dma_wait3A_372 : memref<8x128xi32, #tpu.memory_space<vmem>>)
        tpu.yield
      }) : () -> ()
      %dma_start3A = arith.constant 0 : i32
      %dma_start3A_131 = arith.constant 0 : i32
      %dma_start3A_132 = arith.constant 0 : i32
      %dma_start3A_133 = arith.constant 0 : i32
      %dma_start3A_134 = arith.constant 0 : i32
      %dma_start3A_135 = tpu.memref_slice %arg8[%dma_start3A_132, %dma_start3A_133, %dma_start3A_134] : memref<2x1024x8xf32, #tpu.memory_space<vmem>> -> memref<1x128x8xf32, #tpu.memory_space<vmem>>
      %dma_start3A_136 = tpu.memref_squeeze %dma_start3A_135 : memref<1x128x8xf32, #tpu.memory_space<vmem>> -> memref<128x8xf32, #tpu.memory_space<vmem>>
      %dma_start3A_137 = arith.constant 0 : i32
      %dma_start3A_138 = tpu.memref_slice %arg6[%dma_start3A, %dma_start3A_131, %dma_start3A_137] : memref<2x8x128xi32, #tpu.memory_space<vmem>> -> memref<1x1x128xi32, #tpu.memory_space<vmem>>
      %dma_start3A_139 = tpu.memref_squeeze %dma_start3A_138 : memref<1x1x128xi32, #tpu.memory_space<vmem>> -> memref<128xi32, #tpu.memory_space<vmem>>
      %dma_start3A_140 = arith.constant 0 : i32
      %dma_start3A_141 = arith.constant 0 : i32
      %dma_start3A_142 = tpu.memref_slice %arg9[%dma_start3A_140, %dma_start3A_141] : memref<100352x8xf32, #tpu.memory_space<vmem_shared>> -> memref<100352x8xf32, #tpu.memory_space<vmem_shared>>
      tpu.enqueue_indirect_dma source(%dma_start3A_142 : memref<100352x8xf32, #tpu.memory_space<vmem_shared>>) target(%dma_start3A_136 : memref<128x8xf32, #tpu.memory_space<vmem>>) offsets(%dma_start3A_139 : memref<128xi32, #tpu.memory_space<vmem>>) semaphore(%arg11 : memref<!tpu.dma_semaphore, #tpu.memory_space<semaphore_mem>>)
      %dma_start3A_143 = arith.constant 0 : i32
      %dma_start3A_144 = arith.constant 1 : i32
      %dma_start3A_145 = arith.constant 0 : i32
      %dma_start3A_146 = arith.constant 128 : i32
      %dma_start3A_147 = arith.constant 0 : i32
      %dma_start3A_148 = tpu.memref_slice %arg8[%dma_start3A_145, %dma_start3A_146, %dma_start3A_147] : memref<2x1024x8xf32, #tpu.memory_space<vmem>> -> memref<1x128x8xf32, #tpu.memory_space<vmem>>
      %dma_start3A_149 = tpu.memref_squeeze %dma_start3A_148 : memref<1x128x8xf32, #tpu.memory_space<vmem>> -> memref<128x8xf32, #tpu.memory_space<vmem>>
      %dma_start3A_150 = arith.constant 0 : i32
      %dma_start3A_151 = tpu.memref_slice %arg6[%dma_start3A_143, %dma_start3A_144, %dma_start3A_150] : memref<2x8x128xi32, #tpu.memory_space<vmem>> -> memref<1x1x128xi32, #tpu.memory_space<vmem>>
      %dma_start3A_152 = tpu.memref_squeeze %dma_start3A_151 : memref<1x1x128xi32, #tpu.memory_space<vmem>> -> memref<128xi32, #tpu.memory_space<vmem>>
      %dma_start3A_153 = arith.constant 0 : i32
      %dma_start3A_154 = arith.constant 0 : i32
      %dma_start3A_155 = tpu.memref_slice %arg9[%dma_start3A_153, %dma_start3A_154] : memref<100352x8xf32, #tpu.memory_space<vmem_shared>> -> memref<100352x8xf32, #tpu.memory_space<vmem_shared>>
      tpu.enqueue_indirect_dma source(%dma_start3A_155 : memref<100352x8xf32, #tpu.memory_space<vmem_shared>>) target(%dma_start3A_149 : memref<128x8xf32, #tpu.memory_space<vmem>>) offsets(%dma_start3A_152 : memref<128xi32, #tpu.memory_space<vmem>>) semaphore(%arg11 : memref<!tpu.dma_semaphore, #tpu.memory_space<semaphore_mem>>)
      %dma_start3A_156 = arith.constant 0 : i32
      %dma_start3A_157 = arith.constant 2 : i32
      %dma_start3A_158 = arith.constant 0 : i32
      %dma_start3A_159 = arith.constant 256 : i32
      %dma_start3A_160 = arith.constant 0 : i32
      %dma_start3A_161 = tpu.memref_slice %arg8[%dma_start3A_158, %dma_start3A_159, %dma_start3A_160] : memref<2x1024x8xf32, #tpu.memory_space<vmem>> -> memref<1x128x8xf32, #tpu.memory_space<vmem>>
      %dma_start3A_162 = tpu.memref_squeeze %dma_start3A_161 : memref<1x128x8xf32, #tpu.memory_space<vmem>> -> memref<128x8xf32, #tpu.memory_space<vmem>>
      %dma_start3A_163 = arith.constant 0 : i32
      %dma_start3A_164 = tpu.memref_slice %arg6[%dma_start3A_156, %dma_start3A_157, %dma_start3A_163] : memref<2x8x128xi32, #tpu.memory_space<vmem>> -> memref<1x1x128xi32, #tpu.memory_space<vmem>>
      %dma_start3A_165 = tpu.memref_squeeze %dma_start3A_164 : memref<1x1x128xi32, #tpu.memory_space<vmem>> -> memref<128xi32, #tpu.memory_space<vmem>>
      %dma_start3A_166 = arith.constant 0 : i32
      %dma_start3A_167 = arith.constant 0 : i32
      %dma_start3A_168 = tpu.memref_slice %arg9[%dma_start3A_166, %dma_start3A_167] : memref<100352x8xf32, #tpu.memory_space<vmem_shared>> -> memref<100352x8xf32, #tpu.memory_space<vmem_shared>>
      tpu.enqueue_indirect_dma source(%dma_start3A_168 : memref<100352x8xf32, #tpu.memory_space<vmem_shared>>) target(%dma_start3A_162 : memref<128x8xf32, #tpu.memory_space<vmem>>) offsets(%dma_start3A_165 : memref<128xi32, #tpu.memory_space<vmem>>) semaphore(%arg11 : memref<!tpu.dma_semaphore, #tpu.memory_space<semaphore_mem>>)
      %dma_start3A_169 = arith.constant 0 : i32
      %dma_start3A_170 = arith.constant 3 : i32
      %dma_start3A_171 = arith.constant 0 : i32
      %dma_start3A_172 = arith.constant 384 : i32
      %dma_start3A_173 = arith.constant 0 : i32
      %dma_start3A_174 = tpu.memref_slice %arg8[%dma_start3A_171, %dma_start3A_172, %dma_start3A_173] : memref<2x1024x8xf32, #tpu.memory_space<vmem>> -> memref<1x128x8xf32, #tpu.memory_space<vmem>>
      %dma_start3A_175 = tpu.memref_squeeze %dma_start3A_174 : memref<1x128x8xf32, #tpu.memory_space<vmem>> -> memref<128x8xf32, #tpu.memory_space<vmem>>
      %dma_start3A_176 = arith.constant 0 : i32
      %dma_start3A_177 = tpu.memref_slice %arg6[%dma_start3A_169, %dma_start3A_170, %dma_start3A_176] : memref<2x8x128xi32, #tpu.memory_space<vmem>> -> memref<1x1x128xi32, #tpu.memory_space<vmem>>
      %dma_start3A_178 = tpu.memref_squeeze %dma_start3A_177 : memref<1x1x128xi32, #tpu.memory_space<vmem>> -> memref<128xi32, #tpu.memory_space<vmem>>
      %dma_start3A_179 = arith.constant 0 : i32
      %dma_start3A_180 = arith.constant 0 : i32
      %dma_start3A_181 = tpu.memref_slice %arg9[%dma_start3A_179, %dma_start3A_180] : memref<100352x8xf32, #tpu.memory_space<vmem_shared>> -> memref<100352x8xf32, #tpu.memory_space<vmem_shared>>
      tpu.enqueue_indirect_dma source(%dma_start3A_181 : memref<100352x8xf32, #tpu.memory_space<vmem_shared>>) target(%dma_start3A_175 : memref<128x8xf32, #tpu.memory_space<vmem>>) offsets(%dma_start3A_178 : memref<128xi32, #tpu.memory_space<vmem>>) semaphore(%arg11 : memref<!tpu.dma_semaphore, #tpu.memory_space<semaphore_mem>>)
      %dma_start3A_182 = arith.constant 0 : i32
      %dma_start3A_183 = arith.constant 4 : i32
      %dma_start3A_184 = arith.constant 0 : i32
      %dma_start3A_185 = arith.constant 512 : i32
      %dma_start3A_186 = arith.constant 0 : i32
      %dma_start3A_187 = tpu.memref_slice %arg8[%dma_start3A_184, %dma_start3A_185, %dma_start3A_186] : memref<2x1024x8xf32, #tpu.memory_space<vmem>> -> memref<1x128x8xf32, #tpu.memory_space<vmem>>
      %dma_start3A_188 = tpu.memref_squeeze %dma_start3A_187 : memref<1x128x8xf32, #tpu.memory_space<vmem>> -> memref<128x8xf32, #tpu.memory_space<vmem>>
      %dma_start3A_189 = arith.constant 0 : i32
      %dma_start3A_190 = tpu.memref_slice %arg6[%dma_start3A_182, %dma_start3A_183, %dma_start3A_189] : memref<2x8x128xi32, #tpu.memory_space<vmem>> -> memref<1x1x128xi32, #tpu.memory_space<vmem>>
      %dma_start3A_191 = tpu.memref_squeeze %dma_start3A_190 : memref<1x1x128xi32, #tpu.memory_space<vmem>> -> memref<128xi32, #tpu.memory_space<vmem>>
      %dma_start3A_192 = arith.constant 0 : i32
      %dma_start3A_193 = arith.constant 0 : i32
      %dma_start3A_194 = tpu.memref_slice %arg9[%dma_start3A_192, %dma_start3A_193] : memref<100352x8xf32, #tpu.memory_space<vmem_shared>> -> memref<100352x8xf32, #tpu.memory_space<vmem_shared>>
      tpu.enqueue_indirect_dma source(%dma_start3A_194 : memref<100352x8xf32, #tpu.memory_space<vmem_shared>>) target(%dma_start3A_188 : memref<128x8xf32, #tpu.memory_space<vmem>>) offsets(%dma_start3A_191 : memref<128xi32, #tpu.memory_space<vmem>>) semaphore(%arg11 : memref<!tpu.dma_semaphore, #tpu.memory_space<semaphore_mem>>)
      %dma_start3A_195 = arith.constant 0 : i32
      %dma_start3A_196 = arith.constant 5 : i32
      %dma_start3A_197 = arith.constant 0 : i32
      %dma_start3A_198 = arith.constant 640 : i32
      %dma_start3A_199 = arith.constant 0 : i32
      %dma_start3A_200 = tpu.memref_slice %arg8[%dma_start3A_197, %dma_start3A_198, %dma_start3A_199] : memref<2x1024x8xf32, #tpu.memory_space<vmem>> -> memref<1x128x8xf32, #tpu.memory_space<vmem>>
      %dma_start3A_201 = tpu.memref_squeeze %dma_start3A_200 : memref<1x128x8xf32, #tpu.memory_space<vmem>> -> memref<128x8xf32, #tpu.memory_space<vmem>>
      %dma_start3A_202 = arith.constant 0 : i32
      %dma_start3A_203 = tpu.memref_slice %arg6[%dma_start3A_195, %dma_start3A_196, %dma_start3A_202] : memref<2x8x128xi32, #tpu.memory_space<vmem>> -> memref<1x1x128xi32, #tpu.memory_space<vmem>>
      %dma_start3A_204 = tpu.memref_squeeze %dma_start3A_203 : memref<1x1x128xi32, #tpu.memory_space<vmem>> -> memref<128xi32, #tpu.memory_space<vmem>>
      %dma_start3A_205 = arith.constant 0 : i32
      %dma_start3A_206 = arith.constant 0 : i32
      %dma_start3A_207 = tpu.memref_slice %arg9[%dma_start3A_205, %dma_start3A_206] : memref<100352x8xf32, #tpu.memory_space<vmem_shared>> -> memref<100352x8xf32, #tpu.memory_space<vmem_shared>>
      tpu.enqueue_indirect_dma source(%dma_start3A_207 : memref<100352x8xf32, #tpu.memory_space<vmem_shared>>) target(%dma_start3A_201 : memref<128x8xf32, #tpu.memory_space<vmem>>) offsets(%dma_start3A_204 : memref<128xi32, #tpu.memory_space<vmem>>) semaphore(%arg11 : memref<!tpu.dma_semaphore, #tpu.memory_space<semaphore_mem>>)
      %dma_start3A_208 = arith.constant 0 : i32
      %dma_start3A_209 = arith.constant 6 : i32
      %dma_start3A_210 = arith.constant 0 : i32
      %dma_start3A_211 = arith.constant 768 : i32
      %dma_start3A_212 = arith.constant 0 : i32
      %dma_start3A_213 = tpu.memref_slice %arg8[%dma_start3A_210, %dma_start3A_211, %dma_start3A_212] : memref<2x1024x8xf32, #tpu.memory_space<vmem>> -> memref<1x128x8xf32, #tpu.memory_space<vmem>>
      %dma_start3A_214 = tpu.memref_squeeze %dma_start3A_213 : memref<1x128x8xf32, #tpu.memory_space<vmem>> -> memref<128x8xf32, #tpu.memory_space<vmem>>
      %dma_start3A_215 = arith.constant 0 : i32
      %dma_start3A_216 = tpu.memref_slice %arg6[%dma_start3A_208, %dma_start3A_209, %dma_start3A_215] : memref<2x8x128xi32, #tpu.memory_space<vmem>> -> memref<1x1x128xi32, #tpu.memory_space<vmem>>
      %dma_start3A_217 = tpu.memref_squeeze %dma_start3A_216 : memref<1x1x128xi32, #tpu.memory_space<vmem>> -> memref<128xi32, #tpu.memory_space<vmem>>
      %dma_start3A_218 = arith.constant 0 : i32
      %dma_start3A_219 = arith.constant 0 : i32
      %dma_start3A_220 = tpu.memref_slice %arg9[%dma_start3A_218, %dma_start3A_219] : memref<100352x8xf32, #tpu.memory_space<vmem_shared>> -> memref<100352x8xf32, #tpu.memory_space<vmem_shared>>
      tpu.enqueue_indirect_dma source(%dma_start3A_220 : memref<100352x8xf32, #tpu.memory_space<vmem_shared>>) target(%dma_start3A_214 : memref<128x8xf32, #tpu.memory_space<vmem>>) offsets(%dma_start3A_217 : memref<128xi32, #tpu.memory_space<vmem>>) semaphore(%arg11 : memref<!tpu.dma_semaphore, #tpu.memory_space<semaphore_mem>>)
      %dma_start3A_221 = arith.constant 0 : i32
      %dma_start3A_222 = arith.constant 7 : i32
      %dma_start3A_223 = arith.constant 0 : i32
      %dma_start3A_224 = arith.constant 896 : i32
      %dma_start3A_225 = arith.constant 0 : i32
      %dma_start3A_226 = tpu.memref_slice %arg8[%dma_start3A_223, %dma_start3A_224, %dma_start3A_225] : memref<2x1024x8xf32, #tpu.memory_space<vmem>> -> memref<1x128x8xf32, #tpu.memory_space<vmem>>
      %dma_start3A_227 = tpu.memref_squeeze %dma_start3A_226 : memref<1x128x8xf32, #tpu.memory_space<vmem>> -> memref<128x8xf32, #tpu.memory_space<vmem>>
      %dma_start3A_228 = arith.constant 0 : i32
      %dma_start3A_229 = tpu.memref_slice %arg6[%dma_start3A_221, %dma_start3A_222, %dma_start3A_228] : memref<2x8x128xi32, #tpu.memory_space<vmem>> -> memref<1x1x128xi32, #tpu.memory_space<vmem>>
      %dma_start3A_230 = tpu.memref_squeeze %dma_start3A_229 : memref<1x1x128xi32, #tpu.memory_space<vmem>> -> memref<128xi32, #tpu.memory_space<vmem>>
      %dma_start3A_231 = arith.constant 0 : i32
      %dma_start3A_232 = arith.constant 0 : i32
      %dma_start3A_233 = tpu.memref_slice %arg9[%dma_start3A_231, %dma_start3A_232] : memref<100352x8xf32, #tpu.memory_space<vmem_shared>> -> memref<100352x8xf32, #tpu.memory_space<vmem_shared>>
      tpu.enqueue_indirect_dma source(%dma_start3A_233 : memref<100352x8xf32, #tpu.memory_space<vmem_shared>>) target(%dma_start3A_227 : memref<128x8xf32, #tpu.memory_space<vmem>>) offsets(%dma_start3A_230 : memref<128xi32, #tpu.memory_space<vmem>>) semaphore(%arg11 : memref<!tpu.dma_semaphore, #tpu.memory_space<semaphore_mem>>)
      %dma_wait3A = arith.constant 0 : i32
      %dma_wait3A_234 = arith.constant 0 : i32
      %dma_wait3A_235 = arith.constant 0 : i32
      %dma_wait3A_236 = arith.constant 0 : i32
      %dma_wait3A_237 = arith.constant 0 : i32
      %dma_wait3A_238 = tpu.memref_slice %arg8[%dma_wait3A_235, %dma_wait3A_236, %dma_wait3A_237] : memref<2x1024x8xf32, #tpu.memory_space<vmem>> -> memref<1x128x8xf32, #tpu.memory_space<vmem>>
      %dma_wait3A_239 = tpu.memref_squeeze %dma_wait3A_238 : memref<1x128x8xf32, #tpu.memory_space<vmem>> -> memref<128x8xf32, #tpu.memory_space<vmem>>
      %dma_wait3A_240 = arith.constant 0 : i32
      %dma_wait3A_241 = tpu.memref_slice %arg6[%dma_wait3A, %dma_wait3A_234, %dma_wait3A_240] : memref<2x8x128xi32, #tpu.memory_space<vmem>> -> memref<1x1x128xi32, #tpu.memory_space<vmem>>
      %dma_wait3A_242 = tpu.memref_squeeze %dma_wait3A_241 : memref<1x1x128xi32, #tpu.memory_space<vmem>> -> memref<128xi32, #tpu.memory_space<vmem>>
      %dma_wait3A_243 = arith.constant 0 : i32
      %dma_wait3A_244 = arith.constant 0 : i32
      %dma_wait3A_245 = tpu.memref_slice %arg9[%dma_wait3A_243, %dma_wait3A_244] : memref<100352x8xf32, #tpu.memory_space<vmem_shared>> -> memref<100352x8xf32, #tpu.memory_space<vmem_shared>>
      tpu.wait_indirect_dma semaphore(%arg11 : memref<!tpu.dma_semaphore, #tpu.memory_space<semaphore_mem>>) src(%dma_wait3A_245 : memref<100352x8xf32, #tpu.memory_space<vmem_shared>>) dst(%dma_wait3A_239 : memref<128x8xf32, #tpu.memory_space<vmem>>)
      %dma_wait3A_246 = arith.constant 0 : i32
      %dma_wait3A_247 = arith.constant 1 : i32
      %dma_wait3A_248 = arith.constant 0 : i32
      %dma_wait3A_249 = arith.constant 128 : i32
      %dma_wait3A_250 = arith.constant 0 : i32
      %dma_wait3A_251 = tpu.memref_slice %arg8[%dma_wait3A_248, %dma_wait3A_249, %dma_wait3A_250] : memref<2x1024x8xf32, #tpu.memory_space<vmem>> -> memref<1x128x8xf32, #tpu.memory_space<vmem>>
      %dma_wait3A_252 = tpu.memref_squeeze %dma_wait3A_251 : memref<1x128x8xf32, #tpu.memory_space<vmem>> -> memref<128x8xf32, #tpu.memory_space<vmem>>
      %dma_wait3A_253 = arith.constant 0 : i32
      %dma_wait3A_254 = tpu.memref_slice %arg6[%dma_wait3A_246, %dma_wait3A_247, %dma_wait3A_253] : memref<2x8x128xi32, #tpu.memory_space<vmem>> -> memref<1x1x128xi32, #tpu.memory_space<vmem>>
      %dma_wait3A_255 = tpu.memref_squeeze %dma_wait3A_254 : memref<1x1x128xi32, #tpu.memory_space<vmem>> -> memref<128xi32, #tpu.memory_space<vmem>>
      %dma_wait3A_256 = arith.constant 0 : i32
      %dma_wait3A_257 = arith.constant 0 : i32
      %dma_wait3A_258 = tpu.memref_slice %arg9[%dma_wait3A_256, %dma_wait3A_257] : memref<100352x8xf32, #tpu.memory_space<vmem_shared>> -> memref<100352x8xf32, #tpu.memory_space<vmem_shared>>
      tpu.wait_indirect_dma semaphore(%arg11 : memref<!tpu.dma_semaphore, #tpu.memory_space<semaphore_mem>>) src(%dma_wait3A_258 : memref<100352x8xf32, #tpu.memory_space<vmem_shared>>) dst(%dma_wait3A_252 : memref<128x8xf32, #tpu.memory_space<vmem>>)
      %dma_wait3A_259 = arith.constant 0 : i32
      %dma_wait3A_260 = arith.constant 2 : i32
      %dma_wait3A_261 = arith.constant 0 : i32
      %dma_wait3A_262 = arith.constant 256 : i32
      %dma_wait3A_263 = arith.constant 0 : i32
      %dma_wait3A_264 = tpu.memref_slice %arg8[%dma_wait3A_261, %dma_wait3A_262, %dma_wait3A_263] : memref<2x1024x8xf32, #tpu.memory_space<vmem>> -> memref<1x128x8xf32, #tpu.memory_space<vmem>>
      %dma_wait3A_265 = tpu.memref_squeeze %dma_wait3A_264 : memref<1x128x8xf32, #tpu.memory_space<vmem>> -> memref<128x8xf32, #tpu.memory_space<vmem>>
      %dma_wait3A_266 = arith.constant 0 : i32
      %dma_wait3A_267 = tpu.memref_slice %arg6[%dma_wait3A_259, %dma_wait3A_260, %dma_wait3A_266] : memref<2x8x128xi32, #tpu.memory_space<vmem>> -> memref<1x1x128xi32, #tpu.memory_space<vmem>>
      %dma_wait3A_268 = tpu.memref_squeeze %dma_wait3A_267 : memref<1x1x128xi32, #tpu.memory_space<vmem>> -> memref<128xi32, #tpu.memory_space<vmem>>
      %dma_wait3A_269 = arith.constant 0 : i32
      %dma_wait3A_270 = arith.constant 0 : i32
      %dma_wait3A_271 = tpu.memref_slice %arg9[%dma_wait3A_269, %dma_wait3A_270] : memref<100352x8xf32, #tpu.memory_space<vmem_shared>> -> memref<100352x8xf32, #tpu.memory_space<vmem_shared>>
      tpu.wait_indirect_dma semaphore(%arg11 : memref<!tpu.dma_semaphore, #tpu.memory_space<semaphore_mem>>) src(%dma_wait3A_271 : memref<100352x8xf32, #tpu.memory_space<vmem_shared>>) dst(%dma_wait3A_265 : memref<128x8xf32, #tpu.memory_space<vmem>>)
      %dma_wait3A_272 = arith.constant 0 : i32
      %dma_wait3A_273 = arith.constant 3 : i32
      %dma_wait3A_274 = arith.constant 0 : i32
      %dma_wait3A_275 = arith.constant 384 : i32
      %dma_wait3A_276 = arith.constant 0 : i32
      %dma_wait3A_277 = tpu.memref_slice %arg8[%dma_wait3A_274, %dma_wait3A_275, %dma_wait3A_276] : memref<2x1024x8xf32, #tpu.memory_space<vmem>> -> memref<1x128x8xf32, #tpu.memory_space<vmem>>
      %dma_wait3A_278 = tpu.memref_squeeze %dma_wait3A_277 : memref<1x128x8xf32, #tpu.memory_space<vmem>> -> memref<128x8xf32, #tpu.memory_space<vmem>>
      %dma_wait3A_279 = arith.constant 0 : i32
      %dma_wait3A_280 = tpu.memref_slice %arg6[%dma_wait3A_272, %dma_wait3A_273, %dma_wait3A_279] : memref<2x8x128xi32, #tpu.memory_space<vmem>> -> memref<1x1x128xi32, #tpu.memory_space<vmem>>
      %dma_wait3A_281 = tpu.memref_squeeze %dma_wait3A_280 : memref<1x1x128xi32, #tpu.memory_space<vmem>> -> memref<128xi32, #tpu.memory_space<vmem>>
      %dma_wait3A_282 = arith.constant 0 : i32
      %dma_wait3A_283 = arith.constant 0 : i32
      %dma_wait3A_284 = tpu.memref_slice %arg9[%dma_wait3A_282, %dma_wait3A_283] : memref<100352x8xf32, #tpu.memory_space<vmem_shared>> -> memref<100352x8xf32, #tpu.memory_space<vmem_shared>>
      tpu.wait_indirect_dma semaphore(%arg11 : memref<!tpu.dma_semaphore, #tpu.memory_space<semaphore_mem>>) src(%dma_wait3A_284 : memref<100352x8xf32, #tpu.memory_space<vmem_shared>>) dst(%dma_wait3A_278 : memref<128x8xf32, #tpu.memory_space<vmem>>)
      %dma_wait3A_285 = arith.constant 0 : i32
      %dma_wait3A_286 = arith.constant 4 : i32
      %dma_wait3A_287 = arith.constant 0 : i32
      %dma_wait3A_288 = arith.constant 512 : i32
      %dma_wait3A_289 = arith.constant 0 : i32
      %dma_wait3A_290 = tpu.memref_slice %arg8[%dma_wait3A_287, %dma_wait3A_288, %dma_wait3A_289] : memref<2x1024x8xf32, #tpu.memory_space<vmem>> -> memref<1x128x8xf32, #tpu.memory_space<vmem>>
      %dma_wait3A_291 = tpu.memref_squeeze %dma_wait3A_290 : memref<1x128x8xf32, #tpu.memory_space<vmem>> -> memref<128x8xf32, #tpu.memory_space<vmem>>
      %dma_wait3A_292 = arith.constant 0 : i32
      %dma_wait3A_293 = tpu.memref_slice %arg6[%dma_wait3A_285, %dma_wait3A_286, %dma_wait3A_292] : memref<2x8x128xi32, #tpu.memory_space<vmem>> -> memref<1x1x128xi32, #tpu.memory_space<vmem>>
      %dma_wait3A_294 = tpu.memref_squeeze %dma_wait3A_293 : memref<1x1x128xi32, #tpu.memory_space<vmem>> -> memref<128xi32, #tpu.memory_space<vmem>>
      %dma_wait3A_295 = arith.constant 0 : i32
      %dma_wait3A_296 = arith.constant 0 : i32
      %dma_wait3A_297 = tpu.memref_slice %arg9[%dma_wait3A_295, %dma_wait3A_296] : memref<100352x8xf32, #tpu.memory_space<vmem_shared>> -> memref<100352x8xf32, #tpu.memory_space<vmem_shared>>
      tpu.wait_indirect_dma semaphore(%arg11 : memref<!tpu.dma_semaphore, #tpu.memory_space<semaphore_mem>>) src(%dma_wait3A_297 : memref<100352x8xf32, #tpu.memory_space<vmem_shared>>) dst(%dma_wait3A_291 : memref<128x8xf32, #tpu.memory_space<vmem>>)
      %dma_wait3A_298 = arith.constant 0 : i32
      %dma_wait3A_299 = arith.constant 5 : i32
      %dma_wait3A_300 = arith.constant 0 : i32
      %dma_wait3A_301 = arith.constant 640 : i32
      %dma_wait3A_302 = arith.constant 0 : i32
      %dma_wait3A_303 = tpu.memref_slice %arg8[%dma_wait3A_300, %dma_wait3A_301, %dma_wait3A_302] : memref<2x1024x8xf32, #tpu.memory_space<vmem>> -> memref<1x128x8xf32, #tpu.memory_space<vmem>>
      %dma_wait3A_304 = tpu.memref_squeeze %dma_wait3A_303 : memref<1x128x8xf32, #tpu.memory_space<vmem>> -> memref<128x8xf32, #tpu.memory_space<vmem>>
      %dma_wait3A_305 = arith.constant 0 : i32
      %dma_wait3A_306 = tpu.memref_slice %arg6[%dma_wait3A_298, %dma_wait3A_299, %dma_wait3A_305] : memref<2x8x128xi32, #tpu.memory_space<vmem>> -> memref<1x1x128xi32, #tpu.memory_space<vmem>>
      %dma_wait3A_307 = tpu.memref_squeeze %dma_wait3A_306 : memref<1x1x128xi32, #tpu.memory_space<vmem>> -> memref<128xi32, #tpu.memory_space<vmem>>
      %dma_wait3A_308 = arith.constant 0 : i32
      %dma_wait3A_309 = arith.constant 0 : i32
      %dma_wait3A_310 = tpu.memref_slice %arg9[%dma_wait3A_308, %dma_wait3A_309] : memref<100352x8xf32, #tpu.memory_space<vmem_shared>> -> memref<100352x8xf32, #tpu.memory_space<vmem_shared>>
      tpu.wait_indirect_dma semaphore(%arg11 : memref<!tpu.dma_semaphore, #tpu.memory_space<semaphore_mem>>) src(%dma_wait3A_310 : memref<100352x8xf32, #tpu.memory_space<vmem_shared>>) dst(%dma_wait3A_304 : memref<128x8xf32, #tpu.memory_space<vmem>>)
      %dma_wait3A_311 = arith.constant 0 : i32
      %dma_wait3A_312 = arith.constant 6 : i32
      %dma_wait3A_313 = arith.constant 0 : i32
      %dma_wait3A_314 = arith.constant 768 : i32
      %dma_wait3A_315 = arith.constant 0 : i32
      %dma_wait3A_316 = tpu.memref_slice %arg8[%dma_wait3A_313, %dma_wait3A_314, %dma_wait3A_315] : memref<2x1024x8xf32, #tpu.memory_space<vmem>> -> memref<1x128x8xf32, #tpu.memory_space<vmem>>
      %dma_wait3A_317 = tpu.memref_squeeze %dma_wait3A_316 : memref<1x128x8xf32, #tpu.memory_space<vmem>> -> memref<128x8xf32, #tpu.memory_space<vmem>>
      %dma_wait3A_318 = arith.constant 0 : i32
      %dma_wait3A_319 = tpu.memref_slice %arg6[%dma_wait3A_311, %dma_wait3A_312, %dma_wait3A_318] : memref<2x8x128xi32, #tpu.memory_space<vmem>> -> memref<1x1x128xi32, #tpu.memory_space<vmem>>
      %dma_wait3A_320 = tpu.memref_squeeze %dma_wait3A_319 : memref<1x1x128xi32, #tpu.memory_space<vmem>> -> memref<128xi32, #tpu.memory_space<vmem>>
      %dma_wait3A_321 = arith.constant 0 : i32
      %dma_wait3A_322 = arith.constant 0 : i32
      %dma_wait3A_323 = tpu.memref_slice %arg9[%dma_wait3A_321, %dma_wait3A_322] : memref<100352x8xf32, #tpu.memory_space<vmem_shared>> -> memref<100352x8xf32, #tpu.memory_space<vmem_shared>>
      tpu.wait_indirect_dma semaphore(%arg11 : memref<!tpu.dma_semaphore, #tpu.memory_space<semaphore_mem>>) src(%dma_wait3A_323 : memref<100352x8xf32, #tpu.memory_space<vmem_shared>>) dst(%dma_wait3A_317 : memref<128x8xf32, #tpu.memory_space<vmem>>)
      %dma_wait3A_324 = arith.constant 0 : i32
      %dma_wait3A_325 = arith.constant 7 : i32
      %dma_wait3A_326 = arith.constant 0 : i32
      %dma_wait3A_327 = arith.constant 896 : i32
      %dma_wait3A_328 = arith.constant 0 : i32
      %dma_wait3A_329 = tpu.memref_slice %arg8[%dma_wait3A_326, %dma_wait3A_327, %dma_wait3A_328] : memref<2x1024x8xf32, #tpu.memory_space<vmem>> -> memref<1x128x8xf32, #tpu.memory_space<vmem>>
      %dma_wait3A_330 = tpu.memref_squeeze %dma_wait3A_329 : memref<1x128x8xf32, #tpu.memory_space<vmem>> -> memref<128x8xf32, #tpu.memory_space<vmem>>
      %dma_wait3A_331 = arith.constant 0 : i32
      %dma_wait3A_332 = tpu.memref_slice %arg6[%dma_wait3A_324, %dma_wait3A_325, %dma_wait3A_331] : memref<2x8x128xi32, #tpu.memory_space<vmem>> -> memref<1x1x128xi32, #tpu.memory_space<vmem>>
      %dma_wait3A_333 = tpu.memref_squeeze %dma_wait3A_332 : memref<1x1x128xi32, #tpu.memory_space<vmem>> -> memref<128xi32, #tpu.memory_space<vmem>>
      %dma_wait3A_334 = arith.constant 0 : i32
      %dma_wait3A_335 = arith.constant 0 : i32
      %dma_wait3A_336 = tpu.memref_slice %arg9[%dma_wait3A_334, %dma_wait3A_335] : memref<100352x8xf32, #tpu.memory_space<vmem_shared>> -> memref<100352x8xf32, #tpu.memory_space<vmem_shared>>
      tpu.wait_indirect_dma semaphore(%arg11 : memref<!tpu.dma_semaphore, #tpu.memory_space<semaphore_mem>>) src(%dma_wait3A_336 : memref<100352x8xf32, #tpu.memory_space<vmem_shared>>) dst(%dma_wait3A_330 : memref<128x8xf32, #tpu.memory_space<vmem>>)
      %while3A_337 = arith.constant 0 : i32
      %while3A_338 = arith.constant 0 : i32
      %while3A_339 = arith.subi %select_n3A_103, %while3A_338 : i32
      %while3A_340 = arith.addi %while3A_338, %while3A_339 : i32
      %while3A_341 = arith.constant 1 : i32
      %while3A_342 = arith.divsi %while3A_339, %while3A_341 : i32
      %while3A_343 = arith.muli %while3A_342, %while3A_341 : i32
      %while3A_344 = arith.addi %while3A_338, %while3A_343 : i32
      %while3A_345 = arith.constant 1 : i32
      scf.for %while3A_347 = %while3A_338 to %while3A_344 step %while3A_345  : i32 {
        %rem3A_348 = arith.constant 2 : i32
        %rem3A_349 = arith.remsi %while3A_347, %rem3A_348 : i32
        %sub3A_350 = arith.constant 1 : i32
        %sub3A_351 = arith.subi %sub3A_350, %rem3A_349 : i32
        %add3A_352 = arith.constant 1 : i32
        %add3A_353 = arith.addi %while3A_347, %add3A_352 : i32
        %lt3A = arith.cmpi slt, %add3A_353, %select_n3A_103 : i32
        %convert_element_type3A_354 = arith.extui %lt3A : i1 to i32
        %cond3A_355 = arith.constant 0 : i32
        %cond3A_356 = arith.cmpi ne, %convert_element_type3A_354, %cond3A_355 : i32
        scf.if %cond3A_356 {
          %add3A_536 = arith.constant 1 : i32
          %add3A_537 = arith.addi %while3A_347, %add3A_536 : i32
          %mul3A_538 = arith.constant 8 : i32
          %mul3A_539 = arith.muli %mul3A_538, %add3A_537 : i32
          %add3A_540 = arith.addi %select_n3A, %mul3A_539 : i32
          %run_scoped3A_541 = arith.constant 0 : i32
          "tpu.region"() ({
            %run_scoped3A_546 = tpu.sem_alloc : memref<!tpu.dma_semaphore, #tpu.memory_space<semaphore_mem>>
            %dma_start3A_547 = arith.constant 0 : i32
            %dma_start3A_548 = arith.constant 0 : i32
            %dma_start3A_549 = tpu.memref_slice %arg6[%sub3A_351, %dma_start3A_547, %dma_start3A_548] : memref<2x8x128xi32, #tpu.memory_space<vmem>> -> memref<1x8x128xi32, #tpu.memory_space<vmem>>
            %dma_start3A_550 = tpu.memref_squeeze %dma_start3A_549 : memref<1x8x128xi32, #tpu.memory_space<vmem>> -> memref<8x128xi32, #tpu.memory_space<vmem>>
            %dma_start3A_551 = arith.constant 0 : i32
            %dma_start3A_552 = tpu.memref_slice %arg2[%run_scoped3A_541, %add3A_540, %dma_start3A_551] : memref<2x12500x128xi32, #tpu.memory_space<hbm>> -> memref<1x8x128xi32, #tpu.memory_space<hbm>>
            %dma_start3A_553 = tpu.memref_squeeze %dma_start3A_552 : memref<1x8x128xi32, #tpu.memory_space<hbm>> -> memref<8x128xi32, #tpu.memory_space<hbm>>
            %dma_start3A_554 = arith.constant 0 : i32
            %dma_start3A_555 = arith.constant 0 : i32
            %dma_start3A_556 = tpu.memref_slice %arg6[%sub3A_351, %dma_start3A_554, %dma_start3A_555] : memref<2x8x128xi32, #tpu.memory_space<vmem>> -> memref<1x8x128xi32, #tpu.memory_space<vmem>>
            %dma_start3A_557 = tpu.memref_squeeze %dma_start3A_556 : memref<1x8x128xi32, #tpu.memory_space<vmem>> -> memref<8x128xi32, #tpu.memory_space<vmem>>
            %dma_start3A_558 = arith.constant 0 : i32
            %dma_start3A_559 = tpu.memref_slice %arg2[%run_scoped3A_541, %add3A_540, %dma_start3A_558] : memref<2x12500x128xi32, #tpu.memory_space<hbm>> -> memref<1x8x128xi32, #tpu.memory_space<hbm>>
            %dma_start3A_560 = tpu.memref_squeeze %dma_start3A_559 : memref<1x8x128xi32, #tpu.memory_space<hbm>> -> memref<8x128xi32, #tpu.memory_space<hbm>>
            tpu.enqueue_dma source(%dma_start3A_560 : memref<8x128xi32, #tpu.memory_space<hbm>>) target(%dma_start3A_557 : memref<8x128xi32, #tpu.memory_space<vmem>>) target_semaphore(%run_scoped3A_546 : memref<!tpu.dma_semaphore, #tpu.memory_space<semaphore_mem>>)
            %dma_wait3A_561 = arith.constant 0 : i32
            %dma_wait3A_562 = arith.constant 0 : i32
            %dma_wait3A_563 = tpu.memref_slice %arg6[%sub3A_351, %dma_wait3A_561, %dma_wait3A_562] : memref<2x8x128xi32, #tpu.memory_space<vmem>> -> memref<1x8x128xi32, #tpu.memory_space<vmem>>
            %dma_wait3A_564 = tpu.memref_squeeze %dma_wait3A_563 : memref<1x8x128xi32, #tpu.memory_space<vmem>> -> memref<8x128xi32, #tpu.memory_space<vmem>>
            %dma_wait3A_565 = arith.constant 0 : i32
            %dma_wait3A_566 = tpu.memref_slice %arg2[%run_scoped3A_541, %add3A_540, %dma_wait3A_565] : memref<2x12500x128xi32, #tpu.memory_space<hbm>> -> memref<1x8x128xi32, #tpu.memory_space<hbm>>
            %dma_wait3A_567 = tpu.memref_squeeze %dma_wait3A_566 : memref<1x8x128xi32, #tpu.memory_space<hbm>> -> memref<8x128xi32, #tpu.memory_space<hbm>>
            %dma_wait3A_568 = arith.constant 0 : i32
            %dma_wait3A_569 = arith.constant 0 : i32
            %dma_wait3A_570 = tpu.memref_slice %arg6[%sub3A_351, %dma_wait3A_568, %dma_wait3A_569] : memref<2x8x128xi32, #tpu.memory_space<vmem>> -> memref<1x8x128xi32, #tpu.memory_space<vmem>>
            %dma_wait3A_571 = tpu.memref_squeeze %dma_wait3A_570 : memref<1x8x128xi32, #tpu.memory_space<vmem>> -> memref<8x128xi32, #tpu.memory_space<vmem>>
            %dma_wait3A_572 = arith.constant 0 : i32
            %dma_wait3A_573 = tpu.memref_slice %arg2[%run_scoped3A_541, %add3A_540, %dma_wait3A_572] : memref<2x12500x128xi32, #tpu.memory_space<hbm>> -> memref<1x8x128xi32, #tpu.memory_space<hbm>>
            %dma_wait3A_574 = tpu.memref_squeeze %dma_wait3A_573 : memref<1x8x128xi32, #tpu.memory_space<hbm>> -> memref<8x128xi32, #tpu.memory_space<hbm>>
            tpu.wait_dma2 semaphore(%run_scoped3A_546 : memref<!tpu.dma_semaphore, #tpu.memory_space<semaphore_mem>>) src(%dma_wait3A_574 : memref<8x128xi32, #tpu.memory_space<hbm>>) dst(%dma_wait3A_571 : memref<8x128xi32, #tpu.memory_space<vmem>>)
            tpu.yield
          }) : () -> ()
          %mul3A_542 = arith.constant 8 : i32
          %mul3A_543 = arith.muli %mul3A_542, %add3A_537 : i32
          %add3A_544 = arith.addi %select_n3A, %mul3A_543 : i32
          %run_scoped3A_545 = arith.constant 1 : i32
          "tpu.region"() ({
            %run_scoped3A_546 = tpu.sem_alloc : memref<!tpu.dma_semaphore, #tpu.memory_space<semaphore_mem>>
            %dma_start3A_547 = arith.constant 0 : i32
            %dma_start3A_548 = arith.constant 0 : i32
            %dma_start3A_549 = tpu.memref_slice %arg7[%sub3A_351, %dma_start3A_547, %dma_start3A_548] : memref<2x8x128xi32, #tpu.memory_space<vmem>> -> memref<1x8x128xi32, #tpu.memory_space<vmem>>
            %dma_start3A_550 = tpu.memref_squeeze %dma_start3A_549 : memref<1x8x128xi32, #tpu.memory_space<vmem>> -> memref<8x128xi32, #tpu.memory_space<vmem>>
            %dma_start3A_551 = arith.constant 0 : i32
            %dma_start3A_552 = tpu.memref_slice %arg2[%run_scoped3A_545, %add3A_544, %dma_start3A_551] : memref<2x12500x128xi32, #tpu.memory_space<hbm>> -> memref<1x8x128xi32, #tpu.memory_space<hbm>>
            %dma_start3A_553 = tpu.memref_squeeze %dma_start3A_552 : memref<1x8x128xi32, #tpu.memory_space<hbm>> -> memref<8x128xi32, #tpu.memory_space<hbm>>
            %dma_start3A_554 = arith.constant 0 : i32
            %dma_start3A_555 = arith.constant 0 : i32
            %dma_start3A_556 = tpu.memref_slice %arg7[%sub3A_351, %dma_start3A_554, %dma_start3A_555] : memref<2x8x128xi32, #tpu.memory_space<vmem>> -> memref<1x8x128xi32, #tpu.memory_space<vmem>>
            %dma_start3A_557 = tpu.memref_squeeze %dma_start3A_556 : memref<1x8x128xi32, #tpu.memory_space<vmem>> -> memref<8x128xi32, #tpu.memory_space<vmem>>
            %dma_start3A_558 = arith.constant 0 : i32
            %dma_start3A_559 = tpu.memref_slice %arg2[%run_scoped3A_545, %add3A_544, %dma_start3A_558] : memref<2x12500x128xi32, #tpu.memory_space<hbm>> -> memref<1x8x128xi32, #tpu.memory_space<hbm>>
            %dma_start3A_560 = tpu.memref_squeeze %dma_start3A_559 : memref<1x8x128xi32, #tpu.memory_space<hbm>> -> memref<8x128xi32, #tpu.memory_space<hbm>>
            tpu.enqueue_dma source(%dma_start3A_560 : memref<8x128xi32, #tpu.memory_space<hbm>>) target(%dma_start3A_557 : memref<8x128xi32, #tpu.memory_space<vmem>>) target_semaphore(%run_scoped3A_546 : memref<!tpu.dma_semaphore, #tpu.memory_space<semaphore_mem>>)
            %dma_wait3A_561 = arith.constant 0 : i32
            %dma_wait3A_562 = arith.constant 0 : i32
            %dma_wait3A_563 = tpu.memref_slice %arg7[%sub3A_351, %dma_wait3A_561, %dma_wait3A_562] : memref<2x8x128xi32, #tpu.memory_space<vmem>> -> memref<1x8x128xi32, #tpu.memory_space<vmem>>
            %dma_wait3A_564 = tpu.memref_squeeze %dma_wait3A_563 : memref<1x8x128xi32, #tpu.memory_space<vmem>> -> memref<8x128xi32, #tpu.memory_space<vmem>>
            %dma_wait3A_565 = arith.constant 0 : i32
            %dma_wait3A_566 = tpu.memref_slice %arg2[%run_scoped3A_545, %add3A_544, %dma_wait3A_565] : memref<2x12500x128xi32, #tpu.memory_space<hbm>> -> memref<1x8x128xi32, #tpu.memory_space<hbm>>
            %dma_wait3A_567 = tpu.memref_squeeze %dma_wait3A_566 : memref<1x8x128xi32, #tpu.memory_space<hbm>> -> memref<8x128xi32, #tpu.memory_space<hbm>>
            %dma_wait3A_568 = arith.constant 0 : i32
            %dma_wait3A_569 = arith.constant 0 : i32
            %dma_wait3A_570 = tpu.memref_slice %arg7[%sub3A_351, %dma_wait3A_568, %dma_wait3A_569] : memref<2x8x128xi32, #tpu.memory_space<vmem>> -> memref<1x8x128xi32, #tpu.memory_space<vmem>>
            %dma_wait3A_571 = tpu.memref_squeeze %dma_wait3A_570 : memref<1x8x128xi32, #tpu.memory_space<vmem>> -> memref<8x128xi32, #tpu.memory_space<vmem>>
            %dma_wait3A_572 = arith.constant 0 : i32
            %dma_wait3A_573 = tpu.memref_slice %arg2[%run_scoped3A_545, %add3A_544, %dma_wait3A_572] : memref<2x12500x128xi32, #tpu.memory_space<hbm>> -> memref<1x8x128xi32, #tpu.memory_space<hbm>>
            %dma_wait3A_574 = tpu.memref_squeeze %dma_wait3A_573 : memref<1x8x128xi32, #tpu.memory_space<hbm>> -> memref<8x128xi32, #tpu.memory_space<hbm>>
            tpu.wait_dma2 semaphore(%run_scoped3A_546 : memref<!tpu.dma_semaphore, #tpu.memory_space<semaphore_mem>>) src(%dma_wait3A_574 : memref<8x128xi32, #tpu.memory_space<hbm>>) dst(%dma_wait3A_571 : memref<8x128xi32, #tpu.memory_space<vmem>>)
            tpu.yield
          }) : () -> ()
        } else {
        }
        %dma_start3A_357 = arith.constant 0 : i32
        %dma_start3A_358 = arith.constant 0 : i32
        %dma_start3A_359 = arith.constant 0 : i32
        %dma_start3A_360 = tpu.memref_slice %arg8[%rem3A_349, %dma_start3A_358, %dma_start3A_359] : memref<2x1024x8xf32, #tpu.memory_space<vmem>> -> memref<1x128x8xf32, #tpu.memory_space<vmem>>
        %dma_start3A_361 = tpu.memref_squeeze %dma_start3A_360 : memref<1x128x8xf32, #tpu.memory_space<vmem>> -> memref<128x8xf32, #tpu.memory_space<vmem>>
        %dma_start3A_362 = arith.constant 0 : i32
        %dma_start3A_363 = tpu.memref_slice %arg7[%rem3A_349, %dma_start3A_357, %dma_start3A_362] : memref<2x8x128xi32, #tpu.memory_space<vmem>> -> memref<1x1x128xi32, #tpu.memory_space<vmem>>
        %dma_start3A_364 = tpu.memref_squeeze %dma_start3A_363 : memref<1x1x128xi32, #tpu.memory_space<vmem>> -> memref<128xi32, #tpu.memory_space<vmem>>
        %dma_start3A_365 = arith.constant 0 : i32
        %dma_start3A_366 = arith.constant 0 : i32
        %dma_start3A_367 = tpu.memref_slice %arg10[%dma_start3A_365, %dma_start3A_366] : memref<100352x8xf32, #tpu.memory_space<vmem_shared>> -> memref<100352x8xf32, #tpu.memory_space<vmem_shared>>
        tpu.enqueue_indirect_dma source(%dma_start3A_361 : memref<128x8xf32, #tpu.memory_space<vmem>>) target(%dma_start3A_367 : memref<100352x8xf32, #tpu.memory_space<vmem_shared>>) offsets(%dma_start3A_364 : memref<128xi32, #tpu.memory_space<vmem>>) semaphore(%arg12 : memref<!tpu.dma_semaphore, #tpu.memory_space<semaphore_mem>>) {add = true}
        %dma_start3A_368 = arith.constant 1 : i32
        %dma_start3A_369 = arith.constant 128 : i32
        %dma_start3A_370 = arith.constant 0 : i32
        %dma_start3A_371 = tpu.memref_slice %arg8[%rem3A_349, %dma_start3A_369, %dma_start3A_370] : memref<2x1024x8xf32, #tpu.memory_space<vmem>> -> memref<1x128x8xf32, #tpu.memory_space<vmem>>
        %dma_start3A_372 = tpu.memref_squeeze %dma_start3A_371 : memref<1x128x8xf32, #tpu.memory_space<vmem>> -> memref<128x8xf32, #tpu.memory_space<vmem>>
        %dma_start3A_373 = arith.constant 0 : i32
        %dma_start3A_374 = tpu.memref_slice %arg7[%rem3A_349, %dma_start3A_368, %dma_start3A_373] : memref<2x8x128xi32, #tpu.memory_space<vmem>> -> memref<1x1x128xi32, #tpu.memory_space<vmem>>
        %dma_start3A_375 = tpu.memref_squeeze %dma_start3A_374 : memref<1x1x128xi32, #tpu.memory_space<vmem>> -> memref<128xi32, #tpu.memory_space<vmem>>
        %dma_start3A_376 = arith.constant 0 : i32
        %dma_start3A_377 = arith.constant 0 : i32
        %dma_start3A_378 = tpu.memref_slice %arg10[%dma_start3A_376, %dma_start3A_377] : memref<100352x8xf32, #tpu.memory_space<vmem_shared>> -> memref<100352x8xf32, #tpu.memory_space<vmem_shared>>
        tpu.enqueue_indirect_dma source(%dma_start3A_372 : memref<128x8xf32, #tpu.memory_space<vmem>>) target(%dma_start3A_378 : memref<100352x8xf32, #tpu.memory_space<vmem_shared>>) offsets(%dma_start3A_375 : memref<128xi32, #tpu.memory_space<vmem>>) semaphore(%arg12 : memref<!tpu.dma_semaphore, #tpu.memory_space<semaphore_mem>>) {add = true}
        %dma_start3A_379 = arith.constant 2 : i32
        %dma_start3A_380 = arith.constant 256 : i32
        %dma_start3A_381 = arith.constant 0 : i32
        %dma_start3A_382 = tpu.memref_slice %arg8[%rem3A_349, %dma_start3A_380, %dma_start3A_381] : memref<2x1024x8xf32, #tpu.memory_space<vmem>> -> memref<1x128x8xf32, #tpu.memory_space<vmem>>
        %dma_start3A_383 = tpu.memref_squeeze %dma_start3A_382 : memref<1x128x8xf32, #tpu.memory_space<vmem>> -> memref<128x8xf32, #tpu.memory_space<vmem>>
        %dma_start3A_384 = arith.constant 0 : i32
        %dma_start3A_385 = tpu.memref_slice %arg7[%rem3A_349, %dma_start3A_379, %dma_start3A_384] : memref<2x8x128xi32, #tpu.memory_space<vmem>> -> memref<1x1x128xi32, #tpu.memory_space<vmem>>
        %dma_start3A_386 = tpu.memref_squeeze %dma_start3A_385 : memref<1x1x128xi32, #tpu.memory_space<vmem>> -> memref<128xi32, #tpu.memory_space<vmem>>
        %dma_start3A_387 = arith.constant 0 : i32
        %dma_start3A_388 = arith.constant 0 : i32
        %dma_start3A_389 = tpu.memref_slice %arg10[%dma_start3A_387, %dma_start3A_388] : memref<100352x8xf32, #tpu.memory_space<vmem_shared>> -> memref<100352x8xf32, #tpu.memory_space<vmem_shared>>
        tpu.enqueue_indirect_dma source(%dma_start3A_383 : memref<128x8xf32, #tpu.memory_space<vmem>>) target(%dma_start3A_389 : memref<100352x8xf32, #tpu.memory_space<vmem_shared>>) offsets(%dma_start3A_386 : memref<128xi32, #tpu.memory_space<vmem>>) semaphore(%arg12 : memref<!tpu.dma_semaphore, #tpu.memory_space<semaphore_mem>>) {add = true}
        %dma_start3A_390 = arith.constant 3 : i32
        %dma_start3A_391 = arith.constant 384 : i32
        %dma_start3A_392 = arith.constant 0 : i32
        %dma_start3A_393 = tpu.memref_slice %arg8[%rem3A_349, %dma_start3A_391, %dma_start3A_392] : memref<2x1024x8xf32, #tpu.memory_space<vmem>> -> memref<1x128x8xf32, #tpu.memory_space<vmem>>
        %dma_start3A_394 = tpu.memref_squeeze %dma_start3A_393 : memref<1x128x8xf32, #tpu.memory_space<vmem>> -> memref<128x8xf32, #tpu.memory_space<vmem>>
        %dma_start3A_395 = arith.constant 0 : i32
        %dma_start3A_396 = tpu.memref_slice %arg7[%rem3A_349, %dma_start3A_390, %dma_start3A_395] : memref<2x8x128xi32, #tpu.memory_space<vmem>> -> memref<1x1x128xi32, #tpu.memory_space<vmem>>
        %dma_start3A_397 = tpu.memref_squeeze %dma_start3A_396 : memref<1x1x128xi32, #tpu.memory_space<vmem>> -> memref<128xi32, #tpu.memory_space<vmem>>
        %dma_start3A_398 = arith.constant 0 : i32
        %dma_start3A_399 = arith.constant 0 : i32
        %dma_start3A_400 = tpu.memref_slice %arg10[%dma_start3A_398, %dma_start3A_399] : memref<100352x8xf32, #tpu.memory_space<vmem_shared>> -> memref<100352x8xf32, #tpu.memory_space<vmem_shared>>
        tpu.enqueue_indirect_dma source(%dma_start3A_394 : memref<128x8xf32, #tpu.memory_space<vmem>>) target(%dma_start3A_400 : memref<100352x8xf32, #tpu.memory_space<vmem_shared>>) offsets(%dma_start3A_397 : memref<128xi32, #tpu.memory_space<vmem>>) semaphore(%arg12 : memref<!tpu.dma_semaphore, #tpu.memory_space<semaphore_mem>>) {add = true}
        %dma_start3A_401 = arith.constant 4 : i32
        %dma_start3A_402 = arith.constant 512 : i32
        %dma_start3A_403 = arith.constant 0 : i32
        %dma_start3A_404 = tpu.memref_slice %arg8[%rem3A_349, %dma_start3A_402, %dma_start3A_403] : memref<2x1024x8xf32, #tpu.memory_space<vmem>> -> memref<1x128x8xf32, #tpu.memory_space<vmem>>
        %dma_start3A_405 = tpu.memref_squeeze %dma_start3A_404 : memref<1x128x8xf32, #tpu.memory_space<vmem>> -> memref<128x8xf32, #tpu.memory_space<vmem>>
        %dma_start3A_406 = arith.constant 0 : i32
        %dma_start3A_407 = tpu.memref_slice %arg7[%rem3A_349, %dma_start3A_401, %dma_start3A_406] : memref<2x8x128xi32, #tpu.memory_space<vmem>> -> memref<1x1x128xi32, #tpu.memory_space<vmem>>
        %dma_start3A_408 = tpu.memref_squeeze %dma_start3A_407 : memref<1x1x128xi32, #tpu.memory_space<vmem>> -> memref<128xi32, #tpu.memory_space<vmem>>
        %dma_start3A_409 = arith.constant 0 : i32
        %dma_start3A_410 = arith.constant 0 : i32
        %dma_start3A_411 = tpu.memref_slice %arg10[%dma_start3A_409, %dma_start3A_410] : memref<100352x8xf32, #tpu.memory_space<vmem_shared>> -> memref<100352x8xf32, #tpu.memory_space<vmem_shared>>
        tpu.enqueue_indirect_dma source(%dma_start3A_405 : memref<128x8xf32, #tpu.memory_space<vmem>>) target(%dma_start3A_411 : memref<100352x8xf32, #tpu.memory_space<vmem_shared>>) offsets(%dma_start3A_408 : memref<128xi32, #tpu.memory_space<vmem>>) semaphore(%arg12 : memref<!tpu.dma_semaphore, #tpu.memory_space<semaphore_mem>>) {add = true}
        %dma_start3A_412 = arith.constant 5 : i32
        %dma_start3A_413 = arith.constant 640 : i32
        %dma_start3A_414 = arith.constant 0 : i32
        %dma_start3A_415 = tpu.memref_slice %arg8[%rem3A_349, %dma_start3A_413, %dma_start3A_414] : memref<2x1024x8xf32, #tpu.memory_space<vmem>> -> memref<1x128x8xf32, #tpu.memory_space<vmem>>
        %dma_start3A_416 = tpu.memref_squeeze %dma_start3A_415 : memref<1x128x8xf32, #tpu.memory_space<vmem>> -> memref<128x8xf32, #tpu.memory_space<vmem>>
        %dma_start3A_417 = arith.constant 0 : i32
        %dma_start3A_418 = tpu.memref_slice %arg7[%rem3A_349, %dma_start3A_412, %dma_start3A_417] : memref<2x8x128xi32, #tpu.memory_space<vmem>> -> memref<1x1x128xi32, #tpu.memory_space<vmem>>
        %dma_start3A_419 = tpu.memref_squeeze %dma_start3A_418 : memref<1x1x128xi32, #tpu.memory_space<vmem>> -> memref<128xi32, #tpu.memory_space<vmem>>
        %dma_start3A_420 = arith.constant 0 : i32
        %dma_start3A_421 = arith.constant 0 : i32
        %dma_start3A_422 = tpu.memref_slice %arg10[%dma_start3A_420, %dma_start3A_421] : memref<100352x8xf32, #tpu.memory_space<vmem_shared>> -> memref<100352x8xf32, #tpu.memory_space<vmem_shared>>
        tpu.enqueue_indirect_dma source(%dma_start3A_416 : memref<128x8xf32, #tpu.memory_space<vmem>>) target(%dma_start3A_422 : memref<100352x8xf32, #tpu.memory_space<vmem_shared>>) offsets(%dma_start3A_419 : memref<128xi32, #tpu.memory_space<vmem>>) semaphore(%arg12 : memref<!tpu.dma_semaphore, #tpu.memory_space<semaphore_mem>>) {add = true}
        %dma_start3A_423 = arith.constant 6 : i32
        %dma_start3A_424 = arith.constant 768 : i32
        %dma_start3A_425 = arith.constant 0 : i32
        %dma_start3A_426 = tpu.memref_slice %arg8[%rem3A_349, %dma_start3A_424, %dma_start3A_425] : memref<2x1024x8xf32, #tpu.memory_space<vmem>> -> memref<1x128x8xf32, #tpu.memory_space<vmem>>
        %dma_start3A_427 = tpu.memref_squeeze %dma_start3A_426 : memref<1x128x8xf32, #tpu.memory_space<vmem>> -> memref<128x8xf32, #tpu.memory_space<vmem>>
        %dma_start3A_428 = arith.constant 0 : i32
        %dma_start3A_429 = tpu.memref_slice %arg7[%rem3A_349, %dma_start3A_423, %dma_start3A_428] : memref<2x8x128xi32, #tpu.memory_space<vmem>> -> memref<1x1x128xi32, #tpu.memory_space<vmem>>
        %dma_start3A_430 = tpu.memref_squeeze %dma_start3A_429 : memref<1x1x128xi32, #tpu.memory_space<vmem>> -> memref<128xi32, #tpu.memory_space<vmem>>
        %dma_start3A_431 = arith.constant 0 : i32
        %dma_start3A_432 = arith.constant 0 : i32
        %dma_start3A_433 = tpu.memref_slice %arg10[%dma_start3A_431, %dma_start3A_432] : memref<100352x8xf32, #tpu.memory_space<vmem_shared>> -> memref<100352x8xf32, #tpu.memory_space<vmem_shared>>
        tpu.enqueue_indirect_dma source(%dma_start3A_427 : memref<128x8xf32, #tpu.memory_space<vmem>>) target(%dma_start3A_433 : memref<100352x8xf32, #tpu.memory_space<vmem_shared>>) offsets(%dma_start3A_430 : memref<128xi32, #tpu.memory_space<vmem>>) semaphore(%arg12 : memref<!tpu.dma_semaphore, #tpu.memory_space<semaphore_mem>>) {add = true}
        %dma_start3A_434 = arith.constant 7 : i32
        %dma_start3A_435 = arith.constant 896 : i32
        %dma_start3A_436 = arith.constant 0 : i32
        %dma_start3A_437 = tpu.memref_slice %arg8[%rem3A_349, %dma_start3A_435, %dma_start3A_436] : memref<2x1024x8xf32, #tpu.memory_space<vmem>> -> memref<1x128x8xf32, #tpu.memory_space<vmem>>
        %dma_start3A_438 = tpu.memref_squeeze %dma_start3A_437 : memref<1x128x8xf32, #tpu.memory_space<vmem>> -> memref<128x8xf32, #tpu.memory_space<vmem>>
        %dma_start3A_439 = arith.constant 0 : i32
        %dma_start3A_440 = tpu.memref_slice %arg7[%rem3A_349, %dma_start3A_434, %dma_start3A_439] : memref<2x8x128xi32, #tpu.memory_space<vmem>> -> memref<1x1x128xi32, #tpu.memory_space<vmem>>
        %dma_start3A_441 = tpu.memref_squeeze %dma_start3A_440 : memref<1x1x128xi32, #tpu.memory_space<vmem>> -> memref<128xi32, #tpu.memory_space<vmem>>
        %dma_start3A_442 = arith.constant 0 : i32
        %dma_start3A_443 = arith.constant 0 : i32
        %dma_start3A_444 = tpu.memref_slice %arg10[%dma_start3A_442, %dma_start3A_443] : memref<100352x8xf32, #tpu.memory_space<vmem_shared>> -> memref<100352x8xf32, #tpu.memory_space<vmem_shared>>
        tpu.enqueue_indirect_dma source(%dma_start3A_438 : memref<128x8xf32, #tpu.memory_space<vmem>>) target(%dma_start3A_444 : memref<100352x8xf32, #tpu.memory_space<vmem_shared>>) offsets(%dma_start3A_441 : memref<128xi32, #tpu.memory_space<vmem>>) semaphore(%arg12 : memref<!tpu.dma_semaphore, #tpu.memory_space<semaphore_mem>>) {add = true}
        %convert_element_type3A_445 = arith.extui %lt3A : i1 to i32
        %cond3A_446 = arith.constant 0 : i32
        %cond3A_447 = arith.cmpi ne, %convert_element_type3A_445, %cond3A_446 : i32
        scf.if %cond3A_447 {
          %dma_start3A_536 = arith.constant 0 : i32
          %dma_start3A_537 = arith.constant 0 : i32
          %dma_start3A_538 = arith.constant 0 : i32
          %dma_start3A_539 = tpu.memref_slice %arg8[%sub3A_351, %dma_start3A_537, %dma_start3A_538] : memref<2x1024x8xf32, #tpu.memory_space<vmem>> -> memref<1x128x8xf32, #tpu.memory_space<vmem>>
          %dma_start3A_540 = tpu.memref_squeeze %dma_start3A_539 : memref<1x128x8xf32, #tpu.memory_space<vmem>> -> memref<128x8xf32, #tpu.memory_space<vmem>>
          %dma_start3A_541 = arith.constant 0 : i32
          %dma_start3A_542 = tpu.memref_slice %arg6[%sub3A_351, %dma_start3A_536, %dma_start3A_541] : memref<2x8x128xi32, #tpu.memory_space<vmem>> -> memref<1x1x128xi32, #tpu.memory_space<vmem>>
          %dma_start3A_543 = tpu.memref_squeeze %dma_start3A_542 : memref<1x1x128xi32, #tpu.memory_space<vmem>> -> memref<128xi32, #tpu.memory_space<vmem>>
          %dma_start3A_544 = arith.constant 0 : i32
          %dma_start3A_545 = arith.constant 0 : i32
          %dma_start3A_546 = tpu.memref_slice %arg9[%dma_start3A_544, %dma_start3A_545] : memref<100352x8xf32, #tpu.memory_space<vmem_shared>> -> memref<100352x8xf32, #tpu.memory_space<vmem_shared>>
          tpu.enqueue_indirect_dma source(%dma_start3A_546 : memref<100352x8xf32, #tpu.memory_space<vmem_shared>>) target(%dma_start3A_540 : memref<128x8xf32, #tpu.memory_space<vmem>>) offsets(%dma_start3A_543 : memref<128xi32, #tpu.memory_space<vmem>>) semaphore(%arg11 : memref<!tpu.dma_semaphore, #tpu.memory_space<semaphore_mem>>)
          %dma_start3A_547 = arith.constant 1 : i32
          %dma_start3A_548 = arith.constant 128 : i32
          %dma_start3A_549 = arith.constant 0 : i32
          %dma_start3A_550 = tpu.memref_slice %arg8[%sub3A_351, %dma_start3A_548, %dma_start3A_549] : memref<2x1024x8xf32, #tpu.memory_space<vmem>> -> memref<1x128x8xf32, #tpu.memory_space<vmem>>
          %dma_start3A_551 = tpu.memref_squeeze %dma_start3A_550 : memref<1x128x8xf32, #tpu.memory_space<vmem>> -> memref<128x8xf32, #tpu.memory_space<vmem>>
          %dma_start3A_552 = arith.constant 0 : i32
          %dma_start3A_553 = tpu.memref_slice %arg6[%sub3A_351, %dma_start3A_547, %dma_start3A_552] : memref<2x8x128xi32, #tpu.memory_space<vmem>> -> memref<1x1x128xi32, #tpu.memory_space<vmem>>
          %dma_start3A_554 = tpu.memref_squeeze %dma_start3A_553 : memref<1x1x128xi32, #tpu.memory_space<vmem>> -> memref<128xi32, #tpu.memory_space<vmem>>
          %dma_start3A_555 = arith.constant 0 : i32
          %dma_start3A_556 = arith.constant 0 : i32
          %dma_start3A_557 = tpu.memref_slice %arg9[%dma_start3A_555, %dma_start3A_556] : memref<100352x8xf32, #tpu.memory_space<vmem_shared>> -> memref<100352x8xf32, #tpu.memory_space<vmem_shared>>
          tpu.enqueue_indirect_dma source(%dma_start3A_557 : memref<100352x8xf32, #tpu.memory_space<vmem_shared>>) target(%dma_start3A_551 : memref<128x8xf32, #tpu.memory_space<vmem>>) offsets(%dma_start3A_554 : memref<128xi32, #tpu.memory_space<vmem>>) semaphore(%arg11 : memref<!tpu.dma_semaphore, #tpu.memory_space<semaphore_mem>>)
          %dma_start3A_558 = arith.constant 2 : i32
          %dma_start3A_559 = arith.constant 256 : i32
          %dma_start3A_560 = arith.constant 0 : i32
          %dma_start3A_561 = tpu.memref_slice %arg8[%sub3A_351, %dma_start3A_559, %dma_start3A_560] : memref<2x1024x8xf32, #tpu.memory_space<vmem>> -> memref<1x128x8xf32, #tpu.memory_space<vmem>>
          %dma_start3A_562 = tpu.memref_squeeze %dma_start3A_561 : memref<1x128x8xf32, #tpu.memory_space<vmem>> -> memref<128x8xf32, #tpu.memory_space<vmem>>
          %dma_start3A_563 = arith.constant 0 : i32
          %dma_start3A_564 = tpu.memref_slice %arg6[%sub3A_351, %dma_start3A_558, %dma_start3A_563] : memref<2x8x128xi32, #tpu.memory_space<vmem>> -> memref<1x1x128xi32, #tpu.memory_space<vmem>>
          %dma_start3A_565 = tpu.memref_squeeze %dma_start3A_564 : memref<1x1x128xi32, #tpu.memory_space<vmem>> -> memref<128xi32, #tpu.memory_space<vmem>>
          %dma_start3A_566 = arith.constant 0 : i32
          %dma_start3A_567 = arith.constant 0 : i32
          %dma_start3A_568 = tpu.memref_slice %arg9[%dma_start3A_566, %dma_start3A_567] : memref<100352x8xf32, #tpu.memory_space<vmem_shared>> -> memref<100352x8xf32, #tpu.memory_space<vmem_shared>>
          tpu.enqueue_indirect_dma source(%dma_start3A_568 : memref<100352x8xf32, #tpu.memory_space<vmem_shared>>) target(%dma_start3A_562 : memref<128x8xf32, #tpu.memory_space<vmem>>) offsets(%dma_start3A_565 : memref<128xi32, #tpu.memory_space<vmem>>) semaphore(%arg11 : memref<!tpu.dma_semaphore, #tpu.memory_space<semaphore_mem>>)
          %dma_start3A_569 = arith.constant 3 : i32
          %dma_start3A_570 = arith.constant 384 : i32
          %dma_start3A_571 = arith.constant 0 : i32
          %dma_start3A_572 = tpu.memref_slice %arg8[%sub3A_351, %dma_start3A_570, %dma_start3A_571] : memref<2x1024x8xf32, #tpu.memory_space<vmem>> -> memref<1x128x8xf32, #tpu.memory_space<vmem>>
          %dma_start3A_573 = tpu.memref_squeeze %dma_start3A_572 : memref<1x128x8xf32, #tpu.memory_space<vmem>> -> memref<128x8xf32, #tpu.memory_space<vmem>>
          %dma_start3A_574 = arith.constant 0 : i32
          %dma_start3A_575 = tpu.memref_slice %arg6[%sub3A_351, %dma_start3A_569, %dma_start3A_574] : memref<2x8x128xi32, #tpu.memory_space<vmem>> -> memref<1x1x128xi32, #tpu.memory_space<vmem>>
          %dma_start3A_576 = tpu.memref_squeeze %dma_start3A_575 : memref<1x1x128xi32, #tpu.memory_space<vmem>> -> memref<128xi32, #tpu.memory_space<vmem>>
          %dma_start3A_577 = arith.constant 0 : i32
          %dma_start3A_578 = arith.constant 0 : i32
          %dma_start3A_579 = tpu.memref_slice %arg9[%dma_start3A_577, %dma_start3A_578] : memref<100352x8xf32, #tpu.memory_space<vmem_shared>> -> memref<100352x8xf32, #tpu.memory_space<vmem_shared>>
          tpu.enqueue_indirect_dma source(%dma_start3A_579 : memref<100352x8xf32, #tpu.memory_space<vmem_shared>>) target(%dma_start3A_573 : memref<128x8xf32, #tpu.memory_space<vmem>>) offsets(%dma_start3A_576 : memref<128xi32, #tpu.memory_space<vmem>>) semaphore(%arg11 : memref<!tpu.dma_semaphore, #tpu.memory_space<semaphore_mem>>)
          %dma_start3A_580 = arith.constant 4 : i32
          %dma_start3A_581 = arith.constant 512 : i32
          %dma_start3A_582 = arith.constant 0 : i32
          %dma_start3A_583 = tpu.memref_slice %arg8[%sub3A_351, %dma_start3A_581, %dma_start3A_582] : memref<2x1024x8xf32, #tpu.memory_space<vmem>> -> memref<1x128x8xf32, #tpu.memory_space<vmem>>
          %dma_start3A_584 = tpu.memref_squeeze %dma_start3A_583 : memref<1x128x8xf32, #tpu.memory_space<vmem>> -> memref<128x8xf32, #tpu.memory_space<vmem>>
          %dma_start3A_585 = arith.constant 0 : i32
          %dma_start3A_586 = tpu.memref_slice %arg6[%sub3A_351, %dma_start3A_580, %dma_start3A_585] : memref<2x8x128xi32, #tpu.memory_space<vmem>> -> memref<1x1x128xi32, #tpu.memory_space<vmem>>
          %dma_start3A_587 = tpu.memref_squeeze %dma_start3A_586 : memref<1x1x128xi32, #tpu.memory_space<vmem>> -> memref<128xi32, #tpu.memory_space<vmem>>
          %dma_start3A_588 = arith.constant 0 : i32
          %dma_start3A_589 = arith.constant 0 : i32
          %dma_start3A_590 = tpu.memref_slice %arg9[%dma_start3A_588, %dma_start3A_589] : memref<100352x8xf32, #tpu.memory_space<vmem_shared>> -> memref<100352x8xf32, #tpu.memory_space<vmem_shared>>
          tpu.enqueue_indirect_dma source(%dma_start3A_590 : memref<100352x8xf32, #tpu.memory_space<vmem_shared>>) target(%dma_start3A_584 : memref<128x8xf32, #tpu.memory_space<vmem>>) offsets(%dma_start3A_587 : memref<128xi32, #tpu.memory_space<vmem>>) semaphore(%arg11 : memref<!tpu.dma_semaphore, #tpu.memory_space<semaphore_mem>>)
          %dma_start3A_591 = arith.constant 5 : i32
          %dma_start3A_592 = arith.constant 640 : i32
          %dma_start3A_593 = arith.constant 0 : i32
          %dma_start3A_594 = tpu.memref_slice %arg8[%sub3A_351, %dma_start3A_592, %dma_start3A_593] : memref<2x1024x8xf32, #tpu.memory_space<vmem>> -> memref<1x128x8xf32, #tpu.memory_space<vmem>>
          %dma_start3A_595 = tpu.memref_squeeze %dma_start3A_594 : memref<1x128x8xf32, #tpu.memory_space<vmem>> -> memref<128x8xf32, #tpu.memory_space<vmem>>
          %dma_start3A_596 = arith.constant 0 : i32
          %dma_start3A_597 = tpu.memref_slice %arg6[%sub3A_351, %dma_start3A_591, %dma_start3A_596] : memref<2x8x128xi32, #tpu.memory_space<vmem>> -> memref<1x1x128xi32, #tpu.memory_space<vmem>>
          %dma_start3A_598 = tpu.memref_squeeze %dma_start3A_597 : memref<1x1x128xi32, #tpu.memory_space<vmem>> -> memref<128xi32, #tpu.memory_space<vmem>>
          %dma_start3A_599 = arith.constant 0 : i32
          %dma_start3A_600 = arith.constant 0 : i32
          %dma_start3A_601 = tpu.memref_slice %arg9[%dma_start3A_599, %dma_start3A_600] : memref<100352x8xf32, #tpu.memory_space<vmem_shared>> -> memref<100352x8xf32, #tpu.memory_space<vmem_shared>>
          tpu.enqueue_indirect_dma source(%dma_start3A_601 : memref<100352x8xf32, #tpu.memory_space<vmem_shared>>) target(%dma_start3A_595 : memref<128x8xf32, #tpu.memory_space<vmem>>) offsets(%dma_start3A_598 : memref<128xi32, #tpu.memory_space<vmem>>) semaphore(%arg11 : memref<!tpu.dma_semaphore, #tpu.memory_space<semaphore_mem>>)
          %dma_start3A_602 = arith.constant 6 : i32
          %dma_start3A_603 = arith.constant 768 : i32
          %dma_start3A_604 = arith.constant 0 : i32
          %dma_start3A_605 = tpu.memref_slice %arg8[%sub3A_351, %dma_start3A_603, %dma_start3A_604] : memref<2x1024x8xf32, #tpu.memory_space<vmem>> -> memref<1x128x8xf32, #tpu.memory_space<vmem>>
          %dma_start3A_606 = tpu.memref_squeeze %dma_start3A_605 : memref<1x128x8xf32, #tpu.memory_space<vmem>> -> memref<128x8xf32, #tpu.memory_space<vmem>>
          %dma_start3A_607 = arith.constant 0 : i32
          %dma_start3A_608 = tpu.memref_slice %arg6[%sub3A_351, %dma_start3A_602, %dma_start3A_607] : memref<2x8x128xi32, #tpu.memory_space<vmem>> -> memref<1x1x128xi32, #tpu.memory_space<vmem>>
          %dma_start3A_609 = tpu.memref_squeeze %dma_start3A_608 : memref<1x1x128xi32, #tpu.memory_space<vmem>> -> memref<128xi32, #tpu.memory_space<vmem>>
          %dma_start3A_610 = arith.constant 0 : i32
          %dma_start3A_611 = arith.constant 0 : i32
          %dma_start3A_612 = tpu.memref_slice %arg9[%dma_start3A_610, %dma_start3A_611] : memref<100352x8xf32, #tpu.memory_space<vmem_shared>> -> memref<100352x8xf32, #tpu.memory_space<vmem_shared>>
          tpu.enqueue_indirect_dma source(%dma_start3A_612 : memref<100352x8xf32, #tpu.memory_space<vmem_shared>>) target(%dma_start3A_606 : memref<128x8xf32, #tpu.memory_space<vmem>>) offsets(%dma_start3A_609 : memref<128xi32, #tpu.memory_space<vmem>>) semaphore(%arg11 : memref<!tpu.dma_semaphore, #tpu.memory_space<semaphore_mem>>)
          %dma_start3A_613 = arith.constant 7 : i32
          %dma_start3A_614 = arith.constant 896 : i32
          %dma_start3A_615 = arith.constant 0 : i32
          %dma_start3A_616 = tpu.memref_slice %arg8[%sub3A_351, %dma_start3A_614, %dma_start3A_615] : memref<2x1024x8xf32, #tpu.memory_space<vmem>> -> memref<1x128x8xf32, #tpu.memory_space<vmem>>
          %dma_start3A_617 = tpu.memref_squeeze %dma_start3A_616 : memref<1x128x8xf32, #tpu.memory_space<vmem>> -> memref<128x8xf32, #tpu.memory_space<vmem>>
          %dma_start3A_618 = arith.constant 0 : i32
          %dma_start3A_619 = tpu.memref_slice %arg6[%sub3A_351, %dma_start3A_613, %dma_start3A_618] : memref<2x8x128xi32, #tpu.memory_space<vmem>> -> memref<1x1x128xi32, #tpu.memory_space<vmem>>
          %dma_start3A_620 = tpu.memref_squeeze %dma_start3A_619 : memref<1x1x128xi32, #tpu.memory_space<vmem>> -> memref<128xi32, #tpu.memory_space<vmem>>
          %dma_start3A_621 = arith.constant 0 : i32
          %dma_start3A_622 = arith.constant 0 : i32
          %dma_start3A_623 = tpu.memref_slice %arg9[%dma_start3A_621, %dma_start3A_622] : memref<100352x8xf32, #tpu.memory_space<vmem_shared>> -> memref<100352x8xf32, #tpu.memory_space<vmem_shared>>
          tpu.enqueue_indirect_dma source(%dma_start3A_623 : memref<100352x8xf32, #tpu.memory_space<vmem_shared>>) target(%dma_start3A_617 : memref<128x8xf32, #tpu.memory_space<vmem>>) offsets(%dma_start3A_620 : memref<128xi32, #tpu.memory_space<vmem>>) semaphore(%arg11 : memref<!tpu.dma_semaphore, #tpu.memory_space<semaphore_mem>>)
          %dma_wait3A_624 = arith.constant 0 : i32
          %dma_wait3A_625 = arith.constant 0 : i32
          %dma_wait3A_626 = arith.constant 0 : i32
          %dma_wait3A_627 = tpu.memref_slice %arg8[%sub3A_351, %dma_wait3A_625, %dma_wait3A_626] : memref<2x1024x8xf32, #tpu.memory_space<vmem>> -> memref<1x128x8xf32, #tpu.memory_space<vmem>>
          %dma_wait3A_628 = tpu.memref_squeeze %dma_wait3A_627 : memref<1x128x8xf32, #tpu.memory_space<vmem>> -> memref<128x8xf32, #tpu.memory_space<vmem>>
          %dma_wait3A_629 = arith.constant 0 : i32
          %dma_wait3A_630 = tpu.memref_slice %arg6[%sub3A_351, %dma_wait3A_624, %dma_wait3A_629] : memref<2x8x128xi32, #tpu.memory_space<vmem>> -> memref<1x1x128xi32, #tpu.memory_space<vmem>>
          %dma_wait3A_631 = tpu.memref_squeeze %dma_wait3A_630 : memref<1x1x128xi32, #tpu.memory_space<vmem>> -> memref<128xi32, #tpu.memory_space<vmem>>
          %dma_wait3A_632 = arith.constant 0 : i32
          %dma_wait3A_633 = arith.constant 0 : i32
          %dma_wait3A_634 = tpu.memref_slice %arg9[%dma_wait3A_632, %dma_wait3A_633] : memref<100352x8xf32, #tpu.memory_space<vmem_shared>> -> memref<100352x8xf32, #tpu.memory_space<vmem_shared>>
          tpu.wait_indirect_dma semaphore(%arg11 : memref<!tpu.dma_semaphore, #tpu.memory_space<semaphore_mem>>) src(%dma_wait3A_634 : memref<100352x8xf32, #tpu.memory_space<vmem_shared>>) dst(%dma_wait3A_628 : memref<128x8xf32, #tpu.memory_space<vmem>>)
          %dma_wait3A_635 = arith.constant 1 : i32
          %dma_wait3A_636 = arith.constant 128 : i32
          %dma_wait3A_637 = arith.constant 0 : i32
          %dma_wait3A_638 = tpu.memref_slice %arg8[%sub3A_351, %dma_wait3A_636, %dma_wait3A_637] : memref<2x1024x8xf32, #tpu.memory_space<vmem>> -> memref<1x128x8xf32, #tpu.memory_space<vmem>>
          %dma_wait3A_639 = tpu.memref_squeeze %dma_wait3A_638 : memref<1x128x8xf32, #tpu.memory_space<vmem>> -> memref<128x8xf32, #tpu.memory_space<vmem>>
          %dma_wait3A_640 = arith.constant 0 : i32
          %dma_wait3A_641 = tpu.memref_slice %arg6[%sub3A_351, %dma_wait3A_635, %dma_wait3A_640] : memref<2x8x128xi32, #tpu.memory_space<vmem>> -> memref<1x1x128xi32, #tpu.memory_space<vmem>>
          %dma_wait3A_642 = tpu.memref_squeeze %dma_wait3A_641 : memref<1x1x128xi32, #tpu.memory_space<vmem>> -> memref<128xi32, #tpu.memory_space<vmem>>
          %dma_wait3A_643 = arith.constant 0 : i32
          %dma_wait3A_644 = arith.constant 0 : i32
          %dma_wait3A_645 = tpu.memref_slice %arg9[%dma_wait3A_643, %dma_wait3A_644] : memref<100352x8xf32, #tpu.memory_space<vmem_shared>> -> memref<100352x8xf32, #tpu.memory_space<vmem_shared>>
          tpu.wait_indirect_dma semaphore(%arg11 : memref<!tpu.dma_semaphore, #tpu.memory_space<semaphore_mem>>) src(%dma_wait3A_645 : memref<100352x8xf32, #tpu.memory_space<vmem_shared>>) dst(%dma_wait3A_639 : memref<128x8xf32, #tpu.memory_space<vmem>>)
          %dma_wait3A_646 = arith.constant 2 : i32
          %dma_wait3A_647 = arith.constant 256 : i32
          %dma_wait3A_648 = arith.constant 0 : i32
          %dma_wait3A_649 = tpu.memref_slice %arg8[%sub3A_351, %dma_wait3A_647, %dma_wait3A_648] : memref<2x1024x8xf32, #tpu.memory_space<vmem>> -> memref<1x128x8xf32, #tpu.memory_space<vmem>>
          %dma_wait3A_650 = tpu.memref_squeeze %dma_wait3A_649 : memref<1x128x8xf32, #tpu.memory_space<vmem>> -> memref<128x8xf32, #tpu.memory_space<vmem>>
          %dma_wait3A_651 = arith.constant 0 : i32
          %dma_wait3A_652 = tpu.memref_slice %arg6[%sub3A_351, %dma_wait3A_646, %dma_wait3A_651] : memref<2x8x128xi32, #tpu.memory_space<vmem>> -> memref<1x1x128xi32, #tpu.memory_space<vmem>>
          %dma_wait3A_653 = tpu.memref_squeeze %dma_wait3A_652 : memref<1x1x128xi32, #tpu.memory_space<vmem>> -> memref<128xi32, #tpu.memory_space<vmem>>
          %dma_wait3A_654 = arith.constant 0 : i32
          %dma_wait3A_655 = arith.constant 0 : i32
          %dma_wait3A_656 = tpu.memref_slice %arg9[%dma_wait3A_654, %dma_wait3A_655] : memref<100352x8xf32, #tpu.memory_space<vmem_shared>> -> memref<100352x8xf32, #tpu.memory_space<vmem_shared>>
          tpu.wait_indirect_dma semaphore(%arg11 : memref<!tpu.dma_semaphore, #tpu.memory_space<semaphore_mem>>) src(%dma_wait3A_656 : memref<100352x8xf32, #tpu.memory_space<vmem_shared>>) dst(%dma_wait3A_650 : memref<128x8xf32, #tpu.memory_space<vmem>>)
          %dma_wait3A_657 = arith.constant 3 : i32
          %dma_wait3A_658 = arith.constant 384 : i32
          %dma_wait3A_659 = arith.constant 0 : i32
          %dma_wait3A_660 = tpu.memref_slice %arg8[%sub3A_351, %dma_wait3A_658, %dma_wait3A_659] : memref<2x1024x8xf32, #tpu.memory_space<vmem>> -> memref<1x128x8xf32, #tpu.memory_space<vmem>>
          %dma_wait3A_661 = tpu.memref_squeeze %dma_wait3A_660 : memref<1x128x8xf32, #tpu.memory_space<vmem>> -> memref<128x8xf32, #tpu.memory_space<vmem>>
          %dma_wait3A_662 = arith.constant 0 : i32
          %dma_wait3A_663 = tpu.memref_slice %arg6[%sub3A_351, %dma_wait3A_657, %dma_wait3A_662] : memref<2x8x128xi32, #tpu.memory_space<vmem>> -> memref<1x1x128xi32, #tpu.memory_space<vmem>>
          %dma_wait3A_664 = tpu.memref_squeeze %dma_wait3A_663 : memref<1x1x128xi32, #tpu.memory_space<vmem>> -> memref<128xi32, #tpu.memory_space<vmem>>
          %dma_wait3A_665 = arith.constant 0 : i32
          %dma_wait3A_666 = arith.constant 0 : i32
          %dma_wait3A_667 = tpu.memref_slice %arg9[%dma_wait3A_665, %dma_wait3A_666] : memref<100352x8xf32, #tpu.memory_space<vmem_shared>> -> memref<100352x8xf32, #tpu.memory_space<vmem_shared>>
          tpu.wait_indirect_dma semaphore(%arg11 : memref<!tpu.dma_semaphore, #tpu.memory_space<semaphore_mem>>) src(%dma_wait3A_667 : memref<100352x8xf32, #tpu.memory_space<vmem_shared>>) dst(%dma_wait3A_661 : memref<128x8xf32, #tpu.memory_space<vmem>>)
          %dma_wait3A_668 = arith.constant 4 : i32
          %dma_wait3A_669 = arith.constant 512 : i32
          %dma_wait3A_670 = arith.constant 0 : i32
          %dma_wait3A_671 = tpu.memref_slice %arg8[%sub3A_351, %dma_wait3A_669, %dma_wait3A_670] : memref<2x1024x8xf32, #tpu.memory_space<vmem>> -> memref<1x128x8xf32, #tpu.memory_space<vmem>>
          %dma_wait3A_672 = tpu.memref_squeeze %dma_wait3A_671 : memref<1x128x8xf32, #tpu.memory_space<vmem>> -> memref<128x8xf32, #tpu.memory_space<vmem>>
          %dma_wait3A_673 = arith.constant 0 : i32
          %dma_wait3A_674 = tpu.memref_slice %arg6[%sub3A_351, %dma_wait3A_668, %dma_wait3A_673] : memref<2x8x128xi32, #tpu.memory_space<vmem>> -> memref<1x1x128xi32, #tpu.memory_space<vmem>>
          %dma_wait3A_675 = tpu.memref_squeeze %dma_wait3A_674 : memref<1x1x128xi32, #tpu.memory_space<vmem>> -> memref<128xi32, #tpu.memory_space<vmem>>
          %dma_wait3A_676 = arith.constant 0 : i32
          %dma_wait3A_677 = arith.constant 0 : i32
          %dma_wait3A_678 = tpu.memref_slice %arg9[%dma_wait3A_676, %dma_wait3A_677] : memref<100352x8xf32, #tpu.memory_space<vmem_shared>> -> memref<100352x8xf32, #tpu.memory_space<vmem_shared>>
          tpu.wait_indirect_dma semaphore(%arg11 : memref<!tpu.dma_semaphore, #tpu.memory_space<semaphore_mem>>) src(%dma_wait3A_678 : memref<100352x8xf32, #tpu.memory_space<vmem_shared>>) dst(%dma_wait3A_672 : memref<128x8xf32, #tpu.memory_space<vmem>>)
          %dma_wait3A_679 = arith.constant 5 : i32
          %dma_wait3A_680 = arith.constant 640 : i32
          %dma_wait3A_681 = arith.constant 0 : i32
          %dma_wait3A_682 = tpu.memref_slice %arg8[%sub3A_351, %dma_wait3A_680, %dma_wait3A_681] : memref<2x1024x8xf32, #tpu.memory_space<vmem>> -> memref<1x128x8xf32, #tpu.memory_space<vmem>>
          %dma_wait3A_683 = tpu.memref_squeeze %dma_wait3A_682 : memref<1x128x8xf32, #tpu.memory_space<vmem>> -> memref<128x8xf32, #tpu.memory_space<vmem>>
          %dma_wait3A_684 = arith.constant 0 : i32
          %dma_wait3A_685 = tpu.memref_slice %arg6[%sub3A_351, %dma_wait3A_679, %dma_wait3A_684] : memref<2x8x128xi32, #tpu.memory_space<vmem>> -> memref<1x1x128xi32, #tpu.memory_space<vmem>>
          %dma_wait3A_686 = tpu.memref_squeeze %dma_wait3A_685 : memref<1x1x128xi32, #tpu.memory_space<vmem>> -> memref<128xi32, #tpu.memory_space<vmem>>
          %dma_wait3A_687 = arith.constant 0 : i32
          %dma_wait3A_688 = arith.constant 0 : i32
          %dma_wait3A_689 = tpu.memref_slice %arg9[%dma_wait3A_687, %dma_wait3A_688] : memref<100352x8xf32, #tpu.memory_space<vmem_shared>> -> memref<100352x8xf32, #tpu.memory_space<vmem_shared>>
          tpu.wait_indirect_dma semaphore(%arg11 : memref<!tpu.dma_semaphore, #tpu.memory_space<semaphore_mem>>) src(%dma_wait3A_689 : memref<100352x8xf32, #tpu.memory_space<vmem_shared>>) dst(%dma_wait3A_683 : memref<128x8xf32, #tpu.memory_space<vmem>>)
          %dma_wait3A_690 = arith.constant 6 : i32
          %dma_wait3A_691 = arith.constant 768 : i32
          %dma_wait3A_692 = arith.constant 0 : i32
          %dma_wait3A_693 = tpu.memref_slice %arg8[%sub3A_351, %dma_wait3A_691, %dma_wait3A_692] : memref<2x1024x8xf32, #tpu.memory_space<vmem>> -> memref<1x128x8xf32, #tpu.memory_space<vmem>>
          %dma_wait3A_694 = tpu.memref_squeeze %dma_wait3A_693 : memref<1x128x8xf32, #tpu.memory_space<vmem>> -> memref<128x8xf32, #tpu.memory_space<vmem>>
          %dma_wait3A_695 = arith.constant 0 : i32
          %dma_wait3A_696 = tpu.memref_slice %arg6[%sub3A_351, %dma_wait3A_690, %dma_wait3A_695] : memref<2x8x128xi32, #tpu.memory_space<vmem>> -> memref<1x1x128xi32, #tpu.memory_space<vmem>>
          %dma_wait3A_697 = tpu.memref_squeeze %dma_wait3A_696 : memref<1x1x128xi32, #tpu.memory_space<vmem>> -> memref<128xi32, #tpu.memory_space<vmem>>
          %dma_wait3A_698 = arith.constant 0 : i32
          %dma_wait3A_699 = arith.constant 0 : i32
          %dma_wait3A_700 = tpu.memref_slice %arg9[%dma_wait3A_698, %dma_wait3A_699] : memref<100352x8xf32, #tpu.memory_space<vmem_shared>> -> memref<100352x8xf32, #tpu.memory_space<vmem_shared>>
          tpu.wait_indirect_dma semaphore(%arg11 : memref<!tpu.dma_semaphore, #tpu.memory_space<semaphore_mem>>) src(%dma_wait3A_700 : memref<100352x8xf32, #tpu.memory_space<vmem_shared>>) dst(%dma_wait3A_694 : memref<128x8xf32, #tpu.memory_space<vmem>>)
          %dma_wait3A_701 = arith.constant 7 : i32
          %dma_wait3A_702 = arith.constant 896 : i32
          %dma_wait3A_703 = arith.constant 0 : i32
          %dma_wait3A_704 = tpu.memref_slice %arg8[%sub3A_351, %dma_wait3A_702, %dma_wait3A_703] : memref<2x1024x8xf32, #tpu.memory_space<vmem>> -> memref<1x128x8xf32, #tpu.memory_space<vmem>>
          %dma_wait3A_705 = tpu.memref_squeeze %dma_wait3A_704 : memref<1x128x8xf32, #tpu.memory_space<vmem>> -> memref<128x8xf32, #tpu.memory_space<vmem>>
          %dma_wait3A_706 = arith.constant 0 : i32
          %dma_wait3A_707 = tpu.memref_slice %arg6[%sub3A_351, %dma_wait3A_701, %dma_wait3A_706] : memref<2x8x128xi32, #tpu.memory_space<vmem>> -> memref<1x1x128xi32, #tpu.memory_space<vmem>>
          %dma_wait3A_708 = tpu.memref_squeeze %dma_wait3A_707 : memref<1x1x128xi32, #tpu.memory_space<vmem>> -> memref<128xi32, #tpu.memory_space<vmem>>
          %dma_wait3A_709 = arith.constant 0 : i32
          %dma_wait3A_710 = arith.constant 0 : i32
          %dma_wait3A_711 = tpu.memref_slice %arg9[%dma_wait3A_709, %dma_wait3A_710] : memref<100352x8xf32, #tpu.memory_space<vmem_shared>> -> memref<100352x8xf32, #tpu.memory_space<vmem_shared>>
          tpu.wait_indirect_dma semaphore(%arg11 : memref<!tpu.dma_semaphore, #tpu.memory_space<semaphore_mem>>) src(%dma_wait3A_711 : memref<100352x8xf32, #tpu.memory_space<vmem_shared>>) dst(%dma_wait3A_705 : memref<128x8xf32, #tpu.memory_space<vmem>>)
        } else {
        }
        %dma_wait3A_448 = arith.constant 0 : i32
        %dma_wait3A_449 = arith.constant 0 : i32
        %dma_wait3A_450 = arith.constant 0 : i32
        %dma_wait3A_451 = tpu.memref_slice %arg8[%rem3A_349, %dma_wait3A_449, %dma_wait3A_450] : memref<2x1024x8xf32, #tpu.memory_space<vmem>> -> memref<1x128x8xf32, #tpu.memory_space<vmem>>
        %dma_wait3A_452 = tpu.memref_squeeze %dma_wait3A_451 : memref<1x128x8xf32, #tpu.memory_space<vmem>> -> memref<128x8xf32, #tpu.memory_space<vmem>>
        %dma_wait3A_453 = arith.constant 0 : i32
        %dma_wait3A_454 = tpu.memref_slice %arg7[%rem3A_349, %dma_wait3A_448, %dma_wait3A_453] : memref<2x8x128xi32, #tpu.memory_space<vmem>> -> memref<1x1x128xi32, #tpu.memory_space<vmem>>
        %dma_wait3A_455 = tpu.memref_squeeze %dma_wait3A_454 : memref<1x1x128xi32, #tpu.memory_space<vmem>> -> memref<128xi32, #tpu.memory_space<vmem>>
        %dma_wait3A_456 = arith.constant 0 : i32
        %dma_wait3A_457 = arith.constant 0 : i32
        %dma_wait3A_458 = tpu.memref_slice %arg10[%dma_wait3A_456, %dma_wait3A_457] : memref<100352x8xf32, #tpu.memory_space<vmem_shared>> -> memref<100352x8xf32, #tpu.memory_space<vmem_shared>>
        tpu.wait_indirect_dma semaphore(%arg12 : memref<!tpu.dma_semaphore, #tpu.memory_space<semaphore_mem>>) src(%dma_wait3A_452 : memref<128x8xf32, #tpu.memory_space<vmem>>) dst(%dma_wait3A_458 : memref<100352x8xf32, #tpu.memory_space<vmem_shared>>)
        %dma_wait3A_459 = arith.constant 1 : i32
        %dma_wait3A_460 = arith.constant 128 : i32
        %dma_wait3A_461 = arith.constant 0 : i32
        %dma_wait3A_462 = tpu.memref_slice %arg8[%rem3A_349, %dma_wait3A_460, %dma_wait3A_461] : memref<2x1024x8xf32, #tpu.memory_space<vmem>> -> memref<1x128x8xf32, #tpu.memory_space<vmem>>
        %dma_wait3A_463 = tpu.memref_squeeze %dma_wait3A_462 : memref<1x128x8xf32, #tpu.memory_space<vmem>> -> memref<128x8xf32, #tpu.memory_space<vmem>>
        %dma_wait3A_464 = arith.constant 0 : i32
        %dma_wait3A_465 = tpu.memref_slice %arg7[%rem3A_349, %dma_wait3A_459, %dma_wait3A_464] : memref<2x8x128xi32, #tpu.memory_space<vmem>> -> memref<1x1x128xi32, #tpu.memory_space<vmem>>
        %dma_wait3A_466 = tpu.memref_squeeze %dma_wait3A_465 : memref<1x1x128xi32, #tpu.memory_space<vmem>> -> memref<128xi32, #tpu.memory_space<vmem>>
        %dma_wait3A_467 = arith.constant 0 : i32
        %dma_wait3A_468 = arith.constant 0 : i32
        %dma_wait3A_469 = tpu.memref_slice %arg10[%dma_wait3A_467, %dma_wait3A_468] : memref<100352x8xf32, #tpu.memory_space<vmem_shared>> -> memref<100352x8xf32, #tpu.memory_space<vmem_shared>>
        tpu.wait_indirect_dma semaphore(%arg12 : memref<!tpu.dma_semaphore, #tpu.memory_space<semaphore_mem>>) src(%dma_wait3A_463 : memref<128x8xf32, #tpu.memory_space<vmem>>) dst(%dma_wait3A_469 : memref<100352x8xf32, #tpu.memory_space<vmem_shared>>)
        %dma_wait3A_470 = arith.constant 2 : i32
        %dma_wait3A_471 = arith.constant 256 : i32
        %dma_wait3A_472 = arith.constant 0 : i32
        %dma_wait3A_473 = tpu.memref_slice %arg8[%rem3A_349, %dma_wait3A_471, %dma_wait3A_472] : memref<2x1024x8xf32, #tpu.memory_space<vmem>> -> memref<1x128x8xf32, #tpu.memory_space<vmem>>
        %dma_wait3A_474 = tpu.memref_squeeze %dma_wait3A_473 : memref<1x128x8xf32, #tpu.memory_space<vmem>> -> memref<128x8xf32, #tpu.memory_space<vmem>>
        %dma_wait3A_475 = arith.constant 0 : i32
        %dma_wait3A_476 = tpu.memref_slice %arg7[%rem3A_349, %dma_wait3A_470, %dma_wait3A_475] : memref<2x8x128xi32, #tpu.memory_space<vmem>> -> memref<1x1x128xi32, #tpu.memory_space<vmem>>
        %dma_wait3A_477 = tpu.memref_squeeze %dma_wait3A_476 : memref<1x1x128xi32, #tpu.memory_space<vmem>> -> memref<128xi32, #tpu.memory_space<vmem>>
        %dma_wait3A_478 = arith.constant 0 : i32
        %dma_wait3A_479 = arith.constant 0 : i32
        %dma_wait3A_480 = tpu.memref_slice %arg10[%dma_wait3A_478, %dma_wait3A_479] : memref<100352x8xf32, #tpu.memory_space<vmem_shared>> -> memref<100352x8xf32, #tpu.memory_space<vmem_shared>>
        tpu.wait_indirect_dma semaphore(%arg12 : memref<!tpu.dma_semaphore, #tpu.memory_space<semaphore_mem>>) src(%dma_wait3A_474 : memref<128x8xf32, #tpu.memory_space<vmem>>) dst(%dma_wait3A_480 : memref<100352x8xf32, #tpu.memory_space<vmem_shared>>)
        %dma_wait3A_481 = arith.constant 3 : i32
        %dma_wait3A_482 = arith.constant 384 : i32
        %dma_wait3A_483 = arith.constant 0 : i32
        %dma_wait3A_484 = tpu.memref_slice %arg8[%rem3A_349, %dma_wait3A_482, %dma_wait3A_483] : memref<2x1024x8xf32, #tpu.memory_space<vmem>> -> memref<1x128x8xf32, #tpu.memory_space<vmem>>
        %dma_wait3A_485 = tpu.memref_squeeze %dma_wait3A_484 : memref<1x128x8xf32, #tpu.memory_space<vmem>> -> memref<128x8xf32, #tpu.memory_space<vmem>>
        %dma_wait3A_486 = arith.constant 0 : i32
        %dma_wait3A_487 = tpu.memref_slice %arg7[%rem3A_349, %dma_wait3A_481, %dma_wait3A_486] : memref<2x8x128xi32, #tpu.memory_space<vmem>> -> memref<1x1x128xi32, #tpu.memory_space<vmem>>
        %dma_wait3A_488 = tpu.memref_squeeze %dma_wait3A_487 : memref<1x1x128xi32, #tpu.memory_space<vmem>> -> memref<128xi32, #tpu.memory_space<vmem>>
        %dma_wait3A_489 = arith.constant 0 : i32
        %dma_wait3A_490 = arith.constant 0 : i32
        %dma_wait3A_491 = tpu.memref_slice %arg10[%dma_wait3A_489, %dma_wait3A_490] : memref<100352x8xf32, #tpu.memory_space<vmem_shared>> -> memref<100352x8xf32, #tpu.memory_space<vmem_shared>>
        tpu.wait_indirect_dma semaphore(%arg12 : memref<!tpu.dma_semaphore, #tpu.memory_space<semaphore_mem>>) src(%dma_wait3A_485 : memref<128x8xf32, #tpu.memory_space<vmem>>) dst(%dma_wait3A_491 : memref<100352x8xf32, #tpu.memory_space<vmem_shared>>)
        %dma_wait3A_492 = arith.constant 4 : i32
        %dma_wait3A_493 = arith.constant 512 : i32
        %dma_wait3A_494 = arith.constant 0 : i32
        %dma_wait3A_495 = tpu.memref_slice %arg8[%rem3A_349, %dma_wait3A_493, %dma_wait3A_494] : memref<2x1024x8xf32, #tpu.memory_space<vmem>> -> memref<1x128x8xf32, #tpu.memory_space<vmem>>
        %dma_wait3A_496 = tpu.memref_squeeze %dma_wait3A_495 : memref<1x128x8xf32, #tpu.memory_space<vmem>> -> memref<128x8xf32, #tpu.memory_space<vmem>>
        %dma_wait3A_497 = arith.constant 0 : i32
        %dma_wait3A_498 = tpu.memref_slice %arg7[%rem3A_349, %dma_wait3A_492, %dma_wait3A_497] : memref<2x8x128xi32, #tpu.memory_space<vmem>> -> memref<1x1x128xi32, #tpu.memory_space<vmem>>
        %dma_wait3A_499 = tpu.memref_squeeze %dma_wait3A_498 : memref<1x1x128xi32, #tpu.memory_space<vmem>> -> memref<128xi32, #tpu.memory_space<vmem>>
        %dma_wait3A_500 = arith.constant 0 : i32
        %dma_wait3A_501 = arith.constant 0 : i32
        %dma_wait3A_502 = tpu.memref_slice %arg10[%dma_wait3A_500, %dma_wait3A_501] : memref<100352x8xf32, #tpu.memory_space<vmem_shared>> -> memref<100352x8xf32, #tpu.memory_space<vmem_shared>>
        tpu.wait_indirect_dma semaphore(%arg12 : memref<!tpu.dma_semaphore, #tpu.memory_space<semaphore_mem>>) src(%dma_wait3A_496 : memref<128x8xf32, #tpu.memory_space<vmem>>) dst(%dma_wait3A_502 : memref<100352x8xf32, #tpu.memory_space<vmem_shared>>)
        %dma_wait3A_503 = arith.constant 5 : i32
        %dma_wait3A_504 = arith.constant 640 : i32
        %dma_wait3A_505 = arith.constant 0 : i32
        %dma_wait3A_506 = tpu.memref_slice %arg8[%rem3A_349, %dma_wait3A_504, %dma_wait3A_505] : memref<2x1024x8xf32, #tpu.memory_space<vmem>> -> memref<1x128x8xf32, #tpu.memory_space<vmem>>
        %dma_wait3A_507 = tpu.memref_squeeze %dma_wait3A_506 : memref<1x128x8xf32, #tpu.memory_space<vmem>> -> memref<128x8xf32, #tpu.memory_space<vmem>>
        %dma_wait3A_508 = arith.constant 0 : i32
        %dma_wait3A_509 = tpu.memref_slice %arg7[%rem3A_349, %dma_wait3A_503, %dma_wait3A_508] : memref<2x8x128xi32, #tpu.memory_space<vmem>> -> memref<1x1x128xi32, #tpu.memory_space<vmem>>
        %dma_wait3A_510 = tpu.memref_squeeze %dma_wait3A_509 : memref<1x1x128xi32, #tpu.memory_space<vmem>> -> memref<128xi32, #tpu.memory_space<vmem>>
        %dma_wait3A_511 = arith.constant 0 : i32
        %dma_wait3A_512 = arith.constant 0 : i32
        %dma_wait3A_513 = tpu.memref_slice %arg10[%dma_wait3A_511, %dma_wait3A_512] : memref<100352x8xf32, #tpu.memory_space<vmem_shared>> -> memref<100352x8xf32, #tpu.memory_space<vmem_shared>>
        tpu.wait_indirect_dma semaphore(%arg12 : memref<!tpu.dma_semaphore, #tpu.memory_space<semaphore_mem>>) src(%dma_wait3A_507 : memref<128x8xf32, #tpu.memory_space<vmem>>) dst(%dma_wait3A_513 : memref<100352x8xf32, #tpu.memory_space<vmem_shared>>)
        %dma_wait3A_514 = arith.constant 6 : i32
        %dma_wait3A_515 = arith.constant 768 : i32
        %dma_wait3A_516 = arith.constant 0 : i32
        %dma_wait3A_517 = tpu.memref_slice %arg8[%rem3A_349, %dma_wait3A_515, %dma_wait3A_516] : memref<2x1024x8xf32, #tpu.memory_space<vmem>> -> memref<1x128x8xf32, #tpu.memory_space<vmem>>
        %dma_wait3A_518 = tpu.memref_squeeze %dma_wait3A_517 : memref<1x128x8xf32, #tpu.memory_space<vmem>> -> memref<128x8xf32, #tpu.memory_space<vmem>>
        %dma_wait3A_519 = arith.constant 0 : i32
        %dma_wait3A_520 = tpu.memref_slice %arg7[%rem3A_349, %dma_wait3A_514, %dma_wait3A_519] : memref<2x8x128xi32, #tpu.memory_space<vmem>> -> memref<1x1x128xi32, #tpu.memory_space<vmem>>
        %dma_wait3A_521 = tpu.memref_squeeze %dma_wait3A_520 : memref<1x1x128xi32, #tpu.memory_space<vmem>> -> memref<128xi32, #tpu.memory_space<vmem>>
        %dma_wait3A_522 = arith.constant 0 : i32
        %dma_wait3A_523 = arith.constant 0 : i32
        %dma_wait3A_524 = tpu.memref_slice %arg10[%dma_wait3A_522, %dma_wait3A_523] : memref<100352x8xf32, #tpu.memory_space<vmem_shared>> -> memref<100352x8xf32, #tpu.memory_space<vmem_shared>>
        tpu.wait_indirect_dma semaphore(%arg12 : memref<!tpu.dma_semaphore, #tpu.memory_space<semaphore_mem>>) src(%dma_wait3A_518 : memref<128x8xf32, #tpu.memory_space<vmem>>) dst(%dma_wait3A_524 : memref<100352x8xf32, #tpu.memory_space<vmem_shared>>)
        %dma_wait3A_525 = arith.constant 7 : i32
        %dma_wait3A_526 = arith.constant 896 : i32
        %dma_wait3A_527 = arith.constant 0 : i32
        %dma_wait3A_528 = tpu.memref_slice %arg8[%rem3A_349, %dma_wait3A_526, %dma_wait3A_527] : memref<2x1024x8xf32, #tpu.memory_space<vmem>> -> memref<1x128x8xf32, #tpu.memory_space<vmem>>
        %dma_wait3A_529 = tpu.memref_squeeze %dma_wait3A_528 : memref<1x128x8xf32, #tpu.memory_space<vmem>> -> memref<128x8xf32, #tpu.memory_space<vmem>>
        %dma_wait3A_530 = arith.constant 0 : i32
        %dma_wait3A_531 = tpu.memref_slice %arg7[%rem3A_349, %dma_wait3A_525, %dma_wait3A_530] : memref<2x8x128xi32, #tpu.memory_space<vmem>> -> memref<1x1x128xi32, #tpu.memory_space<vmem>>
        %dma_wait3A_532 = tpu.memref_squeeze %dma_wait3A_531 : memref<1x1x128xi32, #tpu.memory_space<vmem>> -> memref<128xi32, #tpu.memory_space<vmem>>
        %dma_wait3A_533 = arith.constant 0 : i32
        %dma_wait3A_534 = arith.constant 0 : i32
        %dma_wait3A_535 = tpu.memref_slice %arg10[%dma_wait3A_533, %dma_wait3A_534] : memref<100352x8xf32, #tpu.memory_space<vmem_shared>> -> memref<100352x8xf32, #tpu.memory_space<vmem_shared>>
        tpu.wait_indirect_dma semaphore(%arg12 : memref<!tpu.dma_semaphore, #tpu.memory_space<semaphore_mem>>) src(%dma_wait3A_529 : memref<128x8xf32, #tpu.memory_space<vmem>>) dst(%dma_wait3A_535 : memref<100352x8xf32, #tpu.memory_space<vmem_shared>>)
      }
      %while3A_346 = arith.constant 1 : i32
      scf.for %while3A_347 = %while3A_344 to %while3A_340 step %while3A_346  : i32 {
        %rem3A_348 = arith.constant 2 : i32
        %rem3A_349 = arith.remsi %while3A_347, %rem3A_348 : i32
        %sub3A_350 = arith.constant 1 : i32
        %sub3A_351 = arith.subi %sub3A_350, %rem3A_349 : i32
        %add3A_352 = arith.constant 1 : i32
        %add3A_353 = arith.addi %while3A_347, %add3A_352 : i32
        %lt3A = arith.cmpi slt, %add3A_353, %select_n3A_103 : i32
        %convert_element_type3A_354 = arith.extui %lt3A : i1 to i32
        %cond3A_355 = arith.constant 0 : i32
        %cond3A_356 = arith.cmpi ne, %convert_element_type3A_354, %cond3A_355 : i32
        scf.if %cond3A_356 {
          %add3A_536 = arith.constant 1 : i32
          %add3A_537 = arith.addi %while3A_347, %add3A_536 : i32
          %mul3A_538 = arith.constant 8 : i32
          %mul3A_539 = arith.muli %mul3A_538, %add3A_537 : i32
          %add3A_540 = arith.addi %select_n3A, %mul3A_539 : i32
          %run_scoped3A_541 = arith.constant 0 : i32
          "tpu.region"() ({
            %run_scoped3A_546 = tpu.sem_alloc : memref<!tpu.dma_semaphore, #tpu.memory_space<semaphore_mem>>
            %dma_start3A_547 = arith.constant 0 : i32
            %dma_start3A_548 = arith.constant 0 : i32
            %dma_start3A_549 = tpu.memref_slice %arg6[%sub3A_351, %dma_start3A_547, %dma_start3A_548] : memref<2x8x128xi32, #tpu.memory_space<vmem>> -> memref<1x8x128xi32, #tpu.memory_space<vmem>>
            %dma_start3A_550 = tpu.memref_squeeze %dma_start3A_549 : memref<1x8x128xi32, #tpu.memory_space<vmem>> -> memref<8x128xi32, #tpu.memory_space<vmem>>
            %dma_start3A_551 = arith.constant 0 : i32
            %dma_start3A_552 = tpu.memref_slice %arg2[%run_scoped3A_541, %add3A_540, %dma_start3A_551] : memref<2x12500x128xi32, #tpu.memory_space<hbm>> -> memref<1x8x128xi32, #tpu.memory_space<hbm>>
            %dma_start3A_553 = tpu.memref_squeeze %dma_start3A_552 : memref<1x8x128xi32, #tpu.memory_space<hbm>> -> memref<8x128xi32, #tpu.memory_space<hbm>>
            %dma_start3A_554 = arith.constant 0 : i32
            %dma_start3A_555 = arith.constant 0 : i32
            %dma_start3A_556 = tpu.memref_slice %arg6[%sub3A_351, %dma_start3A_554, %dma_start3A_555] : memref<2x8x128xi32, #tpu.memory_space<vmem>> -> memref<1x8x128xi32, #tpu.memory_space<vmem>>
            %dma_start3A_557 = tpu.memref_squeeze %dma_start3A_556 : memref<1x8x128xi32, #tpu.memory_space<vmem>> -> memref<8x128xi32, #tpu.memory_space<vmem>>
            %dma_start3A_558 = arith.constant 0 : i32
            %dma_start3A_559 = tpu.memref_slice %arg2[%run_scoped3A_541, %add3A_540, %dma_start3A_558] : memref<2x12500x128xi32, #tpu.memory_space<hbm>> -> memref<1x8x128xi32, #tpu.memory_space<hbm>>
            %dma_start3A_560 = tpu.memref_squeeze %dma_start3A_559 : memref<1x8x128xi32, #tpu.memory_space<hbm>> -> memref<8x128xi32, #tpu.memory_space<hbm>>
            tpu.enqueue_dma source(%dma_start3A_560 : memref<8x128xi32, #tpu.memory_space<hbm>>) target(%dma_start3A_557 : memref<8x128xi32, #tpu.memory_space<vmem>>) target_semaphore(%run_scoped3A_546 : memref<!tpu.dma_semaphore, #tpu.memory_space<semaphore_mem>>)
            %dma_wait3A_561 = arith.constant 0 : i32
            %dma_wait3A_562 = arith.constant 0 : i32
            %dma_wait3A_563 = tpu.memref_slice %arg6[%sub3A_351, %dma_wait3A_561, %dma_wait3A_562] : memref<2x8x128xi32, #tpu.memory_space<vmem>> -> memref<1x8x128xi32, #tpu.memory_space<vmem>>
            %dma_wait3A_564 = tpu.memref_squeeze %dma_wait3A_563 : memref<1x8x128xi32, #tpu.memory_space<vmem>> -> memref<8x128xi32, #tpu.memory_space<vmem>>
            %dma_wait3A_565 = arith.constant 0 : i32
            %dma_wait3A_566 = tpu.memref_slice %arg2[%run_scoped3A_541, %add3A_540, %dma_wait3A_565] : memref<2x12500x128xi32, #tpu.memory_space<hbm>> -> memref<1x8x128xi32, #tpu.memory_space<hbm>>
            %dma_wait3A_567 = tpu.memref_squeeze %dma_wait3A_566 : memref<1x8x128xi32, #tpu.memory_space<hbm>> -> memref<8x128xi32, #tpu.memory_space<hbm>>
            %dma_wait3A_568 = arith.constant 0 : i32
            %dma_wait3A_569 = arith.constant 0 : i32
            %dma_wait3A_570 = tpu.memref_slice %arg6[%sub3A_351, %dma_wait3A_568, %dma_wait3A_569] : memref<2x8x128xi32, #tpu.memory_space<vmem>> -> memref<1x8x128xi32, #tpu.memory_space<vmem>>
            %dma_wait3A_571 = tpu.memref_squeeze %dma_wait3A_570 : memref<1x8x128xi32, #tpu.memory_space<vmem>> -> memref<8x128xi32, #tpu.memory_space<vmem>>
            %dma_wait3A_572 = arith.constant 0 : i32
            %dma_wait3A_573 = tpu.memref_slice %arg2[%run_scoped3A_541, %add3A_540, %dma_wait3A_572] : memref<2x12500x128xi32, #tpu.memory_space<hbm>> -> memref<1x8x128xi32, #tpu.memory_space<hbm>>
            %dma_wait3A_574 = tpu.memref_squeeze %dma_wait3A_573 : memref<1x8x128xi32, #tpu.memory_space<hbm>> -> memref<8x128xi32, #tpu.memory_space<hbm>>
            tpu.wait_dma2 semaphore(%run_scoped3A_546 : memref<!tpu.dma_semaphore, #tpu.memory_space<semaphore_mem>>) src(%dma_wait3A_574 : memref<8x128xi32, #tpu.memory_space<hbm>>) dst(%dma_wait3A_571 : memref<8x128xi32, #tpu.memory_space<vmem>>)
            tpu.yield
          }) : () -> ()
          %mul3A_542 = arith.constant 8 : i32
          %mul3A_543 = arith.muli %mul3A_542, %add3A_537 : i32
          %add3A_544 = arith.addi %select_n3A, %mul3A_543 : i32
          %run_scoped3A_545 = arith.constant 1 : i32
          "tpu.region"() ({
            %run_scoped3A_546 = tpu.sem_alloc : memref<!tpu.dma_semaphore, #tpu.memory_space<semaphore_mem>>
            %dma_start3A_547 = arith.constant 0 : i32
            %dma_start3A_548 = arith.constant 0 : i32
            %dma_start3A_549 = tpu.memref_slice %arg7[%sub3A_351, %dma_start3A_547, %dma_start3A_548] : memref<2x8x128xi32, #tpu.memory_space<vmem>> -> memref<1x8x128xi32, #tpu.memory_space<vmem>>
            %dma_start3A_550 = tpu.memref_squeeze %dma_start3A_549 : memref<1x8x128xi32, #tpu.memory_space<vmem>> -> memref<8x128xi32, #tpu.memory_space<vmem>>
            %dma_start3A_551 = arith.constant 0 : i32
            %dma_start3A_552 = tpu.memref_slice %arg2[%run_scoped3A_545, %add3A_544, %dma_start3A_551] : memref<2x12500x128xi32, #tpu.memory_space<hbm>> -> memref<1x8x128xi32, #tpu.memory_space<hbm>>
            %dma_start3A_553 = tpu.memref_squeeze %dma_start3A_552 : memref<1x8x128xi32, #tpu.memory_space<hbm>> -> memref<8x128xi32, #tpu.memory_space<hbm>>
            %dma_start3A_554 = arith.constant 0 : i32
            %dma_start3A_555 = arith.constant 0 : i32
            %dma_start3A_556 = tpu.memref_slice %arg7[%sub3A_351, %dma_start3A_554, %dma_start3A_555] : memref<2x8x128xi32, #tpu.memory_space<vmem>> -> memref<1x8x128xi32, #tpu.memory_space<vmem>>
            %dma_start3A_557 = tpu.memref_squeeze %dma_start3A_556 : memref<1x8x128xi32, #tpu.memory_space<vmem>> -> memref<8x128xi32, #tpu.memory_space<vmem>>
            %dma_start3A_558 = arith.constant 0 : i32
            %dma_start3A_559 = tpu.memref_slice %arg2[%run_scoped3A_545, %add3A_544, %dma_start3A_558] : memref<2x12500x128xi32, #tpu.memory_space<hbm>> -> memref<1x8x128xi32, #tpu.memory_space<hbm>>
            %dma_start3A_560 = tpu.memref_squeeze %dma_start3A_559 : memref<1x8x128xi32, #tpu.memory_space<hbm>> -> memref<8x128xi32, #tpu.memory_space<hbm>>
            tpu.enqueue_dma source(%dma_start3A_560 : memref<8x128xi32, #tpu.memory_space<hbm>>) target(%dma_start3A_557 : memref<8x128xi32, #tpu.memory_space<vmem>>) target_semaphore(%run_scoped3A_546 : memref<!tpu.dma_semaphore, #tpu.memory_space<semaphore_mem>>)
            %dma_wait3A_561 = arith.constant 0 : i32
            %dma_wait3A_562 = arith.constant 0 : i32
            %dma_wait3A_563 = tpu.memref_slice %arg7[%sub3A_351, %dma_wait3A_561, %dma_wait3A_562] : memref<2x8x128xi32, #tpu.memory_space<vmem>> -> memref<1x8x128xi32, #tpu.memory_space<vmem>>
            %dma_wait3A_564 = tpu.memref_squeeze %dma_wait3A_563 : memref<1x8x128xi32, #tpu.memory_space<vmem>> -> memref<8x128xi32, #tpu.memory_space<vmem>>
            %dma_wait3A_565 = arith.constant 0 : i32
            %dma_wait3A_566 = tpu.memref_slice %arg2[%run_scoped3A_545, %add3A_544, %dma_wait3A_565] : memref<2x12500x128xi32, #tpu.memory_space<hbm>> -> memref<1x8x128xi32, #tpu.memory_space<hbm>>
            %dma_wait3A_567 = tpu.memref_squeeze %dma_wait3A_566 : memref<1x8x128xi32, #tpu.memory_space<hbm>> -> memref<8x128xi32, #tpu.memory_space<hbm>>
            %dma_wait3A_568 = arith.constant 0 : i32
            %dma_wait3A_569 = arith.constant 0 : i32
            %dma_wait3A_570 = tpu.memref_slice %arg7[%sub3A_351, %dma_wait3A_568, %dma_wait3A_569] : memref<2x8x128xi32, #tpu.memory_space<vmem>> -> memref<1x8x128xi32, #tpu.memory_space<vmem>>
            %dma_wait3A_571 = tpu.memref_squeeze %dma_wait3A_570 : memref<1x8x128xi32, #tpu.memory_space<vmem>> -> memref<8x128xi32, #tpu.memory_space<vmem>>
            %dma_wait3A_572 = arith.constant 0 : i32
            %dma_wait3A_573 = tpu.memref_slice %arg2[%run_scoped3A_545, %add3A_544, %dma_wait3A_572] : memref<2x12500x128xi32, #tpu.memory_space<hbm>> -> memref<1x8x128xi32, #tpu.memory_space<hbm>>
            %dma_wait3A_574 = tpu.memref_squeeze %dma_wait3A_573 : memref<1x8x128xi32, #tpu.memory_space<hbm>> -> memref<8x128xi32, #tpu.memory_space<hbm>>
            tpu.wait_dma2 semaphore(%run_scoped3A_546 : memref<!tpu.dma_semaphore, #tpu.memory_space<semaphore_mem>>) src(%dma_wait3A_574 : memref<8x128xi32, #tpu.memory_space<hbm>>) dst(%dma_wait3A_571 : memref<8x128xi32, #tpu.memory_space<vmem>>)
            tpu.yield
          }) : () -> ()
        } else {
        }
        %dma_start3A_357 = arith.constant 0 : i32
        %dma_start3A_358 = arith.constant 0 : i32
        %dma_start3A_359 = arith.constant 0 : i32
        %dma_start3A_360 = tpu.memref_slice %arg8[%rem3A_349, %dma_start3A_358, %dma_start3A_359] : memref<2x1024x8xf32, #tpu.memory_space<vmem>> -> memref<1x128x8xf32, #tpu.memory_space<vmem>>
        %dma_start3A_361 = tpu.memref_squeeze %dma_start3A_360 : memref<1x128x8xf32, #tpu.memory_space<vmem>> -> memref<128x8xf32, #tpu.memory_space<vmem>>
        %dma_start3A_362 = arith.constant 0 : i32
        %dma_start3A_363 = tpu.memref_slice %arg7[%rem3A_349, %dma_start3A_357, %dma_start3A_362] : memref<2x8x128xi32, #tpu.memory_space<vmem>> -> memref<1x1x128xi32, #tpu.memory_space<vmem>>
        %dma_start3A_364 = tpu.memref_squeeze %dma_start3A_363 : memref<1x1x128xi32, #tpu.memory_space<vmem>> -> memref<128xi32, #tpu.memory_space<vmem>>
        %dma_start3A_365 = arith.constant 0 : i32
        %dma_start3A_366 = arith.constant 0 : i32
        %dma_start3A_367 = tpu.memref_slice %arg10[%dma_start3A_365, %dma_start3A_366] : memref<100352x8xf32, #tpu.memory_space<vmem_shared>> -> memref<100352x8xf32, #tpu.memory_space<vmem_shared>>
        tpu.enqueue_indirect_dma source(%dma_start3A_361 : memref<128x8xf32, #tpu.memory_space<vmem>>) target(%dma_start3A_367 : memref<100352x8xf32, #tpu.memory_space<vmem_shared>>) offsets(%dma_start3A_364 : memref<128xi32, #tpu.memory_space<vmem>>) semaphore(%arg12 : memref<!tpu.dma_semaphore, #tpu.memory_space<semaphore_mem>>) {add = true}
        %dma_start3A_368 = arith.constant 1 : i32
        %dma_start3A_369 = arith.constant 128 : i32
        %dma_start3A_370 = arith.constant 0 : i32
        %dma_start3A_371 = tpu.memref_slice %arg8[%rem3A_349, %dma_start3A_369, %dma_start3A_370] : memref<2x1024x8xf32, #tpu.memory_space<vmem>> -> memref<1x128x8xf32, #tpu.memory_space<vmem>>
        %dma_start3A_372 = tpu.memref_squeeze %dma_start3A_371 : memref<1x128x8xf32, #tpu.memory_space<vmem>> -> memref<128x8xf32, #tpu.memory_space<vmem>>
        %dma_start3A_373 = arith.constant 0 : i32
        %dma_start3A_374 = tpu.memref_slice %arg7[%rem3A_349, %dma_start3A_368, %dma_start3A_373] : memref<2x8x128xi32, #tpu.memory_space<vmem>> -> memref<1x1x128xi32, #tpu.memory_space<vmem>>
        %dma_start3A_375 = tpu.memref_squeeze %dma_start3A_374 : memref<1x1x128xi32, #tpu.memory_space<vmem>> -> memref<128xi32, #tpu.memory_space<vmem>>
        %dma_start3A_376 = arith.constant 0 : i32
        %dma_start3A_377 = arith.constant 0 : i32
        %dma_start3A_378 = tpu.memref_slice %arg10[%dma_start3A_376, %dma_start3A_377] : memref<100352x8xf32, #tpu.memory_space<vmem_shared>> -> memref<100352x8xf32, #tpu.memory_space<vmem_shared>>
        tpu.enqueue_indirect_dma source(%dma_start3A_372 : memref<128x8xf32, #tpu.memory_space<vmem>>) target(%dma_start3A_378 : memref<100352x8xf32, #tpu.memory_space<vmem_shared>>) offsets(%dma_start3A_375 : memref<128xi32, #tpu.memory_space<vmem>>) semaphore(%arg12 : memref<!tpu.dma_semaphore, #tpu.memory_space<semaphore_mem>>) {add = true}
        %dma_start3A_379 = arith.constant 2 : i32
        %dma_start3A_380 = arith.constant 256 : i32
        %dma_start3A_381 = arith.constant 0 : i32
        %dma_start3A_382 = tpu.memref_slice %arg8[%rem3A_349, %dma_start3A_380, %dma_start3A_381] : memref<2x1024x8xf32, #tpu.memory_space<vmem>> -> memref<1x128x8xf32, #tpu.memory_space<vmem>>
        %dma_start3A_383 = tpu.memref_squeeze %dma_start3A_382 : memref<1x128x8xf32, #tpu.memory_space<vmem>> -> memref<128x8xf32, #tpu.memory_space<vmem>>
        %dma_start3A_384 = arith.constant 0 : i32
        %dma_start3A_385 = tpu.memref_slice %arg7[%rem3A_349, %dma_start3A_379, %dma_start3A_384] : memref<2x8x128xi32, #tpu.memory_space<vmem>> -> memref<1x1x128xi32, #tpu.memory_space<vmem>>
        %dma_start3A_386 = tpu.memref_squeeze %dma_start3A_385 : memref<1x1x128xi32, #tpu.memory_space<vmem>> -> memref<128xi32, #tpu.memory_space<vmem>>
        %dma_start3A_387 = arith.constant 0 : i32
        %dma_start3A_388 = arith.constant 0 : i32
        %dma_start3A_389 = tpu.memref_slice %arg10[%dma_start3A_387, %dma_start3A_388] : memref<100352x8xf32, #tpu.memory_space<vmem_shared>> -> memref<100352x8xf32, #tpu.memory_space<vmem_shared>>
        tpu.enqueue_indirect_dma source(%dma_start3A_383 : memref<128x8xf32, #tpu.memory_space<vmem>>) target(%dma_start3A_389 : memref<100352x8xf32, #tpu.memory_space<vmem_shared>>) offsets(%dma_start3A_386 : memref<128xi32, #tpu.memory_space<vmem>>) semaphore(%arg12 : memref<!tpu.dma_semaphore, #tpu.memory_space<semaphore_mem>>) {add = true}
        %dma_start3A_390 = arith.constant 3 : i32
        %dma_start3A_391 = arith.constant 384 : i32
        %dma_start3A_392 = arith.constant 0 : i32
        %dma_start3A_393 = tpu.memref_slice %arg8[%rem3A_349, %dma_start3A_391, %dma_start3A_392] : memref<2x1024x8xf32, #tpu.memory_space<vmem>> -> memref<1x128x8xf32, #tpu.memory_space<vmem>>
        %dma_start3A_394 = tpu.memref_squeeze %dma_start3A_393 : memref<1x128x8xf32, #tpu.memory_space<vmem>> -> memref<128x8xf32, #tpu.memory_space<vmem>>
        %dma_start3A_395 = arith.constant 0 : i32
        %dma_start3A_396 = tpu.memref_slice %arg7[%rem3A_349, %dma_start3A_390, %dma_start3A_395] : memref<2x8x128xi32, #tpu.memory_space<vmem>> -> memref<1x1x128xi32, #tpu.memory_space<vmem>>
        %dma_start3A_397 = tpu.memref_squeeze %dma_start3A_396 : memref<1x1x128xi32, #tpu.memory_space<vmem>> -> memref<128xi32, #tpu.memory_space<vmem>>
        %dma_start3A_398 = arith.constant 0 : i32
        %dma_start3A_399 = arith.constant 0 : i32
        %dma_start3A_400 = tpu.memref_slice %arg10[%dma_start3A_398, %dma_start3A_399] : memref<100352x8xf32, #tpu.memory_space<vmem_shared>> -> memref<100352x8xf32, #tpu.memory_space<vmem_shared>>
        tpu.enqueue_indirect_dma source(%dma_start3A_394 : memref<128x8xf32, #tpu.memory_space<vmem>>) target(%dma_start3A_400 : memref<100352x8xf32, #tpu.memory_space<vmem_shared>>) offsets(%dma_start3A_397 : memref<128xi32, #tpu.memory_space<vmem>>) semaphore(%arg12 : memref<!tpu.dma_semaphore, #tpu.memory_space<semaphore_mem>>) {add = true}
        %dma_start3A_401 = arith.constant 4 : i32
        %dma_start3A_402 = arith.constant 512 : i32
        %dma_start3A_403 = arith.constant 0 : i32
        %dma_start3A_404 = tpu.memref_slice %arg8[%rem3A_349, %dma_start3A_402, %dma_start3A_403] : memref<2x1024x8xf32, #tpu.memory_space<vmem>> -> memref<1x128x8xf32, #tpu.memory_space<vmem>>
        %dma_start3A_405 = tpu.memref_squeeze %dma_start3A_404 : memref<1x128x8xf32, #tpu.memory_space<vmem>> -> memref<128x8xf32, #tpu.memory_space<vmem>>
        %dma_start3A_406 = arith.constant 0 : i32
        %dma_start3A_407 = tpu.memref_slice %arg7[%rem3A_349, %dma_start3A_401, %dma_start3A_406] : memref<2x8x128xi32, #tpu.memory_space<vmem>> -> memref<1x1x128xi32, #tpu.memory_space<vmem>>
        %dma_start3A_408 = tpu.memref_squeeze %dma_start3A_407 : memref<1x1x128xi32, #tpu.memory_space<vmem>> -> memref<128xi32, #tpu.memory_space<vmem>>
        %dma_start3A_409 = arith.constant 0 : i32
        %dma_start3A_410 = arith.constant 0 : i32
        %dma_start3A_411 = tpu.memref_slice %arg10[%dma_start3A_409, %dma_start3A_410] : memref<100352x8xf32, #tpu.memory_space<vmem_shared>> -> memref<100352x8xf32, #tpu.memory_space<vmem_shared>>
        tpu.enqueue_indirect_dma source(%dma_start3A_405 : memref<128x8xf32, #tpu.memory_space<vmem>>) target(%dma_start3A_411 : memref<100352x8xf32, #tpu.memory_space<vmem_shared>>) offsets(%dma_start3A_408 : memref<128xi32, #tpu.memory_space<vmem>>) semaphore(%arg12 : memref<!tpu.dma_semaphore, #tpu.memory_space<semaphore_mem>>) {add = true}
        %dma_start3A_412 = arith.constant 5 : i32
        %dma_start3A_413 = arith.constant 640 : i32
        %dma_start3A_414 = arith.constant 0 : i32
        %dma_start3A_415 = tpu.memref_slice %arg8[%rem3A_349, %dma_start3A_413, %dma_start3A_414] : memref<2x1024x8xf32, #tpu.memory_space<vmem>> -> memref<1x128x8xf32, #tpu.memory_space<vmem>>
        %dma_start3A_416 = tpu.memref_squeeze %dma_start3A_415 : memref<1x128x8xf32, #tpu.memory_space<vmem>> -> memref<128x8xf32, #tpu.memory_space<vmem>>
        %dma_start3A_417 = arith.constant 0 : i32
        %dma_start3A_418 = tpu.memref_slice %arg7[%rem3A_349, %dma_start3A_412, %dma_start3A_417] : memref<2x8x128xi32, #tpu.memory_space<vmem>> -> memref<1x1x128xi32, #tpu.memory_space<vmem>>
        %dma_start3A_419 = tpu.memref_squeeze %dma_start3A_418 : memref<1x1x128xi32, #tpu.memory_space<vmem>> -> memref<128xi32, #tpu.memory_space<vmem>>
        %dma_start3A_420 = arith.constant 0 : i32
        %dma_start3A_421 = arith.constant 0 : i32
        %dma_start3A_422 = tpu.memref_slice %arg10[%dma_start3A_420, %dma_start3A_421] : memref<100352x8xf32, #tpu.memory_space<vmem_shared>> -> memref<100352x8xf32, #tpu.memory_space<vmem_shared>>
        tpu.enqueue_indirect_dma source(%dma_start3A_416 : memref<128x8xf32, #tpu.memory_space<vmem>>) target(%dma_start3A_422 : memref<100352x8xf32, #tpu.memory_space<vmem_shared>>) offsets(%dma_start3A_419 : memref<128xi32, #tpu.memory_space<vmem>>) semaphore(%arg12 : memref<!tpu.dma_semaphore, #tpu.memory_space<semaphore_mem>>) {add = true}
        %dma_start3A_423 = arith.constant 6 : i32
        %dma_start3A_424 = arith.constant 768 : i32
        %dma_start3A_425 = arith.constant 0 : i32
        %dma_start3A_426 = tpu.memref_slice %arg8[%rem3A_349, %dma_start3A_424, %dma_start3A_425] : memref<2x1024x8xf32, #tpu.memory_space<vmem>> -> memref<1x128x8xf32, #tpu.memory_space<vmem>>
        %dma_start3A_427 = tpu.memref_squeeze %dma_start3A_426 : memref<1x128x8xf32, #tpu.memory_space<vmem>> -> memref<128x8xf32, #tpu.memory_space<vmem>>
        %dma_start3A_428 = arith.constant 0 : i32
        %dma_start3A_429 = tpu.memref_slice %arg7[%rem3A_349, %dma_start3A_423, %dma_start3A_428] : memref<2x8x128xi32, #tpu.memory_space<vmem>> -> memref<1x1x128xi32, #tpu.memory_space<vmem>>
        %dma_start3A_430 = tpu.memref_squeeze %dma_start3A_429 : memref<1x1x128xi32, #tpu.memory_space<vmem>> -> memref<128xi32, #tpu.memory_space<vmem>>
        %dma_start3A_431 = arith.constant 0 : i32
        %dma_start3A_432 = arith.constant 0 : i32
        %dma_start3A_433 = tpu.memref_slice %arg10[%dma_start3A_431, %dma_start3A_432] : memref<100352x8xf32, #tpu.memory_space<vmem_shared>> -> memref<100352x8xf32, #tpu.memory_space<vmem_shared>>
        tpu.enqueue_indirect_dma source(%dma_start3A_427 : memref<128x8xf32, #tpu.memory_space<vmem>>) target(%dma_start3A_433 : memref<100352x8xf32, #tpu.memory_space<vmem_shared>>) offsets(%dma_start3A_430 : memref<128xi32, #tpu.memory_space<vmem>>) semaphore(%arg12 : memref<!tpu.dma_semaphore, #tpu.memory_space<semaphore_mem>>) {add = true}
        %dma_start3A_434 = arith.constant 7 : i32
        %dma_start3A_435 = arith.constant 896 : i32
        %dma_start3A_436 = arith.constant 0 : i32
        %dma_start3A_437 = tpu.memref_slice %arg8[%rem3A_349, %dma_start3A_435, %dma_start3A_436] : memref<2x1024x8xf32, #tpu.memory_space<vmem>> -> memref<1x128x8xf32, #tpu.memory_space<vmem>>
        %dma_start3A_438 = tpu.memref_squeeze %dma_start3A_437 : memref<1x128x8xf32, #tpu.memory_space<vmem>> -> memref<128x8xf32, #tpu.memory_space<vmem>>
        %dma_start3A_439 = arith.constant 0 : i32
        %dma_start3A_440 = tpu.memref_slice %arg7[%rem3A_349, %dma_start3A_434, %dma_start3A_439] : memref<2x8x128xi32, #tpu.memory_space<vmem>> -> memref<1x1x128xi32, #tpu.memory_space<vmem>>
        %dma_start3A_441 = tpu.memref_squeeze %dma_start3A_440 : memref<1x1x128xi32, #tpu.memory_space<vmem>> -> memref<128xi32, #tpu.memory_space<vmem>>
        %dma_start3A_442 = arith.constant 0 : i32
        %dma_start3A_443 = arith.constant 0 : i32
        %dma_start3A_444 = tpu.memref_slice %arg10[%dma_start3A_442, %dma_start3A_443] : memref<100352x8xf32, #tpu.memory_space<vmem_shared>> -> memref<100352x8xf32, #tpu.memory_space<vmem_shared>>
        tpu.enqueue_indirect_dma source(%dma_start3A_438 : memref<128x8xf32, #tpu.memory_space<vmem>>) target(%dma_start3A_444 : memref<100352x8xf32, #tpu.memory_space<vmem_shared>>) offsets(%dma_start3A_441 : memref<128xi32, #tpu.memory_space<vmem>>) semaphore(%arg12 : memref<!tpu.dma_semaphore, #tpu.memory_space<semaphore_mem>>) {add = true}
        %convert_element_type3A_445 = arith.extui %lt3A : i1 to i32
        %cond3A_446 = arith.constant 0 : i32
        %cond3A_447 = arith.cmpi ne, %convert_element_type3A_445, %cond3A_446 : i32
        scf.if %cond3A_447 {
          %dma_start3A_536 = arith.constant 0 : i32
          %dma_start3A_537 = arith.constant 0 : i32
          %dma_start3A_538 = arith.constant 0 : i32
          %dma_start3A_539 = tpu.memref_slice %arg8[%sub3A_351, %dma_start3A_537, %dma_start3A_538] : memref<2x1024x8xf32, #tpu.memory_space<vmem>> -> memref<1x128x8xf32, #tpu.memory_space<vmem>>
          %dma_start3A_540 = tpu.memref_squeeze %dma_start3A_539 : memref<1x128x8xf32, #tpu.memory_space<vmem>> -> memref<128x8xf32, #tpu.memory_space<vmem>>
          %dma_start3A_541 = arith.constant 0 : i32
          %dma_start3A_542 = tpu.memref_slice %arg6[%sub3A_351, %dma_start3A_536, %dma_start3A_541] : memref<2x8x128xi32, #tpu.memory_space<vmem>> -> memref<1x1x128xi32, #tpu.memory_space<vmem>>
          %dma_start3A_543 = tpu.memref_squeeze %dma_start3A_542 : memref<1x1x128xi32, #tpu.memory_space<vmem>> -> memref<128xi32, #tpu.memory_space<vmem>>
          %dma_start3A_544 = arith.constant 0 : i32
          %dma_start3A_545 = arith.constant 0 : i32
          %dma_start3A_546 = tpu.memref_slice %arg9[%dma_start3A_544, %dma_start3A_545] : memref<100352x8xf32, #tpu.memory_space<vmem_shared>> -> memref<100352x8xf32, #tpu.memory_space<vmem_shared>>
          tpu.enqueue_indirect_dma source(%dma_start3A_546 : memref<100352x8xf32, #tpu.memory_space<vmem_shared>>) target(%dma_start3A_540 : memref<128x8xf32, #tpu.memory_space<vmem>>) offsets(%dma_start3A_543 : memref<128xi32, #tpu.memory_space<vmem>>) semaphore(%arg11 : memref<!tpu.dma_semaphore, #tpu.memory_space<semaphore_mem>>)
          %dma_start3A_547 = arith.constant 1 : i32
          %dma_start3A_548 = arith.constant 128 : i32
          %dma_start3A_549 = arith.constant 0 : i32
          %dma_start3A_550 = tpu.memref_slice %arg8[%sub3A_351, %dma_start3A_548, %dma_start3A_549] : memref<2x1024x8xf32, #tpu.memory_space<vmem>> -> memref<1x128x8xf32, #tpu.memory_space<vmem>>
          %dma_start3A_551 = tpu.memref_squeeze %dma_start3A_550 : memref<1x128x8xf32, #tpu.memory_space<vmem>> -> memref<128x8xf32, #tpu.memory_space<vmem>>
          %dma_start3A_552 = arith.constant 0 : i32
          %dma_start3A_553 = tpu.memref_slice %arg6[%sub3A_351, %dma_start3A_547, %dma_start3A_552] : memref<2x8x128xi32, #tpu.memory_space<vmem>> -> memref<1x1x128xi32, #tpu.memory_space<vmem>>
          %dma_start3A_554 = tpu.memref_squeeze %dma_start3A_553 : memref<1x1x128xi32, #tpu.memory_space<vmem>> -> memref<128xi32, #tpu.memory_space<vmem>>
          %dma_start3A_555 = arith.constant 0 : i32
          %dma_start3A_556 = arith.constant 0 : i32
          %dma_start3A_557 = tpu.memref_slice %arg9[%dma_start3A_555, %dma_start3A_556] : memref<100352x8xf32, #tpu.memory_space<vmem_shared>> -> memref<100352x8xf32, #tpu.memory_space<vmem_shared>>
          tpu.enqueue_indirect_dma source(%dma_start3A_557 : memref<100352x8xf32, #tpu.memory_space<vmem_shared>>) target(%dma_start3A_551 : memref<128x8xf32, #tpu.memory_space<vmem>>) offsets(%dma_start3A_554 : memref<128xi32, #tpu.memory_space<vmem>>) semaphore(%arg11 : memref<!tpu.dma_semaphore, #tpu.memory_space<semaphore_mem>>)
          %dma_start3A_558 = arith.constant 2 : i32
          %dma_start3A_559 = arith.constant 256 : i32
          %dma_start3A_560 = arith.constant 0 : i32
          %dma_start3A_561 = tpu.memref_slice %arg8[%sub3A_351, %dma_start3A_559, %dma_start3A_560] : memref<2x1024x8xf32, #tpu.memory_space<vmem>> -> memref<1x128x8xf32, #tpu.memory_space<vmem>>
          %dma_start3A_562 = tpu.memref_squeeze %dma_start3A_561 : memref<1x128x8xf32, #tpu.memory_space<vmem>> -> memref<128x8xf32, #tpu.memory_space<vmem>>
          %dma_start3A_563 = arith.constant 0 : i32
          %dma_start3A_564 = tpu.memref_slice %arg6[%sub3A_351, %dma_start3A_558, %dma_start3A_563] : memref<2x8x128xi32, #tpu.memory_space<vmem>> -> memref<1x1x128xi32, #tpu.memory_space<vmem>>
          %dma_start3A_565 = tpu.memref_squeeze %dma_start3A_564 : memref<1x1x128xi32, #tpu.memory_space<vmem>> -> memref<128xi32, #tpu.memory_space<vmem>>
          %dma_start3A_566 = arith.constant 0 : i32
          %dma_start3A_567 = arith.constant 0 : i32
          %dma_start3A_568 = tpu.memref_slice %arg9[%dma_start3A_566, %dma_start3A_567] : memref<100352x8xf32, #tpu.memory_space<vmem_shared>> -> memref<100352x8xf32, #tpu.memory_space<vmem_shared>>
          tpu.enqueue_indirect_dma source(%dma_start3A_568 : memref<100352x8xf32, #tpu.memory_space<vmem_shared>>) target(%dma_start3A_562 : memref<128x8xf32, #tpu.memory_space<vmem>>) offsets(%dma_start3A_565 : memref<128xi32, #tpu.memory_space<vmem>>) semaphore(%arg11 : memref<!tpu.dma_semaphore, #tpu.memory_space<semaphore_mem>>)
          %dma_start3A_569 = arith.constant 3 : i32
          %dma_start3A_570 = arith.constant 384 : i32
          %dma_start3A_571 = arith.constant 0 : i32
          %dma_start3A_572 = tpu.memref_slice %arg8[%sub3A_351, %dma_start3A_570, %dma_start3A_571] : memref<2x1024x8xf32, #tpu.memory_space<vmem>> -> memref<1x128x8xf32, #tpu.memory_space<vmem>>
          %dma_start3A_573 = tpu.memref_squeeze %dma_start3A_572 : memref<1x128x8xf32, #tpu.memory_space<vmem>> -> memref<128x8xf32, #tpu.memory_space<vmem>>
          %dma_start3A_574 = arith.constant 0 : i32
          %dma_start3A_575 = tpu.memref_slice %arg6[%sub3A_351, %dma_start3A_569, %dma_start3A_574] : memref<2x8x128xi32, #tpu.memory_space<vmem>> -> memref<1x1x128xi32, #tpu.memory_space<vmem>>
          %dma_start3A_576 = tpu.memref_squeeze %dma_start3A_575 : memref<1x1x128xi32, #tpu.memory_space<vmem>> -> memref<128xi32, #tpu.memory_space<vmem>>
          %dma_start3A_577 = arith.constant 0 : i32
          %dma_start3A_578 = arith.constant 0 : i32
          %dma_start3A_579 = tpu.memref_slice %arg9[%dma_start3A_577, %dma_start3A_578] : memref<100352x8xf32, #tpu.memory_space<vmem_shared>> -> memref<100352x8xf32, #tpu.memory_space<vmem_shared>>
          tpu.enqueue_indirect_dma source(%dma_start3A_579 : memref<100352x8xf32, #tpu.memory_space<vmem_shared>>) target(%dma_start3A_573 : memref<128x8xf32, #tpu.memory_space<vmem>>) offsets(%dma_start3A_576 : memref<128xi32, #tpu.memory_space<vmem>>) semaphore(%arg11 : memref<!tpu.dma_semaphore, #tpu.memory_space<semaphore_mem>>)
          %dma_start3A_580 = arith.constant 4 : i32
          %dma_start3A_581 = arith.constant 512 : i32
          %dma_start3A_582 = arith.constant 0 : i32
          %dma_start3A_583 = tpu.memref_slice %arg8[%sub3A_351, %dma_start3A_581, %dma_start3A_582] : memref<2x1024x8xf32, #tpu.memory_space<vmem>> -> memref<1x128x8xf32, #tpu.memory_space<vmem>>
          %dma_start3A_584 = tpu.memref_squeeze %dma_start3A_583 : memref<1x128x8xf32, #tpu.memory_space<vmem>> -> memref<128x8xf32, #tpu.memory_space<vmem>>
          %dma_start3A_585 = arith.constant 0 : i32
          %dma_start3A_586 = tpu.memref_slice %arg6[%sub3A_351, %dma_start3A_580, %dma_start3A_585] : memref<2x8x128xi32, #tpu.memory_space<vmem>> -> memref<1x1x128xi32, #tpu.memory_space<vmem>>
          %dma_start3A_587 = tpu.memref_squeeze %dma_start3A_586 : memref<1x1x128xi32, #tpu.memory_space<vmem>> -> memref<128xi32, #tpu.memory_space<vmem>>
          %dma_start3A_588 = arith.constant 0 : i32
          %dma_start3A_589 = arith.constant 0 : i32
          %dma_start3A_590 = tpu.memref_slice %arg9[%dma_start3A_588, %dma_start3A_589] : memref<100352x8xf32, #tpu.memory_space<vmem_shared>> -> memref<100352x8xf32, #tpu.memory_space<vmem_shared>>
          tpu.enqueue_indirect_dma source(%dma_start3A_590 : memref<100352x8xf32, #tpu.memory_space<vmem_shared>>) target(%dma_start3A_584 : memref<128x8xf32, #tpu.memory_space<vmem>>) offsets(%dma_start3A_587 : memref<128xi32, #tpu.memory_space<vmem>>) semaphore(%arg11 : memref<!tpu.dma_semaphore, #tpu.memory_space<semaphore_mem>>)
          %dma_start3A_591 = arith.constant 5 : i32
          %dma_start3A_592 = arith.constant 640 : i32
          %dma_start3A_593 = arith.constant 0 : i32
          %dma_start3A_594 = tpu.memref_slice %arg8[%sub3A_351, %dma_start3A_592, %dma_start3A_593] : memref<2x1024x8xf32, #tpu.memory_space<vmem>> -> memref<1x128x8xf32, #tpu.memory_space<vmem>>
          %dma_start3A_595 = tpu.memref_squeeze %dma_start3A_594 : memref<1x128x8xf32, #tpu.memory_space<vmem>> -> memref<128x8xf32, #tpu.memory_space<vmem>>
          %dma_start3A_596 = arith.constant 0 : i32
          %dma_start3A_597 = tpu.memref_slice %arg6[%sub3A_351, %dma_start3A_591, %dma_start3A_596] : memref<2x8x128xi32, #tpu.memory_space<vmem>> -> memref<1x1x128xi32, #tpu.memory_space<vmem>>
          %dma_start3A_598 = tpu.memref_squeeze %dma_start3A_597 : memref<1x1x128xi32, #tpu.memory_space<vmem>> -> memref<128xi32, #tpu.memory_space<vmem>>
          %dma_start3A_599 = arith.constant 0 : i32
          %dma_start3A_600 = arith.constant 0 : i32
          %dma_start3A_601 = tpu.memref_slice %arg9[%dma_start3A_599, %dma_start3A_600] : memref<100352x8xf32, #tpu.memory_space<vmem_shared>> -> memref<100352x8xf32, #tpu.memory_space<vmem_shared>>
          tpu.enqueue_indirect_dma source(%dma_start3A_601 : memref<100352x8xf32, #tpu.memory_space<vmem_shared>>) target(%dma_start3A_595 : memref<128x8xf32, #tpu.memory_space<vmem>>) offsets(%dma_start3A_598 : memref<128xi32, #tpu.memory_space<vmem>>) semaphore(%arg11 : memref<!tpu.dma_semaphore, #tpu.memory_space<semaphore_mem>>)
          %dma_start3A_602 = arith.constant 6 : i32
          %dma_start3A_603 = arith.constant 768 : i32
          %dma_start3A_604 = arith.constant 0 : i32
          %dma_start3A_605 = tpu.memref_slice %arg8[%sub3A_351, %dma_start3A_603, %dma_start3A_604] : memref<2x1024x8xf32, #tpu.memory_space<vmem>> -> memref<1x128x8xf32, #tpu.memory_space<vmem>>
          %dma_start3A_606 = tpu.memref_squeeze %dma_start3A_605 : memref<1x128x8xf32, #tpu.memory_space<vmem>> -> memref<128x8xf32, #tpu.memory_space<vmem>>
          %dma_start3A_607 = arith.constant 0 : i32
          %dma_start3A_608 = tpu.memref_slice %arg6[%sub3A_351, %dma_start3A_602, %dma_start3A_607] : memref<2x8x128xi32, #tpu.memory_space<vmem>> -> memref<1x1x128xi32, #tpu.memory_space<vmem>>
          %dma_start3A_609 = tpu.memref_squeeze %dma_start3A_608 : memref<1x1x128xi32, #tpu.memory_space<vmem>> -> memref<128xi32, #tpu.memory_space<vmem>>
          %dma_start3A_610 = arith.constant 0 : i32
          %dma_start3A_611 = arith.constant 0 : i32
          %dma_start3A_612 = tpu.memref_slice %arg9[%dma_start3A_610, %dma_start3A_611] : memref<100352x8xf32, #tpu.memory_space<vmem_shared>> -> memref<100352x8xf32, #tpu.memory_space<vmem_shared>>
          tpu.enqueue_indirect_dma source(%dma_start3A_612 : memref<100352x8xf32, #tpu.memory_space<vmem_shared>>) target(%dma_start3A_606 : memref<128x8xf32, #tpu.memory_space<vmem>>) offsets(%dma_start3A_609 : memref<128xi32, #tpu.memory_space<vmem>>) semaphore(%arg11 : memref<!tpu.dma_semaphore, #tpu.memory_space<semaphore_mem>>)
          %dma_start3A_613 = arith.constant 7 : i32
          %dma_start3A_614 = arith.constant 896 : i32
          %dma_start3A_615 = arith.constant 0 : i32
          %dma_start3A_616 = tpu.memref_slice %arg8[%sub3A_351, %dma_start3A_614, %dma_start3A_615] : memref<2x1024x8xf32, #tpu.memory_space<vmem>> -> memref<1x128x8xf32, #tpu.memory_space<vmem>>
          %dma_start3A_617 = tpu.memref_squeeze %dma_start3A_616 : memref<1x128x8xf32, #tpu.memory_space<vmem>> -> memref<128x8xf32, #tpu.memory_space<vmem>>
          %dma_start3A_618 = arith.constant 0 : i32
          %dma_start3A_619 = tpu.memref_slice %arg6[%sub3A_351, %dma_start3A_613, %dma_start3A_618] : memref<2x8x128xi32, #tpu.memory_space<vmem>> -> memref<1x1x128xi32, #tpu.memory_space<vmem>>
          %dma_start3A_620 = tpu.memref_squeeze %dma_start3A_619 : memref<1x1x128xi32, #tpu.memory_space<vmem>> -> memref<128xi32, #tpu.memory_space<vmem>>
          %dma_start3A_621 = arith.constant 0 : i32
          %dma_start3A_622 = arith.constant 0 : i32
          %dma_start3A_623 = tpu.memref_slice %arg9[%dma_start3A_621, %dma_start3A_622] : memref<100352x8xf32, #tpu.memory_space<vmem_shared>> -> memref<100352x8xf32, #tpu.memory_space<vmem_shared>>
          tpu.enqueue_indirect_dma source(%dma_start3A_623 : memref<100352x8xf32, #tpu.memory_space<vmem_shared>>) target(%dma_start3A_617 : memref<128x8xf32, #tpu.memory_space<vmem>>) offsets(%dma_start3A_620 : memref<128xi32, #tpu.memory_space<vmem>>) semaphore(%arg11 : memref<!tpu.dma_semaphore, #tpu.memory_space<semaphore_mem>>)
          %dma_wait3A_624 = arith.constant 0 : i32
          %dma_wait3A_625 = arith.constant 0 : i32
          %dma_wait3A_626 = arith.constant 0 : i32
          %dma_wait3A_627 = tpu.memref_slice %arg8[%sub3A_351, %dma_wait3A_625, %dma_wait3A_626] : memref<2x1024x8xf32, #tpu.memory_space<vmem>> -> memref<1x128x8xf32, #tpu.memory_space<vmem>>
          %dma_wait3A_628 = tpu.memref_squeeze %dma_wait3A_627 : memref<1x128x8xf32, #tpu.memory_space<vmem>> -> memref<128x8xf32, #tpu.memory_space<vmem>>
          %dma_wait3A_629 = arith.constant 0 : i32
          %dma_wait3A_630 = tpu.memref_slice %arg6[%sub3A_351, %dma_wait3A_624, %dma_wait3A_629] : memref<2x8x128xi32, #tpu.memory_space<vmem>> -> memref<1x1x128xi32, #tpu.memory_space<vmem>>
          %dma_wait3A_631 = tpu.memref_squeeze %dma_wait3A_630 : memref<1x1x128xi32, #tpu.memory_space<vmem>> -> memref<128xi32, #tpu.memory_space<vmem>>
          %dma_wait3A_632 = arith.constant 0 : i32
          %dma_wait3A_633 = arith.constant 0 : i32
          %dma_wait3A_634 = tpu.memref_slice %arg9[%dma_wait3A_632, %dma_wait3A_633] : memref<100352x8xf32, #tpu.memory_space<vmem_shared>> -> memref<100352x8xf32, #tpu.memory_space<vmem_shared>>
          tpu.wait_indirect_dma semaphore(%arg11 : memref<!tpu.dma_semaphore, #tpu.memory_space<semaphore_mem>>) src(%dma_wait3A_634 : memref<100352x8xf32, #tpu.memory_space<vmem_shared>>) dst(%dma_wait3A_628 : memref<128x8xf32, #tpu.memory_space<vmem>>)
          %dma_wait3A_635 = arith.constant 1 : i32
          %dma_wait3A_636 = arith.constant 128 : i32
          %dma_wait3A_637 = arith.constant 0 : i32
          %dma_wait3A_638 = tpu.memref_slice %arg8[%sub3A_351, %dma_wait3A_636, %dma_wait3A_637] : memref<2x1024x8xf32, #tpu.memory_space<vmem>> -> memref<1x128x8xf32, #tpu.memory_space<vmem>>
          %dma_wait3A_639 = tpu.memref_squeeze %dma_wait3A_638 : memref<1x128x8xf32, #tpu.memory_space<vmem>> -> memref<128x8xf32, #tpu.memory_space<vmem>>
          %dma_wait3A_640 = arith.constant 0 : i32
          %dma_wait3A_641 = tpu.memref_slice %arg6[%sub3A_351, %dma_wait3A_635, %dma_wait3A_640] : memref<2x8x128xi32, #tpu.memory_space<vmem>> -> memref<1x1x128xi32, #tpu.memory_space<vmem>>
          %dma_wait3A_642 = tpu.memref_squeeze %dma_wait3A_641 : memref<1x1x128xi32, #tpu.memory_space<vmem>> -> memref<128xi32, #tpu.memory_space<vmem>>
          %dma_wait3A_643 = arith.constant 0 : i32
          %dma_wait3A_644 = arith.constant 0 : i32
          %dma_wait3A_645 = tpu.memref_slice %arg9[%dma_wait3A_643, %dma_wait3A_644] : memref<100352x8xf32, #tpu.memory_space<vmem_shared>> -> memref<100352x8xf32, #tpu.memory_space<vmem_shared>>
          tpu.wait_indirect_dma semaphore(%arg11 : memref<!tpu.dma_semaphore, #tpu.memory_space<semaphore_mem>>) src(%dma_wait3A_645 : memref<100352x8xf32, #tpu.memory_space<vmem_shared>>) dst(%dma_wait3A_639 : memref<128x8xf32, #tpu.memory_space<vmem>>)
          %dma_wait3A_646 = arith.constant 2 : i32
          %dma_wait3A_647 = arith.constant 256 : i32
          %dma_wait3A_648 = arith.constant 0 : i32
          %dma_wait3A_649 = tpu.memref_slice %arg8[%sub3A_351, %dma_wait3A_647, %dma_wait3A_648] : memref<2x1024x8xf32, #tpu.memory_space<vmem>> -> memref<1x128x8xf32, #tpu.memory_space<vmem>>
          %dma_wait3A_650 = tpu.memref_squeeze %dma_wait3A_649 : memref<1x128x8xf32, #tpu.memory_space<vmem>> -> memref<128x8xf32, #tpu.memory_space<vmem>>
          %dma_wait3A_651 = arith.constant 0 : i32
          %dma_wait3A_652 = tpu.memref_slice %arg6[%sub3A_351, %dma_wait3A_646, %dma_wait3A_651] : memref<2x8x128xi32, #tpu.memory_space<vmem>> -> memref<1x1x128xi32, #tpu.memory_space<vmem>>
          %dma_wait3A_653 = tpu.memref_squeeze %dma_wait3A_652 : memref<1x1x128xi32, #tpu.memory_space<vmem>> -> memref<128xi32, #tpu.memory_space<vmem>>
          %dma_wait3A_654 = arith.constant 0 : i32
          %dma_wait3A_655 = arith.constant 0 : i32
          %dma_wait3A_656 = tpu.memref_slice %arg9[%dma_wait3A_654, %dma_wait3A_655] : memref<100352x8xf32, #tpu.memory_space<vmem_shared>> -> memref<100352x8xf32, #tpu.memory_space<vmem_shared>>
          tpu.wait_indirect_dma semaphore(%arg11 : memref<!tpu.dma_semaphore, #tpu.memory_space<semaphore_mem>>) src(%dma_wait3A_656 : memref<100352x8xf32, #tpu.memory_space<vmem_shared>>) dst(%dma_wait3A_650 : memref<128x8xf32, #tpu.memory_space<vmem>>)
          %dma_wait3A_657 = arith.constant 3 : i32
          %dma_wait3A_658 = arith.constant 384 : i32
          %dma_wait3A_659 = arith.constant 0 : i32
          %dma_wait3A_660 = tpu.memref_slice %arg8[%sub3A_351, %dma_wait3A_658, %dma_wait3A_659] : memref<2x1024x8xf32, #tpu.memory_space<vmem>> -> memref<1x128x8xf32, #tpu.memory_space<vmem>>
          %dma_wait3A_661 = tpu.memref_squeeze %dma_wait3A_660 : memref<1x128x8xf32, #tpu.memory_space<vmem>> -> memref<128x8xf32, #tpu.memory_space<vmem>>
          %dma_wait3A_662 = arith.constant 0 : i32
          %dma_wait3A_663 = tpu.memref_slice %arg6[%sub3A_351, %dma_wait3A_657, %dma_wait3A_662] : memref<2x8x128xi32, #tpu.memory_space<vmem>> -> memref<1x1x128xi32, #tpu.memory_space<vmem>>
          %dma_wait3A_664 = tpu.memref_squeeze %dma_wait3A_663 : memref<1x1x128xi32, #tpu.memory_space<vmem>> -> memref<128xi32, #tpu.memory_space<vmem>>
          %dma_wait3A_665 = arith.constant 0 : i32
          %dma_wait3A_666 = arith.constant 0 : i32
          %dma_wait3A_667 = tpu.memref_slice %arg9[%dma_wait3A_665, %dma_wait3A_666] : memref<100352x8xf32, #tpu.memory_space<vmem_shared>> -> memref<100352x8xf32, #tpu.memory_space<vmem_shared>>
          tpu.wait_indirect_dma semaphore(%arg11 : memref<!tpu.dma_semaphore, #tpu.memory_space<semaphore_mem>>) src(%dma_wait3A_667 : memref<100352x8xf32, #tpu.memory_space<vmem_shared>>) dst(%dma_wait3A_661 : memref<128x8xf32, #tpu.memory_space<vmem>>)
          %dma_wait3A_668 = arith.constant 4 : i32
          %dma_wait3A_669 = arith.constant 512 : i32
          %dma_wait3A_670 = arith.constant 0 : i32
          %dma_wait3A_671 = tpu.memref_slice %arg8[%sub3A_351, %dma_wait3A_669, %dma_wait3A_670] : memref<2x1024x8xf32, #tpu.memory_space<vmem>> -> memref<1x128x8xf32, #tpu.memory_space<vmem>>
          %dma_wait3A_672 = tpu.memref_squeeze %dma_wait3A_671 : memref<1x128x8xf32, #tpu.memory_space<vmem>> -> memref<128x8xf32, #tpu.memory_space<vmem>>
          %dma_wait3A_673 = arith.constant 0 : i32
          %dma_wait3A_674 = tpu.memref_slice %arg6[%sub3A_351, %dma_wait3A_668, %dma_wait3A_673] : memref<2x8x128xi32, #tpu.memory_space<vmem>> -> memref<1x1x128xi32, #tpu.memory_space<vmem>>
          %dma_wait3A_675 = tpu.memref_squeeze %dma_wait3A_674 : memref<1x1x128xi32, #tpu.memory_space<vmem>> -> memref<128xi32, #tpu.memory_space<vmem>>
          %dma_wait3A_676 = arith.constant 0 : i32
          %dma_wait3A_677 = arith.constant 0 : i32
          %dma_wait3A_678 = tpu.memref_slice %arg9[%dma_wait3A_676, %dma_wait3A_677] : memref<100352x8xf32, #tpu.memory_space<vmem_shared>> -> memref<100352x8xf32, #tpu.memory_space<vmem_shared>>
          tpu.wait_indirect_dma semaphore(%arg11 : memref<!tpu.dma_semaphore, #tpu.memory_space<semaphore_mem>>) src(%dma_wait3A_678 : memref<100352x8xf32, #tpu.memory_space<vmem_shared>>) dst(%dma_wait3A_672 : memref<128x8xf32, #tpu.memory_space<vmem>>)
          %dma_wait3A_679 = arith.constant 5 : i32
          %dma_wait3A_680 = arith.constant 640 : i32
          %dma_wait3A_681 = arith.constant 0 : i32
          %dma_wait3A_682 = tpu.memref_slice %arg8[%sub3A_351, %dma_wait3A_680, %dma_wait3A_681] : memref<2x1024x8xf32, #tpu.memory_space<vmem>> -> memref<1x128x8xf32, #tpu.memory_space<vmem>>
          %dma_wait3A_683 = tpu.memref_squeeze %dma_wait3A_682 : memref<1x128x8xf32, #tpu.memory_space<vmem>> -> memref<128x8xf32, #tpu.memory_space<vmem>>
          %dma_wait3A_684 = arith.constant 0 : i32
          %dma_wait3A_685 = tpu.memref_slice %arg6[%sub3A_351, %dma_wait3A_679, %dma_wait3A_684] : memref<2x8x128xi32, #tpu.memory_space<vmem>> -> memref<1x1x128xi32, #tpu.memory_space<vmem>>
          %dma_wait3A_686 = tpu.memref_squeeze %dma_wait3A_685 : memref<1x1x128xi32, #tpu.memory_space<vmem>> -> memref<128xi32, #tpu.memory_space<vmem>>
          %dma_wait3A_687 = arith.constant 0 : i32
          %dma_wait3A_688 = arith.constant 0 : i32
          %dma_wait3A_689 = tpu.memref_slice %arg9[%dma_wait3A_687, %dma_wait3A_688] : memref<100352x8xf32, #tpu.memory_space<vmem_shared>> -> memref<100352x8xf32, #tpu.memory_space<vmem_shared>>
          tpu.wait_indirect_dma semaphore(%arg11 : memref<!tpu.dma_semaphore, #tpu.memory_space<semaphore_mem>>) src(%dma_wait3A_689 : memref<100352x8xf32, #tpu.memory_space<vmem_shared>>) dst(%dma_wait3A_683 : memref<128x8xf32, #tpu.memory_space<vmem>>)
          %dma_wait3A_690 = arith.constant 6 : i32
          %dma_wait3A_691 = arith.constant 768 : i32
          %dma_wait3A_692 = arith.constant 0 : i32
          %dma_wait3A_693 = tpu.memref_slice %arg8[%sub3A_351, %dma_wait3A_691, %dma_wait3A_692] : memref<2x1024x8xf32, #tpu.memory_space<vmem>> -> memref<1x128x8xf32, #tpu.memory_space<vmem>>
          %dma_wait3A_694 = tpu.memref_squeeze %dma_wait3A_693 : memref<1x128x8xf32, #tpu.memory_space<vmem>> -> memref<128x8xf32, #tpu.memory_space<vmem>>
          %dma_wait3A_695 = arith.constant 0 : i32
          %dma_wait3A_696 = tpu.memref_slice %arg6[%sub3A_351, %dma_wait3A_690, %dma_wait3A_695] : memref<2x8x128xi32, #tpu.memory_space<vmem>> -> memref<1x1x128xi32, #tpu.memory_space<vmem>>
          %dma_wait3A_697 = tpu.memref_squeeze %dma_wait3A_696 : memref<1x1x128xi32, #tpu.memory_space<vmem>> -> memref<128xi32, #tpu.memory_space<vmem>>
          %dma_wait3A_698 = arith.constant 0 : i32
          %dma_wait3A_699 = arith.constant 0 : i32
          %dma_wait3A_700 = tpu.memref_slice %arg9[%dma_wait3A_698, %dma_wait3A_699] : memref<100352x8xf32, #tpu.memory_space<vmem_shared>> -> memref<100352x8xf32, #tpu.memory_space<vmem_shared>>
          tpu.wait_indirect_dma semaphore(%arg11 : memref<!tpu.dma_semaphore, #tpu.memory_space<semaphore_mem>>) src(%dma_wait3A_700 : memref<100352x8xf32, #tpu.memory_space<vmem_shared>>) dst(%dma_wait3A_694 : memref<128x8xf32, #tpu.memory_space<vmem>>)
          %dma_wait3A_701 = arith.constant 7 : i32
          %dma_wait3A_702 = arith.constant 896 : i32
          %dma_wait3A_703 = arith.constant 0 : i32
          %dma_wait3A_704 = tpu.memref_slice %arg8[%sub3A_351, %dma_wait3A_702, %dma_wait3A_703] : memref<2x1024x8xf32, #tpu.memory_space<vmem>> -> memref<1x128x8xf32, #tpu.memory_space<vmem>>
          %dma_wait3A_705 = tpu.memref_squeeze %dma_wait3A_704 : memref<1x128x8xf32, #tpu.memory_space<vmem>> -> memref<128x8xf32, #tpu.memory_space<vmem>>
          %dma_wait3A_706 = arith.constant 0 : i32
          %dma_wait3A_707 = tpu.memref_slice %arg6[%sub3A_351, %dma_wait3A_701, %dma_wait3A_706] : memref<2x8x128xi32, #tpu.memory_space<vmem>> -> memref<1x1x128xi32, #tpu.memory_space<vmem>>
          %dma_wait3A_708 = tpu.memref_squeeze %dma_wait3A_707 : memref<1x1x128xi32, #tpu.memory_space<vmem>> -> memref<128xi32, #tpu.memory_space<vmem>>
          %dma_wait3A_709 = arith.constant 0 : i32
          %dma_wait3A_710 = arith.constant 0 : i32
          %dma_wait3A_711 = tpu.memref_slice %arg9[%dma_wait3A_709, %dma_wait3A_710] : memref<100352x8xf32, #tpu.memory_space<vmem_shared>> -> memref<100352x8xf32, #tpu.memory_space<vmem_shared>>
          tpu.wait_indirect_dma semaphore(%arg11 : memref<!tpu.dma_semaphore, #tpu.memory_space<semaphore_mem>>) src(%dma_wait3A_711 : memref<100352x8xf32, #tpu.memory_space<vmem_shared>>) dst(%dma_wait3A_705 : memref<128x8xf32, #tpu.memory_space<vmem>>)
        } else {
        }
        %dma_wait3A_448 = arith.constant 0 : i32
        %dma_wait3A_449 = arith.constant 0 : i32
        %dma_wait3A_450 = arith.constant 0 : i32
        %dma_wait3A_451 = tpu.memref_slice %arg8[%rem3A_349, %dma_wait3A_449, %dma_wait3A_450] : memref<2x1024x8xf32, #tpu.memory_space<vmem>> -> memref<1x128x8xf32, #tpu.memory_space<vmem>>
        %dma_wait3A_452 = tpu.memref_squeeze %dma_wait3A_451 : memref<1x128x8xf32, #tpu.memory_space<vmem>> -> memref<128x8xf32, #tpu.memory_space<vmem>>
        %dma_wait3A_453 = arith.constant 0 : i32
        %dma_wait3A_454 = tpu.memref_slice %arg7[%rem3A_349, %dma_wait3A_448, %dma_wait3A_453] : memref<2x8x128xi32, #tpu.memory_space<vmem>> -> memref<1x1x128xi32, #tpu.memory_space<vmem>>
        %dma_wait3A_455 = tpu.memref_squeeze %dma_wait3A_454 : memref<1x1x128xi32, #tpu.memory_space<vmem>> -> memref<128xi32, #tpu.memory_space<vmem>>
        %dma_wait3A_456 = arith.constant 0 : i32
        %dma_wait3A_457 = arith.constant 0 : i32
        %dma_wait3A_458 = tpu.memref_slice %arg10[%dma_wait3A_456, %dma_wait3A_457] : memref<100352x8xf32, #tpu.memory_space<vmem_shared>> -> memref<100352x8xf32, #tpu.memory_space<vmem_shared>>
        tpu.wait_indirect_dma semaphore(%arg12 : memref<!tpu.dma_semaphore, #tpu.memory_space<semaphore_mem>>) src(%dma_wait3A_452 : memref<128x8xf32, #tpu.memory_space<vmem>>) dst(%dma_wait3A_458 : memref<100352x8xf32, #tpu.memory_space<vmem_shared>>)
        %dma_wait3A_459 = arith.constant 1 : i32
        %dma_wait3A_460 = arith.constant 128 : i32
        %dma_wait3A_461 = arith.constant 0 : i32
        %dma_wait3A_462 = tpu.memref_slice %arg8[%rem3A_349, %dma_wait3A_460, %dma_wait3A_461] : memref<2x1024x8xf32, #tpu.memory_space<vmem>> -> memref<1x128x8xf32, #tpu.memory_space<vmem>>
        %dma_wait3A_463 = tpu.memref_squeeze %dma_wait3A_462 : memref<1x128x8xf32, #tpu.memory_space<vmem>> -> memref<128x8xf32, #tpu.memory_space<vmem>>
        %dma_wait3A_464 = arith.constant 0 : i32
        %dma_wait3A_465 = tpu.memref_slice %arg7[%rem3A_349, %dma_wait3A_459, %dma_wait3A_464] : memref<2x8x128xi32, #tpu.memory_space<vmem>> -> memref<1x1x128xi32, #tpu.memory_space<vmem>>
        %dma_wait3A_466 = tpu.memref_squeeze %dma_wait3A_465 : memref<1x1x128xi32, #tpu.memory_space<vmem>> -> memref<128xi32, #tpu.memory_space<vmem>>
        %dma_wait3A_467 = arith.constant 0 : i32
        %dma_wait3A_468 = arith.constant 0 : i32
        %dma_wait3A_469 = tpu.memref_slice %arg10[%dma_wait3A_467, %dma_wait3A_468] : memref<100352x8xf32, #tpu.memory_space<vmem_shared>> -> memref<100352x8xf32, #tpu.memory_space<vmem_shared>>
        tpu.wait_indirect_dma semaphore(%arg12 : memref<!tpu.dma_semaphore, #tpu.memory_space<semaphore_mem>>) src(%dma_wait3A_463 : memref<128x8xf32, #tpu.memory_space<vmem>>) dst(%dma_wait3A_469 : memref<100352x8xf32, #tpu.memory_space<vmem_shared>>)
        %dma_wait3A_470 = arith.constant 2 : i32
        %dma_wait3A_471 = arith.constant 256 : i32
        %dma_wait3A_472 = arith.constant 0 : i32
        %dma_wait3A_473 = tpu.memref_slice %arg8[%rem3A_349, %dma_wait3A_471, %dma_wait3A_472] : memref<2x1024x8xf32, #tpu.memory_space<vmem>> -> memref<1x128x8xf32, #tpu.memory_space<vmem>>
        %dma_wait3A_474 = tpu.memref_squeeze %dma_wait3A_473 : memref<1x128x8xf32, #tpu.memory_space<vmem>> -> memref<128x8xf32, #tpu.memory_space<vmem>>
        %dma_wait3A_475 = arith.constant 0 : i32
        %dma_wait3A_476 = tpu.memref_slice %arg7[%rem3A_349, %dma_wait3A_470, %dma_wait3A_475] : memref<2x8x128xi32, #tpu.memory_space<vmem>> -> memref<1x1x128xi32, #tpu.memory_space<vmem>>
        %dma_wait3A_477 = tpu.memref_squeeze %dma_wait3A_476 : memref<1x1x128xi32, #tpu.memory_space<vmem>> -> memref<128xi32, #tpu.memory_space<vmem>>
        %dma_wait3A_478 = arith.constant 0 : i32
        %dma_wait3A_479 = arith.constant 0 : i32
        %dma_wait3A_480 = tpu.memref_slice %arg10[%dma_wait3A_478, %dma_wait3A_479] : memref<100352x8xf32, #tpu.memory_space<vmem_shared>> -> memref<100352x8xf32, #tpu.memory_space<vmem_shared>>
        tpu.wait_indirect_dma semaphore(%arg12 : memref<!tpu.dma_semaphore, #tpu.memory_space<semaphore_mem>>) src(%dma_wait3A_474 : memref<128x8xf32, #tpu.memory_space<vmem>>) dst(%dma_wait3A_480 : memref<100352x8xf32, #tpu.memory_space<vmem_shared>>)
        %dma_wait3A_481 = arith.constant 3 : i32
        %dma_wait3A_482 = arith.constant 384 : i32
        %dma_wait3A_483 = arith.constant 0 : i32
        %dma_wait3A_484 = tpu.memref_slice %arg8[%rem3A_349, %dma_wait3A_482, %dma_wait3A_483] : memref<2x1024x8xf32, #tpu.memory_space<vmem>> -> memref<1x128x8xf32, #tpu.memory_space<vmem>>
        %dma_wait3A_485 = tpu.memref_squeeze %dma_wait3A_484 : memref<1x128x8xf32, #tpu.memory_space<vmem>> -> memref<128x8xf32, #tpu.memory_space<vmem>>
        %dma_wait3A_486 = arith.constant 0 : i32
        %dma_wait3A_487 = tpu.memref_slice %arg7[%rem3A_349, %dma_wait3A_481, %dma_wait3A_486] : memref<2x8x128xi32, #tpu.memory_space<vmem>> -> memref<1x1x128xi32, #tpu.memory_space<vmem>>
        %dma_wait3A_488 = tpu.memref_squeeze %dma_wait3A_487 : memref<1x1x128xi32, #tpu.memory_space<vmem>> -> memref<128xi32, #tpu.memory_space<vmem>>
        %dma_wait3A_489 = arith.constant 0 : i32
        %dma_wait3A_490 = arith.constant 0 : i32
        %dma_wait3A_491 = tpu.memref_slice %arg10[%dma_wait3A_489, %dma_wait3A_490] : memref<100352x8xf32, #tpu.memory_space<vmem_shared>> -> memref<100352x8xf32, #tpu.memory_space<vmem_shared>>
        tpu.wait_indirect_dma semaphore(%arg12 : memref<!tpu.dma_semaphore, #tpu.memory_space<semaphore_mem>>) src(%dma_wait3A_485 : memref<128x8xf32, #tpu.memory_space<vmem>>) dst(%dma_wait3A_491 : memref<100352x8xf32, #tpu.memory_space<vmem_shared>>)
        %dma_wait3A_492 = arith.constant 4 : i32
        %dma_wait3A_493 = arith.constant 512 : i32
        %dma_wait3A_494 = arith.constant 0 : i32
        %dma_wait3A_495 = tpu.memref_slice %arg8[%rem3A_349, %dma_wait3A_493, %dma_wait3A_494] : memref<2x1024x8xf32, #tpu.memory_space<vmem>> -> memref<1x128x8xf32, #tpu.memory_space<vmem>>
        %dma_wait3A_496 = tpu.memref_squeeze %dma_wait3A_495 : memref<1x128x8xf32, #tpu.memory_space<vmem>> -> memref<128x8xf32, #tpu.memory_space<vmem>>
        %dma_wait3A_497 = arith.constant 0 : i32
        %dma_wait3A_498 = tpu.memref_slice %arg7[%rem3A_349, %dma_wait3A_492, %dma_wait3A_497] : memref<2x8x128xi32, #tpu.memory_space<vmem>> -> memref<1x1x128xi32, #tpu.memory_space<vmem>>
        %dma_wait3A_499 = tpu.memref_squeeze %dma_wait3A_498 : memref<1x1x128xi32, #tpu.memory_space<vmem>> -> memref<128xi32, #tpu.memory_space<vmem>>
        %dma_wait3A_500 = arith.constant 0 : i32
        %dma_wait3A_501 = arith.constant 0 : i32
        %dma_wait3A_502 = tpu.memref_slice %arg10[%dma_wait3A_500, %dma_wait3A_501] : memref<100352x8xf32, #tpu.memory_space<vmem_shared>> -> memref<100352x8xf32, #tpu.memory_space<vmem_shared>>
        tpu.wait_indirect_dma semaphore(%arg12 : memref<!tpu.dma_semaphore, #tpu.memory_space<semaphore_mem>>) src(%dma_wait3A_496 : memref<128x8xf32, #tpu.memory_space<vmem>>) dst(%dma_wait3A_502 : memref<100352x8xf32, #tpu.memory_space<vmem_shared>>)
        %dma_wait3A_503 = arith.constant 5 : i32
        %dma_wait3A_504 = arith.constant 640 : i32
        %dma_wait3A_505 = arith.constant 0 : i32
        %dma_wait3A_506 = tpu.memref_slice %arg8[%rem3A_349, %dma_wait3A_504, %dma_wait3A_505] : memref<2x1024x8xf32, #tpu.memory_space<vmem>> -> memref<1x128x8xf32, #tpu.memory_space<vmem>>
        %dma_wait3A_507 = tpu.memref_squeeze %dma_wait3A_506 : memref<1x128x8xf32, #tpu.memory_space<vmem>> -> memref<128x8xf32, #tpu.memory_space<vmem>>
        %dma_wait3A_508 = arith.constant 0 : i32
        %dma_wait3A_509 = tpu.memref_slice %arg7[%rem3A_349, %dma_wait3A_503, %dma_wait3A_508] : memref<2x8x128xi32, #tpu.memory_space<vmem>> -> memref<1x1x128xi32, #tpu.memory_space<vmem>>
        %dma_wait3A_510 = tpu.memref_squeeze %dma_wait3A_509 : memref<1x1x128xi32, #tpu.memory_space<vmem>> -> memref<128xi32, #tpu.memory_space<vmem>>
        %dma_wait3A_511 = arith.constant 0 : i32
        %dma_wait3A_512 = arith.constant 0 : i32
        %dma_wait3A_513 = tpu.memref_slice %arg10[%dma_wait3A_511, %dma_wait3A_512] : memref<100352x8xf32, #tpu.memory_space<vmem_shared>> -> memref<100352x8xf32, #tpu.memory_space<vmem_shared>>
        tpu.wait_indirect_dma semaphore(%arg12 : memref<!tpu.dma_semaphore, #tpu.memory_space<semaphore_mem>>) src(%dma_wait3A_507 : memref<128x8xf32, #tpu.memory_space<vmem>>) dst(%dma_wait3A_513 : memref<100352x8xf32, #tpu.memory_space<vmem_shared>>)
        %dma_wait3A_514 = arith.constant 6 : i32
        %dma_wait3A_515 = arith.constant 768 : i32
        %dma_wait3A_516 = arith.constant 0 : i32
        %dma_wait3A_517 = tpu.memref_slice %arg8[%rem3A_349, %dma_wait3A_515, %dma_wait3A_516] : memref<2x1024x8xf32, #tpu.memory_space<vmem>> -> memref<1x128x8xf32, #tpu.memory_space<vmem>>
        %dma_wait3A_518 = tpu.memref_squeeze %dma_wait3A_517 : memref<1x128x8xf32, #tpu.memory_space<vmem>> -> memref<128x8xf32, #tpu.memory_space<vmem>>
        %dma_wait3A_519 = arith.constant 0 : i32
        %dma_wait3A_520 = tpu.memref_slice %arg7[%rem3A_349, %dma_wait3A_514, %dma_wait3A_519] : memref<2x8x128xi32, #tpu.memory_space<vmem>> -> memref<1x1x128xi32, #tpu.memory_space<vmem>>
        %dma_wait3A_521 = tpu.memref_squeeze %dma_wait3A_520 : memref<1x1x128xi32, #tpu.memory_space<vmem>> -> memref<128xi32, #tpu.memory_space<vmem>>
        %dma_wait3A_522 = arith.constant 0 : i32
        %dma_wait3A_523 = arith.constant 0 : i32
        %dma_wait3A_524 = tpu.memref_slice %arg10[%dma_wait3A_522, %dma_wait3A_523] : memref<100352x8xf32, #tpu.memory_space<vmem_shared>> -> memref<100352x8xf32, #tpu.memory_space<vmem_shared>>
        tpu.wait_indirect_dma semaphore(%arg12 : memref<!tpu.dma_semaphore, #tpu.memory_space<semaphore_mem>>) src(%dma_wait3A_518 : memref<128x8xf32, #tpu.memory_space<vmem>>) dst(%dma_wait3A_524 : memref<100352x8xf32, #tpu.memory_space<vmem_shared>>)
        %dma_wait3A_525 = arith.constant 7 : i32
        %dma_wait3A_526 = arith.constant 896 : i32
        %dma_wait3A_527 = arith.constant 0 : i32
        %dma_wait3A_528 = tpu.memref_slice %arg8[%rem3A_349, %dma_wait3A_526, %dma_wait3A_527] : memref<2x1024x8xf32, #tpu.memory_space<vmem>> -> memref<1x128x8xf32, #tpu.memory_space<vmem>>
        %dma_wait3A_529 = tpu.memref_squeeze %dma_wait3A_528 : memref<1x128x8xf32, #tpu.memory_space<vmem>> -> memref<128x8xf32, #tpu.memory_space<vmem>>
        %dma_wait3A_530 = arith.constant 0 : i32
        %dma_wait3A_531 = tpu.memref_slice %arg7[%rem3A_349, %dma_wait3A_525, %dma_wait3A_530] : memref<2x8x128xi32, #tpu.memory_space<vmem>> -> memref<1x1x128xi32, #tpu.memory_space<vmem>>
        %dma_wait3A_532 = tpu.memref_squeeze %dma_wait3A_531 : memref<1x1x128xi32, #tpu.memory_space<vmem>> -> memref<128xi32, #tpu.memory_space<vmem>>
        %dma_wait3A_533 = arith.constant 0 : i32
        %dma_wait3A_534 = arith.constant 0 : i32
        %dma_wait3A_535 = tpu.memref_slice %arg10[%dma_wait3A_533, %dma_wait3A_534] : memref<100352x8xf32, #tpu.memory_space<vmem_shared>> -> memref<100352x8xf32, #tpu.memory_space<vmem_shared>>
        tpu.wait_indirect_dma semaphore(%arg12 : memref<!tpu.dma_semaphore, #tpu.memory_space<semaphore_mem>>) src(%dma_wait3A_529 : memref<128x8xf32, #tpu.memory_space<vmem>>) dst(%dma_wait3A_535 : memref<100352x8xf32, #tpu.memory_space<vmem_shared>>)
      }
    } else {
    }
    %sub3A_106 = arith.subi %select_n3A_78, %select_n3A : i32
    %mul3A_107 = arith.constant 8 : i32
    %mul3A_108 = arith.muli %mul3A_107, %select_n3A_103 : i32
    %sub3A_109 = arith.subi %sub3A_106, %mul3A_108 : i32
    %while3A = arith.constant 0 : i32
    %while3A_110 = arith.constant 0 : i32
    %while3A_111 = arith.subi %sub3A_109, %while3A_110 : i32
    %while3A_112 = arith.addi %while3A_110, %while3A_111 : i32
    %while3A_113 = arith.constant 1 : i32
    %while3A_114 = arith.divsi %while3A_111, %while3A_113 : i32
    %while3A_115 = arith.muli %while3A_114, %while3A_113 : i32
    %while3A_116 = arith.addi %while3A_110, %while3A_115 : i32
    %while3A_117 = arith.constant 1 : i32
    scf.for %while3A_124 = %while3A_110 to %while3A_116 step %while3A_117  : i32 {
      %mul3A_125 = arith.constant 8 : i32
      %mul3A_126 = arith.muli %mul3A_125, %select_n3A_103 : i32
      %add3A_127 = arith.addi %select_n3A, %mul3A_126 : i32
      %add3A_128 = arith.addi %add3A_127, %while3A_124 : i32
      %run_scoped3A = arith.constant 0 : i32
      %run_scoped3A_129 = arith.constant 0 : i32
      "tpu.region"() ({
        %run_scoped3A_186 = tpu.sem_alloc : memref<!tpu.dma_semaphore, #tpu.memory_space<semaphore_mem>>
        %dma_start3A_187 = arith.constant 0 : i32
        %dma_start3A_188 = arith.constant 0 : i32
        %dma_start3A_189 = tpu.memref_slice %arg6[%run_scoped3A_129, %dma_start3A_187, %dma_start3A_188] : memref<2x8x128xi32, #tpu.memory_space<vmem>> -> memref<1x1x128xi32, #tpu.memory_space<vmem>>
        %dma_start3A_190 = tpu.memref_squeeze %dma_start3A_189 : memref<1x1x128xi32, #tpu.memory_space<vmem>> -> memref<1x128xi32, #tpu.memory_space<vmem>>
        %dma_start3A_191 = arith.constant 0 : i32
        %dma_start3A_192 = tpu.memref_slice %arg2[%run_scoped3A, %add3A_128, %dma_start3A_191] : memref<2x12500x128xi32, #tpu.memory_space<hbm>> -> memref<1x1x128xi32, #tpu.memory_space<hbm>>
        %dma_start3A_193 = tpu.memref_squeeze %dma_start3A_192 : memref<1x1x128xi32, #tpu.memory_space<hbm>> -> memref<1x128xi32, #tpu.memory_space<hbm>>
        %dma_start3A_194 = arith.constant 0 : i32
        %dma_start3A_195 = arith.constant 0 : i32
        %dma_start3A_196 = tpu.memref_slice %arg6[%run_scoped3A_129, %dma_start3A_194, %dma_start3A_195] : memref<2x8x128xi32, #tpu.memory_space<vmem>> -> memref<1x1x128xi32, #tpu.memory_space<vmem>>
        %dma_start3A_197 = tpu.memref_squeeze %dma_start3A_196 : memref<1x1x128xi32, #tpu.memory_space<vmem>> -> memref<1x128xi32, #tpu.memory_space<vmem>>
        %dma_start3A_198 = arith.constant 0 : i32
        %dma_start3A_199 = tpu.memref_slice %arg2[%run_scoped3A, %add3A_128, %dma_start3A_198] : memref<2x12500x128xi32, #tpu.memory_space<hbm>> -> memref<1x1x128xi32, #tpu.memory_space<hbm>>
        %dma_start3A_200 = tpu.memref_squeeze %dma_start3A_199 : memref<1x1x128xi32, #tpu.memory_space<hbm>> -> memref<1x128xi32, #tpu.memory_space<hbm>>
        tpu.enqueue_dma source(%dma_start3A_200 : memref<1x128xi32, #tpu.memory_space<hbm>>) target(%dma_start3A_197 : memref<1x128xi32, #tpu.memory_space<vmem>>) target_semaphore(%run_scoped3A_186 : memref<!tpu.dma_semaphore, #tpu.memory_space<semaphore_mem>>)
        %dma_wait3A_201 = arith.constant 0 : i32
        %dma_wait3A_202 = arith.constant 0 : i32
        %dma_wait3A_203 = tpu.memref_slice %arg6[%run_scoped3A_129, %dma_wait3A_201, %dma_wait3A_202] : memref<2x8x128xi32, #tpu.memory_space<vmem>> -> memref<1x1x128xi32, #tpu.memory_space<vmem>>
        %dma_wait3A_204 = tpu.memref_squeeze %dma_wait3A_203 : memref<1x1x128xi32, #tpu.memory_space<vmem>> -> memref<1x128xi32, #tpu.memory_space<vmem>>
        %dma_wait3A_205 = arith.constant 0 : i32
        %dma_wait3A_206 = tpu.memref_slice %arg2[%run_scoped3A, %add3A_128, %dma_wait3A_205] : memref<2x12500x128xi32, #tpu.memory_space<hbm>> -> memref<1x1x128xi32, #tpu.memory_space<hbm>>
        %dma_wait3A_207 = tpu.memref_squeeze %dma_wait3A_206 : memref<1x1x128xi32, #tpu.memory_space<hbm>> -> memref<1x128xi32, #tpu.memory_space<hbm>>
        %dma_wait3A_208 = arith.constant 0 : i32
        %dma_wait3A_209 = arith.constant 0 : i32
        %dma_wait3A_210 = tpu.memref_slice %arg6[%run_scoped3A_129, %dma_wait3A_208, %dma_wait3A_209] : memref<2x8x128xi32, #tpu.memory_space<vmem>> -> memref<1x1x128xi32, #tpu.memory_space<vmem>>
        %dma_wait3A_211 = tpu.memref_squeeze %dma_wait3A_210 : memref<1x1x128xi32, #tpu.memory_space<vmem>> -> memref<1x128xi32, #tpu.memory_space<vmem>>
        %dma_wait3A_212 = arith.constant 0 : i32
        %dma_wait3A_213 = tpu.memref_slice %arg2[%run_scoped3A, %add3A_128, %dma_wait3A_212] : memref<2x12500x128xi32, #tpu.memory_space<hbm>> -> memref<1x1x128xi32, #tpu.memory_space<hbm>>
        %dma_wait3A_214 = tpu.memref_squeeze %dma_wait3A_213 : memref<1x1x128xi32, #tpu.memory_space<hbm>> -> memref<1x128xi32, #tpu.memory_space<hbm>>
        tpu.wait_dma2 semaphore(%run_scoped3A_186 : memref<!tpu.dma_semaphore, #tpu.memory_space<semaphore_mem>>) src(%dma_wait3A_214 : memref<1x128xi32, #tpu.memory_space<hbm>>) dst(%dma_wait3A_211 : memref<1x128xi32, #tpu.memory_space<vmem>>)
        tpu.yield
      }) : () -> ()
      %mul3A_130 = arith.constant 8 : i32
      %mul3A_131 = arith.muli %mul3A_130, %select_n3A_103 : i32
      %add3A_132 = arith.addi %select_n3A, %mul3A_131 : i32
      %add3A_133 = arith.addi %add3A_132, %while3A_124 : i32
      %run_scoped3A_134 = arith.constant 1 : i32
      %run_scoped3A_135 = arith.constant 0 : i32
      "tpu.region"() ({
        %run_scoped3A_186 = tpu.sem_alloc : memref<!tpu.dma_semaphore, #tpu.memory_space<semaphore_mem>>
        %dma_start3A_187 = arith.constant 0 : i32
        %dma_start3A_188 = arith.constant 0 : i32
        %dma_start3A_189 = tpu.memref_slice %arg7[%run_scoped3A_135, %dma_start3A_187, %dma_start3A_188] : memref<2x8x128xi32, #tpu.memory_space<vmem>> -> memref<1x1x128xi32, #tpu.memory_space<vmem>>
        %dma_start3A_190 = tpu.memref_squeeze %dma_start3A_189 : memref<1x1x128xi32, #tpu.memory_space<vmem>> -> memref<1x128xi32, #tpu.memory_space<vmem>>
        %dma_start3A_191 = arith.constant 0 : i32
        %dma_start3A_192 = tpu.memref_slice %arg2[%run_scoped3A_134, %add3A_133, %dma_start3A_191] : memref<2x12500x128xi32, #tpu.memory_space<hbm>> -> memref<1x1x128xi32, #tpu.memory_space<hbm>>
        %dma_start3A_193 = tpu.memref_squeeze %dma_start3A_192 : memref<1x1x128xi32, #tpu.memory_space<hbm>> -> memref<1x128xi32, #tpu.memory_space<hbm>>
        %dma_start3A_194 = arith.constant 0 : i32
        %dma_start3A_195 = arith.constant 0 : i32
        %dma_start3A_196 = tpu.memref_slice %arg7[%run_scoped3A_135, %dma_start3A_194, %dma_start3A_195] : memref<2x8x128xi32, #tpu.memory_space<vmem>> -> memref<1x1x128xi32, #tpu.memory_space<vmem>>
        %dma_start3A_197 = tpu.memref_squeeze %dma_start3A_196 : memref<1x1x128xi32, #tpu.memory_space<vmem>> -> memref<1x128xi32, #tpu.memory_space<vmem>>
        %dma_start3A_198 = arith.constant 0 : i32
        %dma_start3A_199 = tpu.memref_slice %arg2[%run_scoped3A_134, %add3A_133, %dma_start3A_198] : memref<2x12500x128xi32, #tpu.memory_space<hbm>> -> memref<1x1x128xi32, #tpu.memory_space<hbm>>
        %dma_start3A_200 = tpu.memref_squeeze %dma_start3A_199 : memref<1x1x128xi32, #tpu.memory_space<hbm>> -> memref<1x128xi32, #tpu.memory_space<hbm>>
        tpu.enqueue_dma source(%dma_start3A_200 : memref<1x128xi32, #tpu.memory_space<hbm>>) target(%dma_start3A_197 : memref<1x128xi32, #tpu.memory_space<vmem>>) target_semaphore(%run_scoped3A_186 : memref<!tpu.dma_semaphore, #tpu.memory_space<semaphore_mem>>)
        %dma_wait3A_201 = arith.constant 0 : i32
        %dma_wait3A_202 = arith.constant 0 : i32
        %dma_wait3A_203 = tpu.memref_slice %arg7[%run_scoped3A_135, %dma_wait3A_201, %dma_wait3A_202] : memref<2x8x128xi32, #tpu.memory_space<vmem>> -> memref<1x1x128xi32, #tpu.memory_space<vmem>>
        %dma_wait3A_204 = tpu.memref_squeeze %dma_wait3A_203 : memref<1x1x128xi32, #tpu.memory_space<vmem>> -> memref<1x128xi32, #tpu.memory_space<vmem>>
        %dma_wait3A_205 = arith.constant 0 : i32
        %dma_wait3A_206 = tpu.memref_slice %arg2[%run_scoped3A_134, %add3A_133, %dma_wait3A_205] : memref<2x12500x128xi32, #tpu.memory_space<hbm>> -> memref<1x1x128xi32, #tpu.memory_space<hbm>>
        %dma_wait3A_207 = tpu.memref_squeeze %dma_wait3A_206 : memref<1x1x128xi32, #tpu.memory_space<hbm>> -> memref<1x128xi32, #tpu.memory_space<hbm>>
        %dma_wait3A_208 = arith.constant 0 : i32
        %dma_wait3A_209 = arith.constant 0 : i32
        %dma_wait3A_210 = tpu.memref_slice %arg7[%run_scoped3A_135, %dma_wait3A_208, %dma_wait3A_209] : memref<2x8x128xi32, #tpu.memory_space<vmem>> -> memref<1x1x128xi32, #tpu.memory_space<vmem>>
        %dma_wait3A_211 = tpu.memref_squeeze %dma_wait3A_210 : memref<1x1x128xi32, #tpu.memory_space<vmem>> -> memref<1x128xi32, #tpu.memory_space<vmem>>
        %dma_wait3A_212 = arith.constant 0 : i32
        %dma_wait3A_213 = tpu.memref_slice %arg2[%run_scoped3A_134, %add3A_133, %dma_wait3A_212] : memref<2x12500x128xi32, #tpu.memory_space<hbm>> -> memref<1x1x128xi32, #tpu.memory_space<hbm>>
        %dma_wait3A_214 = tpu.memref_squeeze %dma_wait3A_213 : memref<1x1x128xi32, #tpu.memory_space<hbm>> -> memref<1x128xi32, #tpu.memory_space<hbm>>
        tpu.wait_dma2 semaphore(%run_scoped3A_186 : memref<!tpu.dma_semaphore, #tpu.memory_space<semaphore_mem>>) src(%dma_wait3A_214 : memref<1x128xi32, #tpu.memory_space<hbm>>) dst(%dma_wait3A_211 : memref<1x128xi32, #tpu.memory_space<vmem>>)
        tpu.yield
      }) : () -> ()
      %dma_start3A = arith.constant 0 : i32
      %dma_start3A_136 = arith.constant 0 : i32
      %dma_start3A_137 = arith.constant 0 : i32
      %dma_start3A_138 = arith.constant 0 : i32
      %dma_start3A_139 = arith.constant 0 : i32
      %dma_start3A_140 = tpu.memref_slice %arg8[%dma_start3A_137, %dma_start3A_138, %dma_start3A_139] : memref<2x1024x8xf32, #tpu.memory_space<vmem>> -> memref<1x128x8xf32, #tpu.memory_space<vmem>>
      %dma_start3A_141 = tpu.memref_squeeze %dma_start3A_140 : memref<1x128x8xf32, #tpu.memory_space<vmem>> -> memref<128x8xf32, #tpu.memory_space<vmem>>
      %dma_start3A_142 = arith.constant 0 : i32
      %dma_start3A_143 = tpu.memref_slice %arg6[%dma_start3A, %dma_start3A_136, %dma_start3A_142] : memref<2x8x128xi32, #tpu.memory_space<vmem>> -> memref<1x1x128xi32, #tpu.memory_space<vmem>>
      %dma_start3A_144 = tpu.memref_squeeze %dma_start3A_143 : memref<1x1x128xi32, #tpu.memory_space<vmem>> -> memref<128xi32, #tpu.memory_space<vmem>>
      %dma_start3A_145 = arith.constant 0 : i32
      %dma_start3A_146 = arith.constant 0 : i32
      %dma_start3A_147 = tpu.memref_slice %arg9[%dma_start3A_145, %dma_start3A_146] : memref<100352x8xf32, #tpu.memory_space<vmem_shared>> -> memref<100352x8xf32, #tpu.memory_space<vmem_shared>>
      tpu.enqueue_indirect_dma source(%dma_start3A_147 : memref<100352x8xf32, #tpu.memory_space<vmem_shared>>) target(%dma_start3A_141 : memref<128x8xf32, #tpu.memory_space<vmem>>) offsets(%dma_start3A_144 : memref<128xi32, #tpu.memory_space<vmem>>) semaphore(%arg11 : memref<!tpu.dma_semaphore, #tpu.memory_space<semaphore_mem>>)
      %dma_wait3A = arith.constant 0 : i32
      %dma_wait3A_148 = arith.constant 0 : i32
      %dma_wait3A_149 = arith.constant 0 : i32
      %dma_wait3A_150 = arith.constant 0 : i32
      %dma_wait3A_151 = arith.constant 0 : i32
      %dma_wait3A_152 = tpu.memref_slice %arg8[%dma_wait3A_149, %dma_wait3A_150, %dma_wait3A_151] : memref<2x1024x8xf32, #tpu.memory_space<vmem>> -> memref<1x128x8xf32, #tpu.memory_space<vmem>>
      %dma_wait3A_153 = tpu.memref_squeeze %dma_wait3A_152 : memref<1x128x8xf32, #tpu.memory_space<vmem>> -> memref<128x8xf32, #tpu.memory_space<vmem>>
      %dma_wait3A_154 = arith.constant 0 : i32
      %dma_wait3A_155 = tpu.memref_slice %arg6[%dma_wait3A, %dma_wait3A_148, %dma_wait3A_154] : memref<2x8x128xi32, #tpu.memory_space<vmem>> -> memref<1x1x128xi32, #tpu.memory_space<vmem>>
      %dma_wait3A_156 = tpu.memref_squeeze %dma_wait3A_155 : memref<1x1x128xi32, #tpu.memory_space<vmem>> -> memref<128xi32, #tpu.memory_space<vmem>>
      %dma_wait3A_157 = arith.constant 0 : i32
      %dma_wait3A_158 = arith.constant 0 : i32
      %dma_wait3A_159 = tpu.memref_slice %arg9[%dma_wait3A_157, %dma_wait3A_158] : memref<100352x8xf32, #tpu.memory_space<vmem_shared>> -> memref<100352x8xf32, #tpu.memory_space<vmem_shared>>
      tpu.wait_indirect_dma semaphore(%arg11 : memref<!tpu.dma_semaphore, #tpu.memory_space<semaphore_mem>>) src(%dma_wait3A_159 : memref<100352x8xf32, #tpu.memory_space<vmem_shared>>) dst(%dma_wait3A_153 : memref<128x8xf32, #tpu.memory_space<vmem>>)
      %dma_start3A_160 = arith.constant 0 : i32
      %dma_start3A_161 = arith.constant 0 : i32
      %dma_start3A_162 = arith.constant 0 : i32
      %dma_start3A_163 = arith.constant 0 : i32
      %dma_start3A_164 = arith.constant 0 : i32
      %dma_start3A_165 = tpu.memref_slice %arg8[%dma_start3A_160, %dma_start3A_163, %dma_start3A_164] : memref<2x1024x8xf32, #tpu.memory_space<vmem>> -> memref<1x128x8xf32, #tpu.memory_space<vmem>>
      %dma_start3A_166 = tpu.memref_squeeze %dma_start3A_165 : memref<1x128x8xf32, #tpu.memory_space<vmem>> -> memref<128x8xf32, #tpu.memory_space<vmem>>
      %dma_start3A_167 = arith.constant 0 : i32
      %dma_start3A_168 = tpu.memref_slice %arg7[%dma_start3A_161, %dma_start3A_162, %dma_start3A_167] : memref<2x8x128xi32, #tpu.memory_space<vmem>> -> memref<1x1x128xi32, #tpu.memory_space<vmem>>
      %dma_start3A_169 = tpu.memref_squeeze %dma_start3A_168 : memref<1x1x128xi32, #tpu.memory_space<vmem>> -> memref<128xi32, #tpu.memory_space<vmem>>
      %dma_start3A_170 = arith.constant 0 : i32
      %dma_start3A_171 = arith.constant 0 : i32
      %dma_start3A_172 = tpu.memref_slice %arg10[%dma_start3A_170, %dma_start3A_171] : memref<100352x8xf32, #tpu.memory_space<vmem_shared>> -> memref<100352x8xf32, #tpu.memory_space<vmem_shared>>
      tpu.enqueue_indirect_dma source(%dma_start3A_166 : memref<128x8xf32, #tpu.memory_space<vmem>>) target(%dma_start3A_172 : memref<100352x8xf32, #tpu.memory_space<vmem_shared>>) offsets(%dma_start3A_169 : memref<128xi32, #tpu.memory_space<vmem>>) semaphore(%arg12 : memref<!tpu.dma_semaphore, #tpu.memory_space<semaphore_mem>>) {add = true}
      %dma_wait3A_173 = arith.constant 0 : i32
      %dma_wait3A_174 = arith.constant 0 : i32
      %dma_wait3A_175 = arith.constant 0 : i32
      %dma_wait3A_176 = arith.constant 0 : i32
      %dma_wait3A_177 = arith.constant 0 : i32
      %dma_wait3A_178 = tpu.memref_slice %arg8[%dma_wait3A_173, %dma_wait3A_176, %dma_wait3A_177] : memref<2x1024x8xf32, #tpu.memory_space<vmem>> -> memref<1x128x8xf32, #tpu.memory_space<vmem>>
      %dma_wait3A_179 = tpu.memref_squeeze %dma_wait3A_178 : memref<1x128x8xf32, #tpu.memory_space<vmem>> -> memref<128x8xf32, #tpu.memory_space<vmem>>
      %dma_wait3A_180 = arith.constant 0 : i32
      %dma_wait3A_181 = tpu.memref_slice %arg7[%dma_wait3A_174, %dma_wait3A_175, %dma_wait3A_180] : memref<2x8x128xi32, #tpu.memory_space<vmem>> -> memref<1x1x128xi32, #tpu.memory_space<vmem>>
      %dma_wait3A_182 = tpu.memref_squeeze %dma_wait3A_181 : memref<1x1x128xi32, #tpu.memory_space<vmem>> -> memref<128xi32, #tpu.memory_space<vmem>>
      %dma_wait3A_183 = arith.constant 0 : i32
      %dma_wait3A_184 = arith.constant 0 : i32
      %dma_wait3A_185 = tpu.memref_slice %arg10[%dma_wait3A_183, %dma_wait3A_184] : memref<100352x8xf32, #tpu.memory_space<vmem_shared>> -> memref<100352x8xf32, #tpu.memory_space<vmem_shared>>
      tpu.wait_indirect_dma semaphore(%arg12 : memref<!tpu.dma_semaphore, #tpu.memory_space<semaphore_mem>>) src(%dma_wait3A_179 : memref<128x8xf32, #tpu.memory_space<vmem>>) dst(%dma_wait3A_185 : memref<100352x8xf32, #tpu.memory_space<vmem_shared>>)
    }
    %while3A_118 = arith.constant 1 : i32
    scf.for %while3A_124 = %while3A_116 to %while3A_112 step %while3A_118  : i32 {
      %mul3A_125 = arith.constant 8 : i32
      %mul3A_126 = arith.muli %mul3A_125, %select_n3A_103 : i32
      %add3A_127 = arith.addi %select_n3A, %mul3A_126 : i32
      %add3A_128 = arith.addi %add3A_127, %while3A_124 : i32
      %run_scoped3A = arith.constant 0 : i32
      %run_scoped3A_129 = arith.constant 0 : i32
      "tpu.region"() ({
        %run_scoped3A_186 = tpu.sem_alloc : memref<!tpu.dma_semaphore, #tpu.memory_space<semaphore_mem>>
        %dma_start3A_187 = arith.constant 0 : i32
        %dma_start3A_188 = arith.constant 0 : i32
        %dma_start3A_189 = tpu.memref_slice %arg6[%run_scoped3A_129, %dma_start3A_187, %dma_start3A_188] : memref<2x8x128xi32, #tpu.memory_space<vmem>> -> memref<1x1x128xi32, #tpu.memory_space<vmem>>
        %dma_start3A_190 = tpu.memref_squeeze %dma_start3A_189 : memref<1x1x128xi32, #tpu.memory_space<vmem>> -> memref<1x128xi32, #tpu.memory_space<vmem>>
        %dma_start3A_191 = arith.constant 0 : i32
        %dma_start3A_192 = tpu.memref_slice %arg2[%run_scoped3A, %add3A_128, %dma_start3A_191] : memref<2x12500x128xi32, #tpu.memory_space<hbm>> -> memref<1x1x128xi32, #tpu.memory_space<hbm>>
        %dma_start3A_193 = tpu.memref_squeeze %dma_start3A_192 : memref<1x1x128xi32, #tpu.memory_space<hbm>> -> memref<1x128xi32, #tpu.memory_space<hbm>>
        %dma_start3A_194 = arith.constant 0 : i32
        %dma_start3A_195 = arith.constant 0 : i32
        %dma_start3A_196 = tpu.memref_slice %arg6[%run_scoped3A_129, %dma_start3A_194, %dma_start3A_195] : memref<2x8x128xi32, #tpu.memory_space<vmem>> -> memref<1x1x128xi32, #tpu.memory_space<vmem>>
        %dma_start3A_197 = tpu.memref_squeeze %dma_start3A_196 : memref<1x1x128xi32, #tpu.memory_space<vmem>> -> memref<1x128xi32, #tpu.memory_space<vmem>>
        %dma_start3A_198 = arith.constant 0 : i32
        %dma_start3A_199 = tpu.memref_slice %arg2[%run_scoped3A, %add3A_128, %dma_start3A_198] : memref<2x12500x128xi32, #tpu.memory_space<hbm>> -> memref<1x1x128xi32, #tpu.memory_space<hbm>>
        %dma_start3A_200 = tpu.memref_squeeze %dma_start3A_199 : memref<1x1x128xi32, #tpu.memory_space<hbm>> -> memref<1x128xi32, #tpu.memory_space<hbm>>
        tpu.enqueue_dma source(%dma_start3A_200 : memref<1x128xi32, #tpu.memory_space<hbm>>) target(%dma_start3A_197 : memref<1x128xi32, #tpu.memory_space<vmem>>) target_semaphore(%run_scoped3A_186 : memref<!tpu.dma_semaphore, #tpu.memory_space<semaphore_mem>>)
        %dma_wait3A_201 = arith.constant 0 : i32
        %dma_wait3A_202 = arith.constant 0 : i32
        %dma_wait3A_203 = tpu.memref_slice %arg6[%run_scoped3A_129, %dma_wait3A_201, %dma_wait3A_202] : memref<2x8x128xi32, #tpu.memory_space<vmem>> -> memref<1x1x128xi32, #tpu.memory_space<vmem>>
        %dma_wait3A_204 = tpu.memref_squeeze %dma_wait3A_203 : memref<1x1x128xi32, #tpu.memory_space<vmem>> -> memref<1x128xi32, #tpu.memory_space<vmem>>
        %dma_wait3A_205 = arith.constant 0 : i32
        %dma_wait3A_206 = tpu.memref_slice %arg2[%run_scoped3A, %add3A_128, %dma_wait3A_205] : memref<2x12500x128xi32, #tpu.memory_space<hbm>> -> memref<1x1x128xi32, #tpu.memory_space<hbm>>
        %dma_wait3A_207 = tpu.memref_squeeze %dma_wait3A_206 : memref<1x1x128xi32, #tpu.memory_space<hbm>> -> memref<1x128xi32, #tpu.memory_space<hbm>>
        %dma_wait3A_208 = arith.constant 0 : i32
        %dma_wait3A_209 = arith.constant 0 : i32
        %dma_wait3A_210 = tpu.memref_slice %arg6[%run_scoped3A_129, %dma_wait3A_208, %dma_wait3A_209] : memref<2x8x128xi32, #tpu.memory_space<vmem>> -> memref<1x1x128xi32, #tpu.memory_space<vmem>>
        %dma_wait3A_211 = tpu.memref_squeeze %dma_wait3A_210 : memref<1x1x128xi32, #tpu.memory_space<vmem>> -> memref<1x128xi32, #tpu.memory_space<vmem>>
        %dma_wait3A_212 = arith.constant 0 : i32
        %dma_wait3A_213 = tpu.memref_slice %arg2[%run_scoped3A, %add3A_128, %dma_wait3A_212] : memref<2x12500x128xi32, #tpu.memory_space<hbm>> -> memref<1x1x128xi32, #tpu.memory_space<hbm>>
        %dma_wait3A_214 = tpu.memref_squeeze %dma_wait3A_213 : memref<1x1x128xi32, #tpu.memory_space<hbm>> -> memref<1x128xi32, #tpu.memory_space<hbm>>
        tpu.wait_dma2 semaphore(%run_scoped3A_186 : memref<!tpu.dma_semaphore, #tpu.memory_space<semaphore_mem>>) src(%dma_wait3A_214 : memref<1x128xi32, #tpu.memory_space<hbm>>) dst(%dma_wait3A_211 : memref<1x128xi32, #tpu.memory_space<vmem>>)
        tpu.yield
      }) : () -> ()
      %mul3A_130 = arith.constant 8 : i32
      %mul3A_131 = arith.muli %mul3A_130, %select_n3A_103 : i32
      %add3A_132 = arith.addi %select_n3A, %mul3A_131 : i32
      %add3A_133 = arith.addi %add3A_132, %while3A_124 : i32
      %run_scoped3A_134 = arith.constant 1 : i32
      %run_scoped3A_135 = arith.constant 0 : i32
      "tpu.region"() ({
        %run_scoped3A_186 = tpu.sem_alloc : memref<!tpu.dma_semaphore, #tpu.memory_space<semaphore_mem>>
        %dma_start3A_187 = arith.constant 0 : i32
        %dma_start3A_188 = arith.constant 0 : i32
        %dma_start3A_189 = tpu.memref_slice %arg7[%run_scoped3A_135, %dma_start3A_187, %dma_start3A_188] : memref<2x8x128xi32, #tpu.memory_space<vmem>> -> memref<1x1x128xi32, #tpu.memory_space<vmem>>
        %dma_start3A_190 = tpu.memref_squeeze %dma_start3A_189 : memref<1x1x128xi32, #tpu.memory_space<vmem>> -> memref<1x128xi32, #tpu.memory_space<vmem>>
        %dma_start3A_191 = arith.constant 0 : i32
        %dma_start3A_192 = tpu.memref_slice %arg2[%run_scoped3A_134, %add3A_133, %dma_start3A_191] : memref<2x12500x128xi32, #tpu.memory_space<hbm>> -> memref<1x1x128xi32, #tpu.memory_space<hbm>>
        %dma_start3A_193 = tpu.memref_squeeze %dma_start3A_192 : memref<1x1x128xi32, #tpu.memory_space<hbm>> -> memref<1x128xi32, #tpu.memory_space<hbm>>
        %dma_start3A_194 = arith.constant 0 : i32
        %dma_start3A_195 = arith.constant 0 : i32
        %dma_start3A_196 = tpu.memref_slice %arg7[%run_scoped3A_135, %dma_start3A_194, %dma_start3A_195] : memref<2x8x128xi32, #tpu.memory_space<vmem>> -> memref<1x1x128xi32, #tpu.memory_space<vmem>>
        %dma_start3A_197 = tpu.memref_squeeze %dma_start3A_196 : memref<1x1x128xi32, #tpu.memory_space<vmem>> -> memref<1x128xi32, #tpu.memory_space<vmem>>
        %dma_start3A_198 = arith.constant 0 : i32
        %dma_start3A_199 = tpu.memref_slice %arg2[%run_scoped3A_134, %add3A_133, %dma_start3A_198] : memref<2x12500x128xi32, #tpu.memory_space<hbm>> -> memref<1x1x128xi32, #tpu.memory_space<hbm>>
        %dma_start3A_200 = tpu.memref_squeeze %dma_start3A_199 : memref<1x1x128xi32, #tpu.memory_space<hbm>> -> memref<1x128xi32, #tpu.memory_space<hbm>>
        tpu.enqueue_dma source(%dma_start3A_200 : memref<1x128xi32, #tpu.memory_space<hbm>>) target(%dma_start3A_197 : memref<1x128xi32, #tpu.memory_space<vmem>>) target_semaphore(%run_scoped3A_186 : memref<!tpu.dma_semaphore, #tpu.memory_space<semaphore_mem>>)
        %dma_wait3A_201 = arith.constant 0 : i32
        %dma_wait3A_202 = arith.constant 0 : i32
        %dma_wait3A_203 = tpu.memref_slice %arg7[%run_scoped3A_135, %dma_wait3A_201, %dma_wait3A_202] : memref<2x8x128xi32, #tpu.memory_space<vmem>> -> memref<1x1x128xi32, #tpu.memory_space<vmem>>
        %dma_wait3A_204 = tpu.memref_squeeze %dma_wait3A_203 : memref<1x1x128xi32, #tpu.memory_space<vmem>> -> memref<1x128xi32, #tpu.memory_space<vmem>>
        %dma_wait3A_205 = arith.constant 0 : i32
        %dma_wait3A_206 = tpu.memref_slice %arg2[%run_scoped3A_134, %add3A_133, %dma_wait3A_205] : memref<2x12500x128xi32, #tpu.memory_space<hbm>> -> memref<1x1x128xi32, #tpu.memory_space<hbm>>
        %dma_wait3A_207 = tpu.memref_squeeze %dma_wait3A_206 : memref<1x1x128xi32, #tpu.memory_space<hbm>> -> memref<1x128xi32, #tpu.memory_space<hbm>>
        %dma_wait3A_208 = arith.constant 0 : i32
        %dma_wait3A_209 = arith.constant 0 : i32
        %dma_wait3A_210 = tpu.memref_slice %arg7[%run_scoped3A_135, %dma_wait3A_208, %dma_wait3A_209] : memref<2x8x128xi32, #tpu.memory_space<vmem>> -> memref<1x1x128xi32, #tpu.memory_space<vmem>>
        %dma_wait3A_211 = tpu.memref_squeeze %dma_wait3A_210 : memref<1x1x128xi32, #tpu.memory_space<vmem>> -> memref<1x128xi32, #tpu.memory_space<vmem>>
        %dma_wait3A_212 = arith.constant 0 : i32
        %dma_wait3A_213 = tpu.memref_slice %arg2[%run_scoped3A_134, %add3A_133, %dma_wait3A_212] : memref<2x12500x128xi32, #tpu.memory_space<hbm>> -> memref<1x1x128xi32, #tpu.memory_space<hbm>>
        %dma_wait3A_214 = tpu.memref_squeeze %dma_wait3A_213 : memref<1x1x128xi32, #tpu.memory_space<hbm>> -> memref<1x128xi32, #tpu.memory_space<hbm>>
        tpu.wait_dma2 semaphore(%run_scoped3A_186 : memref<!tpu.dma_semaphore, #tpu.memory_space<semaphore_mem>>) src(%dma_wait3A_214 : memref<1x128xi32, #tpu.memory_space<hbm>>) dst(%dma_wait3A_211 : memref<1x128xi32, #tpu.memory_space<vmem>>)
        tpu.yield
      }) : () -> ()
      %dma_start3A = arith.constant 0 : i32
      %dma_start3A_136 = arith.constant 0 : i32
      %dma_start3A_137 = arith.constant 0 : i32
      %dma_start3A_138 = arith.constant 0 : i32
      %dma_start3A_139 = arith.constant 0 : i32
      %dma_start3A_140 = tpu.memref_slice %arg8[%dma_start3A_137, %dma_start3A_138, %dma_start3A_139] : memref<2x1024x8xf32, #tpu.memory_space<vmem>> -> memref<1x128x8xf32, #tpu.memory_space<vmem>>
      %dma_start3A_141 = tpu.memref_squeeze %dma_start3A_140 : memref<1x128x8xf32, #tpu.memory_space<vmem>> -> memref<128x8xf32, #tpu.memory_space<vmem>>
      %dma_start3A_142 = arith.constant 0 : i32
      %dma_start3A_143 = tpu.memref_slice %arg6[%dma_start3A, %dma_start3A_136, %dma_start3A_142] : memref<2x8x128xi32, #tpu.memory_space<vmem>> -> memref<1x1x128xi32, #tpu.memory_space<vmem>>
      %dma_start3A_144 = tpu.memref_squeeze %dma_start3A_143 : memref<1x1x128xi32, #tpu.memory_space<vmem>> -> memref<128xi32, #tpu.memory_space<vmem>>
      %dma_start3A_145 = arith.constant 0 : i32
      %dma_start3A_146 = arith.constant 0 : i32
      %dma_start3A_147 = tpu.memref_slice %arg9[%dma_start3A_145, %dma_start3A_146] : memref<100352x8xf32, #tpu.memory_space<vmem_shared>> -> memref<100352x8xf32, #tpu.memory_space<vmem_shared>>
      tpu.enqueue_indirect_dma source(%dma_start3A_147 : memref<100352x8xf32, #tpu.memory_space<vmem_shared>>) target(%dma_start3A_141 : memref<128x8xf32, #tpu.memory_space<vmem>>) offsets(%dma_start3A_144 : memref<128xi32, #tpu.memory_space<vmem>>) semaphore(%arg11 : memref<!tpu.dma_semaphore, #tpu.memory_space<semaphore_mem>>)
      %dma_wait3A = arith.constant 0 : i32
      %dma_wait3A_148 = arith.constant 0 : i32
      %dma_wait3A_149 = arith.constant 0 : i32
      %dma_wait3A_150 = arith.constant 0 : i32
      %dma_wait3A_151 = arith.constant 0 : i32
      %dma_wait3A_152 = tpu.memref_slice %arg8[%dma_wait3A_149, %dma_wait3A_150, %dma_wait3A_151] : memref<2x1024x8xf32, #tpu.memory_space<vmem>> -> memref<1x128x8xf32, #tpu.memory_space<vmem>>
      %dma_wait3A_153 = tpu.memref_squeeze %dma_wait3A_152 : memref<1x128x8xf32, #tpu.memory_space<vmem>> -> memref<128x8xf32, #tpu.memory_space<vmem>>
      %dma_wait3A_154 = arith.constant 0 : i32
      %dma_wait3A_155 = tpu.memref_slice %arg6[%dma_wait3A, %dma_wait3A_148, %dma_wait3A_154] : memref<2x8x128xi32, #tpu.memory_space<vmem>> -> memref<1x1x128xi32, #tpu.memory_space<vmem>>
      %dma_wait3A_156 = tpu.memref_squeeze %dma_wait3A_155 : memref<1x1x128xi32, #tpu.memory_space<vmem>> -> memref<128xi32, #tpu.memory_space<vmem>>
      %dma_wait3A_157 = arith.constant 0 : i32
      %dma_wait3A_158 = arith.constant 0 : i32
      %dma_wait3A_159 = tpu.memref_slice %arg9[%dma_wait3A_157, %dma_wait3A_158] : memref<100352x8xf32, #tpu.memory_space<vmem_shared>> -> memref<100352x8xf32, #tpu.memory_space<vmem_shared>>
      tpu.wait_indirect_dma semaphore(%arg11 : memref<!tpu.dma_semaphore, #tpu.memory_space<semaphore_mem>>) src(%dma_wait3A_159 : memref<100352x8xf32, #tpu.memory_space<vmem_shared>>) dst(%dma_wait3A_153 : memref<128x8xf32, #tpu.memory_space<vmem>>)
      %dma_start3A_160 = arith.constant 0 : i32
      %dma_start3A_161 = arith.constant 0 : i32
      %dma_start3A_162 = arith.constant 0 : i32
      %dma_start3A_163 = arith.constant 0 : i32
      %dma_start3A_164 = arith.constant 0 : i32
      %dma_start3A_165 = tpu.memref_slice %arg8[%dma_start3A_160, %dma_start3A_163, %dma_start3A_164] : memref<2x1024x8xf32, #tpu.memory_space<vmem>> -> memref<1x128x8xf32, #tpu.memory_space<vmem>>
      %dma_start3A_166 = tpu.memref_squeeze %dma_start3A_165 : memref<1x128x8xf32, #tpu.memory_space<vmem>> -> memref<128x8xf32, #tpu.memory_space<vmem>>
      %dma_start3A_167 = arith.constant 0 : i32
      %dma_start3A_168 = tpu.memref_slice %arg7[%dma_start3A_161, %dma_start3A_162, %dma_start3A_167] : memref<2x8x128xi32, #tpu.memory_space<vmem>> -> memref<1x1x128xi32, #tpu.memory_space<vmem>>
      %dma_start3A_169 = tpu.memref_squeeze %dma_start3A_168 : memref<1x1x128xi32, #tpu.memory_space<vmem>> -> memref<128xi32, #tpu.memory_space<vmem>>
      %dma_start3A_170 = arith.constant 0 : i32
      %dma_start3A_171 = arith.constant 0 : i32
      %dma_start3A_172 = tpu.memref_slice %arg10[%dma_start3A_170, %dma_start3A_171] : memref<100352x8xf32, #tpu.memory_space<vmem_shared>> -> memref<100352x8xf32, #tpu.memory_space<vmem_shared>>
      tpu.enqueue_indirect_dma source(%dma_start3A_166 : memref<128x8xf32, #tpu.memory_space<vmem>>) target(%dma_start3A_172 : memref<100352x8xf32, #tpu.memory_space<vmem_shared>>) offsets(%dma_start3A_169 : memref<128xi32, #tpu.memory_space<vmem>>) semaphore(%arg12 : memref<!tpu.dma_semaphore, #tpu.memory_space<semaphore_mem>>) {add = true}
      %dma_wait3A_173 = arith.constant 0 : i32
      %dma_wait3A_174 = arith.constant 0 : i32
      %dma_wait3A_175 = arith.constant 0 : i32
      %dma_wait3A_176 = arith.constant 0 : i32
      %dma_wait3A_177 = arith.constant 0 : i32
      %dma_wait3A_178 = tpu.memref_slice %arg8[%dma_wait3A_173, %dma_wait3A_176, %dma_wait3A_177] : memref<2x1024x8xf32, #tpu.memory_space<vmem>> -> memref<1x128x8xf32, #tpu.memory_space<vmem>>
      %dma_wait3A_179 = tpu.memref_squeeze %dma_wait3A_178 : memref<1x128x8xf32, #tpu.memory_space<vmem>> -> memref<128x8xf32, #tpu.memory_space<vmem>>
      %dma_wait3A_180 = arith.constant 0 : i32
      %dma_wait3A_181 = tpu.memref_slice %arg7[%dma_wait3A_174, %dma_wait3A_175, %dma_wait3A_180] : memref<2x8x128xi32, #tpu.memory_space<vmem>> -> memref<1x1x128xi32, #tpu.memory_space<vmem>>
      %dma_wait3A_182 = tpu.memref_squeeze %dma_wait3A_181 : memref<1x1x128xi32, #tpu.memory_space<vmem>> -> memref<128xi32, #tpu.memory_space<vmem>>
      %dma_wait3A_183 = arith.constant 0 : i32
      %dma_wait3A_184 = arith.constant 0 : i32
      %dma_wait3A_185 = tpu.memref_slice %arg10[%dma_wait3A_183, %dma_wait3A_184] : memref<100352x8xf32, #tpu.memory_space<vmem_shared>> -> memref<100352x8xf32, #tpu.memory_space<vmem_shared>>
      tpu.wait_indirect_dma semaphore(%arg12 : memref<!tpu.dma_semaphore, #tpu.memory_space<semaphore_mem>>) src(%dma_wait3A_179 : memref<128x8xf32, #tpu.memory_space<vmem>>) dst(%dma_wait3A_185 : memref<100352x8xf32, #tpu.memory_space<vmem_shared>>)
    }
    %barrier3A_119 = arith.constant 0 : index
    tpu.barrier barrier_id(%barrier3A_119)
    %mul3A_120 = arith.constant 6272 : i32
    %mul3A_121 = arith.muli %arg1, %mul3A_120 : i32
    %mul3A_122 = arith.constant 6272 : i32
    %mul3A_123 = arith.muli %arg1, %mul3A_122 : i32
    "tpu.region"() ({
      %run_scoped3A = tpu.sem_alloc : memref<!tpu.dma_semaphore, #tpu.memory_space<semaphore_mem>>
      %dma_start3A = arith.constant 0 : i32
      %dma_start3A_124 = tpu.memref_slice %arg5[%arg0, %mul3A_123, %dma_start3A] : memref<2x100352x8xf32, #tpu.memory_space<hbm>> -> memref<1x6272x8xf32, #tpu.memory_space<hbm>>
      %dma_start3A_125 = tpu.memref_squeeze %dma_start3A_124 : memref<1x6272x8xf32, #tpu.memory_space<hbm>> -> memref<6272x8xf32, #tpu.memory_space<hbm>>
      %dma_start3A_126 = arith.constant 0 : i32
      %dma_start3A_127 = tpu.memref_slice %arg10[%mul3A_121, %dma_start3A_126] : memref<100352x8xf32, #tpu.memory_space<vmem_shared>> -> memref<6272x8xf32, #tpu.memory_space<vmem_shared>>
      tpu.enqueue_dma source(%dma_start3A_127 : memref<6272x8xf32, #tpu.memory_space<vmem_shared>>) target(%dma_start3A_125 : memref<6272x8xf32, #tpu.memory_space<hbm>>) target_semaphore(%run_scoped3A : memref<!tpu.dma_semaphore, #tpu.memory_space<semaphore_mem>>)
      %dma_wait3A = arith.constant 0 : i32
      %dma_wait3A_128 = tpu.memref_slice %arg5[%arg0, %mul3A_123, %dma_wait3A] : memref<2x100352x8xf32, #tpu.memory_space<hbm>> -> memref<1x6272x8xf32, #tpu.memory_space<hbm>>
      %dma_wait3A_129 = tpu.memref_squeeze %dma_wait3A_128 : memref<1x6272x8xf32, #tpu.memory_space<hbm>> -> memref<6272x8xf32, #tpu.memory_space<hbm>>
      %dma_wait3A_130 = arith.constant 0 : i32
      %dma_wait3A_131 = tpu.memref_slice %arg10[%mul3A_121, %dma_wait3A_130] : memref<100352x8xf32, #tpu.memory_space<vmem_shared>> -> memref<6272x8xf32, #tpu.memory_space<vmem_shared>>
      tpu.wait_dma2 semaphore(%run_scoped3A : memref<!tpu.dma_semaphore, #tpu.memory_space<semaphore_mem>>) src(%dma_wait3A_131 : memref<6272x8xf32, #tpu.memory_space<vmem_shared>>) dst(%dma_wait3A_129 : memref<6272x8xf32, #tpu.memory_space<hbm>>)
      tpu.yield
    }) : () -> ()
    return
  }
}

#map = affine_map<(d0, d1) -> (0, 0, 0)>
#map1 = affine_map<(d0, d1) -> (0)>
module attributes {stable_mosaic.version = 14 : i64} {
  func.func @_deg_body(%arg0: i32, %arg1: i32, %arg2: memref<2x12500x128xi32, #tpu.memory_space<hbm>>, %arg3: memref<128xf32, #tpu.memory_space<hbm>>, %arg4: memref<6272xf32, #tpu.memory_space<hbm>>, %arg5: memref<100352xf32, #tpu.memory_space<hbm>>, %arg6: memref<2x8x128xi32, #tpu.memory_space<vmem>>, %arg7: memref<128xf32, #tpu.memory_space<vmem>>, %arg8: memref<100352xf32, #tpu.memory_space<vmem_shared>>, %arg9: memref<!tpu.dma_semaphore, #tpu.memory_space<semaphore_mem>>) attributes {dimension_semantics = [#tpu.dimension_semantics<core_parallel>, #tpu.dimension_semantics<subcore_parallel>], iteration_bounds = array<i64: 2, 16>, scalar_prefetch = 0 : i64, scratch_operands = 4 : i64, tpu.core_type = #tpu.core_type<sc_vector_subcore>, window_params = [{transform_indices = #map}, {transform_indices = #map1}, {transform_indices = #map1}, {transform_indices = #map1}]} {
    "tpu.region"() ({
      %run_scoped3A = tpu.sem_alloc : memref<!tpu.dma_semaphore, #tpu.memory_space<semaphore_mem>>
      tpu.enqueue_dma source(%arg3 : memref<128xf32, #tpu.memory_space<hbm>>) target(%arg7 : memref<128xf32, #tpu.memory_space<vmem>>) target_semaphore(%run_scoped3A : memref<!tpu.dma_semaphore, #tpu.memory_space<semaphore_mem>>)
      tpu.wait_dma2 semaphore(%run_scoped3A : memref<!tpu.dma_semaphore, #tpu.memory_space<semaphore_mem>>) src(%arg3 : memref<128xf32, #tpu.memory_space<hbm>>) dst(%arg7 : memref<128xf32, #tpu.memory_space<vmem>>)
      tpu.yield
    }) : () -> ()
    %mul3A = arith.constant 6272 : i32
    %mul3A_0 = arith.muli %arg1, %mul3A : i32
    "tpu.region"() ({
      %run_scoped3A = tpu.sem_alloc : memref<!tpu.dma_semaphore, #tpu.memory_space<semaphore_mem>>
      %dma_start3A = tpu.memref_slice %arg8[%mul3A_0] : memref<100352xf32, #tpu.memory_space<vmem_shared>> -> memref<6272xf32, #tpu.memory_space<vmem_shared>>
      tpu.enqueue_dma source(%arg4 : memref<6272xf32, #tpu.memory_space<hbm>>) target(%dma_start3A : memref<6272xf32, #tpu.memory_space<vmem_shared>>) target_semaphore(%run_scoped3A : memref<!tpu.dma_semaphore, #tpu.memory_space<semaphore_mem>>)
      %dma_wait3A = tpu.memref_slice %arg8[%mul3A_0] : memref<100352xf32, #tpu.memory_space<vmem_shared>> -> memref<6272xf32, #tpu.memory_space<vmem_shared>>
      tpu.wait_dma2 semaphore(%run_scoped3A : memref<!tpu.dma_semaphore, #tpu.memory_space<semaphore_mem>>) src(%arg4 : memref<6272xf32, #tpu.memory_space<hbm>>) dst(%dma_wait3A : memref<6272xf32, #tpu.memory_space<vmem_shared>>)
      tpu.yield
    }) : () -> ()
    %barrier3A = arith.constant 0 : index
    tpu.barrier barrier_id(%barrier3A)
    %mul3A_1 = arith.constant 12500 : i32
    %mul3A_2 = arith.muli %mul3A_1, %arg1 : i32
    %jit3A = arith.constant 16 : i32
    %div3A = arith.divsi %mul3A_2, %jit3A : i32
    %sign3A = arith.constant 0 : i32
    %sign3A_3 = arith.cmpi sgt, %mul3A_2, %sign3A : i32
    %sign3A_4 = arith.extui %sign3A_3 : i1 to i32
    %sign3A_5 = arith.constant 0 : i32
    %sign3A_6 = arith.cmpi slt, %mul3A_2, %sign3A_5 : i32
    %sign3A_7 = arith.extui %sign3A_6 : i1 to i32
    %sign3A_8 = arith.subi %sign3A_4, %sign3A_7 : i32
    %sign3A_9 = arith.constant 0 : i32
    %sign3A_10 = arith.cmpi sgt, %jit3A, %sign3A_9 : i32
    %sign3A_11 = arith.extui %sign3A_10 : i1 to i32
    %sign3A_12 = arith.constant 0 : i32
    %sign3A_13 = arith.cmpi slt, %jit3A, %sign3A_12 : i32
    %sign3A_14 = arith.extui %sign3A_13 : i1 to i32
    %sign3A_15 = arith.subi %sign3A_11, %sign3A_14 : i32
    %ne3A = arith.cmpi ne, %sign3A_8, %sign3A_15 : i32
    %rem3A = arith.remsi %mul3A_2, %jit3A : i32
    %ne3A_16 = arith.constant 0 : i32
    %ne3A_17 = arith.cmpi ne, %rem3A, %ne3A_16 : i32
    %and3A = arith.andi %ne3A, %ne3A_17 : i1
    %sub3A = arith.constant 1 : i32
    %sub3A_18 = arith.subi %div3A, %sub3A : i32
    %select_n3A = arith.select %and3A, %sub3A_18, %div3A : i32
    %add3A = arith.constant 1 : i32
    %add3A_19 = arith.addi %arg1, %add3A : i32
    %mul3A_20 = arith.constant 12500 : i32
    %mul3A_21 = arith.muli %mul3A_20, %add3A_19 : i32
    %jit3A_22 = arith.constant 16 : i32
    %div3A_23 = arith.divsi %mul3A_21, %jit3A_22 : i32
    %sign3A_24 = arith.constant 0 : i32
    %sign3A_25 = arith.cmpi sgt, %mul3A_21, %sign3A_24 : i32
    %sign3A_26 = arith.extui %sign3A_25 : i1 to i32
    %sign3A_27 = arith.constant 0 : i32
    %sign3A_28 = arith.cmpi slt, %mul3A_21, %sign3A_27 : i32
    %sign3A_29 = arith.extui %sign3A_28 : i1 to i32
    %sign3A_30 = arith.subi %sign3A_26, %sign3A_29 : i32
    %sign3A_31 = arith.constant 0 : i32
    %sign3A_32 = arith.cmpi sgt, %jit3A_22, %sign3A_31 : i32
    %sign3A_33 = arith.extui %sign3A_32 : i1 to i32
    %sign3A_34 = arith.constant 0 : i32
    %sign3A_35 = arith.cmpi slt, %jit3A_22, %sign3A_34 : i32
    %sign3A_36 = arith.extui %sign3A_35 : i1 to i32
    %sign3A_37 = arith.subi %sign3A_33, %sign3A_36 : i32
    %ne3A_38 = arith.cmpi ne, %sign3A_30, %sign3A_37 : i32
    %rem3A_39 = arith.remsi %mul3A_21, %jit3A_22 : i32
    %ne3A_40 = arith.constant 0 : i32
    %ne3A_41 = arith.cmpi ne, %rem3A_39, %ne3A_40 : i32
    %and3A_42 = arith.andi %ne3A_38, %ne3A_41 : i1
    %sub3A_43 = arith.constant 1 : i32
    %sub3A_44 = arith.subi %div3A_23, %sub3A_43 : i32
    %select_n3A_45 = arith.select %and3A_42, %sub3A_44, %div3A_23 : i32
    %sub3A_46 = arith.subi %select_n3A_45, %select_n3A : i32
    %jit3A_47 = arith.constant 8 : i32
    %div3A_48 = arith.divsi %sub3A_46, %jit3A_47 : i32
    %sign3A_49 = arith.constant 0 : i32
    %sign3A_50 = arith.cmpi sgt, %sub3A_46, %sign3A_49 : i32
    %sign3A_51 = arith.extui %sign3A_50 : i1 to i32
    %sign3A_52 = arith.constant 0 : i32
    %sign3A_53 = arith.cmpi slt, %sub3A_46, %sign3A_52 : i32
    %sign3A_54 = arith.extui %sign3A_53 : i1 to i32
    %sign3A_55 = arith.subi %sign3A_51, %sign3A_54 : i32
    %sign3A_56 = arith.constant 0 : i32
    %sign3A_57 = arith.cmpi sgt, %jit3A_47, %sign3A_56 : i32
    %sign3A_58 = arith.extui %sign3A_57 : i1 to i32
    %sign3A_59 = arith.constant 0 : i32
    %sign3A_60 = arith.cmpi slt, %jit3A_47, %sign3A_59 : i32
    %sign3A_61 = arith.extui %sign3A_60 : i1 to i32
    %sign3A_62 = arith.subi %sign3A_58, %sign3A_61 : i32
    %ne3A_63 = arith.cmpi ne, %sign3A_55, %sign3A_62 : i32
    %rem3A_64 = arith.remsi %sub3A_46, %jit3A_47 : i32
    %ne3A_65 = arith.constant 0 : i32
    %ne3A_66 = arith.cmpi ne, %rem3A_64, %ne3A_65 : i32
    %and3A_67 = arith.andi %ne3A_63, %ne3A_66 : i1
    %sub3A_68 = arith.constant 1 : i32
    %sub3A_69 = arith.subi %div3A_48, %sub3A_68 : i32
    %select_n3A_70 = arith.select %and3A_67, %sub3A_69, %div3A_48 : i32
    %gt3A = arith.constant 0 : i32
    %gt3A_71 = arith.cmpi sgt, %select_n3A_70, %gt3A : i32
    %convert_element_type3A = arith.extui %gt3A_71 : i1 to i32
    %cond3A = arith.constant 0 : i32
    %cond3A_72 = arith.cmpi ne, %convert_element_type3A, %cond3A : i32
    scf.if %cond3A_72 {
      %run_scoped3A = arith.constant 1 : i32
      %run_scoped3A_91 = arith.constant 0 : i32
      "tpu.region"() ({
        %run_scoped3A_102 = tpu.sem_alloc : memref<!tpu.dma_semaphore, #tpu.memory_space<semaphore_mem>>
        %dma_start3A = arith.constant 0 : i32
        %dma_start3A_103 = arith.constant 0 : i32
        %dma_start3A_104 = tpu.memref_slice %arg6[%run_scoped3A_91, %dma_start3A, %dma_start3A_103] : memref<2x8x128xi32, #tpu.memory_space<vmem>> -> memref<1x8x128xi32, #tpu.memory_space<vmem>>
        %dma_start3A_105 = tpu.memref_squeeze %dma_start3A_104 : memref<1x8x128xi32, #tpu.memory_space<vmem>> -> memref<8x128xi32, #tpu.memory_space<vmem>>
        %dma_start3A_106 = arith.constant 0 : i32
        %dma_start3A_107 = tpu.memref_slice %arg2[%run_scoped3A, %select_n3A, %dma_start3A_106] : memref<2x12500x128xi32, #tpu.memory_space<hbm>> -> memref<1x8x128xi32, #tpu.memory_space<hbm>>
        %dma_start3A_108 = tpu.memref_squeeze %dma_start3A_107 : memref<1x8x128xi32, #tpu.memory_space<hbm>> -> memref<8x128xi32, #tpu.memory_space<hbm>>
        %dma_start3A_109 = arith.constant 0 : i32
        %dma_start3A_110 = arith.constant 0 : i32
        %dma_start3A_111 = tpu.memref_slice %arg6[%run_scoped3A_91, %dma_start3A_109, %dma_start3A_110] : memref<2x8x128xi32, #tpu.memory_space<vmem>> -> memref<1x8x128xi32, #tpu.memory_space<vmem>>
        %dma_start3A_112 = tpu.memref_squeeze %dma_start3A_111 : memref<1x8x128xi32, #tpu.memory_space<vmem>> -> memref<8x128xi32, #tpu.memory_space<vmem>>
        %dma_start3A_113 = arith.constant 0 : i32
        %dma_start3A_114 = tpu.memref_slice %arg2[%run_scoped3A, %select_n3A, %dma_start3A_113] : memref<2x12500x128xi32, #tpu.memory_space<hbm>> -> memref<1x8x128xi32, #tpu.memory_space<hbm>>
        %dma_start3A_115 = tpu.memref_squeeze %dma_start3A_114 : memref<1x8x128xi32, #tpu.memory_space<hbm>> -> memref<8x128xi32, #tpu.memory_space<hbm>>
        tpu.enqueue_dma source(%dma_start3A_115 : memref<8x128xi32, #tpu.memory_space<hbm>>) target(%dma_start3A_112 : memref<8x128xi32, #tpu.memory_space<vmem>>) target_semaphore(%run_scoped3A_102 : memref<!tpu.dma_semaphore, #tpu.memory_space<semaphore_mem>>)
        %dma_wait3A = arith.constant 0 : i32
        %dma_wait3A_116 = arith.constant 0 : i32
        %dma_wait3A_117 = tpu.memref_slice %arg6[%run_scoped3A_91, %dma_wait3A, %dma_wait3A_116] : memref<2x8x128xi32, #tpu.memory_space<vmem>> -> memref<1x8x128xi32, #tpu.memory_space<vmem>>
        %dma_wait3A_118 = tpu.memref_squeeze %dma_wait3A_117 : memref<1x8x128xi32, #tpu.memory_space<vmem>> -> memref<8x128xi32, #tpu.memory_space<vmem>>
        %dma_wait3A_119 = arith.constant 0 : i32
        %dma_wait3A_120 = tpu.memref_slice %arg2[%run_scoped3A, %select_n3A, %dma_wait3A_119] : memref<2x12500x128xi32, #tpu.memory_space<hbm>> -> memref<1x8x128xi32, #tpu.memory_space<hbm>>
        %dma_wait3A_121 = tpu.memref_squeeze %dma_wait3A_120 : memref<1x8x128xi32, #tpu.memory_space<hbm>> -> memref<8x128xi32, #tpu.memory_space<hbm>>
        %dma_wait3A_122 = arith.constant 0 : i32
        %dma_wait3A_123 = arith.constant 0 : i32
        %dma_wait3A_124 = tpu.memref_slice %arg6[%run_scoped3A_91, %dma_wait3A_122, %dma_wait3A_123] : memref<2x8x128xi32, #tpu.memory_space<vmem>> -> memref<1x8x128xi32, #tpu.memory_space<vmem>>
        %dma_wait3A_125 = tpu.memref_squeeze %dma_wait3A_124 : memref<1x8x128xi32, #tpu.memory_space<vmem>> -> memref<8x128xi32, #tpu.memory_space<vmem>>
        %dma_wait3A_126 = arith.constant 0 : i32
        %dma_wait3A_127 = tpu.memref_slice %arg2[%run_scoped3A, %select_n3A, %dma_wait3A_126] : memref<2x12500x128xi32, #tpu.memory_space<hbm>> -> memref<1x8x128xi32, #tpu.memory_space<hbm>>
        %dma_wait3A_128 = tpu.memref_squeeze %dma_wait3A_127 : memref<1x8x128xi32, #tpu.memory_space<hbm>> -> memref<8x128xi32, #tpu.memory_space<hbm>>
        tpu.wait_dma2 semaphore(%run_scoped3A_102 : memref<!tpu.dma_semaphore, #tpu.memory_space<semaphore_mem>>) src(%dma_wait3A_128 : memref<8x128xi32, #tpu.memory_space<hbm>>) dst(%dma_wait3A_125 : memref<8x128xi32, #tpu.memory_space<vmem>>)
        tpu.yield
      }) : () -> ()
      %while3A_92 = arith.constant 0 : i32
      %while3A_93 = arith.constant 0 : i32
      %while3A_94 = arith.subi %select_n3A_70, %while3A_93 : i32
      %while3A_95 = arith.addi %while3A_93, %while3A_94 : i32
      %while3A_96 = arith.constant 1 : i32
      %while3A_97 = arith.divsi %while3A_94, %while3A_96 : i32
      %while3A_98 = arith.muli %while3A_97, %while3A_96 : i32
      %while3A_99 = arith.addi %while3A_93, %while3A_98 : i32
      %while3A_100 = arith.constant 1 : i32
      scf.for %while3A_102 = %while3A_93 to %while3A_99 step %while3A_100  : i32 {
        %rem3A_103 = arith.constant 2 : i32
        %rem3A_104 = arith.remsi %while3A_102, %rem3A_103 : i32
        %dma_start3A = arith.constant 0 : i32
        %dma_start3A_105 = arith.constant 0 : i32
        %dma_start3A_106 = tpu.memref_slice %arg6[%rem3A_104, %dma_start3A, %dma_start3A_105] : memref<2x8x128xi32, #tpu.memory_space<vmem>> -> memref<1x1x128xi32, #tpu.memory_space<vmem>>
        %dma_start3A_107 = tpu.memref_squeeze %dma_start3A_106 : memref<1x1x128xi32, #tpu.memory_space<vmem>> -> memref<128xi32, #tpu.memory_space<vmem>>
        %dma_start3A_108 = arith.constant 0 : i32
        %dma_start3A_109 = tpu.memref_slice %arg8[%dma_start3A_108] : memref<100352xf32, #tpu.memory_space<vmem_shared>> -> memref<100352xf32, #tpu.memory_space<vmem_shared>>
        tpu.enqueue_indirect_dma source(%arg7 : memref<128xf32, #tpu.memory_space<vmem>>) target(%dma_start3A_109 : memref<100352xf32, #tpu.memory_space<vmem_shared>>) offsets(%dma_start3A_107 : memref<128xi32, #tpu.memory_space<vmem>>) semaphore(%arg9 : memref<!tpu.dma_semaphore, #tpu.memory_space<semaphore_mem>>) {add = true}
        %dma_start3A_110 = arith.constant 1 : i32
        %dma_start3A_111 = arith.constant 0 : i32
        %dma_start3A_112 = tpu.memref_slice %arg6[%rem3A_104, %dma_start3A_110, %dma_start3A_111] : memref<2x8x128xi32, #tpu.memory_space<vmem>> -> memref<1x1x128xi32, #tpu.memory_space<vmem>>
        %dma_start3A_113 = tpu.memref_squeeze %dma_start3A_112 : memref<1x1x128xi32, #tpu.memory_space<vmem>> -> memref<128xi32, #tpu.memory_space<vmem>>
        %dma_start3A_114 = arith.constant 0 : i32
        %dma_start3A_115 = tpu.memref_slice %arg8[%dma_start3A_114] : memref<100352xf32, #tpu.memory_space<vmem_shared>> -> memref<100352xf32, #tpu.memory_space<vmem_shared>>
        tpu.enqueue_indirect_dma source(%arg7 : memref<128xf32, #tpu.memory_space<vmem>>) target(%dma_start3A_115 : memref<100352xf32, #tpu.memory_space<vmem_shared>>) offsets(%dma_start3A_113 : memref<128xi32, #tpu.memory_space<vmem>>) semaphore(%arg9 : memref<!tpu.dma_semaphore, #tpu.memory_space<semaphore_mem>>) {add = true}
        %dma_start3A_116 = arith.constant 2 : i32
        %dma_start3A_117 = arith.constant 0 : i32
        %dma_start3A_118 = tpu.memref_slice %arg6[%rem3A_104, %dma_start3A_116, %dma_start3A_117] : memref<2x8x128xi32, #tpu.memory_space<vmem>> -> memref<1x1x128xi32, #tpu.memory_space<vmem>>
        %dma_start3A_119 = tpu.memref_squeeze %dma_start3A_118 : memref<1x1x128xi32, #tpu.memory_space<vmem>> -> memref<128xi32, #tpu.memory_space<vmem>>
        %dma_start3A_120 = arith.constant 0 : i32
        %dma_start3A_121 = tpu.memref_slice %arg8[%dma_start3A_120] : memref<100352xf32, #tpu.memory_space<vmem_shared>> -> memref<100352xf32, #tpu.memory_space<vmem_shared>>
        tpu.enqueue_indirect_dma source(%arg7 : memref<128xf32, #tpu.memory_space<vmem>>) target(%dma_start3A_121 : memref<100352xf32, #tpu.memory_space<vmem_shared>>) offsets(%dma_start3A_119 : memref<128xi32, #tpu.memory_space<vmem>>) semaphore(%arg9 : memref<!tpu.dma_semaphore, #tpu.memory_space<semaphore_mem>>) {add = true}
        %dma_start3A_122 = arith.constant 3 : i32
        %dma_start3A_123 = arith.constant 0 : i32
        %dma_start3A_124 = tpu.memref_slice %arg6[%rem3A_104, %dma_start3A_122, %dma_start3A_123] : memref<2x8x128xi32, #tpu.memory_space<vmem>> -> memref<1x1x128xi32, #tpu.memory_space<vmem>>
        %dma_start3A_125 = tpu.memref_squeeze %dma_start3A_124 : memref<1x1x128xi32, #tpu.memory_space<vmem>> -> memref<128xi32, #tpu.memory_space<vmem>>
        %dma_start3A_126 = arith.constant 0 : i32
        %dma_start3A_127 = tpu.memref_slice %arg8[%dma_start3A_126] : memref<100352xf32, #tpu.memory_space<vmem_shared>> -> memref<100352xf32, #tpu.memory_space<vmem_shared>>
        tpu.enqueue_indirect_dma source(%arg7 : memref<128xf32, #tpu.memory_space<vmem>>) target(%dma_start3A_127 : memref<100352xf32, #tpu.memory_space<vmem_shared>>) offsets(%dma_start3A_125 : memref<128xi32, #tpu.memory_space<vmem>>) semaphore(%arg9 : memref<!tpu.dma_semaphore, #tpu.memory_space<semaphore_mem>>) {add = true}
        %dma_start3A_128 = arith.constant 4 : i32
        %dma_start3A_129 = arith.constant 0 : i32
        %dma_start3A_130 = tpu.memref_slice %arg6[%rem3A_104, %dma_start3A_128, %dma_start3A_129] : memref<2x8x128xi32, #tpu.memory_space<vmem>> -> memref<1x1x128xi32, #tpu.memory_space<vmem>>
        %dma_start3A_131 = tpu.memref_squeeze %dma_start3A_130 : memref<1x1x128xi32, #tpu.memory_space<vmem>> -> memref<128xi32, #tpu.memory_space<vmem>>
        %dma_start3A_132 = arith.constant 0 : i32
        %dma_start3A_133 = tpu.memref_slice %arg8[%dma_start3A_132] : memref<100352xf32, #tpu.memory_space<vmem_shared>> -> memref<100352xf32, #tpu.memory_space<vmem_shared>>
        tpu.enqueue_indirect_dma source(%arg7 : memref<128xf32, #tpu.memory_space<vmem>>) target(%dma_start3A_133 : memref<100352xf32, #tpu.memory_space<vmem_shared>>) offsets(%dma_start3A_131 : memref<128xi32, #tpu.memory_space<vmem>>) semaphore(%arg9 : memref<!tpu.dma_semaphore, #tpu.memory_space<semaphore_mem>>) {add = true}
        %dma_start3A_134 = arith.constant 5 : i32
        %dma_start3A_135 = arith.constant 0 : i32
        %dma_start3A_136 = tpu.memref_slice %arg6[%rem3A_104, %dma_start3A_134, %dma_start3A_135] : memref<2x8x128xi32, #tpu.memory_space<vmem>> -> memref<1x1x128xi32, #tpu.memory_space<vmem>>
        %dma_start3A_137 = tpu.memref_squeeze %dma_start3A_136 : memref<1x1x128xi32, #tpu.memory_space<vmem>> -> memref<128xi32, #tpu.memory_space<vmem>>
        %dma_start3A_138 = arith.constant 0 : i32
        %dma_start3A_139 = tpu.memref_slice %arg8[%dma_start3A_138] : memref<100352xf32, #tpu.memory_space<vmem_shared>> -> memref<100352xf32, #tpu.memory_space<vmem_shared>>
        tpu.enqueue_indirect_dma source(%arg7 : memref<128xf32, #tpu.memory_space<vmem>>) target(%dma_start3A_139 : memref<100352xf32, #tpu.memory_space<vmem_shared>>) offsets(%dma_start3A_137 : memref<128xi32, #tpu.memory_space<vmem>>) semaphore(%arg9 : memref<!tpu.dma_semaphore, #tpu.memory_space<semaphore_mem>>) {add = true}
        %dma_start3A_140 = arith.constant 6 : i32
        %dma_start3A_141 = arith.constant 0 : i32
        %dma_start3A_142 = tpu.memref_slice %arg6[%rem3A_104, %dma_start3A_140, %dma_start3A_141] : memref<2x8x128xi32, #tpu.memory_space<vmem>> -> memref<1x1x128xi32, #tpu.memory_space<vmem>>
        %dma_start3A_143 = tpu.memref_squeeze %dma_start3A_142 : memref<1x1x128xi32, #tpu.memory_space<vmem>> -> memref<128xi32, #tpu.memory_space<vmem>>
        %dma_start3A_144 = arith.constant 0 : i32
        %dma_start3A_145 = tpu.memref_slice %arg8[%dma_start3A_144] : memref<100352xf32, #tpu.memory_space<vmem_shared>> -> memref<100352xf32, #tpu.memory_space<vmem_shared>>
        tpu.enqueue_indirect_dma source(%arg7 : memref<128xf32, #tpu.memory_space<vmem>>) target(%dma_start3A_145 : memref<100352xf32, #tpu.memory_space<vmem_shared>>) offsets(%dma_start3A_143 : memref<128xi32, #tpu.memory_space<vmem>>) semaphore(%arg9 : memref<!tpu.dma_semaphore, #tpu.memory_space<semaphore_mem>>) {add = true}
        %dma_start3A_146 = arith.constant 7 : i32
        %dma_start3A_147 = arith.constant 0 : i32
        %dma_start3A_148 = tpu.memref_slice %arg6[%rem3A_104, %dma_start3A_146, %dma_start3A_147] : memref<2x8x128xi32, #tpu.memory_space<vmem>> -> memref<1x1x128xi32, #tpu.memory_space<vmem>>
        %dma_start3A_149 = tpu.memref_squeeze %dma_start3A_148 : memref<1x1x128xi32, #tpu.memory_space<vmem>> -> memref<128xi32, #tpu.memory_space<vmem>>
        %dma_start3A_150 = arith.constant 0 : i32
        %dma_start3A_151 = tpu.memref_slice %arg8[%dma_start3A_150] : memref<100352xf32, #tpu.memory_space<vmem_shared>> -> memref<100352xf32, #tpu.memory_space<vmem_shared>>
        tpu.enqueue_indirect_dma source(%arg7 : memref<128xf32, #tpu.memory_space<vmem>>) target(%dma_start3A_151 : memref<100352xf32, #tpu.memory_space<vmem_shared>>) offsets(%dma_start3A_149 : memref<128xi32, #tpu.memory_space<vmem>>) semaphore(%arg9 : memref<!tpu.dma_semaphore, #tpu.memory_space<semaphore_mem>>) {add = true}
        %add3A_152 = arith.constant 1 : i32
        %add3A_153 = arith.addi %while3A_102, %add3A_152 : i32
        %lt3A = arith.cmpi slt, %add3A_153, %select_n3A_70 : i32
        %convert_element_type3A_154 = arith.extui %lt3A : i1 to i32
        %cond3A_155 = arith.constant 0 : i32
        %cond3A_156 = arith.cmpi ne, %convert_element_type3A_154, %cond3A_155 : i32
        scf.if %cond3A_156 {
          %add3A_204 = arith.constant 1 : i32
          %add3A_205 = arith.addi %while3A_102, %add3A_204 : i32
          %mul3A_206 = arith.constant 8 : i32
          %mul3A_207 = arith.muli %mul3A_206, %add3A_205 : i32
          %add3A_208 = arith.addi %select_n3A, %mul3A_207 : i32
          %sub3A_209 = arith.constant 1 : i32
          %sub3A_210 = arith.subi %sub3A_209, %rem3A_104 : i32
          %run_scoped3A_211 = arith.constant 1 : i32
          "tpu.region"() ({
            %run_scoped3A_212 = tpu.sem_alloc : memref<!tpu.dma_semaphore, #tpu.memory_space<semaphore_mem>>
            %dma_start3A_213 = arith.constant 0 : i32
            %dma_start3A_214 = arith.constant 0 : i32
            %dma_start3A_215 = tpu.memref_slice %arg6[%sub3A_210, %dma_start3A_213, %dma_start3A_214] : memref<2x8x128xi32, #tpu.memory_space<vmem>> -> memref<1x8x128xi32, #tpu.memory_space<vmem>>
            %dma_start3A_216 = tpu.memref_squeeze %dma_start3A_215 : memref<1x8x128xi32, #tpu.memory_space<vmem>> -> memref<8x128xi32, #tpu.memory_space<vmem>>
            %dma_start3A_217 = arith.constant 0 : i32
            %dma_start3A_218 = tpu.memref_slice %arg2[%run_scoped3A_211, %add3A_208, %dma_start3A_217] : memref<2x12500x128xi32, #tpu.memory_space<hbm>> -> memref<1x8x128xi32, #tpu.memory_space<hbm>>
            %dma_start3A_219 = tpu.memref_squeeze %dma_start3A_218 : memref<1x8x128xi32, #tpu.memory_space<hbm>> -> memref<8x128xi32, #tpu.memory_space<hbm>>
            %dma_start3A_220 = arith.constant 0 : i32
            %dma_start3A_221 = arith.constant 0 : i32
            %dma_start3A_222 = tpu.memref_slice %arg6[%sub3A_210, %dma_start3A_220, %dma_start3A_221] : memref<2x8x128xi32, #tpu.memory_space<vmem>> -> memref<1x8x128xi32, #tpu.memory_space<vmem>>
            %dma_start3A_223 = tpu.memref_squeeze %dma_start3A_222 : memref<1x8x128xi32, #tpu.memory_space<vmem>> -> memref<8x128xi32, #tpu.memory_space<vmem>>
            %dma_start3A_224 = arith.constant 0 : i32
            %dma_start3A_225 = tpu.memref_slice %arg2[%run_scoped3A_211, %add3A_208, %dma_start3A_224] : memref<2x12500x128xi32, #tpu.memory_space<hbm>> -> memref<1x8x128xi32, #tpu.memory_space<hbm>>
            %dma_start3A_226 = tpu.memref_squeeze %dma_start3A_225 : memref<1x8x128xi32, #tpu.memory_space<hbm>> -> memref<8x128xi32, #tpu.memory_space<hbm>>
            tpu.enqueue_dma source(%dma_start3A_226 : memref<8x128xi32, #tpu.memory_space<hbm>>) target(%dma_start3A_223 : memref<8x128xi32, #tpu.memory_space<vmem>>) target_semaphore(%run_scoped3A_212 : memref<!tpu.dma_semaphore, #tpu.memory_space<semaphore_mem>>)
            %dma_wait3A_227 = arith.constant 0 : i32
            %dma_wait3A_228 = arith.constant 0 : i32
            %dma_wait3A_229 = tpu.memref_slice %arg6[%sub3A_210, %dma_wait3A_227, %dma_wait3A_228] : memref<2x8x128xi32, #tpu.memory_space<vmem>> -> memref<1x8x128xi32, #tpu.memory_space<vmem>>
            %dma_wait3A_230 = tpu.memref_squeeze %dma_wait3A_229 : memref<1x8x128xi32, #tpu.memory_space<vmem>> -> memref<8x128xi32, #tpu.memory_space<vmem>>
            %dma_wait3A_231 = arith.constant 0 : i32
            %dma_wait3A_232 = tpu.memref_slice %arg2[%run_scoped3A_211, %add3A_208, %dma_wait3A_231] : memref<2x12500x128xi32, #tpu.memory_space<hbm>> -> memref<1x8x128xi32, #tpu.memory_space<hbm>>
            %dma_wait3A_233 = tpu.memref_squeeze %dma_wait3A_232 : memref<1x8x128xi32, #tpu.memory_space<hbm>> -> memref<8x128xi32, #tpu.memory_space<hbm>>
            %dma_wait3A_234 = arith.constant 0 : i32
            %dma_wait3A_235 = arith.constant 0 : i32
            %dma_wait3A_236 = tpu.memref_slice %arg6[%sub3A_210, %dma_wait3A_234, %dma_wait3A_235] : memref<2x8x128xi32, #tpu.memory_space<vmem>> -> memref<1x8x128xi32, #tpu.memory_space<vmem>>
            %dma_wait3A_237 = tpu.memref_squeeze %dma_wait3A_236 : memref<1x8x128xi32, #tpu.memory_space<vmem>> -> memref<8x128xi32, #tpu.memory_space<vmem>>
            %dma_wait3A_238 = arith.constant 0 : i32
            %dma_wait3A_239 = tpu.memref_slice %arg2[%run_scoped3A_211, %add3A_208, %dma_wait3A_238] : memref<2x12500x128xi32, #tpu.memory_space<hbm>> -> memref<1x8x128xi32, #tpu.memory_space<hbm>>
            %dma_wait3A_240 = tpu.memref_squeeze %dma_wait3A_239 : memref<1x8x128xi32, #tpu.memory_space<hbm>> -> memref<8x128xi32, #tpu.memory_space<hbm>>
            tpu.wait_dma2 semaphore(%run_scoped3A_212 : memref<!tpu.dma_semaphore, #tpu.memory_space<semaphore_mem>>) src(%dma_wait3A_240 : memref<8x128xi32, #tpu.memory_space<hbm>>) dst(%dma_wait3A_237 : memref<8x128xi32, #tpu.memory_space<vmem>>)
            tpu.yield
          }) : () -> ()
        } else {
        }
        %dma_wait3A = arith.constant 0 : i32
        %dma_wait3A_157 = arith.constant 0 : i32
        %dma_wait3A_158 = tpu.memref_slice %arg6[%rem3A_104, %dma_wait3A, %dma_wait3A_157] : memref<2x8x128xi32, #tpu.memory_space<vmem>> -> memref<1x1x128xi32, #tpu.memory_space<vmem>>
        %dma_wait3A_159 = tpu.memref_squeeze %dma_wait3A_158 : memref<1x1x128xi32, #tpu.memory_space<vmem>> -> memref<128xi32, #tpu.memory_space<vmem>>
        %dma_wait3A_160 = arith.constant 0 : i32
        %dma_wait3A_161 = tpu.memref_slice %arg8[%dma_wait3A_160] : memref<100352xf32, #tpu.memory_space<vmem_shared>> -> memref<100352xf32, #tpu.memory_space<vmem_shared>>
        tpu.wait_indirect_dma semaphore(%arg9 : memref<!tpu.dma_semaphore, #tpu.memory_space<semaphore_mem>>) src(%arg7 : memref<128xf32, #tpu.memory_space<vmem>>) dst(%dma_wait3A_161 : memref<100352xf32, #tpu.memory_space<vmem_shared>>)
        %dma_wait3A_162 = arith.constant 1 : i32
        %dma_wait3A_163 = arith.constant 0 : i32
        %dma_wait3A_164 = tpu.memref_slice %arg6[%rem3A_104, %dma_wait3A_162, %dma_wait3A_163] : memref<2x8x128xi32, #tpu.memory_space<vmem>> -> memref<1x1x128xi32, #tpu.memory_space<vmem>>
        %dma_wait3A_165 = tpu.memref_squeeze %dma_wait3A_164 : memref<1x1x128xi32, #tpu.memory_space<vmem>> -> memref<128xi32, #tpu.memory_space<vmem>>
        %dma_wait3A_166 = arith.constant 0 : i32
        %dma_wait3A_167 = tpu.memref_slice %arg8[%dma_wait3A_166] : memref<100352xf32, #tpu.memory_space<vmem_shared>> -> memref<100352xf32, #tpu.memory_space<vmem_shared>>
        tpu.wait_indirect_dma semaphore(%arg9 : memref<!tpu.dma_semaphore, #tpu.memory_space<semaphore_mem>>) src(%arg7 : memref<128xf32, #tpu.memory_space<vmem>>) dst(%dma_wait3A_167 : memref<100352xf32, #tpu.memory_space<vmem_shared>>)
        %dma_wait3A_168 = arith.constant 2 : i32
        %dma_wait3A_169 = arith.constant 0 : i32
        %dma_wait3A_170 = tpu.memref_slice %arg6[%rem3A_104, %dma_wait3A_168, %dma_wait3A_169] : memref<2x8x128xi32, #tpu.memory_space<vmem>> -> memref<1x1x128xi32, #tpu.memory_space<vmem>>
        %dma_wait3A_171 = tpu.memref_squeeze %dma_wait3A_170 : memref<1x1x128xi32, #tpu.memory_space<vmem>> -> memref<128xi32, #tpu.memory_space<vmem>>
        %dma_wait3A_172 = arith.constant 0 : i32
        %dma_wait3A_173 = tpu.memref_slice %arg8[%dma_wait3A_172] : memref<100352xf32, #tpu.memory_space<vmem_shared>> -> memref<100352xf32, #tpu.memory_space<vmem_shared>>
        tpu.wait_indirect_dma semaphore(%arg9 : memref<!tpu.dma_semaphore, #tpu.memory_space<semaphore_mem>>) src(%arg7 : memref<128xf32, #tpu.memory_space<vmem>>) dst(%dma_wait3A_173 : memref<100352xf32, #tpu.memory_space<vmem_shared>>)
        %dma_wait3A_174 = arith.constant 3 : i32
        %dma_wait3A_175 = arith.constant 0 : i32
        %dma_wait3A_176 = tpu.memref_slice %arg6[%rem3A_104, %dma_wait3A_174, %dma_wait3A_175] : memref<2x8x128xi32, #tpu.memory_space<vmem>> -> memref<1x1x128xi32, #tpu.memory_space<vmem>>
        %dma_wait3A_177 = tpu.memref_squeeze %dma_wait3A_176 : memref<1x1x128xi32, #tpu.memory_space<vmem>> -> memref<128xi32, #tpu.memory_space<vmem>>
        %dma_wait3A_178 = arith.constant 0 : i32
        %dma_wait3A_179 = tpu.memref_slice %arg8[%dma_wait3A_178] : memref<100352xf32, #tpu.memory_space<vmem_shared>> -> memref<100352xf32, #tpu.memory_space<vmem_shared>>
        tpu.wait_indirect_dma semaphore(%arg9 : memref<!tpu.dma_semaphore, #tpu.memory_space<semaphore_mem>>) src(%arg7 : memref<128xf32, #tpu.memory_space<vmem>>) dst(%dma_wait3A_179 : memref<100352xf32, #tpu.memory_space<vmem_shared>>)
        %dma_wait3A_180 = arith.constant 4 : i32
        %dma_wait3A_181 = arith.constant 0 : i32
        %dma_wait3A_182 = tpu.memref_slice %arg6[%rem3A_104, %dma_wait3A_180, %dma_wait3A_181] : memref<2x8x128xi32, #tpu.memory_space<vmem>> -> memref<1x1x128xi32, #tpu.memory_space<vmem>>
        %dma_wait3A_183 = tpu.memref_squeeze %dma_wait3A_182 : memref<1x1x128xi32, #tpu.memory_space<vmem>> -> memref<128xi32, #tpu.memory_space<vmem>>
        %dma_wait3A_184 = arith.constant 0 : i32
        %dma_wait3A_185 = tpu.memref_slice %arg8[%dma_wait3A_184] : memref<100352xf32, #tpu.memory_space<vmem_shared>> -> memref<100352xf32, #tpu.memory_space<vmem_shared>>
        tpu.wait_indirect_dma semaphore(%arg9 : memref<!tpu.dma_semaphore, #tpu.memory_space<semaphore_mem>>) src(%arg7 : memref<128xf32, #tpu.memory_space<vmem>>) dst(%dma_wait3A_185 : memref<100352xf32, #tpu.memory_space<vmem_shared>>)
        %dma_wait3A_186 = arith.constant 5 : i32
        %dma_wait3A_187 = arith.constant 0 : i32
        %dma_wait3A_188 = tpu.memref_slice %arg6[%rem3A_104, %dma_wait3A_186, %dma_wait3A_187] : memref<2x8x128xi32, #tpu.memory_space<vmem>> -> memref<1x1x128xi32, #tpu.memory_space<vmem>>
        %dma_wait3A_189 = tpu.memref_squeeze %dma_wait3A_188 : memref<1x1x128xi32, #tpu.memory_space<vmem>> -> memref<128xi32, #tpu.memory_space<vmem>>
        %dma_wait3A_190 = arith.constant 0 : i32
        %dma_wait3A_191 = tpu.memref_slice %arg8[%dma_wait3A_190] : memref<100352xf32, #tpu.memory_space<vmem_shared>> -> memref<100352xf32, #tpu.memory_space<vmem_shared>>
        tpu.wait_indirect_dma semaphore(%arg9 : memref<!tpu.dma_semaphore, #tpu.memory_space<semaphore_mem>>) src(%arg7 : memref<128xf32, #tpu.memory_space<vmem>>) dst(%dma_wait3A_191 : memref<100352xf32, #tpu.memory_space<vmem_shared>>)
        %dma_wait3A_192 = arith.constant 6 : i32
        %dma_wait3A_193 = arith.constant 0 : i32
        %dma_wait3A_194 = tpu.memref_slice %arg6[%rem3A_104, %dma_wait3A_192, %dma_wait3A_193] : memref<2x8x128xi32, #tpu.memory_space<vmem>> -> memref<1x1x128xi32, #tpu.memory_space<vmem>>
        %dma_wait3A_195 = tpu.memref_squeeze %dma_wait3A_194 : memref<1x1x128xi32, #tpu.memory_space<vmem>> -> memref<128xi32, #tpu.memory_space<vmem>>
        %dma_wait3A_196 = arith.constant 0 : i32
        %dma_wait3A_197 = tpu.memref_slice %arg8[%dma_wait3A_196] : memref<100352xf32, #tpu.memory_space<vmem_shared>> -> memref<100352xf32, #tpu.memory_space<vmem_shared>>
        tpu.wait_indirect_dma semaphore(%arg9 : memref<!tpu.dma_semaphore, #tpu.memory_space<semaphore_mem>>) src(%arg7 : memref<128xf32, #tpu.memory_space<vmem>>) dst(%dma_wait3A_197 : memref<100352xf32, #tpu.memory_space<vmem_shared>>)
        %dma_wait3A_198 = arith.constant 7 : i32
        %dma_wait3A_199 = arith.constant 0 : i32
        %dma_wait3A_200 = tpu.memref_slice %arg6[%rem3A_104, %dma_wait3A_198, %dma_wait3A_199] : memref<2x8x128xi32, #tpu.memory_space<vmem>> -> memref<1x1x128xi32, #tpu.memory_space<vmem>>
        %dma_wait3A_201 = tpu.memref_squeeze %dma_wait3A_200 : memref<1x1x128xi32, #tpu.memory_space<vmem>> -> memref<128xi32, #tpu.memory_space<vmem>>
        %dma_wait3A_202 = arith.constant 0 : i32
        %dma_wait3A_203 = tpu.memref_slice %arg8[%dma_wait3A_202] : memref<100352xf32, #tpu.memory_space<vmem_shared>> -> memref<100352xf32, #tpu.memory_space<vmem_shared>>
        tpu.wait_indirect_dma semaphore(%arg9 : memref<!tpu.dma_semaphore, #tpu.memory_space<semaphore_mem>>) src(%arg7 : memref<128xf32, #tpu.memory_space<vmem>>) dst(%dma_wait3A_203 : memref<100352xf32, #tpu.memory_space<vmem_shared>>)
      }
      %while3A_101 = arith.constant 1 : i32
      scf.for %while3A_102 = %while3A_99 to %while3A_95 step %while3A_101  : i32 {
        %rem3A_103 = arith.constant 2 : i32
        %rem3A_104 = arith.remsi %while3A_102, %rem3A_103 : i32
        %dma_start3A = arith.constant 0 : i32
        %dma_start3A_105 = arith.constant 0 : i32
        %dma_start3A_106 = tpu.memref_slice %arg6[%rem3A_104, %dma_start3A, %dma_start3A_105] : memref<2x8x128xi32, #tpu.memory_space<vmem>> -> memref<1x1x128xi32, #tpu.memory_space<vmem>>
        %dma_start3A_107 = tpu.memref_squeeze %dma_start3A_106 : memref<1x1x128xi32, #tpu.memory_space<vmem>> -> memref<128xi32, #tpu.memory_space<vmem>>
        %dma_start3A_108 = arith.constant 0 : i32
        %dma_start3A_109 = tpu.memref_slice %arg8[%dma_start3A_108] : memref<100352xf32, #tpu.memory_space<vmem_shared>> -> memref<100352xf32, #tpu.memory_space<vmem_shared>>
        tpu.enqueue_indirect_dma source(%arg7 : memref<128xf32, #tpu.memory_space<vmem>>) target(%dma_start3A_109 : memref<100352xf32, #tpu.memory_space<vmem_shared>>) offsets(%dma_start3A_107 : memref<128xi32, #tpu.memory_space<vmem>>) semaphore(%arg9 : memref<!tpu.dma_semaphore, #tpu.memory_space<semaphore_mem>>) {add = true}
        %dma_start3A_110 = arith.constant 1 : i32
        %dma_start3A_111 = arith.constant 0 : i32
        %dma_start3A_112 = tpu.memref_slice %arg6[%rem3A_104, %dma_start3A_110, %dma_start3A_111] : memref<2x8x128xi32, #tpu.memory_space<vmem>> -> memref<1x1x128xi32, #tpu.memory_space<vmem>>
        %dma_start3A_113 = tpu.memref_squeeze %dma_start3A_112 : memref<1x1x128xi32, #tpu.memory_space<vmem>> -> memref<128xi32, #tpu.memory_space<vmem>>
        %dma_start3A_114 = arith.constant 0 : i32
        %dma_start3A_115 = tpu.memref_slice %arg8[%dma_start3A_114] : memref<100352xf32, #tpu.memory_space<vmem_shared>> -> memref<100352xf32, #tpu.memory_space<vmem_shared>>
        tpu.enqueue_indirect_dma source(%arg7 : memref<128xf32, #tpu.memory_space<vmem>>) target(%dma_start3A_115 : memref<100352xf32, #tpu.memory_space<vmem_shared>>) offsets(%dma_start3A_113 : memref<128xi32, #tpu.memory_space<vmem>>) semaphore(%arg9 : memref<!tpu.dma_semaphore, #tpu.memory_space<semaphore_mem>>) {add = true}
        %dma_start3A_116 = arith.constant 2 : i32
        %dma_start3A_117 = arith.constant 0 : i32
        %dma_start3A_118 = tpu.memref_slice %arg6[%rem3A_104, %dma_start3A_116, %dma_start3A_117] : memref<2x8x128xi32, #tpu.memory_space<vmem>> -> memref<1x1x128xi32, #tpu.memory_space<vmem>>
        %dma_start3A_119 = tpu.memref_squeeze %dma_start3A_118 : memref<1x1x128xi32, #tpu.memory_space<vmem>> -> memref<128xi32, #tpu.memory_space<vmem>>
        %dma_start3A_120 = arith.constant 0 : i32
        %dma_start3A_121 = tpu.memref_slice %arg8[%dma_start3A_120] : memref<100352xf32, #tpu.memory_space<vmem_shared>> -> memref<100352xf32, #tpu.memory_space<vmem_shared>>
        tpu.enqueue_indirect_dma source(%arg7 : memref<128xf32, #tpu.memory_space<vmem>>) target(%dma_start3A_121 : memref<100352xf32, #tpu.memory_space<vmem_shared>>) offsets(%dma_start3A_119 : memref<128xi32, #tpu.memory_space<vmem>>) semaphore(%arg9 : memref<!tpu.dma_semaphore, #tpu.memory_space<semaphore_mem>>) {add = true}
        %dma_start3A_122 = arith.constant 3 : i32
        %dma_start3A_123 = arith.constant 0 : i32
        %dma_start3A_124 = tpu.memref_slice %arg6[%rem3A_104, %dma_start3A_122, %dma_start3A_123] : memref<2x8x128xi32, #tpu.memory_space<vmem>> -> memref<1x1x128xi32, #tpu.memory_space<vmem>>
        %dma_start3A_125 = tpu.memref_squeeze %dma_start3A_124 : memref<1x1x128xi32, #tpu.memory_space<vmem>> -> memref<128xi32, #tpu.memory_space<vmem>>
        %dma_start3A_126 = arith.constant 0 : i32
        %dma_start3A_127 = tpu.memref_slice %arg8[%dma_start3A_126] : memref<100352xf32, #tpu.memory_space<vmem_shared>> -> memref<100352xf32, #tpu.memory_space<vmem_shared>>
        tpu.enqueue_indirect_dma source(%arg7 : memref<128xf32, #tpu.memory_space<vmem>>) target(%dma_start3A_127 : memref<100352xf32, #tpu.memory_space<vmem_shared>>) offsets(%dma_start3A_125 : memref<128xi32, #tpu.memory_space<vmem>>) semaphore(%arg9 : memref<!tpu.dma_semaphore, #tpu.memory_space<semaphore_mem>>) {add = true}
        %dma_start3A_128 = arith.constant 4 : i32
        %dma_start3A_129 = arith.constant 0 : i32
        %dma_start3A_130 = tpu.memref_slice %arg6[%rem3A_104, %dma_start3A_128, %dma_start3A_129] : memref<2x8x128xi32, #tpu.memory_space<vmem>> -> memref<1x1x128xi32, #tpu.memory_space<vmem>>
        %dma_start3A_131 = tpu.memref_squeeze %dma_start3A_130 : memref<1x1x128xi32, #tpu.memory_space<vmem>> -> memref<128xi32, #tpu.memory_space<vmem>>
        %dma_start3A_132 = arith.constant 0 : i32
        %dma_start3A_133 = tpu.memref_slice %arg8[%dma_start3A_132] : memref<100352xf32, #tpu.memory_space<vmem_shared>> -> memref<100352xf32, #tpu.memory_space<vmem_shared>>
        tpu.enqueue_indirect_dma source(%arg7 : memref<128xf32, #tpu.memory_space<vmem>>) target(%dma_start3A_133 : memref<100352xf32, #tpu.memory_space<vmem_shared>>) offsets(%dma_start3A_131 : memref<128xi32, #tpu.memory_space<vmem>>) semaphore(%arg9 : memref<!tpu.dma_semaphore, #tpu.memory_space<semaphore_mem>>) {add = true}
        %dma_start3A_134 = arith.constant 5 : i32
        %dma_start3A_135 = arith.constant 0 : i32
        %dma_start3A_136 = tpu.memref_slice %arg6[%rem3A_104, %dma_start3A_134, %dma_start3A_135] : memref<2x8x128xi32, #tpu.memory_space<vmem>> -> memref<1x1x128xi32, #tpu.memory_space<vmem>>
        %dma_start3A_137 = tpu.memref_squeeze %dma_start3A_136 : memref<1x1x128xi32, #tpu.memory_space<vmem>> -> memref<128xi32, #tpu.memory_space<vmem>>
        %dma_start3A_138 = arith.constant 0 : i32
        %dma_start3A_139 = tpu.memref_slice %arg8[%dma_start3A_138] : memref<100352xf32, #tpu.memory_space<vmem_shared>> -> memref<100352xf32, #tpu.memory_space<vmem_shared>>
        tpu.enqueue_indirect_dma source(%arg7 : memref<128xf32, #tpu.memory_space<vmem>>) target(%dma_start3A_139 : memref<100352xf32, #tpu.memory_space<vmem_shared>>) offsets(%dma_start3A_137 : memref<128xi32, #tpu.memory_space<vmem>>) semaphore(%arg9 : memref<!tpu.dma_semaphore, #tpu.memory_space<semaphore_mem>>) {add = true}
        %dma_start3A_140 = arith.constant 6 : i32
        %dma_start3A_141 = arith.constant 0 : i32
        %dma_start3A_142 = tpu.memref_slice %arg6[%rem3A_104, %dma_start3A_140, %dma_start3A_141] : memref<2x8x128xi32, #tpu.memory_space<vmem>> -> memref<1x1x128xi32, #tpu.memory_space<vmem>>
        %dma_start3A_143 = tpu.memref_squeeze %dma_start3A_142 : memref<1x1x128xi32, #tpu.memory_space<vmem>> -> memref<128xi32, #tpu.memory_space<vmem>>
        %dma_start3A_144 = arith.constant 0 : i32
        %dma_start3A_145 = tpu.memref_slice %arg8[%dma_start3A_144] : memref<100352xf32, #tpu.memory_space<vmem_shared>> -> memref<100352xf32, #tpu.memory_space<vmem_shared>>
        tpu.enqueue_indirect_dma source(%arg7 : memref<128xf32, #tpu.memory_space<vmem>>) target(%dma_start3A_145 : memref<100352xf32, #tpu.memory_space<vmem_shared>>) offsets(%dma_start3A_143 : memref<128xi32, #tpu.memory_space<vmem>>) semaphore(%arg9 : memref<!tpu.dma_semaphore, #tpu.memory_space<semaphore_mem>>) {add = true}
        %dma_start3A_146 = arith.constant 7 : i32
        %dma_start3A_147 = arith.constant 0 : i32
        %dma_start3A_148 = tpu.memref_slice %arg6[%rem3A_104, %dma_start3A_146, %dma_start3A_147] : memref<2x8x128xi32, #tpu.memory_space<vmem>> -> memref<1x1x128xi32, #tpu.memory_space<vmem>>
        %dma_start3A_149 = tpu.memref_squeeze %dma_start3A_148 : memref<1x1x128xi32, #tpu.memory_space<vmem>> -> memref<128xi32, #tpu.memory_space<vmem>>
        %dma_start3A_150 = arith.constant 0 : i32
        %dma_start3A_151 = tpu.memref_slice %arg8[%dma_start3A_150] : memref<100352xf32, #tpu.memory_space<vmem_shared>> -> memref<100352xf32, #tpu.memory_space<vmem_shared>>
        tpu.enqueue_indirect_dma source(%arg7 : memref<128xf32, #tpu.memory_space<vmem>>) target(%dma_start3A_151 : memref<100352xf32, #tpu.memory_space<vmem_shared>>) offsets(%dma_start3A_149 : memref<128xi32, #tpu.memory_space<vmem>>) semaphore(%arg9 : memref<!tpu.dma_semaphore, #tpu.memory_space<semaphore_mem>>) {add = true}
        %add3A_152 = arith.constant 1 : i32
        %add3A_153 = arith.addi %while3A_102, %add3A_152 : i32
        %lt3A = arith.cmpi slt, %add3A_153, %select_n3A_70 : i32
        %convert_element_type3A_154 = arith.extui %lt3A : i1 to i32
        %cond3A_155 = arith.constant 0 : i32
        %cond3A_156 = arith.cmpi ne, %convert_element_type3A_154, %cond3A_155 : i32
        scf.if %cond3A_156 {
          %add3A_204 = arith.constant 1 : i32
          %add3A_205 = arith.addi %while3A_102, %add3A_204 : i32
          %mul3A_206 = arith.constant 8 : i32
          %mul3A_207 = arith.muli %mul3A_206, %add3A_205 : i32
          %add3A_208 = arith.addi %select_n3A, %mul3A_207 : i32
          %sub3A_209 = arith.constant 1 : i32
          %sub3A_210 = arith.subi %sub3A_209, %rem3A_104 : i32
          %run_scoped3A_211 = arith.constant 1 : i32
          "tpu.region"() ({
            %run_scoped3A_212 = tpu.sem_alloc : memref<!tpu.dma_semaphore, #tpu.memory_space<semaphore_mem>>
            %dma_start3A_213 = arith.constant 0 : i32
            %dma_start3A_214 = arith.constant 0 : i32
            %dma_start3A_215 = tpu.memref_slice %arg6[%sub3A_210, %dma_start3A_213, %dma_start3A_214] : memref<2x8x128xi32, #tpu.memory_space<vmem>> -> memref<1x8x128xi32, #tpu.memory_space<vmem>>
            %dma_start3A_216 = tpu.memref_squeeze %dma_start3A_215 : memref<1x8x128xi32, #tpu.memory_space<vmem>> -> memref<8x128xi32, #tpu.memory_space<vmem>>
            %dma_start3A_217 = arith.constant 0 : i32
            %dma_start3A_218 = tpu.memref_slice %arg2[%run_scoped3A_211, %add3A_208, %dma_start3A_217] : memref<2x12500x128xi32, #tpu.memory_space<hbm>> -> memref<1x8x128xi32, #tpu.memory_space<hbm>>
            %dma_start3A_219 = tpu.memref_squeeze %dma_start3A_218 : memref<1x8x128xi32, #tpu.memory_space<hbm>> -> memref<8x128xi32, #tpu.memory_space<hbm>>
            %dma_start3A_220 = arith.constant 0 : i32
            %dma_start3A_221 = arith.constant 0 : i32
            %dma_start3A_222 = tpu.memref_slice %arg6[%sub3A_210, %dma_start3A_220, %dma_start3A_221] : memref<2x8x128xi32, #tpu.memory_space<vmem>> -> memref<1x8x128xi32, #tpu.memory_space<vmem>>
            %dma_start3A_223 = tpu.memref_squeeze %dma_start3A_222 : memref<1x8x128xi32, #tpu.memory_space<vmem>> -> memref<8x128xi32, #tpu.memory_space<vmem>>
            %dma_start3A_224 = arith.constant 0 : i32
            %dma_start3A_225 = tpu.memref_slice %arg2[%run_scoped3A_211, %add3A_208, %dma_start3A_224] : memref<2x12500x128xi32, #tpu.memory_space<hbm>> -> memref<1x8x128xi32, #tpu.memory_space<hbm>>
            %dma_start3A_226 = tpu.memref_squeeze %dma_start3A_225 : memref<1x8x128xi32, #tpu.memory_space<hbm>> -> memref<8x128xi32, #tpu.memory_space<hbm>>
            tpu.enqueue_dma source(%dma_start3A_226 : memref<8x128xi32, #tpu.memory_space<hbm>>) target(%dma_start3A_223 : memref<8x128xi32, #tpu.memory_space<vmem>>) target_semaphore(%run_scoped3A_212 : memref<!tpu.dma_semaphore, #tpu.memory_space<semaphore_mem>>)
            %dma_wait3A_227 = arith.constant 0 : i32
            %dma_wait3A_228 = arith.constant 0 : i32
            %dma_wait3A_229 = tpu.memref_slice %arg6[%sub3A_210, %dma_wait3A_227, %dma_wait3A_228] : memref<2x8x128xi32, #tpu.memory_space<vmem>> -> memref<1x8x128xi32, #tpu.memory_space<vmem>>
            %dma_wait3A_230 = tpu.memref_squeeze %dma_wait3A_229 : memref<1x8x128xi32, #tpu.memory_space<vmem>> -> memref<8x128xi32, #tpu.memory_space<vmem>>
            %dma_wait3A_231 = arith.constant 0 : i32
            %dma_wait3A_232 = tpu.memref_slice %arg2[%run_scoped3A_211, %add3A_208, %dma_wait3A_231] : memref<2x12500x128xi32, #tpu.memory_space<hbm>> -> memref<1x8x128xi32, #tpu.memory_space<hbm>>
            %dma_wait3A_233 = tpu.memref_squeeze %dma_wait3A_232 : memref<1x8x128xi32, #tpu.memory_space<hbm>> -> memref<8x128xi32, #tpu.memory_space<hbm>>
            %dma_wait3A_234 = arith.constant 0 : i32
            %dma_wait3A_235 = arith.constant 0 : i32
            %dma_wait3A_236 = tpu.memref_slice %arg6[%sub3A_210, %dma_wait3A_234, %dma_wait3A_235] : memref<2x8x128xi32, #tpu.memory_space<vmem>> -> memref<1x8x128xi32, #tpu.memory_space<vmem>>
            %dma_wait3A_237 = tpu.memref_squeeze %dma_wait3A_236 : memref<1x8x128xi32, #tpu.memory_space<vmem>> -> memref<8x128xi32, #tpu.memory_space<vmem>>
            %dma_wait3A_238 = arith.constant 0 : i32
            %dma_wait3A_239 = tpu.memref_slice %arg2[%run_scoped3A_211, %add3A_208, %dma_wait3A_238] : memref<2x12500x128xi32, #tpu.memory_space<hbm>> -> memref<1x8x128xi32, #tpu.memory_space<hbm>>
            %dma_wait3A_240 = tpu.memref_squeeze %dma_wait3A_239 : memref<1x8x128xi32, #tpu.memory_space<hbm>> -> memref<8x128xi32, #tpu.memory_space<hbm>>
            tpu.wait_dma2 semaphore(%run_scoped3A_212 : memref<!tpu.dma_semaphore, #tpu.memory_space<semaphore_mem>>) src(%dma_wait3A_240 : memref<8x128xi32, #tpu.memory_space<hbm>>) dst(%dma_wait3A_237 : memref<8x128xi32, #tpu.memory_space<vmem>>)
            tpu.yield
          }) : () -> ()
        } else {
        }
        %dma_wait3A = arith.constant 0 : i32
        %dma_wait3A_157 = arith.constant 0 : i32
        %dma_wait3A_158 = tpu.memref_slice %arg6[%rem3A_104, %dma_wait3A, %dma_wait3A_157] : memref<2x8x128xi32, #tpu.memory_space<vmem>> -> memref<1x1x128xi32, #tpu.memory_space<vmem>>
        %dma_wait3A_159 = tpu.memref_squeeze %dma_wait3A_158 : memref<1x1x128xi32, #tpu.memory_space<vmem>> -> memref<128xi32, #tpu.memory_space<vmem>>
        %dma_wait3A_160 = arith.constant 0 : i32
        %dma_wait3A_161 = tpu.memref_slice %arg8[%dma_wait3A_160] : memref<100352xf32, #tpu.memory_space<vmem_shared>> -> memref<100352xf32, #tpu.memory_space<vmem_shared>>
        tpu.wait_indirect_dma semaphore(%arg9 : memref<!tpu.dma_semaphore, #tpu.memory_space<semaphore_mem>>) src(%arg7 : memref<128xf32, #tpu.memory_space<vmem>>) dst(%dma_wait3A_161 : memref<100352xf32, #tpu.memory_space<vmem_shared>>)
        %dma_wait3A_162 = arith.constant 1 : i32
        %dma_wait3A_163 = arith.constant 0 : i32
        %dma_wait3A_164 = tpu.memref_slice %arg6[%rem3A_104, %dma_wait3A_162, %dma_wait3A_163] : memref<2x8x128xi32, #tpu.memory_space<vmem>> -> memref<1x1x128xi32, #tpu.memory_space<vmem>>
        %dma_wait3A_165 = tpu.memref_squeeze %dma_wait3A_164 : memref<1x1x128xi32, #tpu.memory_space<vmem>> -> memref<128xi32, #tpu.memory_space<vmem>>
        %dma_wait3A_166 = arith.constant 0 : i32
        %dma_wait3A_167 = tpu.memref_slice %arg8[%dma_wait3A_166] : memref<100352xf32, #tpu.memory_space<vmem_shared>> -> memref<100352xf32, #tpu.memory_space<vmem_shared>>
        tpu.wait_indirect_dma semaphore(%arg9 : memref<!tpu.dma_semaphore, #tpu.memory_space<semaphore_mem>>) src(%arg7 : memref<128xf32, #tpu.memory_space<vmem>>) dst(%dma_wait3A_167 : memref<100352xf32, #tpu.memory_space<vmem_shared>>)
        %dma_wait3A_168 = arith.constant 2 : i32
        %dma_wait3A_169 = arith.constant 0 : i32
        %dma_wait3A_170 = tpu.memref_slice %arg6[%rem3A_104, %dma_wait3A_168, %dma_wait3A_169] : memref<2x8x128xi32, #tpu.memory_space<vmem>> -> memref<1x1x128xi32, #tpu.memory_space<vmem>>
        %dma_wait3A_171 = tpu.memref_squeeze %dma_wait3A_170 : memref<1x1x128xi32, #tpu.memory_space<vmem>> -> memref<128xi32, #tpu.memory_space<vmem>>
        %dma_wait3A_172 = arith.constant 0 : i32
        %dma_wait3A_173 = tpu.memref_slice %arg8[%dma_wait3A_172] : memref<100352xf32, #tpu.memory_space<vmem_shared>> -> memref<100352xf32, #tpu.memory_space<vmem_shared>>
        tpu.wait_indirect_dma semaphore(%arg9 : memref<!tpu.dma_semaphore, #tpu.memory_space<semaphore_mem>>) src(%arg7 : memref<128xf32, #tpu.memory_space<vmem>>) dst(%dma_wait3A_173 : memref<100352xf32, #tpu.memory_space<vmem_shared>>)
        %dma_wait3A_174 = arith.constant 3 : i32
        %dma_wait3A_175 = arith.constant 0 : i32
        %dma_wait3A_176 = tpu.memref_slice %arg6[%rem3A_104, %dma_wait3A_174, %dma_wait3A_175] : memref<2x8x128xi32, #tpu.memory_space<vmem>> -> memref<1x1x128xi32, #tpu.memory_space<vmem>>
        %dma_wait3A_177 = tpu.memref_squeeze %dma_wait3A_176 : memref<1x1x128xi32, #tpu.memory_space<vmem>> -> memref<128xi32, #tpu.memory_space<vmem>>
        %dma_wait3A_178 = arith.constant 0 : i32
        %dma_wait3A_179 = tpu.memref_slice %arg8[%dma_wait3A_178] : memref<100352xf32, #tpu.memory_space<vmem_shared>> -> memref<100352xf32, #tpu.memory_space<vmem_shared>>
        tpu.wait_indirect_dma semaphore(%arg9 : memref<!tpu.dma_semaphore, #tpu.memory_space<semaphore_mem>>) src(%arg7 : memref<128xf32, #tpu.memory_space<vmem>>) dst(%dma_wait3A_179 : memref<100352xf32, #tpu.memory_space<vmem_shared>>)
        %dma_wait3A_180 = arith.constant 4 : i32
        %dma_wait3A_181 = arith.constant 0 : i32
        %dma_wait3A_182 = tpu.memref_slice %arg6[%rem3A_104, %dma_wait3A_180, %dma_wait3A_181] : memref<2x8x128xi32, #tpu.memory_space<vmem>> -> memref<1x1x128xi32, #tpu.memory_space<vmem>>
        %dma_wait3A_183 = tpu.memref_squeeze %dma_wait3A_182 : memref<1x1x128xi32, #tpu.memory_space<vmem>> -> memref<128xi32, #tpu.memory_space<vmem>>
        %dma_wait3A_184 = arith.constant 0 : i32
        %dma_wait3A_185 = tpu.memref_slice %arg8[%dma_wait3A_184] : memref<100352xf32, #tpu.memory_space<vmem_shared>> -> memref<100352xf32, #tpu.memory_space<vmem_shared>>
        tpu.wait_indirect_dma semaphore(%arg9 : memref<!tpu.dma_semaphore, #tpu.memory_space<semaphore_mem>>) src(%arg7 : memref<128xf32, #tpu.memory_space<vmem>>) dst(%dma_wait3A_185 : memref<100352xf32, #tpu.memory_space<vmem_shared>>)
        %dma_wait3A_186 = arith.constant 5 : i32
        %dma_wait3A_187 = arith.constant 0 : i32
        %dma_wait3A_188 = tpu.memref_slice %arg6[%rem3A_104, %dma_wait3A_186, %dma_wait3A_187] : memref<2x8x128xi32, #tpu.memory_space<vmem>> -> memref<1x1x128xi32, #tpu.memory_space<vmem>>
        %dma_wait3A_189 = tpu.memref_squeeze %dma_wait3A_188 : memref<1x1x128xi32, #tpu.memory_space<vmem>> -> memref<128xi32, #tpu.memory_space<vmem>>
        %dma_wait3A_190 = arith.constant 0 : i32
        %dma_wait3A_191 = tpu.memref_slice %arg8[%dma_wait3A_190] : memref<100352xf32, #tpu.memory_space<vmem_shared>> -> memref<100352xf32, #tpu.memory_space<vmem_shared>>
        tpu.wait_indirect_dma semaphore(%arg9 : memref<!tpu.dma_semaphore, #tpu.memory_space<semaphore_mem>>) src(%arg7 : memref<128xf32, #tpu.memory_space<vmem>>) dst(%dma_wait3A_191 : memref<100352xf32, #tpu.memory_space<vmem_shared>>)
        %dma_wait3A_192 = arith.constant 6 : i32
        %dma_wait3A_193 = arith.constant 0 : i32
        %dma_wait3A_194 = tpu.memref_slice %arg6[%rem3A_104, %dma_wait3A_192, %dma_wait3A_193] : memref<2x8x128xi32, #tpu.memory_space<vmem>> -> memref<1x1x128xi32, #tpu.memory_space<vmem>>
        %dma_wait3A_195 = tpu.memref_squeeze %dma_wait3A_194 : memref<1x1x128xi32, #tpu.memory_space<vmem>> -> memref<128xi32, #tpu.memory_space<vmem>>
        %dma_wait3A_196 = arith.constant 0 : i32
        %dma_wait3A_197 = tpu.memref_slice %arg8[%dma_wait3A_196] : memref<100352xf32, #tpu.memory_space<vmem_shared>> -> memref<100352xf32, #tpu.memory_space<vmem_shared>>
        tpu.wait_indirect_dma semaphore(%arg9 : memref<!tpu.dma_semaphore, #tpu.memory_space<semaphore_mem>>) src(%arg7 : memref<128xf32, #tpu.memory_space<vmem>>) dst(%dma_wait3A_197 : memref<100352xf32, #tpu.memory_space<vmem_shared>>)
        %dma_wait3A_198 = arith.constant 7 : i32
        %dma_wait3A_199 = arith.constant 0 : i32
        %dma_wait3A_200 = tpu.memref_slice %arg6[%rem3A_104, %dma_wait3A_198, %dma_wait3A_199] : memref<2x8x128xi32, #tpu.memory_space<vmem>> -> memref<1x1x128xi32, #tpu.memory_space<vmem>>
        %dma_wait3A_201 = tpu.memref_squeeze %dma_wait3A_200 : memref<1x1x128xi32, #tpu.memory_space<vmem>> -> memref<128xi32, #tpu.memory_space<vmem>>
        %dma_wait3A_202 = arith.constant 0 : i32
        %dma_wait3A_203 = tpu.memref_slice %arg8[%dma_wait3A_202] : memref<100352xf32, #tpu.memory_space<vmem_shared>> -> memref<100352xf32, #tpu.memory_space<vmem_shared>>
        tpu.wait_indirect_dma semaphore(%arg9 : memref<!tpu.dma_semaphore, #tpu.memory_space<semaphore_mem>>) src(%arg7 : memref<128xf32, #tpu.memory_space<vmem>>) dst(%dma_wait3A_203 : memref<100352xf32, #tpu.memory_space<vmem_shared>>)
      }
    } else {
    }
    %sub3A_73 = arith.subi %select_n3A_45, %select_n3A : i32
    %mul3A_74 = arith.constant 8 : i32
    %mul3A_75 = arith.muli %mul3A_74, %select_n3A_70 : i32
    %sub3A_76 = arith.subi %sub3A_73, %mul3A_75 : i32
    %while3A = arith.constant 0 : i32
    %while3A_77 = arith.constant 0 : i32
    %while3A_78 = arith.subi %sub3A_76, %while3A_77 : i32
    %while3A_79 = arith.addi %while3A_77, %while3A_78 : i32
    %while3A_80 = arith.constant 1 : i32
    %while3A_81 = arith.divsi %while3A_78, %while3A_80 : i32
    %while3A_82 = arith.muli %while3A_81, %while3A_80 : i32
    %while3A_83 = arith.addi %while3A_77, %while3A_82 : i32
    %while3A_84 = arith.constant 1 : i32
    scf.for %while3A_91 = %while3A_77 to %while3A_83 step %while3A_84  : i32 {
      %mul3A_92 = arith.constant 8 : i32
      %mul3A_93 = arith.muli %mul3A_92, %select_n3A_70 : i32
      %add3A_94 = arith.addi %select_n3A, %mul3A_93 : i32
      %add3A_95 = arith.addi %add3A_94, %while3A_91 : i32
      %run_scoped3A = arith.constant 1 : i32
      %run_scoped3A_96 = arith.constant 0 : i32
      "tpu.region"() ({
        %run_scoped3A_109 = tpu.sem_alloc : memref<!tpu.dma_semaphore, #tpu.memory_space<semaphore_mem>>
        %dma_start3A_110 = arith.constant 0 : i32
        %dma_start3A_111 = arith.constant 0 : i32
        %dma_start3A_112 = tpu.memref_slice %arg6[%run_scoped3A_96, %dma_start3A_110, %dma_start3A_111] : memref<2x8x128xi32, #tpu.memory_space<vmem>> -> memref<1x1x128xi32, #tpu.memory_space<vmem>>
        %dma_start3A_113 = tpu.memref_squeeze %dma_start3A_112 : memref<1x1x128xi32, #tpu.memory_space<vmem>> -> memref<1x128xi32, #tpu.memory_space<vmem>>
        %dma_start3A_114 = arith.constant 0 : i32
        %dma_start3A_115 = tpu.memref_slice %arg2[%run_scoped3A, %add3A_95, %dma_start3A_114] : memref<2x12500x128xi32, #tpu.memory_space<hbm>> -> memref<1x1x128xi32, #tpu.memory_space<hbm>>
        %dma_start3A_116 = tpu.memref_squeeze %dma_start3A_115 : memref<1x1x128xi32, #tpu.memory_space<hbm>> -> memref<1x128xi32, #tpu.memory_space<hbm>>
        %dma_start3A_117 = arith.constant 0 : i32
        %dma_start3A_118 = arith.constant 0 : i32
        %dma_start3A_119 = tpu.memref_slice %arg6[%run_scoped3A_96, %dma_start3A_117, %dma_start3A_118] : memref<2x8x128xi32, #tpu.memory_space<vmem>> -> memref<1x1x128xi32, #tpu.memory_space<vmem>>
        %dma_start3A_120 = tpu.memref_squeeze %dma_start3A_119 : memref<1x1x128xi32, #tpu.memory_space<vmem>> -> memref<1x128xi32, #tpu.memory_space<vmem>>
        %dma_start3A_121 = arith.constant 0 : i32
        %dma_start3A_122 = tpu.memref_slice %arg2[%run_scoped3A, %add3A_95, %dma_start3A_121] : memref<2x12500x128xi32, #tpu.memory_space<hbm>> -> memref<1x1x128xi32, #tpu.memory_space<hbm>>
        %dma_start3A_123 = tpu.memref_squeeze %dma_start3A_122 : memref<1x1x128xi32, #tpu.memory_space<hbm>> -> memref<1x128xi32, #tpu.memory_space<hbm>>
        tpu.enqueue_dma source(%dma_start3A_123 : memref<1x128xi32, #tpu.memory_space<hbm>>) target(%dma_start3A_120 : memref<1x128xi32, #tpu.memory_space<vmem>>) target_semaphore(%run_scoped3A_109 : memref<!tpu.dma_semaphore, #tpu.memory_space<semaphore_mem>>)
        %dma_wait3A_124 = arith.constant 0 : i32
        %dma_wait3A_125 = arith.constant 0 : i32
        %dma_wait3A_126 = tpu.memref_slice %arg6[%run_scoped3A_96, %dma_wait3A_124, %dma_wait3A_125] : memref<2x8x128xi32, #tpu.memory_space<vmem>> -> memref<1x1x128xi32, #tpu.memory_space<vmem>>
        %dma_wait3A_127 = tpu.memref_squeeze %dma_wait3A_126 : memref<1x1x128xi32, #tpu.memory_space<vmem>> -> memref<1x128xi32, #tpu.memory_space<vmem>>
        %dma_wait3A_128 = arith.constant 0 : i32
        %dma_wait3A_129 = tpu.memref_slice %arg2[%run_scoped3A, %add3A_95, %dma_wait3A_128] : memref<2x12500x128xi32, #tpu.memory_space<hbm>> -> memref<1x1x128xi32, #tpu.memory_space<hbm>>
        %dma_wait3A_130 = tpu.memref_squeeze %dma_wait3A_129 : memref<1x1x128xi32, #tpu.memory_space<hbm>> -> memref<1x128xi32, #tpu.memory_space<hbm>>
        %dma_wait3A_131 = arith.constant 0 : i32
        %dma_wait3A_132 = arith.constant 0 : i32
        %dma_wait3A_133 = tpu.memref_slice %arg6[%run_scoped3A_96, %dma_wait3A_131, %dma_wait3A_132] : memref<2x8x128xi32, #tpu.memory_space<vmem>> -> memref<1x1x128xi32, #tpu.memory_space<vmem>>
        %dma_wait3A_134 = tpu.memref_squeeze %dma_wait3A_133 : memref<1x1x128xi32, #tpu.memory_space<vmem>> -> memref<1x128xi32, #tpu.memory_space<vmem>>
        %dma_wait3A_135 = arith.constant 0 : i32
        %dma_wait3A_136 = tpu.memref_slice %arg2[%run_scoped3A, %add3A_95, %dma_wait3A_135] : memref<2x12500x128xi32, #tpu.memory_space<hbm>> -> memref<1x1x128xi32, #tpu.memory_space<hbm>>
        %dma_wait3A_137 = tpu.memref_squeeze %dma_wait3A_136 : memref<1x1x128xi32, #tpu.memory_space<hbm>> -> memref<1x128xi32, #tpu.memory_space<hbm>>
        tpu.wait_dma2 semaphore(%run_scoped3A_109 : memref<!tpu.dma_semaphore, #tpu.memory_space<semaphore_mem>>) src(%dma_wait3A_137 : memref<1x128xi32, #tpu.memory_space<hbm>>) dst(%dma_wait3A_134 : memref<1x128xi32, #tpu.memory_space<vmem>>)
        tpu.yield
      }) : () -> ()
      %dma_start3A = arith.constant 0 : i32
      %dma_start3A_97 = arith.constant 0 : i32
      %dma_start3A_98 = arith.constant 0 : i32
      %dma_start3A_99 = tpu.memref_slice %arg6[%dma_start3A, %dma_start3A_97, %dma_start3A_98] : memref<2x8x128xi32, #tpu.memory_space<vmem>> -> memref<1x1x128xi32, #tpu.memory_space<vmem>>
      %dma_start3A_100 = tpu.memref_squeeze %dma_start3A_99 : memref<1x1x128xi32, #tpu.memory_space<vmem>> -> memref<128xi32, #tpu.memory_space<vmem>>
      %dma_start3A_101 = arith.constant 0 : i32
      %dma_start3A_102 = tpu.memref_slice %arg8[%dma_start3A_101] : memref<100352xf32, #tpu.memory_space<vmem_shared>> -> memref<100352xf32, #tpu.memory_space<vmem_shared>>
      tpu.enqueue_indirect_dma source(%arg7 : memref<128xf32, #tpu.memory_space<vmem>>) target(%dma_start3A_102 : memref<100352xf32, #tpu.memory_space<vmem_shared>>) offsets(%dma_start3A_100 : memref<128xi32, #tpu.memory_space<vmem>>) semaphore(%arg9 : memref<!tpu.dma_semaphore, #tpu.memory_space<semaphore_mem>>) {add = true}
      %dma_wait3A = arith.constant 0 : i32
      %dma_wait3A_103 = arith.constant 0 : i32
      %dma_wait3A_104 = arith.constant 0 : i32
      %dma_wait3A_105 = tpu.memref_slice %arg6[%dma_wait3A, %dma_wait3A_103, %dma_wait3A_104] : memref<2x8x128xi32, #tpu.memory_space<vmem>> -> memref<1x1x128xi32, #tpu.memory_space<vmem>>
      %dma_wait3A_106 = tpu.memref_squeeze %dma_wait3A_105 : memref<1x1x128xi32, #tpu.memory_space<vmem>> -> memref<128xi32, #tpu.memory_space<vmem>>
      %dma_wait3A_107 = arith.constant 0 : i32
      %dma_wait3A_108 = tpu.memref_slice %arg8[%dma_wait3A_107] : memref<100352xf32, #tpu.memory_space<vmem_shared>> -> memref<100352xf32, #tpu.memory_space<vmem_shared>>
      tpu.wait_indirect_dma semaphore(%arg9 : memref<!tpu.dma_semaphore, #tpu.memory_space<semaphore_mem>>) src(%arg7 : memref<128xf32, #tpu.memory_space<vmem>>) dst(%dma_wait3A_108 : memref<100352xf32, #tpu.memory_space<vmem_shared>>)
    }
    %while3A_85 = arith.constant 1 : i32
    scf.for %while3A_91 = %while3A_83 to %while3A_79 step %while3A_85  : i32 {
      %mul3A_92 = arith.constant 8 : i32
      %mul3A_93 = arith.muli %mul3A_92, %select_n3A_70 : i32
      %add3A_94 = arith.addi %select_n3A, %mul3A_93 : i32
      %add3A_95 = arith.addi %add3A_94, %while3A_91 : i32
      %run_scoped3A = arith.constant 1 : i32
      %run_scoped3A_96 = arith.constant 0 : i32
      "tpu.region"() ({
        %run_scoped3A_109 = tpu.sem_alloc : memref<!tpu.dma_semaphore, #tpu.memory_space<semaphore_mem>>
        %dma_start3A_110 = arith.constant 0 : i32
        %dma_start3A_111 = arith.constant 0 : i32
        %dma_start3A_112 = tpu.memref_slice %arg6[%run_scoped3A_96, %dma_start3A_110, %dma_start3A_111] : memref<2x8x128xi32, #tpu.memory_space<vmem>> -> memref<1x1x128xi32, #tpu.memory_space<vmem>>
        %dma_start3A_113 = tpu.memref_squeeze %dma_start3A_112 : memref<1x1x128xi32, #tpu.memory_space<vmem>> -> memref<1x128xi32, #tpu.memory_space<vmem>>
        %dma_start3A_114 = arith.constant 0 : i32
        %dma_start3A_115 = tpu.memref_slice %arg2[%run_scoped3A, %add3A_95, %dma_start3A_114] : memref<2x12500x128xi32, #tpu.memory_space<hbm>> -> memref<1x1x128xi32, #tpu.memory_space<hbm>>
        %dma_start3A_116 = tpu.memref_squeeze %dma_start3A_115 : memref<1x1x128xi32, #tpu.memory_space<hbm>> -> memref<1x128xi32, #tpu.memory_space<hbm>>
        %dma_start3A_117 = arith.constant 0 : i32
        %dma_start3A_118 = arith.constant 0 : i32
        %dma_start3A_119 = tpu.memref_slice %arg6[%run_scoped3A_96, %dma_start3A_117, %dma_start3A_118] : memref<2x8x128xi32, #tpu.memory_space<vmem>> -> memref<1x1x128xi32, #tpu.memory_space<vmem>>
        %dma_start3A_120 = tpu.memref_squeeze %dma_start3A_119 : memref<1x1x128xi32, #tpu.memory_space<vmem>> -> memref<1x128xi32, #tpu.memory_space<vmem>>
        %dma_start3A_121 = arith.constant 0 : i32
        %dma_start3A_122 = tpu.memref_slice %arg2[%run_scoped3A, %add3A_95, %dma_start3A_121] : memref<2x12500x128xi32, #tpu.memory_space<hbm>> -> memref<1x1x128xi32, #tpu.memory_space<hbm>>
        %dma_start3A_123 = tpu.memref_squeeze %dma_start3A_122 : memref<1x1x128xi32, #tpu.memory_space<hbm>> -> memref<1x128xi32, #tpu.memory_space<hbm>>
        tpu.enqueue_dma source(%dma_start3A_123 : memref<1x128xi32, #tpu.memory_space<hbm>>) target(%dma_start3A_120 : memref<1x128xi32, #tpu.memory_space<vmem>>) target_semaphore(%run_scoped3A_109 : memref<!tpu.dma_semaphore, #tpu.memory_space<semaphore_mem>>)
        %dma_wait3A_124 = arith.constant 0 : i32
        %dma_wait3A_125 = arith.constant 0 : i32
        %dma_wait3A_126 = tpu.memref_slice %arg6[%run_scoped3A_96, %dma_wait3A_124, %dma_wait3A_125] : memref<2x8x128xi32, #tpu.memory_space<vmem>> -> memref<1x1x128xi32, #tpu.memory_space<vmem>>
        %dma_wait3A_127 = tpu.memref_squeeze %dma_wait3A_126 : memref<1x1x128xi32, #tpu.memory_space<vmem>> -> memref<1x128xi32, #tpu.memory_space<vmem>>
        %dma_wait3A_128 = arith.constant 0 : i32
        %dma_wait3A_129 = tpu.memref_slice %arg2[%run_scoped3A, %add3A_95, %dma_wait3A_128] : memref<2x12500x128xi32, #tpu.memory_space<hbm>> -> memref<1x1x128xi32, #tpu.memory_space<hbm>>
        %dma_wait3A_130 = tpu.memref_squeeze %dma_wait3A_129 : memref<1x1x128xi32, #tpu.memory_space<hbm>> -> memref<1x128xi32, #tpu.memory_space<hbm>>
        %dma_wait3A_131 = arith.constant 0 : i32
        %dma_wait3A_132 = arith.constant 0 : i32
        %dma_wait3A_133 = tpu.memref_slice %arg6[%run_scoped3A_96, %dma_wait3A_131, %dma_wait3A_132] : memref<2x8x128xi32, #tpu.memory_space<vmem>> -> memref<1x1x128xi32, #tpu.memory_space<vmem>>
        %dma_wait3A_134 = tpu.memref_squeeze %dma_wait3A_133 : memref<1x1x128xi32, #tpu.memory_space<vmem>> -> memref<1x128xi32, #tpu.memory_space<vmem>>
        %dma_wait3A_135 = arith.constant 0 : i32
        %dma_wait3A_136 = tpu.memref_slice %arg2[%run_scoped3A, %add3A_95, %dma_wait3A_135] : memref<2x12500x128xi32, #tpu.memory_space<hbm>> -> memref<1x1x128xi32, #tpu.memory_space<hbm>>
        %dma_wait3A_137 = tpu.memref_squeeze %dma_wait3A_136 : memref<1x1x128xi32, #tpu.memory_space<hbm>> -> memref<1x128xi32, #tpu.memory_space<hbm>>
        tpu.wait_dma2 semaphore(%run_scoped3A_109 : memref<!tpu.dma_semaphore, #tpu.memory_space<semaphore_mem>>) src(%dma_wait3A_137 : memref<1x128xi32, #tpu.memory_space<hbm>>) dst(%dma_wait3A_134 : memref<1x128xi32, #tpu.memory_space<vmem>>)
        tpu.yield
      }) : () -> ()
      %dma_start3A = arith.constant 0 : i32
      %dma_start3A_97 = arith.constant 0 : i32
      %dma_start3A_98 = arith.constant 0 : i32
      %dma_start3A_99 = tpu.memref_slice %arg6[%dma_start3A, %dma_start3A_97, %dma_start3A_98] : memref<2x8x128xi32, #tpu.memory_space<vmem>> -> memref<1x1x128xi32, #tpu.memory_space<vmem>>
      %dma_start3A_100 = tpu.memref_squeeze %dma_start3A_99 : memref<1x1x128xi32, #tpu.memory_space<vmem>> -> memref<128xi32, #tpu.memory_space<vmem>>
      %dma_start3A_101 = arith.constant 0 : i32
      %dma_start3A_102 = tpu.memref_slice %arg8[%dma_start3A_101] : memref<100352xf32, #tpu.memory_space<vmem_shared>> -> memref<100352xf32, #tpu.memory_space<vmem_shared>>
      tpu.enqueue_indirect_dma source(%arg7 : memref<128xf32, #tpu.memory_space<vmem>>) target(%dma_start3A_102 : memref<100352xf32, #tpu.memory_space<vmem_shared>>) offsets(%dma_start3A_100 : memref<128xi32, #tpu.memory_space<vmem>>) semaphore(%arg9 : memref<!tpu.dma_semaphore, #tpu.memory_space<semaphore_mem>>) {add = true}
      %dma_wait3A = arith.constant 0 : i32
      %dma_wait3A_103 = arith.constant 0 : i32
      %dma_wait3A_104 = arith.constant 0 : i32
      %dma_wait3A_105 = tpu.memref_slice %arg6[%dma_wait3A, %dma_wait3A_103, %dma_wait3A_104] : memref<2x8x128xi32, #tpu.memory_space<vmem>> -> memref<1x1x128xi32, #tpu.memory_space<vmem>>
      %dma_wait3A_106 = tpu.memref_squeeze %dma_wait3A_105 : memref<1x1x128xi32, #tpu.memory_space<vmem>> -> memref<128xi32, #tpu.memory_space<vmem>>
      %dma_wait3A_107 = arith.constant 0 : i32
      %dma_wait3A_108 = tpu.memref_slice %arg8[%dma_wait3A_107] : memref<100352xf32, #tpu.memory_space<vmem_shared>> -> memref<100352xf32, #tpu.memory_space<vmem_shared>>
      tpu.wait_indirect_dma semaphore(%arg9 : memref<!tpu.dma_semaphore, #tpu.memory_space<semaphore_mem>>) src(%arg7 : memref<128xf32, #tpu.memory_space<vmem>>) dst(%dma_wait3A_108 : memref<100352xf32, #tpu.memory_space<vmem_shared>>)
    }
    %barrier3A_86 = arith.constant 0 : index
    tpu.barrier barrier_id(%barrier3A_86)
    %eq3A = arith.constant 0 : i32
    %eq3A_87 = arith.cmpi eq, %arg0, %eq3A : i32
    %convert_element_type3A_88 = arith.extui %eq3A_87 : i1 to i32
    %cond3A_89 = arith.constant 0 : i32
    %cond3A_90 = arith.cmpi ne, %convert_element_type3A_88, %cond3A_89 : i32
    scf.if %cond3A_90 {
      %mul3A_91 = arith.constant 6272 : i32
      %mul3A_92 = arith.muli %arg1, %mul3A_91 : i32
      %mul3A_93 = arith.constant 6272 : i32
      %mul3A_94 = arith.muli %arg1, %mul3A_93 : i32
      "tpu.region"() ({
        %run_scoped3A = tpu.sem_alloc : memref<!tpu.dma_semaphore, #tpu.memory_space<semaphore_mem>>
        %dma_start3A = tpu.memref_slice %arg5[%mul3A_94] : memref<100352xf32, #tpu.memory_space<hbm>> -> memref<6272xf32, #tpu.memory_space<hbm>>
        %dma_start3A_95 = tpu.memref_slice %arg8[%mul3A_92] : memref<100352xf32, #tpu.memory_space<vmem_shared>> -> memref<6272xf32, #tpu.memory_space<vmem_shared>>
        tpu.enqueue_dma source(%dma_start3A_95 : memref<6272xf32, #tpu.memory_space<vmem_shared>>) target(%dma_start3A : memref<6272xf32, #tpu.memory_space<hbm>>) target_semaphore(%run_scoped3A : memref<!tpu.dma_semaphore, #tpu.memory_space<semaphore_mem>>)
        %dma_wait3A = tpu.memref_slice %arg5[%mul3A_94] : memref<100352xf32, #tpu.memory_space<hbm>> -> memref<6272xf32, #tpu.memory_space<hbm>>
        %dma_wait3A_96 = tpu.memref_slice %arg8[%mul3A_92] : memref<100352xf32, #tpu.memory_space<vmem_shared>> -> memref<6272xf32, #tpu.memory_space<vmem_shared>>
        tpu.wait_dma2 semaphore(%run_scoped3A : memref<!tpu.dma_semaphore, #tpu.memory_space<semaphore_mem>>) src(%dma_wait3A_96 : memref<6272xf32, #tpu.memory_space<vmem_shared>>) dst(%dma_wait3A : memref<6272xf32, #tpu.memory_space<hbm>>)
        tpu.yield
      }) : () -> ()
    } else {
    }
    return
  }
}

module attributes {stable_mosaic.version = 14 : i64} {
  func.func @_emb_body(%arg0: i32, %arg1: memref<128x128xi32, #tpu.memory_space<vmem>>, %arg2: memref<128x128xf32, #tpu.memory_space<vmem>>, %arg3: memref<128x128xf32, #tpu.memory_space<vmem>>, %arg4: memref<48x32xf32, #tpu.memory_space<vmem>>, %arg5: memref<33x8xf32, #tpu.memory_space<vmem>>, %arg6: memref<1x128xf32, #tpu.memory_space<vmem>>, %arg7: memref<128x768xf32, #tpu.memory_space<vmem>>, %arg8: memref<768x48xf32, #tpu.memory_space<vmem>>, %arg9: memref<8x128xf32, #tpu.memory_space<vmem>>, %arg10: memref<768x128xf32, #tpu.memory_space<vmem>>, %arg11: memref<128x128xf32, #tpu.memory_space<vmem>>) attributes {dimension_semantics = [#tpu.dimension_semantics<arbitrary>], iteration_bounds = array<i64: 49>, scalar_prefetch = 0 : i64, scratch_operands = 0 : i64, tpu.core_type = #tpu.core_type<tc>, window_params = [{transform_indices = @transform_0, window_bounds = array<i64: 128, 128>}, {transform_indices = @transform_1, window_bounds = array<i64: 128, 128>}, {transform_indices = @transform_2, window_bounds = array<i64: 128, 128>}, {pipeline_mode = #tpu.pipeline_mode<synchronous>, transform_indices = @transform_3, window_bounds = array<i64: 48, 32>}, {pipeline_mode = #tpu.pipeline_mode<synchronous>, transform_indices = @transform_4, window_bounds = array<i64: 33, 8>}, {pipeline_mode = #tpu.pipeline_mode<synchronous>, transform_indices = @transform_5, window_bounds = array<i64: 1, 128>}, {pipeline_mode = #tpu.pipeline_mode<synchronous>, transform_indices = @transform_6, window_bounds = array<i64: 128, 768>}, {pipeline_mode = #tpu.pipeline_mode<synchronous>, transform_indices = @transform_7, window_bounds = array<i64: 768, 48>}, {pipeline_mode = #tpu.pipeline_mode<synchronous>, transform_indices = @transform_8, window_bounds = array<i64: 8, 128>}, {pipeline_mode = #tpu.pipeline_mode<synchronous>, transform_indices = @transform_9, window_bounds = array<i64: 768, 128>}, {transform_indices = @transform_10, window_bounds = array<i64: 128, 128>}]} {
    %get3A = arith.constant 0 : index
    %get3A_0 = arith.constant 0 : index
    %get3A_1 = vector.load %arg4[%get3A, %get3A_0] : memref<48x32xf32, #tpu.memory_space<vmem>>, vector<48x32xf32>
    %get3A_2 = arith.constant 0 : index
    %get3A_3 = arith.constant 0 : index
    %get3A_4 = vector.load %arg5[%get3A_2, %get3A_3] : memref<33x8xf32, #tpu.memory_space<vmem>>, vector<32x8xf32>
    %dot_general3A = arith.constant dense<0.000000e+00> : vector<48x8xf32>
    %dot_general3A_5 = tpu.matmul %get3A_1, %get3A_4, %dot_general3A {dimension_numbers = #tpu.dot_dimension_numbers<[1], [0], [0], [1], [0, 0, 1, 1], [], []>, transpose_lhs_hint = false} : vector<48x32xf32>, vector<32x8xf32>, vector<48x8xf32> -> vector<48x8xf32>
    %get3A_6 = arith.constant 0 : index
    %get3A_7 = arith.constant 0 : index
    %get3A_8 = vector.load %arg8[%get3A_6, %get3A_7] : memref<768x48xf32, #tpu.memory_space<vmem>>, vector<768x48xf32>
    %dot_general3A_9 = arith.constant dense<0.000000e+00> : vector<768x8xf32>
    %dot_general3A_10 = tpu.matmul %get3A_8, %dot_general3A_5, %dot_general3A_9 {dimension_numbers = #tpu.dot_dimension_numbers<[1], [0], [0], [1], [0, 0, 1, 1], [], []>, transpose_lhs_hint = false} : vector<768x48xf32>, vector<48x8xf32>, vector<768x8xf32> -> vector<768x8xf32>
    %get3A_11 = arith.constant 0 : index
    %get3A_12 = arith.constant 0 : index
    %get3A_13 = vector.load %arg9[%get3A_11, %get3A_12] : memref<8x128xf32, #tpu.memory_space<vmem>>, vector<8x128xf32>
    %dot_general3A_14 = arith.constant dense<0.000000e+00> : vector<768x128xf32>
    %dot_general3A_15 = tpu.matmul %dot_general3A_10, %get3A_13, %dot_general3A_14 {dimension_numbers = #tpu.dot_dimension_numbers<[1], [0], [0], [1], [0, 0, 1, 1], [], []>, transpose_lhs_hint = false} : vector<768x8xf32>, vector<8x128xf32>, vector<768x128xf32> -> vector<768x128xf32>
    %get3A_16 = arith.constant 0 : index
    %get3A_17 = arith.constant 0 : index
    %get3A_18 = vector.load %arg10[%get3A_16, %get3A_17] : memref<768x128xf32, #tpu.memory_space<vmem>>, vector<768x128xf32>
    %mul3A = arith.mulf %dot_general3A_15, %get3A_18 : vector<768x128xf32>
    %get3A_19 = arith.constant 0 : index
    %get3A_20 = arith.constant 0 : index
    %get3A_21 = vector.load %arg1[%get3A_19, %get3A_20] : memref<128x128xi32, #tpu.memory_space<vmem>>, vector<128x128xi32>
    %convert_element_type3A = arith.sitofp %get3A_21 : vector<128x128xi32> to vector<128x128xf32>
    %get3A_22 = arith.constant 0 : index
    %get3A_23 = arith.constant 0 : index
    %get3A_24 = vector.load %arg7[%get3A_22, %get3A_23] : memref<128x768xf32, #tpu.memory_space<vmem>>, vector<128x768xf32>
    %dot_general3A_25 = arith.constant dense<0.000000e+00> : vector<128x768xf32>
    %dot_general3A_26 = tpu.matmul %convert_element_type3A, %get3A_24, %dot_general3A_25 {dimension_numbers = #tpu.dot_dimension_numbers<[1], [0], [0], [1], [0, 0, 1, 1], [], []>, transpose_lhs_hint = false} : vector<128x128xf32>, vector<128x768xf32>, vector<128x768xf32> -> vector<128x768xf32>
    %iota3A = tpu.iota {dimensions = array<i32: 1>} : vector<128x768xi32>
    %jit3A = arith.constant 48 : i32
    %eq3A = arith.constant 0 : i32
    %eq3A_27 = arith.cmpi eq, %jit3A, %eq3A : i32
    %jit3A_28 = arith.constant 1 : i32
    %select_n3A = arith.select %eq3A_27, %jit3A_28, %jit3A : i32
    %rem3A = vector.broadcast %select_n3A : i32 to vector<128x768xi32>
    %rem3A_29 = arith.remsi %iota3A, %rem3A : vector<128x768xi32>
    %ne3A = arith.constant 0 : i32
    %ne3A_30 = vector.broadcast %ne3A : i32 to vector<128x768xi32>
    %ne3A_31 = arith.cmpi ne, %rem3A_29, %ne3A_30 : vector<128x768xi32>
    %lt3A = arith.constant 0 : i32
    %lt3A_32 = vector.broadcast %lt3A : i32 to vector<128x768xi32>
    %lt3A_33 = arith.cmpi slt, %rem3A_29, %lt3A_32 : vector<128x768xi32>
    %lt3A_34 = arith.constant 0 : i32
    %lt3A_35 = arith.cmpi slt, %select_n3A, %lt3A_34 : i32
    %ne3A_36 = vector.broadcast %lt3A_35 : i1 to vector<128x768xi1>
    %ne3A_37 = vector.broadcast %ne3A_36 : vector<128x768xi1> to vector<128x768xi1>
    %ne3A_38 = arith.xori %lt3A_33, %ne3A_37 : vector<128x768xi1>
    %and3A = arith.andi %ne3A_38, %ne3A_31 : vector<128x768xi1>
    %add3A = vector.broadcast %select_n3A : i32 to vector<128x768xi32>
    %add3A_39 = arith.addi %rem3A_29, %add3A : vector<128x768xi32>
    %select_n3A_40 = arith.select %and3A, %add3A_39, %rem3A_29 : vector<128x768xi1>, vector<128x768xi32>
    %convert_element_type3A_41 = arith.sitofp %select_n3A_40 : vector<128x768xi32> to vector<128x768xf32>
    %eq3A_42 = arith.cmpf oeq, %dot_general3A_26, %convert_element_type3A_41 : vector<128x768xf32>
    %convert_element_type3A_43 = arith.extui %eq3A_42 : vector<128x768xi1> to vector<128x768xi32>
    %convert_element_type3A_44 = arith.sitofp %convert_element_type3A_43 : vector<128x768xi32> to vector<128x768xf32>
    %dot_general3A_45 = arith.constant dense<0.000000e+00> : vector<128x128xf32>
    %dot_general3A_46 = tpu.matmul %convert_element_type3A_44, %mul3A, %dot_general3A_45 {dimension_numbers = #tpu.dot_dimension_numbers<[1], [0], [0], [1], [0, 0, 1, 1], [], []>, transpose_lhs_hint = false} : vector<128x768xf32>, vector<768x128xf32>, vector<128x128xf32> -> vector<128x128xf32>
    %get3A_47 = arith.constant 0 : index
    %get3A_48 = arith.constant 0 : index
    %get3A_49 = vector.load %arg3[%get3A_47, %get3A_48] : memref<128x128xf32, #tpu.memory_space<vmem>>, vector<128x128xf32>
    %add3A_50 = arith.constant 1.000000e+00 : f32
    %add3A_51 = vector.broadcast %add3A_50 : f32 to vector<128x128xf32>
    %add3A_52 = arith.addf %get3A_49, %add3A_51 : vector<128x128xf32>
    %rsqrt3A = math.rsqrt %add3A_52 : vector<128x128xf32>
    %get3A_53 = arith.constant 0 : index
    %get3A_54 = arith.constant 0 : index
    %get3A_55 = vector.load %arg2[%get3A_53, %get3A_54] : memref<128x128xf32, #tpu.memory_space<vmem>>, vector<128x128xf32>
    %get3A_56 = arith.constant 0 : index
    %get3A_57 = arith.constant 0 : index
    %get3A_58 = vector.load %arg6[%get3A_56, %get3A_57] : memref<1x128xf32, #tpu.memory_space<vmem>>, vector<1x128xf32>
    %mul3A_59 = vector.broadcast %get3A_58 : vector<1x128xf32> to vector<128x128xf32>
    %mul3A_60 = arith.mulf %get3A_55, %mul3A_59 : vector<128x128xf32>
    %add3A_61 = arith.addf %dot_general3A_46, %mul3A_60 : vector<128x128xf32>
    %mul3A_62 = arith.mulf %add3A_61, %rsqrt3A : vector<128x128xf32>
    %swap3A = arith.constant 0 : index
    %swap3A_63 = arith.constant 0 : index
    %swap3A_64 = vector.load %arg11[%swap3A, %swap3A_63] : memref<128x128xf32, #tpu.memory_space<vmem>>, vector<128x128xf32>
    tpu.vector_store %arg11[%swap3A, %swap3A_63], %mul3A_62 {strides = array<i32>} : memref<128x128xf32, #tpu.memory_space<vmem>>, vector<128x128xf32>,
    return
  }
  func.func @transform_0(%arg0: i32) -> (i32, i32) {
    %c0_i32 = arith.constant 0 : i32
    %c0_i32_0 = arith.constant 0 : i32
    return %arg0, %c0_i32 : i32, i32
  }
  func.func @transform_1(%arg0: i32) -> (i32, i32) {
    %c0_i32 = arith.constant 0 : i32
    %c0_i32_0 = arith.constant 0 : i32
    return %arg0, %c0_i32 : i32, i32
  }
  func.func @transform_2(%arg0: i32) -> (i32, i32) {
    %c0_i32 = arith.constant 0 : i32
    %c0_i32_0 = arith.constant 0 : i32
    return %arg0, %c0_i32 : i32, i32
  }
  func.func @transform_3(%arg0: i32) -> (i32, i32) {
    %c0_i32 = arith.constant 0 : i32
    %c0_i32_0 = arith.constant 0 : i32
    %c0_i32_1 = arith.constant 0 : i32
    return %c0_i32, %c0_i32_0 : i32, i32
  }
  func.func @transform_4(%arg0: i32) -> (i32, i32) {
    %c0_i32 = arith.constant 0 : i32
    %c0_i32_0 = arith.constant 0 : i32
    %c0_i32_1 = arith.constant 0 : i32
    return %c0_i32, %c0_i32_0 : i32, i32
  }
  func.func @transform_5(%arg0: i32) -> (i32, i32) {
    %c0_i32 = arith.constant 0 : i32
    %c0_i32_0 = arith.constant 0 : i32
    %c0_i32_1 = arith.constant 0 : i32
    return %c0_i32, %c0_i32_0 : i32, i32
  }
  func.func @transform_6(%arg0: i32) -> (i32, i32) {
    %c0_i32 = arith.constant 0 : i32
    %c0_i32_0 = arith.constant 0 : i32
    %c0_i32_1 = arith.constant 0 : i32
    return %c0_i32, %c0_i32_0 : i32, i32
  }
  func.func @transform_7(%arg0: i32) -> (i32, i32) {
    %c0_i32 = arith.constant 0 : i32
    %c0_i32_0 = arith.constant 0 : i32
    %c0_i32_1 = arith.constant 0 : i32
    return %c0_i32, %c0_i32_0 : i32, i32
  }
  func.func @transform_8(%arg0: i32) -> (i32, i32) {
    %c0_i32 = arith.constant 0 : i32
    %c0_i32_0 = arith.constant 0 : i32
    %c0_i32_1 = arith.constant 0 : i32
    return %c0_i32, %c0_i32_0 : i32, i32
  }
  func.func @transform_9(%arg0: i32) -> (i32, i32) {
    %c0_i32 = arith.constant 0 : i32
    %c0_i32_0 = arith.constant 0 : i32
    %c0_i32_1 = arith.constant 0 : i32
    return %c0_i32, %c0_i32_0 : i32, i32
  }
  func.func @transform_10(%arg0: i32) -> (i32, i32) {
    %c0_i32 = arith.constant 0 : i32
    %c0_i32_0 = arith.constant 0 : i32
    return %arg0, %c0_i32 : i32, i32
  }
}

module attributes {stable_mosaic.version = 14 : i64} {
  func.func @_pool_body(%arg0: i32, %arg1: memref<2x128x128xf32, #tpu.memory_space<vmem>>, %arg2: memref<128x128xf32, #tpu.memory_space<vmem>>, %arg3: memref<128x128xf32, #tpu.memory_space<vmem>>, %arg4: memref<128x128xi32, #tpu.memory_space<vmem>>, %arg5: memref<8x8xf32, #tpu.memory_space<vmem>>, %arg6: memref<128x8xf32, #tpu.memory_space<vmem>>, %arg7: memref<8x128xf32, #tpu.memory_space<vmem>>, %arg8: memref<128x128xf32, #tpu.memory_space<vmem>>, %arg9: memref<1x128xf32, #tpu.memory_space<vmem>>, %arg10: memref<1x128xf32, #tpu.memory_space<vmem>>, %arg11: memref<64x8xf32, #tpu.memory_space<vmem>>) attributes {dimension_semantics = [#tpu.dimension_semantics<arbitrary>], iteration_bounds = array<i64: 49>, scalar_prefetch = 0 : i64, scratch_operands = 0 : i64, tpu.core_type = #tpu.core_type<tc>, window_params = [{transform_indices = @transform_0, window_bounds = array<i64: 2, 128, 128>}, {transform_indices = @transform_1, window_bounds = array<i64: 128, 128>}, {transform_indices = @transform_2, window_bounds = array<i64: 128, 128>}, {transform_indices = @transform_3, window_bounds = array<i64: 128, 128>}, {pipeline_mode = #tpu.pipeline_mode<synchronous>, transform_indices = @transform_4, window_bounds = array<i64: 8, 8>}, {pipeline_mode = #tpu.pipeline_mode<synchronous>, transform_indices = @transform_5, window_bounds = array<i64: 128, 8>}, {pipeline_mode = #tpu.pipeline_mode<synchronous>, transform_indices = @transform_6, window_bounds = array<i64: 8, 128>}, {pipeline_mode = #tpu.pipeline_mode<synchronous>, transform_indices = @transform_7, window_bounds = array<i64: 128, 128>}, {pipeline_mode = #tpu.pipeline_mode<synchronous>, transform_indices = @transform_8, window_bounds = array<i64: 1, 128>}, {pipeline_mode = #tpu.pipeline_mode<synchronous>, transform_indices = @transform_9, window_bounds = array<i64: 1, 128>}, {pipeline_mode = #tpu.pipeline_mode<synchronous>, transform_indices = @transform_10, window_bounds = array<i64: 64, 8>}]} {
    %get3A = arith.constant 0 : index
    %get3A_0 = arith.constant 0 : index
    %get3A_1 = vector.load %arg3[%get3A, %get3A_0] : memref<128x128xf32, #tpu.memory_space<vmem>>, vector<128x128xf32>
    %add3A = arith.constant 1.000000e+00 : f32
    %add3A_2 = vector.broadcast %add3A : f32 to vector<128x128xf32>
    %add3A_3 = arith.addf %get3A_1, %add3A_2 : vector<128x128xf32>
    %rsqrt3A = math.rsqrt %add3A_3 : vector<128x128xf32>
    %get3A_4 = arith.constant 0 : index
    %get3A_5 = arith.constant 0 : index
    %get3A_6 = arith.constant 0 : index
    %get3A_7 = vector.load %arg1[%get3A_4, %get3A_5, %get3A_6] : memref<2x128x128xf32, #tpu.memory_space<vmem>>, vector<1x128x128xf32>
    %get3A_8 = vector.shape_cast %get3A_7 : vector<1x128x128xf32> to vector<128x128xf32>
    %get3A_9 = arith.constant 1 : index
    %get3A_10 = arith.constant 0 : index
    %get3A_11 = arith.constant 0 : index
    %get3A_12 = vector.load %arg1[%get3A_9, %get3A_10, %get3A_11] : memref<2x128x128xf32, #tpu.memory_space<vmem>>, vector<1x128x128xf32>
    %get3A_13 = vector.shape_cast %get3A_12 : vector<1x128x128xf32> to vector<128x128xf32>
    %add3A_14 = arith.addf %get3A_8, %get3A_13 : vector<128x128xf32>
    %get3A_15 = arith.constant 0 : index
    %get3A_16 = arith.constant 0 : index
    %get3A_17 = vector.load %arg2[%get3A_15, %get3A_16] : memref<128x128xf32, #tpu.memory_space<vmem>>, vector<128x128xf32>
    %add3A_18 = arith.addf %add3A_14, %get3A_17 : vector<128x128xf32>
    %mul3A = arith.mulf %rsqrt3A, %add3A_18 : vector<128x128xf32>
    %get3A_19 = arith.constant 0 : index
    %get3A_20 = arith.constant 0 : index
    %get3A_21 = vector.load %arg9[%get3A_19, %get3A_20] : memref<1x128xf32, #tpu.memory_space<vmem>>, vector<1x128xf32>
    %add3A_22 = vector.broadcast %get3A_21 : vector<1x128xf32> to vector<128x128xf32>
    %add3A_23 = arith.addf %mul3A, %add3A_22 : vector<128x128xf32>
    %get3A_24 = arith.constant 0 : index
    %get3A_25 = arith.constant 0 : index
    %get3A_26 = vector.load %arg6[%get3A_24, %get3A_25] : memref<128x8xf32, #tpu.memory_space<vmem>>, vector<128x8xf32>
    %get3A_27 = arith.constant 0 : index
    %get3A_28 = arith.constant 0 : index
    %get3A_29 = vector.load %arg5[%get3A_27, %get3A_28] : memref<8x8xf32, #tpu.memory_space<vmem>>, vector<8x8xf32>
    %dot_general3A = arith.constant dense<0.000000e+00> : vector<128x8xf32>
    %dot_general3A_30 = tpu.matmul %get3A_26, %get3A_29, %dot_general3A {dimension_numbers = #tpu.dot_dimension_numbers<[1], [0], [0], [1], [0, 0, 1, 1], [], []>, transpose_lhs_hint = false} : vector<128x8xf32>, vector<8x8xf32>, vector<128x8xf32> -> vector<128x8xf32>
    %get3A_31 = arith.constant 0 : index
    %get3A_32 = arith.constant 0 : index
    %get3A_33 = vector.load %arg7[%get3A_31, %get3A_32] : memref<8x128xf32, #tpu.memory_space<vmem>>, vector<8x128xf32>
    %dot_general3A_34 = arith.constant dense<0.000000e+00> : vector<128x128xf32>
    %dot_general3A_35 = tpu.matmul %dot_general3A_30, %get3A_33, %dot_general3A_34 {dimension_numbers = #tpu.dot_dimension_numbers<[1], [0], [0], [1], [0, 0, 1, 1], [], []>, transpose_lhs_hint = false} : vector<128x8xf32>, vector<8x128xf32>, vector<128x128xf32> -> vector<128x128xf32>
    %get3A_36 = arith.constant 0 : index
    %get3A_37 = arith.constant 0 : index
    %get3A_38 = vector.load %arg8[%get3A_36, %get3A_37] : memref<128x128xf32, #tpu.memory_space<vmem>>, vector<128x128xf32>
    %mul3A_39 = arith.mulf %dot_general3A_35, %get3A_38 : vector<128x128xf32>
    %dot_general3A_40 = arith.constant dense<0.000000e+00> : vector<128x128xf32>
    %dot_general3A_41 = tpu.matmul %add3A_23, %mul3A_39, %dot_general3A_40 {dimension_numbers = #tpu.dot_dimension_numbers<[1], [0], [0], [1], [0, 0, 1, 1], [], []>, transpose_lhs_hint = false} : vector<128x128xf32>, vector<128x128xf32>, vector<128x128xf32> -> vector<128x128xf32>
    %get3A_42 = arith.constant 0 : index
    %get3A_43 = arith.constant 0 : index
    %get3A_44 = vector.load %arg10[%get3A_42, %get3A_43] : memref<1x128xf32, #tpu.memory_space<vmem>>, vector<1x128xf32>
    %add3A_45 = vector.broadcast %get3A_44 : vector<1x128xf32> to vector<128x128xf32>
    %add3A_46 = arith.addf %dot_general3A_41, %add3A_45 : vector<128x128xf32>
    %max3A = arith.constant 0.000000e+00 : f32
    %max3A_47 = vector.broadcast %max3A : f32 to vector<128x128xf32>
    %max3A_48 = arith.maximumf %add3A_46, %max3A_47 : vector<128x128xf32>
    %iota3A = tpu.iota {dimensions = array<i32: 1>} : vector<128x128xi32>
    %jit3A = arith.constant 8 : i32
    %eq3A = arith.constant 0 : i32
    %eq3A_49 = arith.cmpi eq, %jit3A, %eq3A : i32
    %jit3A_50 = arith.constant 1 : i32
    %select_n3A = arith.select %eq3A_49, %jit3A_50, %jit3A : i32
    %rem3A = vector.broadcast %select_n3A : i32 to vector<128x128xi32>
    %rem3A_51 = arith.remsi %iota3A, %rem3A : vector<128x128xi32>
    %ne3A = arith.constant 0 : i32
    %ne3A_52 = vector.broadcast %ne3A : i32 to vector<128x128xi32>
    %ne3A_53 = arith.cmpi ne, %rem3A_51, %ne3A_52 : vector<128x128xi32>
    %lt3A = arith.constant 0 : i32
    %lt3A_54 = vector.broadcast %lt3A : i32 to vector<128x128xi32>
    %lt3A_55 = arith.cmpi slt, %rem3A_51, %lt3A_54 : vector<128x128xi32>
    %lt3A_56 = arith.constant 0 : i32
    %lt3A_57 = arith.cmpi slt, %select_n3A, %lt3A_56 : i32
    %ne3A_58 = vector.broadcast %lt3A_57 : i1 to vector<128x128xi1>
    %ne3A_59 = vector.broadcast %ne3A_58 : vector<128x128xi1> to vector<128x128xi1>
    %ne3A_60 = arith.xori %lt3A_55, %ne3A_59 : vector<128x128xi1>
    %and3A = arith.andi %ne3A_60, %ne3A_53 : vector<128x128xi1>
    %add3A_61 = vector.broadcast %select_n3A : i32 to vector<128x128xi32>
    %add3A_62 = arith.addi %rem3A_51, %add3A_61 : vector<128x128xi32>
    %select_n3A_63 = arith.select %and3A, %add3A_62, %rem3A_51 : vector<128x128xi1>, vector<128x128xi32>
    %eq3A_64 = arith.constant 7 : i32
    %eq3A_65 = vector.broadcast %eq3A_64 : i32 to vector<128x128xi32>
    %eq3A_66 = arith.cmpi eq, %select_n3A_63, %eq3A_65 : vector<128x128xi32>
    %convert_element_type3A = arith.extui %eq3A_66 : vector<128x128xi1> to vector<128x128xi32>
    %convert_element_type3A_67 = arith.sitofp %convert_element_type3A : vector<128x128xi32> to vector<128x128xf32>
    %add3A_68 = arith.addf %max3A_48, %convert_element_type3A_67 : vector<128x128xf32>
    %iota3A_69 = tpu.iota {dimensions = array<i32: 1>} : vector<1x64xi32>
    %broadcast_in_dim3A = arith.constant 0.000000e+00 : f32
    %broadcast_in_dim3A_70 = vector.broadcast %broadcast_in_dim3A : f32 to vector<64x8xf32>
    %slice3A = vector.extract_strided_slice %add3A_68 {offsets = [0, 0], sizes = [128, 8], strides = [1, 1]} : vector<128x128xf32> to vector<128x8xf32>
    %get3A_71 = arith.constant 0 : index
    %get3A_72 = arith.constant 0 : index
    %get3A_73 = vector.load %arg4[%get3A_71, %get3A_72] : memref<128x128xi32, #tpu.memory_space<vmem>>, vector<128x1xi32>
    %eq3A_74 = vector.broadcast %get3A_73 : vector<128x1xi32> to vector<128x64xi32>
    %eq3A_75 = vector.broadcast %iota3A_69 : vector<1x64xi32> to vector<128x64xi32>
    %eq3A_76 = arith.cmpi eq, %eq3A_74, %eq3A_75 : vector<128x64xi32>
    %convert_element_type3A_77 = arith.extui %eq3A_76 : vector<128x64xi1> to vector<128x64xi32>
    %convert_element_type3A_78 = arith.sitofp %convert_element_type3A_77 : vector<128x64xi32> to vector<128x64xf32>
    %dot_general3A_79 = arith.constant dense<0.000000e+00> : vector<64x8xf32>
    %dot_general3A_80 = tpu.matmul %convert_element_type3A_78, %slice3A, %dot_general3A_79 {dimension_numbers = #tpu.dot_dimension_numbers<[0], [0], [1], [1], [0, 1, 1, 1], [], []>, transpose_lhs_hint = false} : vector<128x64xf32>, vector<128x8xf32>, vector<64x8xf32> -> vector<64x8xf32>
    %add3A_81 = arith.addf %broadcast_in_dim3A_70, %dot_general3A_80 : vector<64x8xf32>
    %slice3A_82 = vector.extract_strided_slice %add3A_68 {offsets = [0, 8], sizes = [128, 8], strides = [1, 1]} : vector<128x128xf32> to vector<128x8xf32>
    %get3A_83 = arith.constant 0 : index
    %get3A_84 = arith.constant 8 : index
    %get3A_85 = vector.load %arg4[%get3A_83, %get3A_84] : memref<128x128xi32, #tpu.memory_space<vmem>>, vector<128x1xi32>
    %eq3A_86 = vector.broadcast %get3A_85 : vector<128x1xi32> to vector<128x64xi32>
    %eq3A_87 = vector.broadcast %iota3A_69 : vector<1x64xi32> to vector<128x64xi32>
    %eq3A_88 = arith.cmpi eq, %eq3A_86, %eq3A_87 : vector<128x64xi32>
    %convert_element_type3A_89 = arith.extui %eq3A_88 : vector<128x64xi1> to vector<128x64xi32>
    %convert_element_type3A_90 = arith.sitofp %convert_element_type3A_89 : vector<128x64xi32> to vector<128x64xf32>
    %dot_general3A_91 = arith.constant dense<0.000000e+00> : vector<64x8xf32>
    %dot_general3A_92 = tpu.matmul %convert_element_type3A_90, %slice3A_82, %dot_general3A_91 {dimension_numbers = #tpu.dot_dimension_numbers<[0], [0], [1], [1], [0, 1, 1, 1], [], []>, transpose_lhs_hint = false} : vector<128x64xf32>, vector<128x8xf32>, vector<64x8xf32> -> vector<64x8xf32>
    %add3A_93 = arith.addf %add3A_81, %dot_general3A_92 : vector<64x8xf32>
    %slice3A_94 = vector.extract_strided_slice %add3A_68 {offsets = [0, 16], sizes = [128, 8], strides = [1, 1]} : vector<128x128xf32> to vector<128x8xf32>
    %get3A_95 = arith.constant 0 : index
    %get3A_96 = arith.constant 16 : index
    %get3A_97 = vector.load %arg4[%get3A_95, %get3A_96] : memref<128x128xi32, #tpu.memory_space<vmem>>, vector<128x1xi32>
    %eq3A_98 = vector.broadcast %get3A_97 : vector<128x1xi32> to vector<128x64xi32>
    %eq3A_99 = vector.broadcast %iota3A_69 : vector<1x64xi32> to vector<128x64xi32>
    %eq3A_100 = arith.cmpi eq, %eq3A_98, %eq3A_99 : vector<128x64xi32>
    %convert_element_type3A_101 = arith.extui %eq3A_100 : vector<128x64xi1> to vector<128x64xi32>
    %convert_element_type3A_102 = arith.sitofp %convert_element_type3A_101 : vector<128x64xi32> to vector<128x64xf32>
    %dot_general3A_103 = arith.constant dense<0.000000e+00> : vector<64x8xf32>
    %dot_general3A_104 = tpu.matmul %convert_element_type3A_102, %slice3A_94, %dot_general3A_103 {dimension_numbers = #tpu.dot_dimension_numbers<[0], [0], [1], [1], [0, 1, 1, 1], [], []>, transpose_lhs_hint = false} : vector<128x64xf32>, vector<128x8xf32>, vector<64x8xf32> -> vector<64x8xf32>
    %add3A_105 = arith.addf %add3A_93, %dot_general3A_104 : vector<64x8xf32>
    %slice3A_106 = vector.extract_strided_slice %add3A_68 {offsets = [0, 24], sizes = [128, 8], strides = [1, 1]} : vector<128x128xf32> to vector<128x8xf32>
    %get3A_107 = arith.constant 0 : index
    %get3A_108 = arith.constant 24 : index
    %get3A_109 = vector.load %arg4[%get3A_107, %get3A_108] : memref<128x128xi32, #tpu.memory_space<vmem>>, vector<128x1xi32>
    %eq3A_110 = vector.broadcast %get3A_109 : vector<128x1xi32> to vector<128x64xi32>
    %eq3A_111 = vector.broadcast %iota3A_69 : vector<1x64xi32> to vector<128x64xi32>
    %eq3A_112 = arith.cmpi eq, %eq3A_110, %eq3A_111 : vector<128x64xi32>
    %convert_element_type3A_113 = arith.extui %eq3A_112 : vector<128x64xi1> to vector<128x64xi32>
    %convert_element_type3A_114 = arith.sitofp %convert_element_type3A_113 : vector<128x64xi32> to vector<128x64xf32>
    %dot_general3A_115 = arith.constant dense<0.000000e+00> : vector<64x8xf32>
    %dot_general3A_116 = tpu.matmul %convert_element_type3A_114, %slice3A_106, %dot_general3A_115 {dimension_numbers = #tpu.dot_dimension_numbers<[0], [0], [1], [1], [0, 1, 1, 1], [], []>, transpose_lhs_hint = false} : vector<128x64xf32>, vector<128x8xf32>, vector<64x8xf32> -> vector<64x8xf32>
    %add3A_117 = arith.addf %add3A_105, %dot_general3A_116 : vector<64x8xf32>
    %slice3A_118 = vector.extract_strided_slice %add3A_68 {offsets = [0, 32], sizes = [128, 8], strides = [1, 1]} : vector<128x128xf32> to vector<128x8xf32>
    %get3A_119 = arith.constant 0 : index
    %get3A_120 = arith.constant 32 : index
    %get3A_121 = vector.load %arg4[%get3A_119, %get3A_120] : memref<128x128xi32, #tpu.memory_space<vmem>>, vector<128x1xi32>
    %eq3A_122 = vector.broadcast %get3A_121 : vector<128x1xi32> to vector<128x64xi32>
    %eq3A_123 = vector.broadcast %iota3A_69 : vector<1x64xi32> to vector<128x64xi32>
    %eq3A_124 = arith.cmpi eq, %eq3A_122, %eq3A_123 : vector<128x64xi32>
    %convert_element_type3A_125 = arith.extui %eq3A_124 : vector<128x64xi1> to vector<128x64xi32>
    %convert_element_type3A_126 = arith.sitofp %convert_element_type3A_125 : vector<128x64xi32> to vector<128x64xf32>
    %dot_general3A_127 = arith.constant dense<0.000000e+00> : vector<64x8xf32>
    %dot_general3A_128 = tpu.matmul %convert_element_type3A_126, %slice3A_118, %dot_general3A_127 {dimension_numbers = #tpu.dot_dimension_numbers<[0], [0], [1], [1], [0, 1, 1, 1], [], []>, transpose_lhs_hint = false} : vector<128x64xf32>, vector<128x8xf32>, vector<64x8xf32> -> vector<64x8xf32>
    %add3A_129 = arith.addf %add3A_117, %dot_general3A_128 : vector<64x8xf32>
    %slice3A_130 = vector.extract_strided_slice %add3A_68 {offsets = [0, 40], sizes = [128, 8], strides = [1, 1]} : vector<128x128xf32> to vector<128x8xf32>
    %get3A_131 = arith.constant 0 : index
    %get3A_132 = arith.constant 40 : index
    %get3A_133 = vector.load %arg4[%get3A_131, %get3A_132] : memref<128x128xi32, #tpu.memory_space<vmem>>, vector<128x1xi32>
    %eq3A_134 = vector.broadcast %get3A_133 : vector<128x1xi32> to vector<128x64xi32>
    %eq3A_135 = vector.broadcast %iota3A_69 : vector<1x64xi32> to vector<128x64xi32>
    %eq3A_136 = arith.cmpi eq, %eq3A_134, %eq3A_135 : vector<128x64xi32>
    %convert_element_type3A_137 = arith.extui %eq3A_136 : vector<128x64xi1> to vector<128x64xi32>
    %convert_element_type3A_138 = arith.sitofp %convert_element_type3A_137 : vector<128x64xi32> to vector<128x64xf32>
    %dot_general3A_139 = arith.constant dense<0.000000e+00> : vector<64x8xf32>
    %dot_general3A_140 = tpu.matmul %convert_element_type3A_138, %slice3A_130, %dot_general3A_139 {dimension_numbers = #tpu.dot_dimension_numbers<[0], [0], [1], [1], [0, 1, 1, 1], [], []>, transpose_lhs_hint = false} : vector<128x64xf32>, vector<128x8xf32>, vector<64x8xf32> -> vector<64x8xf32>
    %add3A_141 = arith.addf %add3A_129, %dot_general3A_140 : vector<64x8xf32>
    %slice3A_142 = vector.extract_strided_slice %add3A_68 {offsets = [0, 48], sizes = [128, 8], strides = [1, 1]} : vector<128x128xf32> to vector<128x8xf32>
    %get3A_143 = arith.constant 0 : index
    %get3A_144 = arith.constant 48 : index
    %get3A_145 = vector.load %arg4[%get3A_143, %get3A_144] : memref<128x128xi32, #tpu.memory_space<vmem>>, vector<128x1xi32>
    %eq3A_146 = vector.broadcast %get3A_145 : vector<128x1xi32> to vector<128x64xi32>
    %eq3A_147 = vector.broadcast %iota3A_69 : vector<1x64xi32> to vector<128x64xi32>
    %eq3A_148 = arith.cmpi eq, %eq3A_146, %eq3A_147 : vector<128x64xi32>
    %convert_element_type3A_149 = arith.extui %eq3A_148 : vector<128x64xi1> to vector<128x64xi32>
    %convert_element_type3A_150 = arith.sitofp %convert_element_type3A_149 : vector<128x64xi32> to vector<128x64xf32>
    %dot_general3A_151 = arith.constant dense<0.000000e+00> : vector<64x8xf32>
    %dot_general3A_152 = tpu.matmul %convert_element_type3A_150, %slice3A_142, %dot_general3A_151 {dimension_numbers = #tpu.dot_dimension_numbers<[0], [0], [1], [1], [0, 1, 1, 1], [], []>, transpose_lhs_hint = false} : vector<128x64xf32>, vector<128x8xf32>, vector<64x8xf32> -> vector<64x8xf32>
    %add3A_153 = arith.addf %add3A_141, %dot_general3A_152 : vector<64x8xf32>
    %slice3A_154 = vector.extract_strided_slice %add3A_68 {offsets = [0, 56], sizes = [128, 8], strides = [1, 1]} : vector<128x128xf32> to vector<128x8xf32>
    %get3A_155 = arith.constant 0 : index
    %get3A_156 = arith.constant 56 : index
    %get3A_157 = vector.load %arg4[%get3A_155, %get3A_156] : memref<128x128xi32, #tpu.memory_space<vmem>>, vector<128x1xi32>
    %eq3A_158 = vector.broadcast %get3A_157 : vector<128x1xi32> to vector<128x64xi32>
    %eq3A_159 = vector.broadcast %iota3A_69 : vector<1x64xi32> to vector<128x64xi32>
    %eq3A_160 = arith.cmpi eq, %eq3A_158, %eq3A_159 : vector<128x64xi32>
    %convert_element_type3A_161 = arith.extui %eq3A_160 : vector<128x64xi1> to vector<128x64xi32>
    %convert_element_type3A_162 = arith.sitofp %convert_element_type3A_161 : vector<128x64xi32> to vector<128x64xf32>
    %dot_general3A_163 = arith.constant dense<0.000000e+00> : vector<64x8xf32>
    %dot_general3A_164 = tpu.matmul %convert_element_type3A_162, %slice3A_154, %dot_general3A_163 {dimension_numbers = #tpu.dot_dimension_numbers<[0], [0], [1], [1], [0, 1, 1, 1], [], []>, transpose_lhs_hint = false} : vector<128x64xf32>, vector<128x8xf32>, vector<64x8xf32> -> vector<64x8xf32>
    %add3A_165 = arith.addf %add3A_153, %dot_general3A_164 : vector<64x8xf32>
    %slice3A_166 = vector.extract_strided_slice %add3A_68 {offsets = [0, 64], sizes = [128, 8], strides = [1, 1]} : vector<128x128xf32> to vector<128x8xf32>
    %get3A_167 = arith.constant 0 : index
    %get3A_168 = arith.constant 64 : index
    %get3A_169 = vector.load %arg4[%get3A_167, %get3A_168] : memref<128x128xi32, #tpu.memory_space<vmem>>, vector<128x1xi32>
    %eq3A_170 = vector.broadcast %get3A_169 : vector<128x1xi32> to vector<128x64xi32>
    %eq3A_171 = vector.broadcast %iota3A_69 : vector<1x64xi32> to vector<128x64xi32>
    %eq3A_172 = arith.cmpi eq, %eq3A_170, %eq3A_171 : vector<128x64xi32>
    %convert_element_type3A_173 = arith.extui %eq3A_172 : vector<128x64xi1> to vector<128x64xi32>
    %convert_element_type3A_174 = arith.sitofp %convert_element_type3A_173 : vector<128x64xi32> to vector<128x64xf32>
    %dot_general3A_175 = arith.constant dense<0.000000e+00> : vector<64x8xf32>
    %dot_general3A_176 = tpu.matmul %convert_element_type3A_174, %slice3A_166, %dot_general3A_175 {dimension_numbers = #tpu.dot_dimension_numbers<[0], [0], [1], [1], [0, 1, 1, 1], [], []>, transpose_lhs_hint = false} : vector<128x64xf32>, vector<128x8xf32>, vector<64x8xf32> -> vector<64x8xf32>
    %add3A_177 = arith.addf %add3A_165, %dot_general3A_176 : vector<64x8xf32>
    %slice3A_178 = vector.extract_strided_slice %add3A_68 {offsets = [0, 72], sizes = [128, 8], strides = [1, 1]} : vector<128x128xf32> to vector<128x8xf32>
    %get3A_179 = arith.constant 0 : index
    %get3A_180 = arith.constant 72 : index
    %get3A_181 = vector.load %arg4[%get3A_179, %get3A_180] : memref<128x128xi32, #tpu.memory_space<vmem>>, vector<128x1xi32>
    %eq3A_182 = vector.broadcast %get3A_181 : vector<128x1xi32> to vector<128x64xi32>
    %eq3A_183 = vector.broadcast %iota3A_69 : vector<1x64xi32> to vector<128x64xi32>
    %eq3A_184 = arith.cmpi eq, %eq3A_182, %eq3A_183 : vector<128x64xi32>
    %convert_element_type3A_185 = arith.extui %eq3A_184 : vector<128x64xi1> to vector<128x64xi32>
    %convert_element_type3A_186 = arith.sitofp %convert_element_type3A_185 : vector<128x64xi32> to vector<128x64xf32>
    %dot_general3A_187 = arith.constant dense<0.000000e+00> : vector<64x8xf32>
    %dot_general3A_188 = tpu.matmul %convert_element_type3A_186, %slice3A_178, %dot_general3A_187 {dimension_numbers = #tpu.dot_dimension_numbers<[0], [0], [1], [1], [0, 1, 1, 1], [], []>, transpose_lhs_hint = false} : vector<128x64xf32>, vector<128x8xf32>, vector<64x8xf32> -> vector<64x8xf32>
    %add3A_189 = arith.addf %add3A_177, %dot_general3A_188 : vector<64x8xf32>
    %slice3A_190 = vector.extract_strided_slice %add3A_68 {offsets = [0, 80], sizes = [128, 8], strides = [1, 1]} : vector<128x128xf32> to vector<128x8xf32>
    %get3A_191 = arith.constant 0 : index
    %get3A_192 = arith.constant 80 : index
    %get3A_193 = vector.load %arg4[%get3A_191, %get3A_192] : memref<128x128xi32, #tpu.memory_space<vmem>>, vector<128x1xi32>
    %eq3A_194 = vector.broadcast %get3A_193 : vector<128x1xi32> to vector<128x64xi32>
    %eq3A_195 = vector.broadcast %iota3A_69 : vector<1x64xi32> to vector<128x64xi32>
    %eq3A_196 = arith.cmpi eq, %eq3A_194, %eq3A_195 : vector<128x64xi32>
    %convert_element_type3A_197 = arith.extui %eq3A_196 : vector<128x64xi1> to vector<128x64xi32>
    %convert_element_type3A_198 = arith.sitofp %convert_element_type3A_197 : vector<128x64xi32> to vector<128x64xf32>
    %dot_general3A_199 = arith.constant dense<0.000000e+00> : vector<64x8xf32>
    %dot_general3A_200 = tpu.matmul %convert_element_type3A_198, %slice3A_190, %dot_general3A_199 {dimension_numbers = #tpu.dot_dimension_numbers<[0], [0], [1], [1], [0, 1, 1, 1], [], []>, transpose_lhs_hint = false} : vector<128x64xf32>, vector<128x8xf32>, vector<64x8xf32> -> vector<64x8xf32>
    %add3A_201 = arith.addf %add3A_189, %dot_general3A_200 : vector<64x8xf32>
    %slice3A_202 = vector.extract_strided_slice %add3A_68 {offsets = [0, 88], sizes = [128, 8], strides = [1, 1]} : vector<128x128xf32> to vector<128x8xf32>
    %get3A_203 = arith.constant 0 : index
    %get3A_204 = arith.constant 88 : index
    %get3A_205 = vector.load %arg4[%get3A_203, %get3A_204] : memref<128x128xi32, #tpu.memory_space<vmem>>, vector<128x1xi32>
    %eq3A_206 = vector.broadcast %get3A_205 : vector<128x1xi32> to vector<128x64xi32>
    %eq3A_207 = vector.broadcast %iota3A_69 : vector<1x64xi32> to vector<128x64xi32>
    %eq3A_208 = arith.cmpi eq, %eq3A_206, %eq3A_207 : vector<128x64xi32>
    %convert_element_type3A_209 = arith.extui %eq3A_208 : vector<128x64xi1> to vector<128x64xi32>
    %convert_element_type3A_210 = arith.sitofp %convert_element_type3A_209 : vector<128x64xi32> to vector<128x64xf32>
    %dot_general3A_211 = arith.constant dense<0.000000e+00> : vector<64x8xf32>
    %dot_general3A_212 = tpu.matmul %convert_element_type3A_210, %slice3A_202, %dot_general3A_211 {dimension_numbers = #tpu.dot_dimension_numbers<[0], [0], [1], [1], [0, 1, 1, 1], [], []>, transpose_lhs_hint = false} : vector<128x64xf32>, vector<128x8xf32>, vector<64x8xf32> -> vector<64x8xf32>
    %add3A_213 = arith.addf %add3A_201, %dot_general3A_212 : vector<64x8xf32>
    %slice3A_214 = vector.extract_strided_slice %add3A_68 {offsets = [0, 96], sizes = [128, 8], strides = [1, 1]} : vector<128x128xf32> to vector<128x8xf32>
    %get3A_215 = arith.constant 0 : index
    %get3A_216 = arith.constant 96 : index
    %get3A_217 = vector.load %arg4[%get3A_215, %get3A_216] : memref<128x128xi32, #tpu.memory_space<vmem>>, vector<128x1xi32>
    %eq3A_218 = vector.broadcast %get3A_217 : vector<128x1xi32> to vector<128x64xi32>
    %eq3A_219 = vector.broadcast %iota3A_69 : vector<1x64xi32> to vector<128x64xi32>
    %eq3A_220 = arith.cmpi eq, %eq3A_218, %eq3A_219 : vector<128x64xi32>
    %convert_element_type3A_221 = arith.extui %eq3A_220 : vector<128x64xi1> to vector<128x64xi32>
    %convert_element_type3A_222 = arith.sitofp %convert_element_type3A_221 : vector<128x64xi32> to vector<128x64xf32>
    %dot_general3A_223 = arith.constant dense<0.000000e+00> : vector<64x8xf32>
    %dot_general3A_224 = tpu.matmul %convert_element_type3A_222, %slice3A_214, %dot_general3A_223 {dimension_numbers = #tpu.dot_dimension_numbers<[0], [0], [1], [1], [0, 1, 1, 1], [], []>, transpose_lhs_hint = false} : vector<128x64xf32>, vector<128x8xf32>, vector<64x8xf32> -> vector<64x8xf32>
    %add3A_225 = arith.addf %add3A_213, %dot_general3A_224 : vector<64x8xf32>
    %slice3A_226 = vector.extract_strided_slice %add3A_68 {offsets = [0, 104], sizes = [128, 8], strides = [1, 1]} : vector<128x128xf32> to vector<128x8xf32>
    %get3A_227 = arith.constant 0 : index
    %get3A_228 = arith.constant 104 : index
    %get3A_229 = vector.load %arg4[%get3A_227, %get3A_228] : memref<128x128xi32, #tpu.memory_space<vmem>>, vector<128x1xi32>
    %eq3A_230 = vector.broadcast %get3A_229 : vector<128x1xi32> to vector<128x64xi32>
    %eq3A_231 = vector.broadcast %iota3A_69 : vector<1x64xi32> to vector<128x64xi32>
    %eq3A_232 = arith.cmpi eq, %eq3A_230, %eq3A_231 : vector<128x64xi32>
    %convert_element_type3A_233 = arith.extui %eq3A_232 : vector<128x64xi1> to vector<128x64xi32>
    %convert_element_type3A_234 = arith.sitofp %convert_element_type3A_233 : vector<128x64xi32> to vector<128x64xf32>
    %dot_general3A_235 = arith.constant dense<0.000000e+00> : vector<64x8xf32>
    %dot_general3A_236 = tpu.matmul %convert_element_type3A_234, %slice3A_226, %dot_general3A_235 {dimension_numbers = #tpu.dot_dimension_numbers<[0], [0], [1], [1], [0, 1, 1, 1], [], []>, transpose_lhs_hint = false} : vector<128x64xf32>, vector<128x8xf32>, vector<64x8xf32> -> vector<64x8xf32>
    %add3A_237 = arith.addf %add3A_225, %dot_general3A_236 : vector<64x8xf32>
    %slice3A_238 = vector.extract_strided_slice %add3A_68 {offsets = [0, 112], sizes = [128, 8], strides = [1, 1]} : vector<128x128xf32> to vector<128x8xf32>
    %get3A_239 = arith.constant 0 : index
    %get3A_240 = arith.constant 112 : index
    %get3A_241 = vector.load %arg4[%get3A_239, %get3A_240] : memref<128x128xi32, #tpu.memory_space<vmem>>, vector<128x1xi32>
    %eq3A_242 = vector.broadcast %get3A_241 : vector<128x1xi32> to vector<128x64xi32>
    %eq3A_243 = vector.broadcast %iota3A_69 : vector<1x64xi32> to vector<128x64xi32>
    %eq3A_244 = arith.cmpi eq, %eq3A_242, %eq3A_243 : vector<128x64xi32>
    %convert_element_type3A_245 = arith.extui %eq3A_244 : vector<128x64xi1> to vector<128x64xi32>
    %convert_element_type3A_246 = arith.sitofp %convert_element_type3A_245 : vector<128x64xi32> to vector<128x64xf32>
    %dot_general3A_247 = arith.constant dense<0.000000e+00> : vector<64x8xf32>
    %dot_general3A_248 = tpu.matmul %convert_element_type3A_246, %slice3A_238, %dot_general3A_247 {dimension_numbers = #tpu.dot_dimension_numbers<[0], [0], [1], [1], [0, 1, 1, 1], [], []>, transpose_lhs_hint = false} : vector<128x64xf32>, vector<128x8xf32>, vector<64x8xf32> -> vector<64x8xf32>
    %add3A_249 = arith.addf %add3A_237, %dot_general3A_248 : vector<64x8xf32>
    %slice3A_250 = vector.extract_strided_slice %add3A_68 {offsets = [0, 120], sizes = [128, 8], strides = [1, 1]} : vector<128x128xf32> to vector<128x8xf32>
    %get3A_251 = arith.constant 0 : index
    %get3A_252 = arith.constant 120 : index
    %get3A_253 = vector.load %arg4[%get3A_251, %get3A_252] : memref<128x128xi32, #tpu.memory_space<vmem>>, vector<128x1xi32>
    %eq3A_254 = vector.broadcast %get3A_253 : vector<128x1xi32> to vector<128x64xi32>
    %eq3A_255 = vector.broadcast %iota3A_69 : vector<1x64xi32> to vector<128x64xi32>
    %eq3A_256 = arith.cmpi eq, %eq3A_254, %eq3A_255 : vector<128x64xi32>
    %convert_element_type3A_257 = arith.extui %eq3A_256 : vector<128x64xi1> to vector<128x64xi32>
    %convert_element_type3A_258 = arith.sitofp %convert_element_type3A_257 : vector<128x64xi32> to vector<128x64xf32>
    %dot_general3A_259 = arith.constant dense<0.000000e+00> : vector<64x8xf32>
    %dot_general3A_260 = tpu.matmul %convert_element_type3A_258, %slice3A_250, %dot_general3A_259 {dimension_numbers = #tpu.dot_dimension_numbers<[0], [0], [1], [1], [0, 1, 1, 1], [], []>, transpose_lhs_hint = false} : vector<128x64xf32>, vector<128x8xf32>, vector<64x8xf32> -> vector<64x8xf32>
    %add3A_261 = arith.addf %add3A_249, %dot_general3A_260 : vector<64x8xf32>
    %eq3A_262 = arith.constant 0 : i32
    %eq3A_263 = arith.cmpi eq, %arg0, %eq3A_262 : i32
    %convert_element_type3A_264 = arith.extui %eq3A_263 : i1 to i32
    %cond3A = arith.constant 0 : i32
    %cond3A_265 = arith.cmpi ne, %convert_element_type3A_264, %cond3A : i32
    scf.if %cond3A_265 {
      %swap3A = arith.constant 0 : index
      %swap3A_275 = arith.constant 0 : index
      %swap3A_276 = vector.load %arg11[%swap3A, %swap3A_275] : memref<64x8xf32, #tpu.memory_space<vmem>>, vector<64x8xf32>
      tpu.vector_store %arg11[%swap3A, %swap3A_275], %add3A_261 {strides = array<i32>} : memref<64x8xf32, #tpu.memory_space<vmem>>, vector<64x8xf32>,
    } else {
    }
    %gt3A = arith.constant 0 : i32
    %gt3A_266 = arith.cmpi sgt, %arg0, %gt3A : i32
    %convert_element_type3A_267 = arith.extui %gt3A_266 : i1 to i32
    %cond3A_268 = arith.constant 0 : i32
    %cond3A_269 = arith.cmpi ne, %convert_element_type3A_267, %cond3A_268 : i32
    scf.if %cond3A_269 {
      %get3A_275 = arith.constant 0 : index
      %get3A_276 = arith.constant 0 : index
      %get3A_277 = vector.load %arg11[%get3A_275, %get3A_276] : memref<64x8xf32, #tpu.memory_space<vmem>>, vector<64x8xf32>
      %add3A_278 = arith.addf %get3A_277, %add3A_261 : vector<64x8xf32>
      %swap3A = arith.constant 0 : index
      %swap3A_279 = arith.constant 0 : index
      %swap3A_280 = vector.load %arg11[%swap3A, %swap3A_279] : memref<64x8xf32, #tpu.memory_space<vmem>>, vector<64x8xf32>
      tpu.vector_store %arg11[%swap3A, %swap3A_279], %add3A_278 {strides = array<i32>} : memref<64x8xf32, #tpu.memory_space<vmem>>, vector<64x8xf32>,
    } else {
    }
    %eq3A_270 = arith.constant 48 : i32
    %eq3A_271 = arith.cmpi eq, %arg0, %eq3A_270 : i32
    %convert_element_type3A_272 = arith.extui %eq3A_271 : i1 to i32
    %cond3A_273 = arith.constant 0 : i32
    %cond3A_274 = arith.cmpi ne, %convert_element_type3A_272, %cond3A_273 : i32
    scf.if %cond3A_274 {
      %get3A_275 = arith.constant 0 : index
      %get3A_276 = arith.constant 0 : index
      %get3A_277 = vector.load %arg11[%get3A_275, %get3A_276] : memref<64x8xf32, #tpu.memory_space<vmem>>, vector<64x8xf32>
      %slice3A_278 = vector.extract_strided_slice %get3A_277 {offsets = [0, 7], sizes = [64, 1], strides = [1, 1]} : vector<64x8xf32> to vector<64x1xf32>
      %max3A_279 = arith.constant 1.000000e+00 : f32
      %max3A_280 = vector.broadcast %max3A_279 : f32 to vector<64x1xf32>
      %max3A_281 = arith.maximumf %slice3A_278, %max3A_280 : vector<64x1xf32>
      %div3A = vector.broadcast %max3A_281 : vector<64x1xf32> to vector<64x8xf32>
      %div3A_282 = arith.divf %get3A_277, %div3A : vector<64x8xf32>
      %swap3A = arith.constant 0 : index
      %swap3A_283 = arith.constant 0 : index
      %swap3A_284 = vector.load %arg11[%swap3A, %swap3A_283] : memref<64x8xf32, #tpu.memory_space<vmem>>, vector<64x8xf32>
      tpu.vector_store %arg11[%swap3A, %swap3A_283], %div3A_282 {strides = array<i32>} : memref<64x8xf32, #tpu.memory_space<vmem>>, vector<64x8xf32>,
    } else {
    }
    return
  }
  func.func @transform_0(%arg0: i32) -> (i32, i32, i32) {
    %c0_i32 = arith.constant 0 : i32
    %c0_i32_0 = arith.constant 0 : i32
    %c0_i32_1 = arith.constant 0 : i32
    return %c0_i32, %arg0, %c0_i32_0 : i32, i32, i32
  }
  func.func @transform_1(%arg0: i32) -> (i32, i32) {
    %c0_i32 = arith.constant 0 : i32
    %c0_i32_0 = arith.constant 0 : i32
    return %arg0, %c0_i32 : i32, i32
  }
  func.func @transform_2(%arg0: i32) -> (i32, i32) {
    %c0_i32 = arith.constant 0 : i32
    %c0_i32_0 = arith.constant 0 : i32
    return %arg0, %c0_i32 : i32, i32
  }
  func.func @transform_3(%arg0: i32) -> (i32, i32) {
    %c0_i32 = arith.constant 0 : i32
    %c0_i32_0 = arith.constant 0 : i32
    return %arg0, %c0_i32 : i32, i32
  }
  func.func @transform_4(%arg0: i32) -> (i32, i32) {
    %c0_i32 = arith.constant 0 : i32
    %c0_i32_0 = arith.constant 0 : i32
    %c0_i32_1 = arith.constant 0 : i32
    return %c0_i32, %c0_i32_0 : i32, i32
  }
  func.func @transform_5(%arg0: i32) -> (i32, i32) {
    %c0_i32 = arith.constant 0 : i32
    %c0_i32_0 = arith.constant 0 : i32
    %c0_i32_1 = arith.constant 0 : i32
    return %c0_i32, %c0_i32_0 : i32, i32
  }
  func.func @transform_6(%arg0: i32) -> (i32, i32) {
    %c0_i32 = arith.constant 0 : i32
    %c0_i32_0 = arith.constant 0 : i32
    %c0_i32_1 = arith.constant 0 : i32
    return %c0_i32, %c0_i32_0 : i32, i32
  }
  func.func @transform_7(%arg0: i32) -> (i32, i32) {
    %c0_i32 = arith.constant 0 : i32
    %c0_i32_0 = arith.constant 0 : i32
    %c0_i32_1 = arith.constant 0 : i32
    return %c0_i32, %c0_i32_0 : i32, i32
  }
  func.func @transform_8(%arg0: i32) -> (i32, i32) {
    %c0_i32 = arith.constant 0 : i32
    %c0_i32_0 = arith.constant 0 : i32
    %c0_i32_1 = arith.constant 0 : i32
    return %c0_i32, %c0_i32_0 : i32, i32
  }
  func.func @transform_9(%arg0: i32) -> (i32, i32) {
    %c0_i32 = arith.constant 0 : i32
    %c0_i32_0 = arith.constant 0 : i32
    %c0_i32_1 = arith.constant 0 : i32
    return %c0_i32, %c0_i32_0 : i32, i32
  }
  func.func @transform_10(%arg0: i32) -> (i32, i32) {
    %c0_i32 = arith.constant 0 : i32
    %c0_i32_0 = arith.constant 0 : i32
    %c0_i32_1 = arith.constant 0 : i32
    return %c0_i32, %c0_i32_0 : i32, i32
  }
}

</mosaic_0001>

<sc_bundles>
// kernel: kernel.6.cloned.1.call-start
scs
__scs_entry_jumppad:
0x0: {  	(pc) =	sbr.rel $0x88, $3  }
0x1: {  	(tag) =	ssettag $0x0;
	lr =	simm.s32 $0x1  }
0x2: {  	[smem:$0x3F99] =	sst lr;
	_ =	strace $0xD0000000  }
0x3: {  	_ = 	snop  }
0x4: {  	_ = 	snop  }
0x5: {  	_ = 	snop  }
0x6: {  	_ = 	snop  }
0x7: {  	_ = 	snop  }
__scs_overlays_trampoline_lowered:
0x8: {  	[smem:$0x3FA8] =	sst s0  }
0x9: {  	[smem:$0x3FA9] =	sst s1  }
0xa: {  	[smem:$0x3FAA] =	sst s2  }
0xb: {  	[smem:$0x3FAB] =	sst s3  }
0xc: {  	[smem:$0x3FAC] =	sst s4  }
0xd: {  	[smem:$0x3FAD] =	sst s5  }
0xe: {  	[smem:$0x3FAE] =	sst s6  }
0xf: {  	[smem:$0x3FAF] =	sst s7  }
0x10: {  	[smem:$0x3FB0] =	sst s8  }
0x11: {  	[smem:$0x3FB1] =	sst s9;
	s0 =	simm.s32 @!p0 $0x0  }
0x12: {  	s1 =	sld [smem:$0x3F97];
	s0 =	simm.s32 @p0 $0x1  }
0x13: {  	[smem:$0x3FB2] =	sst s0;
	s0 =	simm.s32 @!p1 $0x0  }
0x14: {  	s2 =	sld [smem:$0x3F96];
	s0 =	simm.s32 @p1 $0x1  }
0x15: {  	[smem:$0x3FB3] =	sst s0;
	s0 =	simm.s32 @!p2 $0x0  }
0x16: {  	s3 =	sld [smem:$0x3FDB];
	s0 =	simm.s32 @p2 $0x1  }
0x17: {  	s4 =	simm.s32 $0x1BF5;
	[smem:$0x3FB5] =	sst s0  }
0x18: {  	s0 =	sld [smem:$0x3F98];
	_ =	swait.ge [sflag:s4], $0x0  }
0x19: {  	s7 =	sld [smem:$0x3F99]  }
0x1a: {  	s8 =	sadd.s32 $0xFFFFE003, lr  }
0x1b: {  	s9 =	sadd.s32 $0xFFFFFEF7, lr;
	s5 =	simm.s32 $0xFFFFFFFF;
	p2 =	slt.u32 s8, $0xFFFFF086  }
0x1c: {  	p1 =	slt.u32 s9, $0xF7A;
	s5 =	simm.s32 @!p2 $0x0  }
0x1d: {  	s5 =	simm.s32 @p1 $0x1;
	p0 =	seq.s32 s7, s2  }
0x1e: {  	s7 =	smul.u32 @!p0 $0xF7A, s2;
	p2 =	seq.s32 @!p0 s5, $0x0  }
0x1f: {  	s9 =	smul.u32 $0xF7A, s1;
	s8 =	simm.s32 @!p0 $0x1BF5;
	p2 =	por !p2, p0  }
0x20: {  	[sflag:s8] =	ssyncset.s32 @!p0 $0xFFFFF086;
	s6 =	sadd.s32 @!p0 s3, s7;
	s7 =	simm.s32 @!p0 $0x108  }
0x21: {  	s3 =	sadd.s32 s3, s9;
	s6 =	sadd.s32 @!p0 $0x88, s6;
	s7 =	simm.s32 @p2 $0x1082  }
0x22: {  	[simem:s7], [sflag:s8] =	dma.local @!p0 [hbm:s6], $0xF7A  }
0x23: {  	s9 =	sor.u32 $0xD0000000, s2;
	s6 =	simm.s32 $0x108;
	_ =	swait.ge @!p0 [sflag:s8], $0x0  }
0x24: {  	s3 =	sadd.s32 $0x88, s3;
	s6 =	simm.s32 @!p1 $0x1082;
	[sflag:s4] =	ssyncset.s32 $0xFFFFF086  }
0x25: {  	[simem:s6], [sflag:s4] =	dma.local [hbm:s3], $0xF7A  }
0x26: {  	[smem:$0x3F99] =	sst s1;
	(tag) =	ssettag s2;
	_ =	strace s9  }
0x27: {  	s1 =	sld [smem:$0x3FA9]  }
0x28: {  	s2 =	sld [smem:$0x3FAA]  }
0x29: {  	s4 =	sld [smem:$0x3FAC]  }
0x2a: {  	p0 =	seq.s32 s5, $0x0;
	s5 =	sld [smem:$0x3FAD]  }
0x2b: {  	s6 =	sld [smem:$0x3FAE]  }
0x2c: {  	s7 =	sld [smem:$0x3FAF]  }
0x2d: {  	s3 =	simm.s32 $0x108;
	s8 =	sld [smem:$0x3FB0]  }
0x2e: {  	s3 =	simm.s32 @!p0 $0x1082;
	s9 =	sld [smem:$0x3FB1]  }
0x2f: {  	lr =	sadd.s32 s0, s3;
	s0 =	sld [smem:$0x3FA8]  }
0x30: {  	s3 =	sld [smem:$0x3FAB]  }
0x31: {  	[smem:$0x3FB4] =	sst s10  }
0x32: {  	s10 =	sld [smem:$0x3FB2];
	_ =	sdelay $0x3  }
0x33: {  	p0 =	seq.s32 s10, $0x1;
	s10 =	sld [smem:$0x3FB4];
	_ =	sdelay $0x3  }
0x34: {  	[smem:$0x3FB4] =	sst s10  }
0x35: {  	s10 =	sld [smem:$0x3FB3];
	_ =	sdelay $0x3  }
0x36: {  	p1 =	seq.s32 s10, $0x1;
	s10 =	sld [smem:$0x3FB4];
	_ =	sdelay $0x3  }
0x37: {  	[smem:$0x3FB4] =	sst s10  }
0x38: {  	s10 =	sld [smem:$0x3FB5]  }
0x39: {  	_ = 	snop;
	(pc) =	sbr.ind lr, $3  }
0x3a: {  	_ = 	snop  }
0x3b: {  	_ = 	snop  }
0x3c: {  	p2 =	seq.s32 s10, $0x1;
	s10 =	sld [smem:$0x3FB4]  }
0x3d: {  	_ =	shalt  }
0x3e: {  	_ =	shalt  }
0x3f: {  	_ =	shalt  }
0x40: {  	_ =	shalt  }
0x41: {  	_ =	shalt  }
0x42: {  	_ =	shalt  }
0x43: {  	_ =	shalt  }
0x44: {  	_ =	shalt  }
0x45: {  	_ =	shalt  }
0x46: {  	_ =	shalt  }
0x47: {  	_ =	shalt  }
0x48: {  	_ =	shalt  }
0x49: {  	_ =	shalt  }
0x4a: {  	_ =	shalt  }
0x4b: {  	_ =	shalt  }
0x4c: {  	_ =	shalt  }
0x4d: {  	_ =	shalt  }
0x4e: {  	_ =	shalt  }
0x4f: {  	_ =	shalt  }
0x50: {  	_ =	shalt  }
0x51: {  	_ =	shalt  }
0x52: {  	_ =	shalt  }
0x53: {  	_ =	shalt  }
0x54: {  	_ =	shalt  }
0x55: {  	_ =	shalt  }
0x56: {  	_ =	shalt  }
0x57: {  	_ =	shalt  }
0x58: {  	_ =	shalt  }
0x59: {  	_ =	shalt  }
0x5a: {  	_ =	shalt  }
0x5b: {  	_ =	shalt  }
0x5c: {  	_ =	shalt  }
0x5d: {  	_ =	shalt  }
0x5e: {  	_ =	shalt  }
0x5f: {  	_ =	shalt  }
0x60: {  	_ =	shalt  }
0x61: {  	_ =	shalt  }
0x62: {  	_ =	shalt  }
0x63: {  	_ =	shalt  }
0x64: {  	_ =	shalt  }
0x65: {  	_ =	shalt  }
0x66: {  	_ =	shalt  }
0x67: {  	_ =	shalt  }
0x68: {  	_ =	shalt  }
0x69: {  	_ =	shalt  }
0x6a: {  	_ =	shalt  }
0x6b: {  	_ =	shalt  }
0x6c: {  	_ =	shalt  }
0x6d: {  	_ =	shalt  }
0x6e: {  	_ =	shalt  }
0x6f: {  	_ =	shalt  }
0x70: {  	_ =	shalt  }
0x71: {  	_ =	shalt  }
0x72: {  	_ =	shalt  }
0x73: {  	_ =	shalt  }
0x74: {  	_ =	shalt  }
0x75: {  	_ =	shalt  }
0x76: {  	_ =	shalt  }
0x77: {  	_ =	shalt  }
0x78: {  	_ =	shalt  }
0x79: {  	_ =	shalt  }
0x7a: {  	_ =	shalt  }
0x7b: {  	_ =	shalt  }
0x7c: {  	_ =	shalt  }
0x7d: {  	_ =	shalt  }
0x7e: {  	_ =	shalt  }
0x7f: {  	_ =	shalt  }
0x80: {  	_ =	shalt  }
0x81: {  	_ =	shalt  }
0x82: {  	_ =	shalt  }
0x83: {  	_ =	shalt  }
0x84: {  	_ =	shalt  }
0x85: {  	_ =	shalt  }
0x86: {  	_ =	shalt  }
0x87: {  	_ =	shalt  }
.Lfunc_end0:
.L_simem_size_0:
called_computation_lowered:
.L_overlay_start_0:
0x88: {  	s2 =	sld [smem:$0x3FD9]  }
0x89: {  	s3 =	sld [smem:$0x3FFE];
	_ =	sdelay $0x1  }
0x8a: {  	s1 =	srdreg.scid  }
0x8b: {  	s0 =	sand.u32 $0x1, s1  }
0x8c: {  	s17 =	sshll.u32 s0, $0xA;
	s2 =	sadd.s32 s3, s2  }
0x8d: {  	s2 =	sadd.s32 s2, s17  }
0x8e: {  	[smem:$0x3FC0] =	sst s2  }
0x8f: {  	_ = 	snop  }
0x90: {  	s2 =	sld [smem:$0x3FD0];
	(tm) =	ssettm $0x1  }
0x91: {  	s18 =	sld [smem:$0x3FFB];
	_ =	sdelay $0x3  }
0x92: {  	_ =	strace s18  }
0x93: {  	s3 =	sld [smem:$0x3FFC];
	_ =	sdelay $0x3  }
0x94: {  	_ =	strace s3  }
0x95: {  	s3 =	sld [smem:$0x3FFD];
	_ =	sdelay $0x3  }
0x96: {  	_ =	strace s3  }
0x97: {  	_ =	strace $0x8FFFFFFF  }
0x98: {  	s19 =	sld [smem:$0x3FDB];
	_ =	sdelay $0x1  }
0x99: {  	s4 =	simm.s32 $_scs_section_size  }
0x9a: {  	s5 =	simm.s32 $_size__tile_overlayer_lowered;
	s6 =	simm.s32 $_tile_overlayer_lowered  }
0x9b: {  	s22 =	simm.s32 $0x1BFF;
	s21 =	sshll.u32 s6, $0x1;
	s3 =	sadd.s32 s4, s19  }
0x9c: {  	s7 =	simm.s32 $0x0;
	s20 =	sshll.u32 s5, $0x1;
	s5 =	sadd.s32 s21, s3  }
0x9d: {  	[timem:s7], [sflag:s22] =	dma.local [hbm:s5], s20  }
0x9e: {  	_ =	swait.ge [sflag:s22], s20  }
0x9f: {  	s4 =	ssub.s32 $0x0, s20;
	[sflag:s22] =	ssyncset.done $0x0  }
0xa0: {  	[sflag:s22] =	ssyncadd.s32 s4;
	_ =	sdelay $0x1  }
0xa1: {  	s23 =	simm.s32 $0x1B8B  }
0xa2: {  	_ =	swait.ge [sflag:s23], $0x1  }
0xa3: {  	[sflag:s23] =	ssyncset.done $0x0  }
0xa4: {  	s25 =	simm.s32 $0x1B8E;
	s24 =	sld [smem:$0x3FFE];
	[sflag:s23] =	ssyncadd.s32 $0xFFFFFFFF  }
0xa5: {  	s26 =	simm.s32 $execute0_lowered;
	[smem:$0x3FD2] =	sst s25  }
0xa6: {  	s5 =	sshll.u32 s26, $0x1;
	_ =	strace $0x80000046;
	[dreg:$0x1] =	wrdreg $0xFFFFFFFF  }
0xa7: {  	s28 =	simm.s32 $_size_execute0_lowered;
	s3 =	sadd.s32 s3, s5;
	[dreg:$0x0] =	wrdreg $0x0  }
0xa8: {  	s5 =	sshll.u32 s28, $0x1;
	[dreg:$0x2] =	wrdreg s3  }
0xa9: {  	[dreg:$0x3] =	wrdreg s5  }
0xaa: {  	[dreg:$0x4] =	wrdreg $0xC0  }
0xab: {  	_ =	task [dreg:s7], $0x5FFFF  }
0xac: {  	[dreg:$0x1] =	wrdreg $0xFFFFFFFF  }
0xad: {  	[dreg:$0x0] =	wrdreg $0x60  }
0xae: {  	[dreg:$0x2] =	wrdreg s24  }
0xaf: {  	[dreg:$0x3] =	wrdreg s2  }
0xb0: {  	[dreg:$0x4] =	wrdreg $0x8800  }
0xb1: {  	[dreg:$0x5] =	wrdreg $0x9  }
0xb2: {  	_ =	task.clear_ibuf [dreg:s7], $0x6FFFF;
	_ =	strace $0x90000046  }
0xb3: {  	s29 =	simm.s32 $0x9;
	_ =	strace $0x80000048  }
0xb4: {  	_ =	swait.ge [sflag:s29], $0x1  }
0xb5: {  	[sflag:s29] =	ssyncadd.s32 $0xFFFFFFFF  }
0xb6: {  	_ =	strace $0x90000048  }
0xb7: {  	_ =	sfence  }
0xb8: {  	s30 =	sld [smem:$0x0];
	_ =	sdelay $0x2  }
0xb9: {  	s31 =	sshll.u32 s1, $0xD;
	s1 =	sshrl.u32 s1, $0x2  }
0xba: {  	s3 =	sand.u32 $0x4000, s31;
	s1 =	sadd.s32 s1, s30  }
0xbb: {  	s0 =	sor.u32 s3, s0;
	s1 =	sshll.u32 s1, $0x11  }
0xbc: {  	s0 =	sor.u32 s1, s0  }
0xbd: {  	s0 =	sadd.s32 $0x8F2B, s0  }
0xbe: {  	[sflag:s0] =	ssyncadd.remote.s32 $0x1  }
0xbf: {  	_ =	sfence.sel $0xFFFF  }
0xc0: {  	[dreg:$0x0] =	wrdreg $0xFFFFFFFF;
	(pc) =	sbr.abs _section_cstart, $3  }
0xc1: {  	[dreg:$0x1] =	wrdreg $0xFFFFFFFF  }
0xc2: {  	_ =	task.clear_ibuf [dreg:s7], $0x2FFFF;
	_ =	strace $0x9FFFFFFF  }
0xc3: {  	(tm) =	ssettm $0x7FFFFFFF  }
tec
execute0_lowered:
.L_overlay_start_1:
0x0: {  	(tag) =	ssettag $0x1  }
0x1: {  	s7 =	rddreg [dreg:$0x0]  }
0x2: {  	s2 =	rddreg [dreg:$0x1]  }
0x3: {  	s3 =	rddreg [dreg:$0x2]  }
0x4: {  	s0 =	rddreg [dreg:$0x3];
	s1 =	stileid.u32  }
0x5: {  	s4 =	simm.s32 $0x0;
	s9 =	srdreg.scid;
	s8 =	smul.u32 $0x1880, s1  }
0x6: {  	[smem:$0x7FF] =	sst s4;
	s13 =	smul.u32 $0x30D4, s1;
	s5 =	sadd.s32 $0x1200, s7  }
0x7: {  	s6 =	sadd.s32 $0x62E00, s7;
	s21 =	sand.u32 $0x1, s9;
	s18 =	sshll.u32 s1, $0x6  }
0x8: {  	_ =	strace $0x80000047;
	s11 =	ssub.s32 $0x2, s21;
	s18 =	sor.u32 $0x1C02, s18  }
0x9: {  	p2 =	sne.s32 s21, $0x0;
	s21 =	simm.s32 $0x0;
	s10 =	sshrl.u32 s8, $0x3  }
0xa: {  	s20 =	sadd.s32 $0x30D4, s13;
	s12 =	sshrl.u32 s13, $0x4;
	s22 =	sshrl.u32 s11, $0x1  }
0xb: {  	s30 =	sand.u32 $0x3FFF0, s13;
	s9 =	sshrl.u32 s20, $0x4;
	s14 =	sadd.s32 s10, s7  }
0xc: {  	s25 =	ssub.s32 s11, s22;
	s28 =	sshll.u32 s12, $0x7;
	s7 =	sadd.s32 s8, s3  }
0xd: {  	s20 =	simm.s32 $0x80;
	s15 =	ssub.s32 s9, s12;
	p0 =	sne.s32 s9, s12  }
0xe: {  	s9 =	simm.s32 $0x1;
	s17 =	sadd.s32 $0x186A00, s28;
	s12 =	sadd.s32 $0x63200, s14  }
0xf: {  	s13 =	smax.u32 s25, $0x1;
	s14 =	sadd.s32 s30, s5;
	s19 =	sshrl.u32 s7, $0x3  }
0x10: {  	s23 =	sshll.u32 s15, $0x10;
	s16 =	sshra.s32 s15, $0x1F;
	s9 =	simm.s32 @!p0 $0x0  }
0x11: {  	s24 =	sand.u32 $0x7, s15;
	s10 =	sshra.s32 s23, $0x1F;
	s9 =	sor.u32 s9, s16  }
0x12: {  	p1 =	sne.s32 s24, $0x0;
	s10 =	sand.u32 $0x7, s10;
	p6 =	sne.s32 s9, $0x1  }
0x13: {  	s14 =	sadd.s32 $0x30DC0, s14;
	s10 =	sadd.s32 s10, s15;
	p0 =	por !p1, !p6  }
0x14: {  	s9 =	simm.s32 $0x1;
	s26 =	sshll.u32 s10, $0x10;
	p0 =	por !p0, !p0  }
.Ltmp0:
0x15: {  	s29 =	sshra.s32 s26, $0x13;
	s9 =	simm.s32 @!p0 $0x0;
	(pc) =	sbr.rel .LBB2_1-.Ltmp0, $4  }
0x16: {  	s16 =	simm.s32 $0x800;
	s10 =	sshrl.u32 s17, $0x3;
	s8 =	ssub.s32 s29, s9  }
0x17: {  	s10 =	sadd.s32 s5, s10;
	s9 =	simm.s32 $0x1;
	s11 =	sshll.u32 s8, $0x3  }
0x18: {  	s31 =	sshll.u32 s8, $0xA;
	p0 =	slt.s32 s8, $0x1;
	s11 =	ssub.s32 s15, s11  }
0x19: {  	s15 =	sadd.s32 s31, s17;
	s17 =	simm.s32 $0x2;
	p1 =	slt.s32 s11, $0x1  }
.LBB2_11:
0x1a: {  	s22 =	sadd.s32 s5, s24;
	[sflag:s9] =	ssyncadd.s32 @p3 $0xFFFFFF80  }
0x1b: {  	[tilespmem:s4], [sflag:$0x2] =	stream.linear.gather [hbm4b:s22+s4], $0x80, $0x38;
	[tilespmem:$0x2100] =	vst v63  }
0x1c: {  	_ =	swait.ge [sflag:s17], $0x80  }
0x1d: {  	[sflag:s17] =	ssyncset.done $0x0  }
0x1e: {  	[sflag:s17] =	ssyncadd.s32 $0xFFFFFF80  }
0x1f: {  	[spmem:s3] =	stream.indirect.scatter.add.f32 [tilespmem:s16], [sflag:$0x1], $0x1, s4, s20, $0xb8;
	[tilespmem:$0x2100] =	vst v63  }
0x20: {  	_ =	swait.ge [sflag:s9], $0x80  }
0x21: {  	[sflag:s9] =	ssyncset.done $0x0  }
0x22: {  	[sflag:s9] =	ssyncadd.s32 $0xFFFFFF80  }
.LBB2_12:
0x23: {  	[bflag:$0x0] =	sbarrier.arrive $0xFFFF;
	s22 =	sshrl.u32 @!p2 s7, $0x3;
	s21 =	sadd.s32 $0x1, s21  }
0x24: {  	[hbm:s12], [sflag:s18] =	dma.local @!p2 [spmem:s22], $0x310  }
0x25: {  	p3 =	sne.s32 s21, s13  }
.Ltmp1:
0x26: {  	_ = 	snop;
	(pc) =	sbr.rel @!p3 .LBB2_13-.Ltmp1, $4  }
0x27: {  	s22 =	simm.s32 @!p2 $0x2  }
0x28: {  	_ =	swait.ge @!p2 [sflag:s22], $0x310  }
0x29: {  	[sflag:s22] =	ssyncset.done @!p2 $0x0  }
0x2a: {  	[sflag:s22] =	ssyncadd.s32 @!p2 $0xFFFFFCF0  }
.LBB2_1:
0x2b: {  	[tilespmem:s16], [sflag:$0x2] =	stream.linear.gather [hbm4b:s2+s4], $0x80, $0x38;
	[tilespmem:$0x2100] =	vst v63  }
0x2c: {  	_ =	swait.ge [sflag:s17], $0x80  }
0x2d: {  	[sflag:s17] =	ssyncset.done $0x0  }
0x2e: {  	[sflag:s17] =	ssyncadd.s32 $0xFFFFFF80  }
0x2f: {  	[spmem:s19], [sflag:s18] =	dma.local [hbm:s6], $0x310  }
.Ltmp2:
0x30: {  	_ =	swait.ge [sflag:s17], $0x310;
	(pc) =	sbr.rel @p0 .LBB2_7-.Ltmp2, $3  }
0x31: {  	[sflag:s17] =	ssyncset.done $0x0  }
0x32: {  	[sflag:s17] =	ssyncadd.s32 $0xFFFFFCF0  }
0x33: {  	[bflag:$0x0] =	sbarrier.arrive $0xFFFF;
	_ =	sdelay $0x1  }
0x34: {  	p4 =	sne.s32 s8, $0x1  }
.Ltmp3:
0x35: {  	s24 =	simm.s32 $0x0;
	(pc) =	sbr.rel @!p4 .LBB2_3-.Ltmp3, $4  }
0x36: {  	[tilespmem:s24], [sflag:$0x2] =	stream.linear.gather [hbm4b:s10+s24], $0x400, $0x38;
	[tilespmem:$0x2100] =	vst v63  }
0x37: {  	_ =	swait.ge [sflag:s17], $0x400  }
0x38: {  	[sflag:s17] =	ssyncset.done $0x0  }
0x39: {  	s22 =	simm.s32 $0x1;
	p3 =	por $0x0, $0x0;
	[sflag:s17] =	ssyncadd.s32 $0xFFFFFC00  }
0x3a: {  	s22 =	sand.u32 $0x400, s24  }
0x3b: {  	[spmem:s3] =	stream.indirect.scatter.add.f32 [tilespmem:s16], [sflag:$0x1], $0x1, s22, s20, $0xb8;
	[tilespmem:$0x2100] =	vst v63  }
0x3c: {  	s23 =	sor.u32 $0x80, s22  }
0x3d: {  	[spmem:s3] =	stream.indirect.scatter.add.f32 [tilespmem:s16], [sflag:$0x1], $0x1, s23, s20, $0xb8;
	[tilespmem:$0x2100] =	vst v63  }
0x3e: {  	s25 =	sor.u32 $0x100, s22  }
0x3f: {  	[spmem:s3] =	stream.indirect.scatter.add.f32 [tilespmem:s16], [sflag:$0x1], $0x1, s25, s20, $0xb8;
	[tilespmem:$0x2100] =	vst v63  }
0x40: {  	s26 =	sor.u32 $0x180, s22  }
0x41: {  	[spmem:s3] =	stream.indirect.scatter.add.f32 [tilespmem:s16], [sflag:$0x1], $0x1, s26, s20, $0xb8;
	[tilespmem:$0x2100] =	vst v63  }
0x42: {  	s28 =	sor.u32 $0x200, s22  }
0x43: {  	[spmem:s3] =	stream.indirect.scatter.add.f32 [tilespmem:s16], [sflag:$0x1], $0x1, s28, s20, $0xb8;
	[tilespmem:$0x2100] =	vst v63  }
0x44: {  	s29 =	sor.u32 $0x280, s22  }
0x45: {  	[spmem:s3] =	stream.indirect.scatter.add.f32 [tilespmem:s16], [sflag:$0x1], $0x1, s29, s20, $0xb8;
	[tilespmem:$0x2100] =	vst v63  }
0x46: {  	s30 =	sor.u32 $0x300, s22  }
0x47: {  	[spmem:s3] =	stream.indirect.scatter.add.f32 [tilespmem:s16], [sflag:$0x1], $0x1, s30, s20, $0xb8;
	[tilespmem:$0x2100] =	vst v63  }
0x48: {  	p3 =	sle.s32 s8, $0x1;
	s31 =	sor.u32 $0x380, s22  }
0x49: {  	[spmem:s3] =	stream.indirect.scatter.add.f32 [tilespmem:s16], [sflag:$0x1], $0x1, s31, s20, $0xb8;
	[tilespmem:$0x2100] =	vst v63  }
0x4a: {  	s22 =	ssub.s32 @!p3 $0x400, s22;
	s24 =	simm.s32 @!p3 $0x2;
	s23 =	simm.s32 @!p3 $0x0  }
0x4b: {  	[tilespmem:s22], [sflag:$0x2] =	stream.linear.gather @!p3 [hbm4b:s14+s23], $0x400, $0x38;
	[tilespmem:$0x2100] =	vst v63  }
0x4c: {  	_ =	swait.ge @!p3 [sflag:s24], $0x400  }
0x4d: {  	[sflag:s24] =	ssyncset.done @!p3 $0x0  }
0x4e: {  	[sflag:s24] =	ssyncadd.s32 @!p3 $0xFFFFFC00  }
0x4f: {  	_ =	swait.ge [sflag:s9], $0x80  }
0x50: {  	[sflag:s9] =	ssyncset.done $0x0  }
0x51: {  	[sflag:s9] =	ssyncadd.s32 $0xFFFFFF80  }
0x52: {  	_ =	swait.ge [sflag:s9], $0x80  }
0x53: {  	[sflag:s9] =	ssyncset.done $0x0  }
0x54: {  	[sflag:s9] =	ssyncadd.s32 $0xFFFFFF80  }
0x55: {  	_ =	swait.ge [sflag:s9], $0x80  }
0x56: {  	[sflag:s9] =	ssyncset.done $0x0  }
0x57: {  	[sflag:s9] =	ssyncadd.s32 $0xFFFFFF80  }
0x58: {  	_ =	swait.ge [sflag:s9], $0x80  }
0x59: {  	[sflag:s9] =	ssyncset.done $0x0  }
0x5a: {  	[sflag:s9] =	ssyncadd.s32 $0xFFFFFF80  }
0x5b: {  	_ =	swait.ge [sflag:s9], $0x80  }
0x5c: {  	[sflag:s9] =	ssyncset.done $0x0  }
0x5d: {  	[sflag:s9] =	ssyncadd.s32 $0xFFFFFF80  }
0x5e: {  	_ =	swait.ge [sflag:s9], $0x80  }
0x5f: {  	[sflag:s9] =	ssyncset.done $0x0  }
0x60: {  	p4 =	sne.s32 s8, $0x2;
	[sflag:s9] =	ssyncadd.s32 $0xFFFFFF80  }
.Ltmp4:
0x61: {  	_ =	swait.ge [sflag:s9], $0x80;
	(pc) =	sbr.rel @!p4 .LBB2_6-.Ltmp4, $4  }
0x62: {  	[sflag:s9] =	ssyncset.done $0x0  }
0x63: {  	s25 =	simm.s32 $0x2;
	[sflag:s9] =	ssyncadd.s32 $0xFFFFFF80  }
0x64: {  	s22 =	simm.s32 $0x2;
	s23 =	sadd.s32 $0x80, s14;
	_ =	swait.ge [sflag:s9], $0x80  }
0x65: {  	s24 =	simm.s32 $0x400;
	p3 =	por $0x1, $0x1;
	[sflag:s9] =	ssyncset.done $0x0  }
.LBB2_5:
0x66: {  	s25 =	sadd.s32 $0x1, s25;
	s26 =	sand.u32 $0x400, s24;
	[sflag:s9] =	ssyncadd.s32 $0xFFFFFF80  }
0x67: {  	[spmem:s3] =	stream.indirect.scatter.add.f32 [tilespmem:s16], [sflag:$0x1], $0x1, s26, s20, $0xb8;
	[tilespmem:$0x2100] =	vst v63  }
0x68: {  	p4 =	sne.s32 s8, s25;
	s28 =	sor.u32 $0x80, s26  }
0x69: {  	[spmem:s3] =	stream.indirect.scatter.add.f32 [tilespmem:s16], [sflag:$0x1], $0x1, s28, s20, $0xb8;
	[tilespmem:$0x2100] =	vst v63  }
0x6a: {  	s28 =	sor.u32 $0x100, s26  }
0x6b: {  	[spmem:s3] =	stream.indirect.scatter.add.f32 [tilespmem:s16], [sflag:$0x1], $0x1, s28, s20, $0xb8;
	[tilespmem:$0x2100] =	vst v63  }
0x6c: {  	s28 =	sor.u32 $0x180, s26  }
0x6d: {  	[spmem:s3] =	stream.indirect.scatter.add.f32 [tilespmem:s16], [sflag:$0x1], $0x1, s28, s20, $0xb8;
	[tilespmem:$0x2100] =	vst v63  }
0x6e: {  	s28 =	sor.u32 $0x200, s26  }
0x6f: {  	[spmem:s3] =	stream.indirect.scatter.add.f32 [tilespmem:s16], [sflag:$0x1], $0x1, s28, s20, $0xb8;
	[tilespmem:$0x2100] =	vst v63  }
0x70: {  	s28 =	sor.u32 $0x280, s26  }
0x71: {  	[spmem:s3] =	stream.indirect.scatter.add.f32 [tilespmem:s16], [sflag:$0x1], $0x1, s28, s20, $0xb8;
	[tilespmem:$0x2100] =	vst v63  }
0x72: {  	s28 =	sor.u32 $0x300, s26  }
0x73: {  	[spmem:s3] =	stream.indirect.scatter.add.f32 [tilespmem:s16], [sflag:$0x1], $0x1, s28, s20, $0xb8;
	[tilespmem:$0x2100] =	vst v63  }
0x74: {  	p5 =	sge.s32 s22, s8;
	s22 =	smov.u32 s25;
	s28 =	sor.u32 $0x380, s26  }
0x75: {  	[spmem:s3] =	stream.indirect.scatter.add.f32 [tilespmem:s16], [sflag:$0x1], $0x1, s28, s20, $0xb8;
	[tilespmem:$0x2100] =	vst v63  }
0x76: {  	s29 =	simm.s32 @!p5 $0x2;
	s26 =	ssub.s32 @!p5 $0x400, s26;
	s28 =	simm.s32 @!p5 $0x0  }
0x77: {  	[tilespmem:s26], [sflag:$0x2] =	stream.linear.gather @!p5 [hbm4b:s23+s28], $0x400, $0x38;
	[tilespmem:$0x2100] =	vst v63  }
0x78: {  	_ =	swait.ge @!p5 [sflag:s29], $0x400  }
0x79: {  	[sflag:s29] =	ssyncset.done @!p5 $0x0  }
0x7a: {  	[sflag:s29] =	ssyncadd.s32 @!p5 $0xFFFFFC00  }
0x7b: {  	_ =	swait.ge [sflag:s9], $0x80  }
0x7c: {  	[sflag:s9] =	ssyncset.done $0x0  }
0x7d: {  	[sflag:s9] =	ssyncadd.s32 $0xFFFFFF80  }
0x7e: {  	_ =	swait.ge [sflag:s9], $0x80  }
0x7f: {  	[sflag:s9] =	ssyncset.done $0x0  }
0x80: {  	[sflag:s9] =	ssyncadd.s32 $0xFFFFFF80  }
0x81: {  	_ =	swait.ge [sflag:s9], $0x80  }
0x82: {  	[sflag:s9] =	ssyncset.done $0x0  }
0x83: {  	[sflag:s9] =	ssyncadd.s32 $0xFFFFFF80  }
0x84: {  	_ =	swait.ge [sflag:s9], $0x80  }
0x85: {  	[sflag:s9] =	ssyncset.done $0x0  }
0x86: {  	[sflag:s9] =	ssyncadd.s32 $0xFFFFFF80  }
0x87: {  	_ =	swait.ge [sflag:s9], $0x80  }
0x88: {  	[sflag:s9] =	ssyncset.done $0x0  }
0x89: {  	[sflag:s9] =	ssyncadd.s32 $0xFFFFFF80  }
0x8a: {  	_ =	swait.ge [sflag:s9], $0x80  }
0x8b: {  	[sflag:s9] =	ssyncset.done $0x0  }
0x8c: {  	[sflag:s9] =	ssyncadd.s32 $0xFFFFFF80  }
.Ltmp5:
0x8d: {  	_ =	swait.ge [sflag:s9], $0x80;
	(pc) =	sbr.rel @p4 .LBB2_5-.Ltmp5, $4  }
0x8e: {  	[sflag:s9] =	ssyncset.done $0x0  }
0x8f: {  	[sflag:s9] =	ssyncadd.s32 $0xFFFFFF80  }
0x90: {  	_ =	swait.ge [sflag:s9], $0x80  }
0x91: {  	s24 =	sadd.s32 $0x400, s24;
	s23 =	sadd.s32 $0x80, s23;
	[sflag:s9] =	ssyncset.done $0x0  }
.LBB2_6:
0x92: {  	s24 =	sand.u32 $0x400, s24;
	[sflag:s9] =	ssyncadd.s32 @p3 $0xFFFFFF80  }
0x93: {  	[spmem:s3] =	stream.indirect.scatter.add.f32 [tilespmem:s16], [sflag:$0x1], $0x1, s24, s20, $0xb8;
	[tilespmem:$0x2100] =	vst v63  }
0x94: {  	s25 =	sor.u32 $0x80, s24  }
0x95: {  	[spmem:s3] =	stream.indirect.scatter.add.f32 [tilespmem:s16], [sflag:$0x1], $0x1, s25, s20, $0xb8;
	[tilespmem:$0x2100] =	vst v63  }
0x96: {  	s31 =	sor.u32 $0x100, s24  }
0x97: {  	[spmem:s3] =	stream.indirect.scatter.add.f32 [tilespmem:s16], [sflag:$0x1], $0x1, s31, s20, $0xb8;
	[tilespmem:$0x2100] =	vst v63  }
0x98: {  	s26 =	sor.u32 $0x180, s24  }
0x99: {  	[spmem:s3] =	stream.indirect.scatter.add.f32 [tilespmem:s16], [sflag:$0x1], $0x1, s26, s20, $0xb8;
	[tilespmem:$0x2100] =	vst v63  }
0x9a: {  	s28 =	sor.u32 $0x200, s24  }
0x9b: {  	[spmem:s3] =	stream.indirect.scatter.add.f32 [tilespmem:s16], [sflag:$0x1], $0x1, s28, s20, $0xb8;
	[tilespmem:$0x2100] =	vst v63  }
0x9c: {  	s29 =	sor.u32 $0x280, s24  }
0x9d: {  	[spmem:s3] =	stream.indirect.scatter.add.f32 [tilespmem:s16], [sflag:$0x1], $0x1, s29, s20, $0xb8;
	[tilespmem:$0x2100] =	vst v63  }
0x9e: {  	s30 =	sor.u32 $0x300, s24  }
0x9f: {  	[spmem:s3] =	stream.indirect.scatter.add.f32 [tilespmem:s16], [sflag:$0x1], $0x1, s30, s20, $0xb8;
	[tilespmem:$0x2100] =	vst v63  }
0xa0: {  	p3 =	sge.s32 s22, s8;
	s31 =	sor.u32 $0x380, s24  }
0xa1: {  	[spmem:s3] =	stream.indirect.scatter.add.f32 [tilespmem:s16], [sflag:$0x1], $0x1, s31, s20, $0xb8;
	[tilespmem:$0x2100] =	vst v63  }
0xa2: {  	s22 =	ssub.s32 @!p3 $0x400, s24;
	s25 =	simm.s32 @!p3 $0x2;
	s24 =	simm.s32 @!p3 $0x0  }
0xa3: {  	[tilespmem:s22], [sflag:$0x2] =	stream.linear.gather @!p3 [hbm4b:s23+s24], $0x400, $0x38;
	[tilespmem:$0x2100] =	vst v63  }
0xa4: {  	_ =	swait.ge @!p3 [sflag:s25], $0x400  }
0xa5: {  	[sflag:s25] =	ssyncset.done @!p3 $0x0  }
0xa6: {  	[sflag:s25] =	ssyncadd.s32 @!p3 $0xFFFFFC00  }
0xa7: {  	_ =	swait.ge [sflag:s9], $0x80  }
0xa8: {  	[sflag:s9] =	ssyncset.done $0x0  }
0xa9: {  	[sflag:s9] =	ssyncadd.s32 $0xFFFFFF80  }
0xaa: {  	_ =	swait.ge [sflag:s9], $0x80  }
0xab: {  	[sflag:s9] =	ssyncset.done $0x0  }
0xac: {  	[sflag:s9] =	ssyncadd.s32 $0xFFFFFF80  }
0xad: {  	_ =	swait.ge [sflag:s9], $0x80  }
0xae: {  	[sflag:s9] =	ssyncset.done $0x0  }
0xaf: {  	[sflag:s9] =	ssyncadd.s32 $0xFFFFFF80  }
0xb0: {  	_ =	swait.ge [sflag:s9], $0x80  }
0xb1: {  	[sflag:s9] =	ssyncset.done $0x0  }
0xb2: {  	[sflag:s9] =	ssyncadd.s32 $0xFFFFFF80  }
0xb3: {  	_ =	swait.ge [sflag:s9], $0x80  }
0xb4: {  	[sflag:s9] =	ssyncset.done $0x0  }
0xb5: {  	[sflag:s9] =	ssyncadd.s32 $0xFFFFFF80  }
0xb6: {  	_ =	swait.ge [sflag:s9], $0x80  }
0xb7: {  	[sflag:s9] =	ssyncset.done $0x0  }
0xb8: {  	[sflag:s9] =	ssyncadd.s32 $0xFFFFFF80  }
0xb9: {  	_ =	swait.ge [sflag:s9], $0x80  }
0xba: {  	[sflag:s9] =	ssyncset.done $0x0  }
0xbb: {  	[sflag:s9] =	ssyncadd.s32 $0xFFFFFF80  }
0xbc: {  	_ =	swait.ge [sflag:s9], $0x80  }
0xbd: {  	[sflag:s9] =	ssyncset.done $0x0  }
0xbe: {  	[sflag:s9] =	ssyncadd.s32 $0xFFFFFF80  }
.LBB2_7:
.Ltmp6:
0xbf: {  	(pc) =	sbr.rel @p1 .LBB2_12-.Ltmp6, $2  }
0xc0: {  	_ =	sdelay $0x2  }
0xc1: {  	s22 =	simm.s32 $0x0  }
0xc2: {  	s22 =	sadd.s32 $0x1, s22  }
0xc3: {  	p4 =	slt.s32 s22, s11  }
.Ltmp7:
0xc4: {  	_ = 	snop;
	(pc) =	sbr.rel @!p4 .LBB2_11-.Ltmp7, $2  }
0xc5: {  	_ =	sdelay $0x2  }
0xc6: {  	s24 =	sshrl.u32 s15, $0x3;
	p3 =	por $0x0, $0x0  }
0xc7: {  	s23 =	sadd.s32 s5, s24;
	s22 =	sadd.s32 $0x1, s22  }
0xc8: {  	[tilespmem:s4], [sflag:$0x2] =	stream.linear.gather [hbm4b:s23+s4], $0x80, $0x38;
	[tilespmem:$0x2100] =	vst v63  }
0xc9: {  	p4 =	slt.s32 s22, s11;
	_ =	swait.ge [sflag:s17], $0x80  }
.Ltmp8:
0xca: {  	[sflag:s17] =	ssyncset.done $0x0;
	(pc) =	sbr.rel @!p4 .LBB2_11-.Ltmp8, $4  }
0xcb: {  	[sflag:s17] =	ssyncadd.s32 $0xFFFFFF80  }
0xcc: {  	[spmem:s3] =	stream.indirect.scatter.add.f32 [tilespmem:s16], [sflag:$0x1], $0x1, s4, s20, $0xb8;
	[tilespmem:$0x2100] =	vst v63  }
0xcd: {  	s23 =	sadd.s32 $0x80, s15;
	_ =	swait.ge [sflag:s9], $0x80  }
0xce: {  	p3 =	por $0x1, $0x1;
	s24 =	sshrl.u32 s23, $0x3;
	[sflag:s9] =	ssyncset.done $0x0  }
.LBB2_10:
0xcf: {  	s22 =	sadd.s32 $0x1, s22;
	s24 =	sadd.s32 s5, s24;
	[sflag:s9] =	ssyncadd.s32 $0xFFFFFF80  }
0xd0: {  	[tilespmem:s4], [sflag:$0x2] =	stream.linear.gather [hbm4b:s24+s4], $0x80, $0x38;
	[tilespmem:$0x2100] =	vst v63  }
0xd1: {  	p4 =	slt.s32 s22, s11;
	_ =	swait.ge [sflag:s17], $0x80  }
.Ltmp9:
0xd2: {  	[sflag:s17] =	ssyncset.done $0x0;
	(pc) =	sbr.rel @p4 .LBB2_10-.Ltmp9, $4  }
0xd3: {  	[sflag:s17] =	ssyncadd.s32 $0xFFFFFF80  }
0xd4: {  	[spmem:s3] =	stream.indirect.scatter.add.f32 [tilespmem:s16], [sflag:$0x1], $0x1, s4, s20, $0xb8;
	[tilespmem:$0x2100] =	vst v63  }
0xd5: {  	s23 =	sadd.s32 $0x80, s23;
	_ =	swait.ge [sflag:s9], $0x80  }
0xd6: {  	s24 =	sshrl.u32 s23, $0x3;
	[sflag:s9] =	ssyncset.done $0x0  }
.Ltmp10:
0xd7: {  	_ = 	snop;
	(pc) =	sbr.rel .LBB2_11-.Ltmp10, $1  }
0xd8: {  	_ =	sdelay $0x3  }
.LBB2_3:
.Ltmp11:
0xd9: {  	(pc) =	sbr.rel .LBB2_6-.Ltmp11, $2  }
0xda: {  	_ =	sdelay $0x2  }
0xdb: {  	s23 =	smov.u32 s14  }
.LBB2_13:
0xdc: {  	_ =	sfence.sel $0x180000  }
0xdd: {  	[bflag:$0x0] =	sbarrier.arrive $0xFFFF  }
0xde: {  	p0 =	sne.s32 s1, $0x0;
	_ =	strace $0x90000047  }
0xdf: {  	s0 =	sadd.s32 @!p0 $0x100000, s0;
	[bflag:$0x2] =	sbarrier.arrive $0xFFFF  }
0xe0: {  	[sflag:s0] =	ssyncadd.tile.s32 @!p0 $0x1;
	_ =	shalt  }
.Lfunc_end2:
_tile_overlayer_lowered:
.L_overlay_start_2:
0xe1: {  	(tag) =	ssettag $0x2  }
0xe2: {  	s0 =	rddreg [dreg:$0x0];
	s2 =	stileid.u32  }
0xe3: {  	s1 =	rddreg [dreg:$0x1];
	p0 =	sne.s32 s2, $0x0  }
0xe4: {  	s3 =	rddreg [dreg:$0x2];
	[bflag:$0x3] =	sbarrier.arrive $0xFFFF;
	s2 =	simm.s32 @!p0 $0x1C02  }
0xe5: {  	[timem:s3], [sflag:s2] =	dma.local @!p0 [hbm:s0], s1  }
0xe6: {  	s0 =	simm.s32 @!p0 $0x2  }
0xe7: {  	_ =	swait.ge @!p0 [sflag:s0], s1  }
0xe8: {  	s1 =	ssub.s32 @!p0 $0x0, s1;
	[sflag:s0] =	ssyncset.done @!p0 $0x0  }
0xe9: {  	[sflag:s0] =	ssyncadd.s32 @!p0 s1  }
0xea: {  	[bflag:$0x3] =	sbarrier.arrive $0xFFFF  }
0xeb: {  	_ =	shalt  }

// kernel: kernel.9.cloned.1.call-start
scs
__scs_entry_jumppad:
0x0: {  	(pc) =	sbr.rel $0x88, $3  }
0x1: {  	(tag) =	ssettag $0x0;
	lr =	simm.s32 $0x1  }
0x2: {  	[smem:$0x3F99] =	sst lr;
	_ =	strace $0xD0000000  }
0x3: {  	_ = 	snop  }
0x4: {  	_ = 	snop  }
0x5: {  	_ = 	snop  }
0x6: {  	_ = 	snop  }
0x7: {  	_ = 	snop  }
__scs_overlays_trampoline_lowered:
0x8: {  	[smem:$0x3FA8] =	sst s0  }
0x9: {  	[smem:$0x3FA9] =	sst s1  }
0xa: {  	[smem:$0x3FAA] =	sst s2  }
0xb: {  	[smem:$0x3FAB] =	sst s3  }
0xc: {  	[smem:$0x3FAC] =	sst s4  }
0xd: {  	[smem:$0x3FAD] =	sst s5  }
0xe: {  	[smem:$0x3FAE] =	sst s6  }
0xf: {  	[smem:$0x3FAF] =	sst s7  }
0x10: {  	[smem:$0x3FB0] =	sst s8  }
0x11: {  	[smem:$0x3FB1] =	sst s9;
	s0 =	simm.s32 @!p0 $0x0  }
0x12: {  	s1 =	sld [smem:$0x3F97];
	s0 =	simm.s32 @p0 $0x1  }
0x13: {  	[smem:$0x3FB2] =	sst s0;
	s0 =	simm.s32 @!p1 $0x0  }
0x14: {  	s2 =	sld [smem:$0x3F96];
	s0 =	simm.s32 @p1 $0x1  }
0x15: {  	[smem:$0x3FB3] =	sst s0;
	s0 =	simm.s32 @!p2 $0x0  }
0x16: {  	s3 =	sld [smem:$0x3FDB];
	s0 =	simm.s32 @p2 $0x1  }
0x17: {  	s4 =	simm.s32 $0x1BF5;
	[smem:$0x3FB5] =	sst s0  }
0x18: {  	s0 =	sld [smem:$0x3F98];
	_ =	swait.ge [sflag:s4], $0x0  }
0x19: {  	s7 =	sld [smem:$0x3F99]  }
0x1a: {  	s8 =	sadd.s32 $0xFFFFE003, lr  }
0x1b: {  	s9 =	sadd.s32 $0xFFFFFEF7, lr;
	s5 =	simm.s32 $0xFFFFFFFF;
	p2 =	slt.u32 s8, $0xFFFFF086  }
0x1c: {  	p1 =	slt.u32 s9, $0xF7A;
	s5 =	simm.s32 @!p2 $0x0  }
0x1d: {  	s5 =	simm.s32 @p1 $0x1;
	p0 =	seq.s32 s7, s2  }
0x1e: {  	s7 =	smul.u32 @!p0 $0xF7A, s2;
	p2 =	seq.s32 @!p0 s5, $0x0  }
0x1f: {  	s9 =	smul.u32 $0xF7A, s1;
	s8 =	simm.s32 @!p0 $0x1BF5;
	p2 =	por !p2, p0  }
0x20: {  	[sflag:s8] =	ssyncset.s32 @!p0 $0xFFFFF086;
	s6 =	sadd.s32 @!p0 s3, s7;
	s7 =	simm.s32 @!p0 $0x108  }
0x21: {  	s3 =	sadd.s32 s3, s9;
	s6 =	sadd.s32 @!p0 $0x88, s6;
	s7 =	simm.s32 @p2 $0x1082  }
0x22: {  	[simem:s7], [sflag:s8] =	dma.local @!p0 [hbm:s6], $0xF7A  }
0x23: {  	s9 =	sor.u32 $0xD0000000, s2;
	s6 =	simm.s32 $0x108;
	_ =	swait.ge @!p0 [sflag:s8], $0x0  }
0x24: {  	s3 =	sadd.s32 $0x88, s3;
	s6 =	simm.s32 @!p1 $0x1082;
	[sflag:s4] =	ssyncset.s32 $0xFFFFF086  }
0x25: {  	[simem:s6], [sflag:s4] =	dma.local [hbm:s3], $0xF7A  }
0x26: {  	[smem:$0x3F99] =	sst s1;
	(tag) =	ssettag s2;
	_ =	strace s9  }
0x27: {  	s1 =	sld [smem:$0x3FA9]  }
0x28: {  	s2 =	sld [smem:$0x3FAA]  }
0x29: {  	s4 =	sld [smem:$0x3FAC]  }
0x2a: {  	p0 =	seq.s32 s5, $0x0;
	s5 =	sld [smem:$0x3FAD]  }
0x2b: {  	s6 =	sld [smem:$0x3FAE]  }
0x2c: {  	s7 =	sld [smem:$0x3FAF]  }
0x2d: {  	s3 =	simm.s32 $0x108;
	s8 =	sld [smem:$0x3FB0]  }
0x2e: {  	s3 =	simm.s32 @!p0 $0x1082;
	s9 =	sld [smem:$0x3FB1]  }
0x2f: {  	lr =	sadd.s32 s0, s3;
	s0 =	sld [smem:$0x3FA8]  }
0x30: {  	s3 =	sld [smem:$0x3FAB]  }
0x31: {  	[smem:$0x3FB4] =	sst s10  }
0x32: {  	s10 =	sld [smem:$0x3FB2];
	_ =	sdelay $0x3  }
0x33: {  	p0 =	seq.s32 s10, $0x1;
	s10 =	sld [smem:$0x3FB4];
	_ =	sdelay $0x3  }
0x34: {  	[smem:$0x3FB4] =	sst s10  }
0x35: {  	s10 =	sld [smem:$0x3FB3];
	_ =	sdelay $0x3  }
0x36: {  	p1 =	seq.s32 s10, $0x1;
	s10 =	sld [smem:$0x3FB4];
	_ =	sdelay $0x3  }
0x37: {  	[smem:$0x3FB4] =	sst s10  }
0x38: {  	s10 =	sld [smem:$0x3FB5]  }
0x39: {  	_ = 	snop;
	(pc) =	sbr.ind lr, $3  }
0x3a: {  	_ = 	snop  }
0x3b: {  	_ = 	snop  }
0x3c: {  	p2 =	seq.s32 s10, $0x1;
	s10 =	sld [smem:$0x3FB4]  }
0x3d: {  	_ =	shalt  }
0x3e: {  	_ =	shalt  }
0x3f: {  	_ =	shalt  }
0x40: {  	_ =	shalt  }
0x41: {  	_ =	shalt  }
0x42: {  	_ =	shalt  }
0x43: {  	_ =	shalt  }
0x44: {  	_ =	shalt  }
0x45: {  	_ =	shalt  }
0x46: {  	_ =	shalt  }
0x47: {  	_ =	shalt  }
0x48: {  	_ =	shalt  }
0x49: {  	_ =	shalt  }
0x4a: {  	_ =	shalt  }
0x4b: {  	_ =	shalt  }
0x4c: {  	_ =	shalt  }
0x4d: {  	_ =	shalt  }
0x4e: {  	_ =	shalt  }
0x4f: {  	_ =	shalt  }
0x50: {  	_ =	shalt  }
0x51: {  	_ =	shalt  }
0x52: {  	_ =	shalt  }
0x53: {  	_ =	shalt  }
0x54: {  	_ =	shalt  }
0x55: {  	_ =	shalt  }
0x56: {  	_ =	shalt  }
0x57: {  	_ =	shalt  }
0x58: {  	_ =	shalt  }
0x59: {  	_ =	shalt  }
0x5a: {  	_ =	shalt  }
0x5b: {  	_ =	shalt  }
0x5c: {  	_ =	shalt  }
0x5d: {  	_ =	shalt  }
0x5e: {  	_ =	shalt  }
0x5f: {  	_ =	shalt  }
0x60: {  	_ =	shalt  }
0x61: {  	_ =	shalt  }
0x62: {  	_ =	shalt  }
0x63: {  	_ =	shalt  }
0x64: {  	_ =	shalt  }
0x65: {  	_ =	shalt  }
0x66: {  	_ =	shalt  }
0x67: {  	_ =	shalt  }
0x68: {  	_ =	shalt  }
0x69: {  	_ =	shalt  }
0x6a: {  	_ =	shalt  }
0x6b: {  	_ =	shalt  }
0x6c: {  	_ =	shalt  }
0x6d: {  	_ =	shalt  }
0x6e: {  	_ =	shalt  }
0x6f: {  	_ =	shalt  }
0x70: {  	_ =	shalt  }
0x71: {  	_ =	shalt  }
0x72: {  	_ =	shalt  }
0x73: {  	_ =	shalt  }
0x74: {  	_ =	shalt  }
0x75: {  	_ =	shalt  }
0x76: {  	_ =	shalt  }
0x77: {  	_ =	shalt  }
0x78: {  	_ =	shalt  }
0x79: {  	_ =	shalt  }
0x7a: {  	_ =	shalt  }
0x7b: {  	_ =	shalt  }
0x7c: {  	_ =	shalt  }
0x7d: {  	_ =	shalt  }
0x7e: {  	_ =	shalt  }
0x7f: {  	_ =	shalt  }
0x80: {  	_ =	shalt  }
0x81: {  	_ =	shalt  }
0x82: {  	_ =	shalt  }
0x83: {  	_ =	shalt  }
0x84: {  	_ =	shalt  }
0x85: {  	_ =	shalt  }
0x86: {  	_ =	shalt  }
0x87: {  	_ =	shalt  }
.Lfunc_end0:
.L_simem_size_0:
called_computation.1_lowered:
.L_overlay_start_0:
0x88: {  	s2 =	sld [smem:$0x3FD9]  }
0x89: {  	s3 =	sld [smem:$0x3FFE];
	_ =	sdelay $0x1  }
0x8a: {  	s1 =	srdreg.scid  }
0x8b: {  	s0 =	sand.u32 $0x1, s1  }
0x8c: {  	s16 =	sshll.u32 s0, $0xA;
	s2 =	sadd.s32 s3, s2  }
0x8d: {  	s2 =	sadd.s32 s2, s16  }
0x8e: {  	[smem:$0x3FC0] =	sst s2  }
0x8f: {  	_ = 	snop  }
0x90: {  	(tm) =	ssettm $0x1  }
0x91: {  	s17 =	sld [smem:$0x3FFB];
	_ =	sdelay $0x3  }
0x92: {  	_ =	strace s17  }
0x93: {  	s2 =	sld [smem:$0x3FFC];
	_ =	sdelay $0x3  }
0x94: {  	_ =	strace s2  }
0x95: {  	s2 =	sld [smem:$0x3FFD];
	_ =	sdelay $0x3  }
0x96: {  	_ =	strace s2  }
0x97: {  	_ =	strace $0x8FFFFFFF  }
0x98: {  	s18 =	sld [smem:$0x3FDB];
	_ =	sdelay $0x1  }
0x99: {  	s19 =	simm.s32 $_scs_section_size  }
0x9a: {  	s4 =	simm.s32 $_size__tile_overlayer_lowered;
	s5 =	simm.s32 $_tile_overlayer_lowered  }
0x9b: {  	s22 =	simm.s32 $0x1BFF;
	s21 =	sshll.u32 s5, $0x1;
	s2 =	sadd.s32 s19, s18  }
0x9c: {  	s6 =	simm.s32 $0x0;
	s20 =	sshll.u32 s4, $0x1;
	s4 =	sadd.s32 s21, s2  }
0x9d: {  	[timem:s6], [sflag:s22] =	dma.local [hbm:s4], s20  }
0x9e: {  	_ =	swait.ge [sflag:s22], s20  }
0x9f: {  	s3 =	ssub.s32 $0x0, s20;
	[sflag:s22] =	ssyncset.done $0x0  }
0xa0: {  	[sflag:s22] =	ssyncadd.s32 s3;
	_ =	sdelay $0x1  }
0xa1: {  	s23 =	simm.s32 $0x1B8B  }
0xa2: {  	_ =	swait.ge [sflag:s23], $0x1  }
0xa3: {  	[sflag:s23] =	ssyncset.done $0x0  }
0xa4: {  	s25 =	simm.s32 $0x1B8E;
	s24 =	sld [smem:$0x3FFE];
	[sflag:s23] =	ssyncadd.s32 $0xFFFFFFFF  }
0xa5: {  	s26 =	simm.s32 $execute0_lowered;
	[smem:$0x3FD2] =	sst s25  }
0xa6: {  	s4 =	sshll.u32 s26, $0x1;
	_ =	strace $0x80000049;
	[dreg:$0x1] =	wrdreg $0xFFFFFFFF  }
0xa7: {  	s28 =	simm.s32 $_size_execute0_lowered;
	s2 =	sadd.s32 s2, s4;
	[dreg:$0x0] =	wrdreg $0x0  }
0xa8: {  	s4 =	sshll.u32 s28, $0x1;
	[dreg:$0x2] =	wrdreg s2  }
0xa9: {  	[dreg:$0x3] =	wrdreg s4  }
0xaa: {  	[dreg:$0x4] =	wrdreg $0xC0  }
0xab: {  	_ =	task [dreg:s6], $0x5FFFF  }
0xac: {  	[dreg:$0x1] =	wrdreg $0xFFFFFFFF  }
0xad: {  	[dreg:$0x0] =	wrdreg $0x60  }
0xae: {  	[dreg:$0x2] =	wrdreg s24  }
0xaf: {  	[dreg:$0x3] =	wrdreg $0x50000  }
0xb0: {  	[dreg:$0x4] =	wrdreg $0x114000  }
0xb1: {  	[dreg:$0x5] =	wrdreg $0x9  }
0xb2: {  	_ =	task.clear_ibuf [dreg:s6], $0x6FFFF;
	_ =	strace $0x90000049  }
0xb3: {  	s29 =	simm.s32 $0x9;
	_ =	strace $0x8000004B  }
0xb4: {  	_ =	swait.ge [sflag:s29], $0x1  }
0xb5: {  	[sflag:s29] =	ssyncadd.s32 $0xFFFFFFFF  }
0xb6: {  	_ =	strace $0x9000004B  }
0xb7: {  	_ =	sfence  }
0xb8: {  	s30 =	sld [smem:$0x0];
	_ =	sdelay $0x2  }
0xb9: {  	s31 =	sshll.u32 s1, $0xD;
	s1 =	sshrl.u32 s1, $0x2  }
0xba: {  	s3 =	sand.u32 $0x4000, s31;
	s1 =	sadd.s32 s1, s30  }
0xbb: {  	s0 =	sor.u32 s3, s0;
	s1 =	sshll.u32 s1, $0x11  }
0xbc: {  	s0 =	sor.u32 s1, s0  }
0xbd: {  	s0 =	sadd.s32 $0x8F2B, s0  }
0xbe: {  	[sflag:s0] =	ssyncadd.remote.s32 $0x1  }
0xbf: {  	_ =	sfence.sel $0xFFFF  }
0xc0: {  	[dreg:$0x0] =	wrdreg $0xFFFFFFFF;
	(pc) =	sbr.abs _section_cstart, $3  }
0xc1: {  	[dreg:$0x1] =	wrdreg $0xFFFFFFFF  }
0xc2: {  	_ =	task.clear_ibuf [dreg:s6], $0x2FFFF;
	_ =	strace $0x9FFFFFFF  }
0xc3: {  	(tm) =	ssettm $0x7FFFFFFF  }
tec
execute0_lowered:
.L_overlay_start_1:
0x0: {  	(tag) =	ssettag $0x1  }
0x1: {  	s0 =	rddreg [dreg:$0x0]  }
0x2: {  	s2 =	rddreg [dreg:$0x1]  }
0x3: {  	s3 =	rddreg [dreg:$0x2]  }
0x4: {  	s21 =	stileid.u32;
	s1 =	srdreg.scid;
	s4 =	simm.s32 $0x0  }
0x5: {  	s28 =	simm.s32 $0x800;
	s29 =	simm.s32 $0x80;
	s30 =	simm.s32 $0x1000  }
0x6: {  	s7 =	smul.u32 $0xC400, s21;
	s1 =	sand.u32 $0x1, s1;
	[smem:$0x7FF] =	sst s4  }
0x7: {  	s5 =	sadd.s32 $0x1200, s0;
	s15 =	sadd.s32 $0x7B600, s0;
	s11 =	smul.u32 $0x31000, s21  }
0x8: {  	s19 =	sshll.u32 s21, $0x6;
	s6 =	smul.u32 $0xC4000, s1;
	_ =	strace $0x8000004A  }
0x9: {  	s10 =	ssub.s32 $0x2, s1;
	[dreg:$0x4] =	wrdreg s15;
	s17 =	sshll.u32 s1, $0x4  }
0xa: {  	s1 =	smul.u32 $0x30D40, s1;
	s8 =	sshrl.u32 s7, $0x3;
	s16 =	sshrl.u32 s10, $0x1  }
0xb: {  	s13 =	sadd.s32 s7, s2;
	s11 =	sshrl.u32 s11, $0x2;
	s20 =	sadd.s32 s7, s3  }
0xc: {  	s6 =	sadd.s32 s7, s6;
	s8 =	sadd.s32 s8, s0;
	[dreg:$0x6] =	wrdreg s20  }
0xd: {  	s22 =	sadd.s32 s11, s3;
	s9 =	sshrl.u32 s6, $0x3;
	s18 =	sadd.s32 $0x62E00, s8  }
0xe: {  	s8 =	sor.u32 $0x1C03, s19;
	s19 =	sadd.s32 $0x7000, s22;
	s20 =	sadd.s32 $0x8C00, s22  }
0xf: {  	s6 =	smul.u32 $0x30D4, s21;
	s7 =	sadd.s32 $0xA800, s22;
	s0 =	sadd.s32 s9, s0  }
0x10: {  	s9 =	ssub.s32 s10, s16;
	s10 =	sor.u32 s21, s17;
	[dreg:$0x5] =	wrdreg s18  }
0x11: {  	s16 =	sadd.s32 $0x1C00, s22;
	s17 =	sadd.s32 $0x3800, s22;
	s10 =	smul.u32 $0x30D4, s10  }
0x12: {  	s18 =	sadd.s32 $0x5400, s22;
	s1 =	sadd.s32 s6, s1;
	s0 =	sadd.s32 $0x7BA00, s0  }
0x13: {  	s1 =	sshrl.u32 s1, $0x5;
	[dreg:$0xa] =	wrdreg s0;
	s23 =	sadd.s32 $0x30D4, s10  }
0x14: {  	s12 =	sshrl.u32 s10, $0x5;
	s10 =	simm.s32 $0x1;
	s24 =	sshrl.u32 s23, $0x5  }
0x15: {  	s23 =	sshll.u32 s12, $0x4;
	s14 =	ssub.s32 s24, s12;
	p0 =	sne.s32 s24, s12  }
0x16: {  	s25 =	sshll.u32 s14, $0x10;
	s15 =	sshra.s32 s14, $0x1F;
	s10 =	simm.s32 @!p0 $0x0  }
0x17: {  	s26 =	sand.u32 $0x7, s14;
	s11 =	sshra.s32 s25, $0x1F;
	s10 =	sor.u32 s10, s15  }
0x18: {  	p1 =	sne.s32 s26, $0x0;
	s26 =	sshll.u32 s1, $0x7;
	s1 =	sshll.u32 s1, $0x4  }
0x19: {  	s15 =	sshrl.u32 s13, $0x3;
	s11 =	sand.u32 $0x7, s11;
	p6 =	sne.s32 s10, $0x1  }
0x1a: {  	s10 =	simm.s32 $0x1;
	s11 =	sadd.s32 s11, s14;
	p0 =	por !p1, !p6  }
0x1b: {  	[dreg:$0xd] =	wrdreg s15;
	s31 =	sshll.u32 s11, $0x10;
	p0 =	por !p0, !p0  }
0x1c: {  	s11 =	simm.s32 $0x1;
	s22 =	sshra.s32 s31, $0x13;
	s31 =	sadd.s32 s5, s23  }
0x1d: {  	s11 =	simm.s32 @!p0 $0x0;
	s23 =	sshrl.u32 s17, $0x3;
	[dreg:$0x7] =	wrdreg s31  }
0x1e: {  	s11 =	ssub.s32 s22, s11;
	s6 =	sadd.s32 $0x30D40, s31;
	[dreg:$0xf] =	wrdreg s23  }
0x1f: {  	s22 =	sshrl.u32 s16, $0x3;
	s31 =	sshrl.u32 s7, $0x3;
	[dreg:$0x9] =	wrdreg s6  }
0x20: {  	s24 =	sshll.u32 s11, $0x3;
	s6 =	sadd.s32 s1, s5;
	[dreg:$0xe] =	wrdreg s22  }
0x21: {  	[dreg:$0x13] =	wrdreg s31;
	s12 =	ssub.s32 s14, s24;
	s14 =	smax.u32 s9, $0x1  }
0x22: {  	s25 =	sshll.u32 s11, $0xA;
	s0 =	sadd.s32 $0x30DC0, s6;
	[dreg:$0xb] =	wrdreg s14  }
.Ltmp0:
0x23: {  	s24 =	sshrl.u32 s18, $0x3;
	[dreg:$0xc] =	wrdreg s0;
	(pc) =	sbr.rel .LBB2_1-.Ltmp0, $4  }
0x24: {  	s21 =	sadd.s32 s26, s25;
	s25 =	sshrl.u32 s19, $0x3;
	[dreg:$0x10] =	wrdreg s24  }
0x25: {  	p0 =	slt.s32 s11, $0x1;
	s26 =	sshrl.u32 s20, $0x3;
	[dreg:$0x11] =	wrdreg s25  }
0x26: {  	s1 =	simm.s32 $0x0;
	[dreg:$0x12] =	wrdreg s26;
	p1 =	slt.s32 s12, $0x1  }
0x27: {  	s26 =	simm.s32 $0x3;
	s0 =	simm.s32 $0x2;
	[dreg:$0x8] =	wrdreg s21  }
.LBB2_11:
0x28: {  	s7 =	smov.u32 s21  }
.LBB2_14:
0x29: {  	s6 =	sadd.s32 s5, s13;
	[sflag:s0] =	ssyncadd.s32 @p2 $0xFFFFFC00  }
0x2a: {  	[tilespmem:s4], [sflag:$0x3] =	stream.linear.gather [hbm4b:s6+s4], $0x80, $0x38;
	[tilespmem:$0x1D800] =	vst v63  }
0x2b: {  	s31 =	sadd.s32 $0x186A00, s7;
	_ =	swait.ge [sflag:s26], $0x80  }
0x2c: {  	s6 =	sshrl.u32 s31, $0x3;
	[sflag:s26] =	ssyncset.done $0x0  }
0x2d: {  	s6 =	sadd.s32 s5, s6;
	[sflag:s26] =	ssyncadd.s32 $0xFFFFFF80  }
0x2e: {  	[tilespmem:s28], [sflag:$0x3] =	stream.linear.gather [hbm4b:s6+s4], $0x80, $0x38;
	[tilespmem:$0x1D800] =	vst v63  }
0x2f: {  	_ =	swait.ge [sflag:s26], $0x80  }
0x30: {  	[sflag:s26] =	ssyncset.done $0x0  }
0x31: {  	[sflag:s26] =	ssyncadd.s32 $0xFFFFFF80  }
0x32: {  	[tilespmem:s30], [sflag:$0x1] =	stream.indirect.gather [spmem:s2], $0x8, s4, s29, $0xb8;
	[tilespmem:$0x1D800] =	vst v63  }
0x33: {  	_ =	swait.ge [sflag:s10], $0x400  }
0x34: {  	[sflag:s10] =	ssyncset.done $0x0  }
0x35: {  	[sflag:s10] =	ssyncadd.s32 $0xFFFFFC00  }
0x36: {  	[spmem:s3] =	stream.indirect.scatter.add.f32 [tilespmem:s30], [sflag:$0x2], $0x8, s28, s29, $0xb8;
	[tilespmem:$0x1D800] =	vst v63  }
0x37: {  	_ =	swait.ge [sflag:s0], $0x400  }
0x38: {  	[sflag:s0] =	ssyncset.done $0x0  }
0x39: {  	[sflag:s0] =	ssyncadd.s32 $0xFFFFFC00  }
.LBB2_15:
0x3a: {  	[bflag:$0x0] =	sbarrier.arrive $0xFFFF  }
0x3b: {  	s6 =	rddreg [dreg:$0xa]  }
0x3c: {  	[hbm:s6], [sflag:s8] =	dma.local [spmem:s17], $0x1880  }
0x3d: {  	_ =	swait.ge [sflag:s26], $0x1880  }
0x3e: {  	s1 =	sadd.s32 $0x1, s1;
	s31 =	rddreg [dreg:$0xb]  }
0x3f: {  	p2 =	sne.s32 s1, s31  }
.Ltmp1:
0x40: {  	_ = 	snop;
	(pc) =	sbr.rel @!p2 .LBB2_16-.Ltmp1, $3  }
0x41: {  	_ =	sdelay $0x1  }
0x42: {  	[sflag:s26] =	ssyncset.done $0x0  }
0x43: {  	[sflag:s26] =	ssyncadd.s32 $0xFFFFE780  }
.LBB2_1:
0x44: {  	s6 =	rddreg [dreg:$0x5]  }
0x45: {  	s7 =	rddreg [dreg:$0xd]  }
0x46: {  	[spmem:s7], [sflag:s8] =	dma.local [hbm:s6], $0x1880  }
0x47: {  	_ =	swait.ge [sflag:s26], $0x1880  }
0x48: {  	[sflag:s26] =	ssyncset.done $0x0;
	s18 =	rddreg [dreg:$0x6]  }
0x49: {  	s19 =	rddreg [dreg:$0x4];
	[sflag:s26] =	ssyncadd.s32 $0xFFFFE780;
	s17 =	sshrl.u32 s18, $0x3  }
0x4a: {  	[spmem:s17], [sflag:s8] =	dma.local [hbm:s19], $0x380  }
0x4b: {  	_ =	swait.ge [sflag:s26], $0x380  }
0x4c: {  	[sflag:s26] =	ssyncset.done $0x0  }
0x4d: {  	s20 =	rddreg [dreg:$0xe];
	[sflag:s26] =	ssyncadd.s32 $0xFFFFFC80  }
0x4e: {  	[spmem:s20], [sflag:s8] =	dma.local [hbm:s19], $0x380  }
0x4f: {  	_ =	swait.ge [sflag:s26], $0x380  }
0x50: {  	[sflag:s26] =	ssyncset.done $0x0  }
0x51: {  	s22 =	rddreg [dreg:$0xf];
	[sflag:s26] =	ssyncadd.s32 $0xFFFFFC80  }
0x52: {  	[spmem:s22], [sflag:s8] =	dma.local [hbm:s19], $0x380  }
0x53: {  	_ =	swait.ge [sflag:s26], $0x380  }
0x54: {  	[sflag:s26] =	ssyncset.done $0x0  }
0x55: {  	s23 =	rddreg [dreg:$0x10];
	[sflag:s26] =	ssyncadd.s32 $0xFFFFFC80  }
0x56: {  	[spmem:s23], [sflag:s8] =	dma.local [hbm:s19], $0x380  }
0x57: {  	_ =	swait.ge [sflag:s26], $0x380  }
0x58: {  	[sflag:s26] =	ssyncset.done $0x0  }
0x59: {  	s24 =	rddreg [dreg:$0x11];
	[sflag:s26] =	ssyncadd.s32 $0xFFFFFC80  }
0x5a: {  	[spmem:s24], [sflag:s8] =	dma.local [hbm:s19], $0x380  }
0x5b: {  	_ =	swait.ge [sflag:s26], $0x380  }
0x5c: {  	[sflag:s26] =	ssyncset.done $0x0  }
0x5d: {  	s25 =	rddreg [dreg:$0x12];
	[sflag:s26] =	ssyncadd.s32 $0xFFFFFC80  }
0x5e: {  	[spmem:s25], [sflag:s8] =	dma.local [hbm:s19], $0x380  }
0x5f: {  	_ =	swait.ge [sflag:s26], $0x380  }
0x60: {  	[sflag:s26] =	ssyncset.done $0x0  }
0x61: {  	s31 =	rddreg [dreg:$0x13];
	[sflag:s26] =	ssyncadd.s32 $0xFFFFFC80  }
0x62: {  	[spmem:s31], [sflag:s8] =	dma.local [hbm:s19], $0x380  }
.Ltmp2:
0x63: {  	_ =	swait.ge [sflag:s26], $0x380;
	(pc) =	sbr.rel @p0 .LBB2_9-.Ltmp2, $3  }
0x64: {  	[sflag:s26] =	ssyncset.done $0x0  }
0x65: {  	[sflag:s26] =	ssyncadd.s32 $0xFFFFFC80  }
0x66: {  	[bflag:$0x0] =	sbarrier.arrive $0xFFFF;
	_ =	sdelay $0x1  }
0x67: {  	s9 =	simm.s32 $0x0;
	s6 =	rddreg [dreg:$0x7]  }
0x68: {  	[tilespmem:s9], [sflag:$0x3] =	stream.linear.gather [hbm4b:s6+s9], $0x400, $0x38;
	[tilespmem:$0x1D800] =	vst v63  }
0x69: {  	_ =	swait.ge [sflag:s26], $0x400  }
0x6a: {  	[sflag:s26] =	ssyncset.done $0x0  }
0x6b: {  	s7 =	rddreg [dreg:$0x9];
	[sflag:s26] =	ssyncadd.s32 $0xFFFFFC00  }
0x6c: {  	[tilespmem:s28], [sflag:$0x3] =	stream.linear.gather [hbm4b:s7+s9], $0x400, $0x38;
	[tilespmem:$0x1D800] =	vst v63  }
0x6d: {  	_ =	swait.ge [sflag:s26], $0x400  }
0x6e: {  	[sflag:s26] =	ssyncset.done $0x0  }
0x6f: {  	[sflag:s26] =	ssyncadd.s32 $0xFFFFFC00  }
0x70: {  	[tilespmem:s30], [sflag:$0x1] =	stream.indirect.gather [spmem:s2], $0x8, s9, s29, $0xb8;
	[tilespmem:$0x1D800] =	vst v63  }
0x71: {  	s13 =	simm.s32 $0x1400  }
0x72: {  	[tilespmem:s13], [sflag:$0x1] =	stream.indirect.gather [spmem:s2], $0x8, s29, s29, $0xb8;
	[tilespmem:$0x1D800] =	vst v63  }
0x73: {  	s14 =	simm.s32 $0x100;
	s7 =	simm.s32 $0x1800  }
0x74: {  	[tilespmem:s7], [sflag:$0x1] =	stream.indirect.gather [spmem:s2], $0x8, s14, s29, $0xb8;
	[tilespmem:$0x1D800] =	vst v63  }
0x75: {  	s15 =	simm.s32 $0x180;
	s16 =	simm.s32 $0x1C00  }
0x76: {  	[tilespmem:s16], [sflag:$0x1] =	stream.indirect.gather [spmem:s2], $0x8, s15, s29, $0xb8;
	[tilespmem:$0x1D800] =	vst v63  }
0x77: {  	s18 =	simm.s32 $0x200;
	s19 =	simm.s32 $0x2000  }
0x78: {  	[tilespmem:s19], [sflag:$0x1] =	stream.indirect.gather [spmem:s2], $0x8, s18, s29, $0xb8;
	[tilespmem:$0x1D800] =	vst v63  }
0x79: {  	s20 =	simm.s32 $0x280;
	s22 =	simm.s32 $0x2400  }
0x7a: {  	[tilespmem:s22], [sflag:$0x1] =	stream.indirect.gather [spmem:s2], $0x8, s20, s29, $0xb8;
	[tilespmem:$0x1D800] =	vst v63  }
0x7b: {  	s23 =	simm.s32 $0x300;
	s24 =	simm.s32 $0x2800  }
0x7c: {  	[tilespmem:s24], [sflag:$0x1] =	stream.indirect.gather [spmem:s2], $0x8, s23, s29, $0xb8;
	[tilespmem:$0x1D800] =	vst v63  }
0x7d: {  	s25 =	simm.s32 $0x380;
	s31 =	simm.s32 $0x2C00  }
0x7e: {  	[tilespmem:s31], [sflag:$0x1] =	stream.indirect.gather [spmem:s2], $0x8, s25, s29, $0xb8;
	[tilespmem:$0x1D800] =	vst v63  }
0x7f: {  	_ =	swait.ge [sflag:s10], $0x400  }
0x80: {  	[sflag:s10] =	ssyncset.done $0x0  }
0x81: {  	[sflag:s10] =	ssyncadd.s32 $0xFFFFFC00  }
0x82: {  	_ =	swait.ge [sflag:s10], $0x400  }
0x83: {  	[sflag:s10] =	ssyncset.done $0x0  }
0x84: {  	[sflag:s10] =	ssyncadd.s32 $0xFFFFFC00  }
0x85: {  	_ =	swait.ge [sflag:s10], $0x400  }
0x86: {  	[sflag:s10] =	ssyncset.done $0x0  }
0x87: {  	[sflag:s10] =	ssyncadd.s32 $0xFFFFFC00  }
0x88: {  	_ =	swait.ge [sflag:s10], $0x400  }
0x89: {  	[sflag:s10] =	ssyncset.done $0x0  }
0x8a: {  	[sflag:s10] =	ssyncadd.s32 $0xFFFFFC00  }
0x8b: {  	_ =	swait.ge [sflag:s10], $0x400  }
0x8c: {  	[sflag:s10] =	ssyncset.done $0x0  }
0x8d: {  	[sflag:s10] =	ssyncadd.s32 $0xFFFFFC00  }
0x8e: {  	_ =	swait.ge [sflag:s10], $0x400  }
0x8f: {  	[sflag:s10] =	ssyncset.done $0x0  }
0x90: {  	[sflag:s10] =	ssyncadd.s32 $0xFFFFFC00  }
0x91: {  	p4 =	sne.s32 s11, $0x1;
	_ =	swait.ge [sflag:s10], $0x400  }
.Ltmp3:
0x92: {  	[sflag:s10] =	ssyncset.done $0x0;
	(pc) =	sbr.rel @!p4 .LBB2_3-.Ltmp3, $4  }
0x93: {  	[sflag:s10] =	ssyncadd.s32 $0xFFFFFC00  }
0x94: {  	p2 =	sle.s32 s11, $0x1;
	p3 =	por $0x0, $0x0;
	_ =	swait.ge [sflag:s10], $0x400  }
0x95: {  	s7 =	simm.s32 $0x1;
	s19 =	sand.u32 $0x1, s9;
	[sflag:s10] =	ssyncset.done $0x0  }
0x96: {  	s9 =	sxor.u32 $0x1, s19;
	s16 =	sshll.u32 s19, $0xA;
	[sflag:s10] =	ssyncadd.s32 $0xFFFFFC00  }
0x97: {  	[dreg:$0x14] =	wrdreg s17  }
0x98: {  	s13 =	sshll.u32 @!p2 s9, $0xA;
	s6 =	rddreg [dreg:$0xc]  }
0x99: {  	s18 =	simm.s32 @!p2 $0x0;
	s20 =	simm.s32 @!p2 $0x3;
	s17 =	sadd.s32 @!p2 $0xFFFCF2C0, s6  }
0x9a: {  	[tilespmem:s13], [sflag:$0x3] =	stream.linear.gather @!p2 [hbm4b:s17+s18], $0x400, $0x38;
	[tilespmem:$0x1D800] =	vst v63  }
0x9b: {  	_ =	swait.ge @!p2 [sflag:s20], $0x400  }
0x9c: {  	[sflag:s20] =	ssyncset.done @!p2 $0x0  }
0x9d: {  	s17 =	sor.u32 @!p2 $0x800, s13;
	[sflag:s20] =	ssyncadd.s32 @!p2 $0xFFFFFC00  }
0x9e: {  	[tilespmem:s17], [sflag:$0x3] =	stream.linear.gather @!p2 [hbm4b:s6+s18], $0x400, $0x38;
	[tilespmem:$0x1D800] =	vst v63  }
0x9f: {  	_ =	swait.ge @!p2 [sflag:s20], $0x400  }
0xa0: {  	s17 =	sshll.u32 s19, $0xD;
	[sflag:s20] =	ssyncset.done @!p2 $0x0  }
0xa1: {  	s22 =	sor.u32 $0x800, s16;
	s21 =	sor.u32 $0x1000, s17;
	[sflag:s20] =	ssyncadd.s32 @!p2 $0xFFFFFC00  }
0xa2: {  	[spmem:s3] =	stream.indirect.scatter.add.f32 [tilespmem:s21], [sflag:$0x2], $0x8, s22, s29, $0xb8;
	[tilespmem:$0x1D800] =	vst v63  }
0xa3: {  	s24 =	sor.u32 $0x880, s16;
	s23 =	sor.u32 $0x1400, s17  }
0xa4: {  	[spmem:s3] =	stream.indirect.scatter.add.f32 [tilespmem:s23], [sflag:$0x2], $0x8, s24, s29, $0xb8;
	[tilespmem:$0x1D800] =	vst v63  }
0xa5: {  	s31 =	sor.u32 $0x900, s16;
	s25 =	sor.u32 $0x1800, s17  }
0xa6: {  	[spmem:s3] =	stream.indirect.scatter.add.f32 [tilespmem:s25], [sflag:$0x2], $0x8, s31, s29, $0xb8;
	[tilespmem:$0x1D800] =	vst v63  }
0xa7: {  	s15 =	sor.u32 $0x980, s16;
	s14 =	sor.u32 $0x1C00, s17  }
0xa8: {  	[spmem:s3] =	stream.indirect.scatter.add.f32 [tilespmem:s14], [sflag:$0x2], $0x8, s15, s29, $0xb8;
	[tilespmem:$0x1D800] =	vst v63  }
0xa9: {  	s20 =	sadd.s32 $0x2000, s17;
	s21 =	sor.u32 $0xA00, s16  }
0xaa: {  	[spmem:s3] =	stream.indirect.scatter.add.f32 [tilespmem:s20], [sflag:$0x2], $0x8, s21, s29, $0xb8;
	[tilespmem:$0x1D800] =	vst v63  }
0xab: {  	s22 =	sadd.s32 $0x2400, s17;
	s23 =	sor.u32 $0xA80, s16  }
0xac: {  	[spmem:s3] =	stream.indirect.scatter.add.f32 [tilespmem:s22], [sflag:$0x2], $0x8, s23, s29, $0xb8;
	[tilespmem:$0x1D800] =	vst v63  }
0xad: {  	s24 =	sadd.s32 $0x2800, s17;
	s25 =	sor.u32 $0xB00, s16  }
0xae: {  	[spmem:s3] =	stream.indirect.scatter.add.f32 [tilespmem:s24], [sflag:$0x2], $0x8, s25, s29, $0xb8;
	[tilespmem:$0x1D800] =	vst v63  }
0xaf: {  	s9 =	sshll.u32 @!p2 s9, $0xD;
	s17 =	sadd.s32 $0x2C00, s17;
	s31 =	sor.u32 $0xB80, s16  }
0xb0: {  	[spmem:s3] =	stream.indirect.scatter.add.f32 [tilespmem:s17], [sflag:$0x2], $0x8, s31, s29, $0xb8;
	[tilespmem:$0x1D800] =	vst v63  }
0xb1: {  	s16 =	simm.s32 @!p2 $0x80;
	s17 =	sor.u32 @!p2 $0x1000, s9  }
0xb2: {  	[tilespmem:s17], [sflag:$0x1] =	stream.indirect.gather @!p2 [spmem:s2], $0x8, s13, s16, $0xb8;
	[tilespmem:$0x1D800] =	vst v63  }
0xb3: {  	s18 =	sor.u32 @!p2 $0x1400, s9;
	s17 =	sor.u32 @!p2 $0x80, s13  }
0xb4: {  	[tilespmem:s18], [sflag:$0x1] =	stream.indirect.gather @!p2 [spmem:s2], $0x8, s17, s16, $0xb8;
	[tilespmem:$0x1D800] =	vst v63  }
0xb5: {  	s17 =	sor.u32 @!p2 $0x100, s13;
	s18 =	sor.u32 @!p2 $0x1800, s9  }
0xb6: {  	[tilespmem:s18], [sflag:$0x1] =	stream.indirect.gather @!p2 [spmem:s2], $0x8, s17, s16, $0xb8;
	[tilespmem:$0x1D800] =	vst v63  }
0xb7: {  	s17 =	sor.u32 @!p2 $0x180, s13;
	s18 =	sor.u32 @!p2 $0x1C00, s9  }
0xb8: {  	[tilespmem:s18], [sflag:$0x1] =	stream.indirect.gather @!p2 [spmem:s2], $0x8, s17, s16, $0xb8;
	[tilespmem:$0x1D800] =	vst v63  }
0xb9: {  	s17 =	sor.u32 @!p2 $0x200, s13;
	s18 =	sadd.s32 @!p2 $0x2000, s9  }
0xba: {  	[tilespmem:s18], [sflag:$0x1] =	stream.indirect.gather @!p2 [spmem:s2], $0x8, s17, s16, $0xb8;
	[tilespmem:$0x1D800] =	vst v63  }
0xbb: {  	s17 =	sor.u32 @!p2 $0x280, s13;
	s18 =	sadd.s32 @!p2 $0x2400, s9  }
0xbc: {  	[tilespmem:s18], [sflag:$0x1] =	stream.indirect.gather @!p2 [spmem:s2], $0x8, s17, s16, $0xb8;
	[tilespmem:$0x1D800] =	vst v63  }
0xbd: {  	s17 =	sor.u32 @!p2 $0x300, s13;
	s18 =	sadd.s32 @!p2 $0x2800, s9  }
0xbe: {  	[tilespmem:s18], [sflag:$0x1] =	stream.indirect.gather @!p2 [spmem:s2], $0x8, s17, s16, $0xb8;
	[tilespmem:$0x1D800] =	vst v63  }
0xbf: {  	s13 =	sor.u32 @!p2 $0x380, s13;
	s9 =	sadd.s32 @!p2 $0x2C00, s9;
	s17 =	simm.s32 @!p2 $0x1  }
0xc0: {  	[tilespmem:s9], [sflag:$0x1] =	stream.indirect.gather @!p2 [spmem:s2], $0x8, s13, s16, $0xb8;
	[tilespmem:$0x1D800] =	vst v63  }
0xc1: {  	_ =	swait.ge @!p2 [sflag:s17], $0x400  }
0xc2: {  	[sflag:s17] =	ssyncset.done @!p2 $0x0  }
0xc3: {  	[sflag:s17] =	ssyncadd.s32 @!p2 $0xFFFFFC00  }
0xc4: {  	_ =	swait.ge @!p2 [sflag:s17], $0x400  }
0xc5: {  	[sflag:s17] =	ssyncset.done @!p2 $0x0  }
0xc6: {  	[sflag:s17] =	ssyncadd.s32 @!p2 $0xFFFFFC00  }
0xc7: {  	_ =	swait.ge @!p2 [sflag:s17], $0x400  }
0xc8: {  	[sflag:s17] =	ssyncset.done @!p2 $0x0  }
0xc9: {  	[sflag:s17] =	ssyncadd.s32 @!p2 $0xFFFFFC00  }
0xca: {  	_ =	swait.ge @!p2 [sflag:s17], $0x400  }
0xcb: {  	[sflag:s17] =	ssyncset.done @!p2 $0x0  }
0xcc: {  	[sflag:s17] =	ssyncadd.s32 @!p2 $0xFFFFFC00  }
0xcd: {  	_ =	swait.ge @!p2 [sflag:s17], $0x400  }
0xce: {  	[sflag:s17] =	ssyncset.done @!p2 $0x0  }
0xcf: {  	[sflag:s17] =	ssyncadd.s32 @!p2 $0xFFFFFC00  }
0xd0: {  	_ =	swait.ge @!p2 [sflag:s17], $0x400  }
0xd1: {  	[sflag:s17] =	ssyncset.done @!p2 $0x0  }
0xd2: {  	[sflag:s17] =	ssyncadd.s32 @!p2 $0xFFFFFC00  }
0xd3: {  	_ =	swait.ge @!p2 [sflag:s17], $0x400  }
0xd4: {  	[sflag:s17] =	ssyncset.done @!p2 $0x0  }
0xd5: {  	[sflag:s17] =	ssyncadd.s32 @!p2 $0xFFFFFC00  }
0xd6: {  	_ =	swait.ge @!p2 [sflag:s17], $0x400  }
0xd7: {  	[sflag:s17] =	ssyncset.done @!p2 $0x0  }
0xd8: {  	[sflag:s17] =	ssyncadd.s32 @!p2 $0xFFFFFC00  }
0xd9: {  	_ =	swait.ge [sflag:s0], $0x400  }
0xda: {  	[sflag:s0] =	ssyncset.done $0x0  }
0xdb: {  	[sflag:s0] =	ssyncadd.s32 $0xFFFFFC00  }
0xdc: {  	_ =	swait.ge [sflag:s0], $0x400  }
0xdd: {  	[sflag:s0] =	ssyncset.done $0x0  }
0xde: {  	[sflag:s0] =	ssyncadd.s32 $0xFFFFFC00  }
0xdf: {  	_ =	swait.ge [sflag:s0], $0x400  }
0xe0: {  	[sflag:s0] =	ssyncset.done $0x0  }
0xe1: {  	[sflag:s0] =	ssyncadd.s32 $0xFFFFFC00  }
0xe2: {  	_ =	swait.ge [sflag:s0], $0x400  }
0xe3: {  	[sflag:s0] =	ssyncset.done $0x0  }
0xe4: {  	[sflag:s0] =	ssyncadd.s32 $0xFFFFFC00  }
0xe5: {  	_ =	swait.ge [sflag:s0], $0x400  }
0xe6: {  	[sflag:s0] =	ssyncset.done $0x0  }
0xe7: {  	[sflag:s0] =	ssyncadd.s32 $0xFFFFFC00  }
0xe8: {  	p4 =	sne.s32 s11, $0x2;
	_ =	swait.ge [sflag:s0], $0x400  }
.Ltmp4:
0xe9: {  	[sflag:s0] =	ssyncset.done $0x0;
	(pc) =	sbr.rel @!p4 .LBB2_5-.Ltmp4, $4  }
0xea: {  	p3 =	por $0x1, $0x1;
	[sflag:s0] =	ssyncadd.s32 $0xFFFFFC00  }
0xeb: {  	s19 =	sand.u32 $0x1, s7;
	s18 =	sadd.s32 $0x80, s6;
	_ =	swait.ge [sflag:s0], $0x400  }
0xec: {  	s13 =	simm.s32 $0x2;
	s9 =	sxor.u32 $0x1, s19;
	[sflag:s0] =	ssyncset.done $0x0  }
0xed: {  	s16 =	sshll.u32 s19, $0xA;
	p2 =	sle.s32 s11, $0x2;
	[sflag:s0] =	ssyncadd.s32 $0xFFFFFC00  }
.LBB2_6:
0xee: {  	s17 =	sshll.u32 @!p2 s9, $0xA  }
0xef: {  	_ =	swait.ge [sflag:s0], $0x400;
	s7 =	smov.u32 s13;
	s13 =	sadd.s32 $0x1, s13  }
0xf0: {  	s20 =	sadd.s32 @!p2 $0xFFFCF2C0, s18;
	s23 =	simm.s32 @!p2 $0x0;
	[sflag:s0] =	ssyncset.done $0x0  }
0xf1: {  	s14 =	simm.s32 @!p2 $0x3;
	s25 =	sor.u32 @!p2 $0x800, s17;
	[sflag:s0] =	ssyncadd.s32 $0xFFFFFC00  }
0xf2: {  	[tilespmem:s17], [sflag:$0x3] =	stream.linear.gather @!p2 [hbm4b:s20+s23], $0x400, $0x38;
	[tilespmem:$0x1D800] =	vst v63  }
0xf3: {  	s24 =	sor.u32 @!p2 $0x80, s17;
	s21 =	sor.u32 @!p2 $0x100, s17;
	_ =	swait.ge @!p2 [sflag:s14], $0x400  }
0xf4: {  	s22 =	sor.u32 @!p2 $0x180, s17;
	s20 =	sor.u32 @!p2 $0x200, s17;
	[sflag:s14] =	ssyncset.done @!p2 $0x0  }
0xf5: {  	s15 =	sshll.u32 s19, $0xD;
	s19 =	sor.u32 @!p2 $0x280, s17;
	[sflag:s14] =	ssyncadd.s32 @!p2 $0xFFFFFC00  }
0xf6: {  	[tilespmem:s25], [sflag:$0x3] =	stream.linear.gather @!p2 [hbm4b:s18+s23], $0x400, $0x38;
	[tilespmem:$0x1D800] =	vst v63  }
0xf7: {  	s6 =	sor.u32 $0x800, s16;
	s31 =	sor.u32 $0x1000, s15;
	_ =	swait.ge @!p2 [sflag:s14], $0x400  }
0xf8: {  	s25 =	sor.u32 @!p2 $0x300, s17;
	s23 =	sor.u32 @!p2 $0x380, s17;
	[sflag:s14] =	ssyncset.done @!p2 $0x0  }
0xf9: {  	p4 =	sne.s32 s11, s13;
	[sflag:s14] =	ssyncadd.s32 @!p2 $0xFFFFFC00  }
0xfa: {  	[spmem:s3] =	stream.indirect.scatter.add.f32 [tilespmem:s31], [sflag:$0x2], $0x8, s6, s29, $0xb8;
	[tilespmem:$0x1D800] =	vst v63  }
0xfb: {  	s14 =	sor.u32 $0x880, s16;
	s6 =	sor.u32 $0x1400, s15  }
0xfc: {  	[spmem:s3] =	stream.indirect.scatter.add.f32 [tilespmem:s6], [sflag:$0x2], $0x8, s14, s29, $0xb8;
	[tilespmem:$0x1D800] =	vst v63  }
0xfd: {  	s6 =	sor.u32 $0x1800, s15;
	s14 =	sor.u32 $0x900, s16  }
0xfe: {  	[spmem:s3] =	stream.indirect.scatter.add.f32 [tilespmem:s6], [sflag:$0x2], $0x8, s14, s29, $0xb8;
	[tilespmem:$0x1D800] =	vst v63  }
0xff: {  	s6 =	sor.u32 $0x1C00, s15;
	s14 =	sor.u32 $0x980, s16  }
0x100: {  	[spmem:s3] =	stream.indirect.scatter.add.f32 [tilespmem:s6], [sflag:$0x2], $0x8, s14, s29, $0xb8;
	[tilespmem:$0x1D800] =	vst v63  }
0x101: {  	s6 =	sadd.s32 $0x2000, s15;
	s14 =	sor.u32 $0xA00, s16  }
0x102: {  	[spmem:s3] =	stream.indirect.scatter.add.f32 [tilespmem:s6], [sflag:$0x2], $0x8, s14, s29, $0xb8;
	[tilespmem:$0x1D800] =	vst v63  }
0x103: {  	s6 =	sadd.s32 $0x2400, s15;
	s14 =	sor.u32 $0xA80, s16  }
0x104: {  	[spmem:s3] =	stream.indirect.scatter.add.f32 [tilespmem:s6], [sflag:$0x2], $0x8, s14, s29, $0xb8;
	[tilespmem:$0x1D800] =	vst v63  }
0x105: {  	s31 =	simm.s32 @!p2 $0x80;
	s6 =	sadd.s32 $0x2800, s15;
	s14 =	sor.u32 $0xB00, s16  }
0x106: {  	[spmem:s3] =	stream.indirect.scatter.add.f32 [tilespmem:s6], [sflag:$0x2], $0x8, s14, s29, $0xb8;
	[tilespmem:$0x1D800] =	vst v63  }
0x107: {  	s9 =	sshll.u32 @!p2 s9, $0xD;
	s6 =	sadd.s32 $0x2C00, s15;
	s14 =	sor.u32 $0xB80, s16  }
0x108: {  	[spmem:s3] =	stream.indirect.scatter.add.f32 [tilespmem:s6], [sflag:$0x2], $0x8, s14, s29, $0xb8;
	[tilespmem:$0x1D800] =	vst v63  }
0x109: {  	s15 =	sadd.s32 @!p2 $0x2000, s9;
	s6 =	sor.u32 @!p2 $0x1000, s9;
	s14 =	sor.u32 @!p2 $0x1800, s9  }
0x10a: {  	[tilespmem:s6], [sflag:$0x1] =	stream.indirect.gather @!p2 [spmem:s2], $0x8, s17, s31, $0xb8;
	[tilespmem:$0x1D800] =	vst v63  }
0x10b: {  	s16 =	sadd.s32 @!p2 $0x2800, s9;
	s6 =	sor.u32 @!p2 $0x1400, s9;
	s17 =	sadd.s32 @!p2 $0x2C00, s9  }
0x10c: {  	[tilespmem:s6], [sflag:$0x1] =	stream.indirect.gather @!p2 [spmem:s2], $0x8, s24, s31, $0xb8;
	[tilespmem:$0x1D800] =	vst v63  }
0x10d: {  	s6 =	sor.u32 @!p2 $0x1C00, s9;
	s9 =	sadd.s32 @!p2 $0x2400, s9  }
0x10e: {  	[tilespmem:s14], [sflag:$0x1] =	stream.indirect.gather @!p2 [spmem:s2], $0x8, s21, s31, $0xb8;
	[tilespmem:$0x1D800] =	vst v63  }
0x10f: {  	_ = 	snop  }
0x110: {  	[tilespmem:s6], [sflag:$0x1] =	stream.indirect.gather @!p2 [spmem:s2], $0x8, s22, s31, $0xb8;
	[tilespmem:$0x1D800] =	vst v63  }
0x111: {  	_ = 	snop  }
0x112: {  	[tilespmem:s15], [sflag:$0x1] =	stream.indirect.gather @!p2 [spmem:s2], $0x8, s20, s31, $0xb8;
	[tilespmem:$0x1D800] =	vst v63  }
0x113: {  	_ = 	snop  }
0x114: {  	[tilespmem:s9], [sflag:$0x1] =	stream.indirect.gather @!p2 [spmem:s2], $0x8, s19, s31, $0xb8;
	[tilespmem:$0x1D800] =	vst v63  }
0x115: {  	_ = 	snop  }
0x116: {  	[tilespmem:s16], [sflag:$0x1] =	stream.indirect.gather @!p2 [spmem:s2], $0x8, s25, s31, $0xb8;
	[tilespmem:$0x1D800] =	vst v63  }
0x117: {  	s6 =	simm.s32 @!p2 $0x1  }
0x118: {  	[tilespmem:s17], [sflag:$0x1] =	stream.indirect.gather @!p2 [spmem:s2], $0x8, s23, s31, $0xb8;
	[tilespmem:$0x1D800] =	vst v63  }
0x119: {  	_ =	swait.ge @!p2 [sflag:s6], $0x400  }
0x11a: {  	[sflag:s6] =	ssyncset.done @!p2 $0x0  }
0x11b: {  	[sflag:s6] =	ssyncadd.s32 @!p2 $0xFFFFFC00  }
0x11c: {  	_ =	swait.ge @!p2 [sflag:s6], $0x400  }
0x11d: {  	[sflag:s6] =	ssyncset.done @!p2 $0x0  }
0x11e: {  	[sflag:s6] =	ssyncadd.s32 @!p2 $0xFFFFFC00  }
0x11f: {  	_ =	swait.ge @!p2 [sflag:s6], $0x400  }
0x120: {  	[sflag:s6] =	ssyncset.done @!p2 $0x0  }
0x121: {  	[sflag:s6] =	ssyncadd.s32 @!p2 $0xFFFFFC00  }
0x122: {  	_ =	swait.ge @!p2 [sflag:s6], $0x400  }
0x123: {  	[sflag:s6] =	ssyncset.done @!p2 $0x0  }
0x124: {  	[sflag:s6] =	ssyncadd.s32 @!p2 $0xFFFFFC00  }
0x125: {  	_ =	swait.ge @!p2 [sflag:s6], $0x400  }
0x126: {  	[sflag:s6] =	ssyncset.done @!p2 $0x0  }
0x127: {  	[sflag:s6] =	ssyncadd.s32 @!p2 $0xFFFFFC00  }
0x128: {  	_ =	swait.ge @!p2 [sflag:s6], $0x400  }
0x129: {  	[sflag:s6] =	ssyncset.done @!p2 $0x0  }
0x12a: {  	[sflag:s6] =	ssyncadd.s32 @!p2 $0xFFFFFC00  }
0x12b: {  	_ =	swait.ge @!p2 [sflag:s6], $0x400  }
0x12c: {  	[sflag:s6] =	ssyncset.done @!p2 $0x0  }
0x12d: {  	[sflag:s6] =	ssyncadd.s32 @!p2 $0xFFFFFC00  }
0x12e: {  	_ =	swait.ge @!p2 [sflag:s6], $0x400  }
0x12f: {  	[sflag:s6] =	ssyncset.done @!p2 $0x0  }
0x130: {  	[sflag:s6] =	ssyncadd.s32 @!p2 $0xFFFFFC00  }
0x131: {  	_ =	swait.ge [sflag:s0], $0x400  }
0x132: {  	[sflag:s0] =	ssyncset.done $0x0  }
0x133: {  	[sflag:s0] =	ssyncadd.s32 $0xFFFFFC00  }
0x134: {  	_ =	swait.ge [sflag:s0], $0x400  }
0x135: {  	[sflag:s0] =	ssyncset.done $0x0  }
0x136: {  	[sflag:s0] =	ssyncadd.s32 $0xFFFFFC00  }
0x137: {  	_ =	swait.ge [sflag:s0], $0x400  }
0x138: {  	[sflag:s0] =	ssyncset.done $0x0  }
0x139: {  	[sflag:s0] =	ssyncadd.s32 $0xFFFFFC00  }
0x13a: {  	_ =	swait.ge [sflag:s0], $0x400  }
0x13b: {  	[sflag:s0] =	ssyncset.done $0x0  }
0x13c: {  	[sflag:s0] =	ssyncadd.s32 $0xFFFFFC00  }
0x13d: {  	_ =	swait.ge [sflag:s0], $0x400  }
0x13e: {  	[sflag:s0] =	ssyncset.done $0x0  }
0x13f: {  	[sflag:s0] =	ssyncadd.s32 $0xFFFFFC00  }
0x140: {  	_ =	swait.ge [sflag:s0], $0x400  }
.Ltmp5:
0x141: {  	[sflag:s0] =	ssyncset.done $0x0;
	(pc) =	sbr.rel @p4 .LBB2_6-.Ltmp5, $4  }
0x142: {  	[sflag:s0] =	ssyncadd.s32 $0xFFFFFC00  }
0x143: {  	s18 =	sadd.s32 $0x80, s18;
	_ =	swait.ge [sflag:s0], $0x400  }
0x144: {  	s19 =	sand.u32 $0x1, s7;
	p2 =	sge.s32 s13, s11;
	[sflag:s0] =	ssyncset.done $0x0  }
0x145: {  	s9 =	sxor.u32 $0x1, s19;
	s16 =	sshll.u32 s19, $0xA;
	[sflag:s0] =	ssyncadd.s32 $0xFFFFFC00  }
0x146: {  	s21 =	rddreg [dreg:$0x8]  }
0x147: {  	s17 =	rddreg [dreg:$0x14]  }
.LBB2_8:
0x148: {  	_ =	swait.ge @p3 [sflag:s0], $0x400  }
0x149: {  	s6 =	sshll.u32 @!p2 s9, $0xA;
	s7 =	sadd.s32 @!p2 $0xFFFCF2C0, s18;
	[sflag:s0] =	ssyncset.done @p3 $0x0  }
0x14a: {  	s13 =	simm.s32 @!p2 $0x0;
	s14 =	simm.s32 @!p2 $0x3;
	[sflag:s0] =	ssyncadd.s32 @p3 $0xFFFFFC00  }
0x14b: {  	[tilespmem:s6], [sflag:$0x3] =	stream.linear.gather @!p2 [hbm4b:s7+s13], $0x400, $0x38;
	[tilespmem:$0x1D800] =	vst v63  }
0x14c: {  	_ =	swait.ge @!p2 [sflag:s14], $0x400  }
0x14d: {  	[sflag:s14] =	ssyncset.done @!p2 $0x0  }
0x14e: {  	s7 =	sor.u32 @!p2 $0x800, s6;
	[sflag:s14] =	ssyncadd.s32 @!p2 $0xFFFFFC00  }
0x14f: {  	[tilespmem:s7], [sflag:$0x3] =	stream.linear.gather @!p2 [hbm4b:s18+s13], $0x400, $0x38;
	[tilespmem:$0x1D800] =	vst v63  }
0x150: {  	_ =	swait.ge @!p2 [sflag:s14], $0x400  }
0x151: {  	s7 =	sshll.u32 s19, $0xD;
	[sflag:s14] =	ssyncset.done @!p2 $0x0  }
0x152: {  	s15 =	sor.u32 $0x800, s16;
	s22 =	sor.u32 $0x1000, s7;
	[sflag:s14] =	ssyncadd.s32 @!p2 $0xFFFFFC00  }
0x153: {  	[spmem:s3] =	stream.indirect.scatter.add.f32 [tilespmem:s22], [sflag:$0x2], $0x8, s15, s29, $0xb8;
	[tilespmem:$0x1D800] =	vst v63  }
0x154: {  	s24 =	sor.u32 $0x880, s16;
	s23 =	sor.u32 $0x1400, s7  }
0x155: {  	[spmem:s3] =	stream.indirect.scatter.add.f32 [tilespmem:s23], [sflag:$0x2], $0x8, s24, s29, $0xb8;
	[tilespmem:$0x1D800] =	vst v63  }
0x156: {  	s31 =	sor.u32 $0x900, s16;
	s25 =	sor.u32 $0x1800, s7  }
0x157: {  	[spmem:s3] =	stream.indirect.scatter.add.f32 [tilespmem:s25], [sflag:$0x2], $0x8, s31, s29, $0xb8;
	[tilespmem:$0x1D800] =	vst v63  }
0x158: {  	s18 =	sor.u32 $0x980, s16;
	s15 =	sor.u32 $0x1C00, s7  }
0x159: {  	[spmem:s3] =	stream.indirect.scatter.add.f32 [tilespmem:s15], [sflag:$0x2], $0x8, s18, s29, $0xb8;
	[tilespmem:$0x1D800] =	vst v63  }
0x15a: {  	s20 =	sor.u32 $0xA00, s16;
	s19 =	sadd.s32 $0x2000, s7  }
0x15b: {  	[spmem:s3] =	stream.indirect.scatter.add.f32 [tilespmem:s19], [sflag:$0x2], $0x8, s20, s29, $0xb8;
	[tilespmem:$0x1D800] =	vst v63  }
0x15c: {  	s22 =	sadd.s32 $0x2400, s7;
	s23 =	sor.u32 $0xA80, s16  }
0x15d: {  	[spmem:s3] =	stream.indirect.scatter.add.f32 [tilespmem:s22], [sflag:$0x2], $0x8, s23, s29, $0xb8;
	[tilespmem:$0x1D800] =	vst v63  }
0x15e: {  	s24 =	sadd.s32 $0x2800, s7;
	s25 =	sor.u32 $0xB00, s16  }
0x15f: {  	[spmem:s3] =	stream.indirect.scatter.add.f32 [tilespmem:s24], [sflag:$0x2], $0x8, s25, s29, $0xb8;
	[tilespmem:$0x1D800] =	vst v63  }
0x160: {  	s9 =	sshll.u32 @!p2 s9, $0xD;
	s7 =	sadd.s32 $0x2C00, s7;
	s31 =	sor.u32 $0xB80, s16  }
0x161: {  	[spmem:s3] =	stream.indirect.scatter.add.f32 [tilespmem:s7], [sflag:$0x2], $0x8, s31, s29, $0xb8;
	[tilespmem:$0x1D800] =	vst v63  }
0x162: {  	s13 =	sor.u32 @!p2 $0x1000, s9;
	s7 =	simm.s32 @!p2 $0x80  }
0x163: {  	[tilespmem:s13], [sflag:$0x1] =	stream.indirect.gather @!p2 [spmem:s2], $0x8, s6, s7, $0xb8;
	[tilespmem:$0x1D800] =	vst v63  }
0x164: {  	s14 =	sor.u32 @!p2 $0x1400, s9;
	s13 =	sor.u32 @!p2 $0x80, s6  }
0x165: {  	[tilespmem:s14], [sflag:$0x1] =	stream.indirect.gather @!p2 [spmem:s2], $0x8, s13, s7, $0xb8;
	[tilespmem:$0x1D800] =	vst v63  }
0x166: {  	s13 =	sor.u32 @!p2 $0x100, s6;
	s14 =	sor.u32 @!p2 $0x1800, s9  }
0x167: {  	[tilespmem:s14], [sflag:$0x1] =	stream.indirect.gather @!p2 [spmem:s2], $0x8, s13, s7, $0xb8;
	[tilespmem:$0x1D800] =	vst v63  }
0x168: {  	s13 =	sor.u32 @!p2 $0x180, s6;
	s14 =	sor.u32 @!p2 $0x1C00, s9  }
0x169: {  	[tilespmem:s14], [sflag:$0x1] =	stream.indirect.gather @!p2 [spmem:s2], $0x8, s13, s7, $0xb8;
	[tilespmem:$0x1D800] =	vst v63  }
0x16a: {  	s13 =	sor.u32 @!p2 $0x200, s6;
	s14 =	sadd.s32 @!p2 $0x2000, s9  }
0x16b: {  	[tilespmem:s14], [sflag:$0x1] =	stream.indirect.gather @!p2 [spmem:s2], $0x8, s13, s7, $0xb8;
	[tilespmem:$0x1D800] =	vst v63  }
0x16c: {  	s13 =	sor.u32 @!p2 $0x280, s6;
	s14 =	sadd.s32 @!p2 $0x2400, s9  }
0x16d: {  	[tilespmem:s14], [sflag:$0x1] =	stream.indirect.gather @!p2 [spmem:s2], $0x8, s13, s7, $0xb8;
	[tilespmem:$0x1D800] =	vst v63  }
0x16e: {  	s13 =	sor.u32 @!p2 $0x300, s6;
	s14 =	sadd.s32 @!p2 $0x2800, s9  }
0x16f: {  	[tilespmem:s14], [sflag:$0x1] =	stream.indirect.gather @!p2 [spmem:s2], $0x8, s13, s7, $0xb8;
	[tilespmem:$0x1D800] =	vst v63  }
0x170: {  	s6 =	sor.u32 @!p2 $0x380, s6;
	s9 =	sadd.s32 @!p2 $0x2C00, s9;
	s13 =	simm.s32 @!p2 $0x1  }
0x171: {  	[tilespmem:s9], [sflag:$0x1] =	stream.indirect.gather @!p2 [spmem:s2], $0x8, s6, s7, $0xb8;
	[tilespmem:$0x1D800] =	vst v63  }
0x172: {  	_ =	swait.ge @!p2 [sflag:s13], $0x400  }
0x173: {  	[sflag:s13] =	ssyncset.done @!p2 $0x0  }
0x174: {  	[sflag:s13] =	ssyncadd.s32 @!p2 $0xFFFFFC00  }
0x175: {  	_ =	swait.ge @!p2 [sflag:s13], $0x400  }
0x176: {  	[sflag:s13] =	ssyncset.done @!p2 $0x0  }
0x177: {  	[sflag:s13] =	ssyncadd.s32 @!p2 $0xFFFFFC00  }
0x178: {  	_ =	swait.ge @!p2 [sflag:s13], $0x400  }
0x179: {  	[sflag:s13] =	ssyncset.done @!p2 $0x0  }
0x17a: {  	[sflag:s13] =	ssyncadd.s32 @!p2 $0xFFFFFC00  }
0x17b: {  	_ =	swait.ge @!p2 [sflag:s13], $0x400  }
0x17c: {  	[sflag:s13] =	ssyncset.done @!p2 $0x0  }
0x17d: {  	[sflag:s13] =	ssyncadd.s32 @!p2 $0xFFFFFC00  }
0x17e: {  	_ =	swait.ge @!p2 [sflag:s13], $0x400  }
0x17f: {  	[sflag:s13] =	ssyncset.done @!p2 $0x0  }
0x180: {  	[sflag:s13] =	ssyncadd.s32 @!p2 $0xFFFFFC00  }
0x181: {  	_ =	swait.ge @!p2 [sflag:s13], $0x400  }
0x182: {  	[sflag:s13] =	ssyncset.done @!p2 $0x0  }
0x183: {  	[sflag:s13] =	ssyncadd.s32 @!p2 $0xFFFFFC00  }
0x184: {  	_ =	swait.ge @!p2 [sflag:s13], $0x400  }
0x185: {  	[sflag:s13] =	ssyncset.done @!p2 $0x0  }
0x186: {  	[sflag:s13] =	ssyncadd.s32 @!p2 $0xFFFFFC00  }
0x187: {  	_ =	swait.ge @!p2 [sflag:s13], $0x400  }
0x188: {  	[sflag:s13] =	ssyncset.done @!p2 $0x0  }
0x189: {  	[sflag:s13] =	ssyncadd.s32 @!p2 $0xFFFFFC00  }
0x18a: {  	_ =	swait.ge [sflag:s0], $0x400  }
0x18b: {  	[sflag:s0] =	ssyncset.done $0x0  }
0x18c: {  	[sflag:s0] =	ssyncadd.s32 $0xFFFFFC00  }
0x18d: {  	_ =	swait.ge [sflag:s0], $0x400  }
0x18e: {  	[sflag:s0] =	ssyncset.done $0x0  }
0x18f: {  	[sflag:s0] =	ssyncadd.s32 $0xFFFFFC00  }
0x190: {  	_ =	swait.ge [sflag:s0], $0x400  }
0x191: {  	[sflag:s0] =	ssyncset.done $0x0  }
0x192: {  	[sflag:s0] =	ssyncadd.s32 $0xFFFFFC00  }
0x193: {  	_ =	swait.ge [sflag:s0], $0x400  }
0x194: {  	[sflag:s0] =	ssyncset.done $0x0  }
0x195: {  	[sflag:s0] =	ssyncadd.s32 $0xFFFFFC00  }
0x196: {  	_ =	swait.ge [sflag:s0], $0x400  }
0x197: {  	[sflag:s0] =	ssyncset.done $0x0  }
0x198: {  	[sflag:s0] =	ssyncadd.s32 $0xFFFFFC00  }
0x199: {  	_ =	swait.ge [sflag:s0], $0x400  }
0x19a: {  	[sflag:s0] =	ssyncset.done $0x0  }
0x19b: {  	[sflag:s0] =	ssyncadd.s32 $0xFFFFFC00  }
0x19c: {  	_ =	swait.ge [sflag:s0], $0x400  }
0x19d: {  	[sflag:s0] =	ssyncset.done $0x0  }
0x19e: {  	[sflag:s0] =	ssyncadd.s32 $0xFFFFFC00  }
0x19f: {  	_ =	swait.ge [sflag:s0], $0x400  }
0x1a0: {  	[sflag:s0] =	ssyncset.done $0x0  }
0x1a1: {  	[sflag:s0] =	ssyncadd.s32 $0xFFFFFC00  }
.LBB2_9:
.Ltmp6:
0x1a2: {  	(pc) =	sbr.rel @p1 .LBB2_15-.Ltmp6, $2  }
0x1a3: {  	_ =	sdelay $0x2  }
0x1a4: {  	s7 =	simm.s32 $0x0  }
0x1a5: {  	s7 =	sadd.s32 $0x1, s7  }
0x1a6: {  	p3 =	slt.s32 s7, s12  }
.Ltmp7:
0x1a7: {  	_ = 	snop;
	(pc) =	sbr.rel @!p3 .LBB2_11-.Ltmp7, $2  }
0x1a8: {  	_ =	sdelay $0x2  }
0x1a9: {  	s13 =	sshrl.u32 s21, $0x3;
	p2 =	por $0x0, $0x0  }
0x1aa: {  	s6 =	sadd.s32 s5, s13  }
0x1ab: {  	[tilespmem:s4], [sflag:$0x3] =	stream.linear.gather [hbm4b:s6+s4], $0x80, $0x38;
	[tilespmem:$0x1D800] =	vst v63  }
0x1ac: {  	s31 =	sadd.s32 $0x186A00, s21;
	_ =	swait.ge [sflag:s26], $0x80  }
0x1ad: {  	s6 =	sshrl.u32 s31, $0x3;
	[sflag:s26] =	ssyncset.done $0x0  }
0x1ae: {  	s6 =	sadd.s32 s5, s6;
	[sflag:s26] =	ssyncadd.s32 $0xFFFFFF80  }
0x1af: {  	[tilespmem:s28], [sflag:$0x3] =	stream.linear.gather [hbm4b:s6+s4], $0x80, $0x38;
	[tilespmem:$0x1D800] =	vst v63  }
0x1b0: {  	_ =	swait.ge [sflag:s26], $0x80  }
0x1b1: {  	[sflag:s26] =	ssyncset.done $0x0  }
0x1b2: {  	s9 =	sadd.s32 $0x1, s7;
	[sflag:s26] =	ssyncadd.s32 $0xFFFFFF80  }
0x1b3: {  	[tilespmem:s30], [sflag:$0x1] =	stream.indirect.gather [spmem:s2], $0x8, s4, s29, $0xb8;
	[tilespmem:$0x1D800] =	vst v63  }
0x1b4: {  	p3 =	slt.s32 s9, s12;
	_ =	swait.ge [sflag:s10], $0x400  }
.Ltmp8:
0x1b5: {  	[sflag:s10] =	ssyncset.done $0x0;
	(pc) =	sbr.rel @!p3 .LBB2_14-.Ltmp8, $4  }
0x1b6: {  	[sflag:s10] =	ssyncadd.s32 $0xFFFFFC00  }
0x1b7: {  	[spmem:s3] =	stream.indirect.scatter.add.f32 [tilespmem:s30], [sflag:$0x2], $0x8, s28, s29, $0xb8;
	[tilespmem:$0x1D800] =	vst v63  }
0x1b8: {  	s7 =	sadd.s32 $0x80, s21;
	_ =	swait.ge [sflag:s0], $0x400  }
0x1b9: {  	p2 =	por $0x1, $0x1;
	s13 =	sshrl.u32 s7, $0x3;
	[sflag:s0] =	ssyncset.done $0x0  }
.LBB2_13:
0x1ba: {  	s9 =	sadd.s32 $0x1, s9;
	s6 =	sadd.s32 s5, s13;
	[sflag:s0] =	ssyncadd.s32 $0xFFFFFC00  }
0x1bb: {  	[tilespmem:s4], [sflag:$0x3] =	stream.linear.gather [hbm4b:s6+s4], $0x80, $0x38;
	[tilespmem:$0x1D800] =	vst v63  }
0x1bc: {  	p3 =	slt.s32 s9, s12;
	s6 =	sadd.s32 $0x186A00, s7;
	_ =	swait.ge [sflag:s26], $0x80  }
0x1bd: {  	s6 =	sshrl.u32 s6, $0x3;
	[sflag:s26] =	ssyncset.done $0x0  }
0x1be: {  	s6 =	sadd.s32 s5, s6;
	[sflag:s26] =	ssyncadd.s32 $0xFFFFFF80  }
0x1bf: {  	[tilespmem:s28], [sflag:$0x3] =	stream.linear.gather [hbm4b:s6+s4], $0x80, $0x38;
	[tilespmem:$0x1D800] =	vst v63  }
0x1c0: {  	_ =	swait.ge [sflag:s26], $0x80  }
0x1c1: {  	[sflag:s26] =	ssyncset.done $0x0  }
0x1c2: {  	[sflag:s26] =	ssyncadd.s32 $0xFFFFFF80  }
0x1c3: {  	[tilespmem:s30], [sflag:$0x1] =	stream.indirect.gather [spmem:s2], $0x8, s4, s29, $0xb8;
	[tilespmem:$0x1D800] =	vst v63  }
0x1c4: {  	_ =	swait.ge [sflag:s10], $0x400  }
.Ltmp9:
0x1c5: {  	[sflag:s10] =	ssyncset.done $0x0;
	(pc) =	sbr.rel @p3 .LBB2_13-.Ltmp9, $4  }
0x1c6: {  	[sflag:s10] =	ssyncadd.s32 $0xFFFFFC00  }
0x1c7: {  	[spmem:s3] =	stream.indirect.scatter.add.f32 [tilespmem:s30], [sflag:$0x2], $0x8, s28, s29, $0xb8;
	[tilespmem:$0x1D800] =	vst v63  }
0x1c8: {  	s7 =	sadd.s32 $0x80, s7;
	_ =	swait.ge [sflag:s0], $0x400  }
0x1c9: {  	s13 =	sshrl.u32 s7, $0x3;
	[sflag:s0] =	ssyncset.done $0x0  }
.Ltmp10:
0x1ca: {  	_ = 	snop;
	(pc) =	sbr.rel .LBB2_14-.Ltmp10, $1  }
0x1cb: {  	_ =	sdelay $0x3  }
.LBB2_3:
.Ltmp11:
0x1cc: {  	(pc) =	sbr.rel .LBB2_8-.Ltmp11, $2  }
0x1cd: {  	_ =	sdelay $0x2  }
0x1ce: {  	s18 =	rddreg [dreg:$0xc]  }
.LBB2_5:
.Ltmp12:
0x1cf: {  	(pc) =	sbr.rel .LBB2_8-.Ltmp12, $3  }
0x1d0: {  	_ =	sdelay $0x1  }
0x1d1: {  	s21 =	rddreg [dreg:$0x8]  }
0x1d2: {  	s17 =	rddreg [dreg:$0x14]  }
.LBB2_16:
0x1d3: {  	_ =	sfence.sel $0x180000  }
0x1d4: {  	[bflag:$0x0] =	sbarrier.arrive $0xFFFF  }
0x1d5: {  	_ =	strace $0x9000004A  }
0x1d6: {  	s0 =	stileid.u32;
	[bflag:$0x2] =	sbarrier.arrive $0xFFFF  }
0x1d7: {  	p0 =	sne.s32 s0, $0x0;
	s0 =	rddreg [dreg:$0x3]  }
0x1d8: {  	s0 =	sadd.s32 @!p0 $0x100000, s0  }
0x1d9: {  	[sflag:s0] =	ssyncadd.tile.s32 @!p0 $0x1;
	_ =	shalt  }
.Lfunc_end2:
_tile_overlayer_lowered:
.L_overlay_start_2:
0x1da: {  	(tag) =	ssettag $0x2  }
0x1db: {  	s0 =	rddreg [dreg:$0x0];
	s2 =	stileid.u32  }
0x1dc: {  	s1 =	rddreg [dreg:$0x1];
	p0 =	sne.s32 s2, $0x0  }
0x1dd: {  	s3 =	rddreg [dreg:$0x2];
	[bflag:$0x3] =	sbarrier.arrive $0xFFFF;
	s2 =	simm.s32 @!p0 $0x1C03  }
0x1de: {  	[timem:s3], [sflag:s2] =	dma.local @!p0 [hbm:s0], s1  }
0x1df: {  	s0 =	simm.s32 @!p0 $0x3  }
0x1e0: {  	_ =	swait.ge @!p0 [sflag:s0], s1  }
0x1e1: {  	s1 =	ssub.s32 @!p0 $0x0, s1;
	[sflag:s0] =	ssyncset.done @!p0 $0x0  }
0x1e2: {  	[sflag:s0] =	ssyncadd.s32 @!p0 s1  }
0x1e3: {  	[bflag:$0x3] =	sbarrier.arrive $0xFFFF  }
0x1e4: {  	_ =	shalt  }

</sc_bundles>
